<compile_context>
chip_gen: v7x
topology: tpu7x:2x2x1
jax: 0.10.2.dev20260603
libtpu: 0.0.44.dev20260713+nightly
codegen_flags: <defaults>
</compile_context>

<pallas_src>
import dataclasses
import functools

import jax
import jax.numpy as jnp
from jax import lax
from jax.experimental import pallas as pl
from jax.experimental.pallas import tpu as pltpu
from jax.experimental.pallas import tpu_sc as plsc

NC, NS, L = 2, 16, 16
NW = NC * NS
BATCH = 16384
D = 64
BPW = BATCH // NW
CH = 32
NCHUNK = BPW // CH
G = 8

_mesh = plsc.VectorSubcoreMesh(
    core_axis_name="c", subcore_axis_name="s", num_cores=NC, num_subcores=NS
)

_cp = pltpu.CompilerParams()
if "needs_layout_passes" in pltpu.CompilerParams.__dataclass_fields__:
    _cp = dataclasses.replace(_cp, needs_layout_passes=False)


@functools.partial(
    pl.kernel,
    out_type=jax.ShapeDtypeStruct((BATCH,), jnp.float32),
    mesh=_mesh,
    scratch_types=[
        pltpu.SMEM((BPW,), jnp.int32),
        pltpu.SMEM((BPW,), jnp.int32),
        pltpu.VMEM_SHARED((NS, BPW), jnp.int32),
        pltpu.VMEM_SHARED((NS, BPW), jnp.int32),
        pltpu.VMEM((CH, G, D), jnp.float32),
        pltpu.VMEM((CH, G, D), jnp.float32),
        pltpu.VMEM((BPW,), jnp.float32),
        pltpu.VMEM((L, L + 1), jnp.float32),
        pltpu.SemaphoreType.DMA,
        pltpu.SemaphoreType.DMA,
        pltpu.SemaphoreType.DMA,
        pltpu.SemaphoreType.DMA,
    ],
    compiler_params=_cp,
)
def _mf_sc_kernel(users_hbm, items_hbm, eu_hbm, ei_hbm, out_hbm,
                  uidx_s, iidx_s, ush_v, ish_v, ugrp_v, igrp_v, out_v, stage_v,
                  sem_u, sem_i, sem_u2, sem_i2):
    cid = lax.axis_index("c")
    sid = lax.axis_index("s")
    wid = sid * NC + cid
    base = wid * BPW

    pltpu.sync_copy(users_hbm.at[pl.ds(base, BPW)], ush_v.at[sid])
    pltpu.sync_copy(items_hbm.at[pl.ds(base, BPW)], ish_v.at[sid])
    pltpu.sync_copy(ush_v.at[sid], uidx_s)
    pltpu.sync_copy(ish_v.at[sid], iidx_s)

    row_ids = lax.iota(jnp.int32, L)
    col_ids = jnp.full((L,), L - 1, jnp.int32)

    @pl.loop(0, NCHUNK)
    def _(t):
        t0 = t * CH

        copies = []
        for n in range(CH):
            gu = uidx_s[t0 + n] >> 3
            gi = iidx_s[t0 + n] >> 3
            su_sem = sem_u if n % 2 == 0 else sem_u2
            si_sem = sem_i if n % 2 == 0 else sem_i2
            copies.append(
                pltpu.async_copy(eu_hbm.at[pl.ds(gu * G, G)], ugrp_v.at[n], su_sem))
            copies.append(
                pltpu.async_copy(ei_hbm.at[pl.ds(gi * G, G)], igrp_v.at[n], si_sem))
        for cpy in copies:
            cpy.wait()

        @pl.loop(0, CH, step=L)
        def _(r0):
            for j in range(L):
                r = r0 + j
                su = uidx_s[t0 + r] & 7
                si = iidx_s[t0 + r] & 7
                acc = ugrp_v[r, su, pl.ds(0, L)] * igrp_v[r, si, pl.ds(0, L)]
                for c in range(1, D // L):
                    acc = acc + ugrp_v[r, su, pl.ds(c * L, L)] * igrp_v[r, si, pl.ds(c * L, L)]
                stage_v[j, pl.ds(0, L)] = jnp.cumsum(acc)
            out_v[pl.ds(t0 + r0, L)] = plsc.load_gather(stage_v, [row_ids, col_ids])

    pltpu.sync_copy(out_v, out_hbm.at[pl.ds(base, BPW)])


def kernel(users, items, embed_user, embed_item):
    return _mf_sc_kernel(
        users.astype(jnp.int32), items.astype(jnp.int32), embed_user, embed_item
    )

# --- scband reference (transcript-rebuilt; emitter-appended) ---
"""Pipeline reference for scband-mf-3702261809877 (READ-ONLY COPY).

The authoritative reference and input builder live on the scoring server;
editing this copy changes nothing except your own understanding.
"""

import jax, jax.numpy as jnp
import numpy as np

N_USERS = 1000000
N_ITEMS = 1000000
EMBED = 64
BATCH = 16384

def setup_inputs(seed: int = 0) -> dict:
    key = jax.random.key(seed)
    k_u, k_i, k_eu, k_ei = jax.random.split(key, 4)
    users = jax.random.randint(k_u, (BATCH,), 0, N_USERS, dtype=jnp.int64 if jax.config.jax_enable_x64 else jnp.int32)
    items = jax.random.randint(k_i, (BATCH,), 0, N_ITEMS, dtype=jnp.int64 if jax.config.jax_enable_x64 else jnp.int32)
    embed_user = jax.random.normal(k_eu, (N_USERS, EMBED), dtype=jnp.float32) * 0.01
    embed_item = jax.random.normal(k_ei, (N_ITEMS, EMBED), dtype=jnp.float32) * 0.01
    return {"users": users, "items": items, "embed_user": embed_user, "embed_item": embed_item}

def reference(users, items, embed_user, embed_item):
    # embed_users = self.embed_user(users)
    embed_users = jnp.take(embed_user, users, axis=0)
    # embed_items = self.embed_item(items)
    embed_items = jnp.take(embed_item, items, axis=0)
    # output = torch.mul(embed_users, embed_items).sum(dim=1)
    output = jnp.sum(embed_users * embed_items, axis=1)
    return output

if __name__ == "__main__":
    import jax
    _d = setup_inputs()
    print(jax.jit(kernel)(*tuple(_d.values())))

</pallas_src>

<mosaic_0001>
#map = affine_map<(d0, d1) -> (0)>
#map1 = affine_map<(d0, d1) -> (0, 0)>
module attributes {stable_mosaic.version = 14 : i64} {
  func.func @_mf_sc_kernel(%arg0: i32, %arg1: i32, %arg2: memref<16384xi32, #tpu.memory_space<hbm>>, %arg3: memref<16384xi32, #tpu.memory_space<hbm>>, %arg4: memref<1000000x64xf32, #tpu.memory_space<hbm>>, %arg5: memref<1000000x64xf32, #tpu.memory_space<hbm>>, %arg6: memref<16384xf32, #tpu.memory_space<hbm>>, %arg7: memref<512xi32, #tpu.memory_space<smem>>, %arg8: memref<512xi32, #tpu.memory_space<smem>>, %arg9: memref<16x512xi32, #tpu.memory_space<vmem_shared>>, %arg10: memref<16x512xi32, #tpu.memory_space<vmem_shared>>, %arg11: memref<32x8x64xf32, #tpu.memory_space<vmem>>, %arg12: memref<32x8x64xf32, #tpu.memory_space<vmem>>, %arg13: memref<512xf32, #tpu.memory_space<vmem>>, %arg14: memref<16x17xf32, #tpu.memory_space<vmem>>, %arg15: memref<!tpu.dma_semaphore, #tpu.memory_space<semaphore_mem>>, %arg16: memref<!tpu.dma_semaphore, #tpu.memory_space<semaphore_mem>>, %arg17: memref<!tpu.dma_semaphore, #tpu.memory_space<semaphore_mem>>, %arg18: memref<!tpu.dma_semaphore, #tpu.memory_space<semaphore_mem>>) attributes {dimension_semantics = [#tpu.dimension_semantics<core_parallel>, #tpu.dimension_semantics<subcore_parallel>], iteration_bounds = array<i64: 2, 16>, scalar_prefetch = 0 : i64, scratch_operands = 12 : i64, tpu.core_type = #tpu.core_type<sc_vector_subcore>, window_params = [{transform_indices = #map}, {transform_indices = #map}, {transform_indices = #map1}, {transform_indices = #map1}, {transform_indices = #map}]} {
    %mul3A = arith.constant 2 : i32
    %mul3A_0 = arith.muli %arg1, %mul3A : i32
    %add3A = arith.addi %mul3A_0, %arg0 : i32
    %mul3A_1 = arith.constant 512 : i32
    %mul3A_2 = arith.muli %add3A, %mul3A_1 : i32
    "tpu.region"() ({
      %run_scoped3A = tpu.sem_alloc : memref<!tpu.dma_semaphore, #tpu.memory_space<semaphore_mem>>
      %dma_start3A = arith.constant 0 : i32
      %dma_start3A_8 = tpu.memref_slice %arg9[%arg1, %dma_start3A] : memref<16x512xi32, #tpu.memory_space<vmem_shared>> -> memref<1x512xi32, #tpu.memory_space<vmem_shared>>
      %dma_start3A_9 = tpu.memref_squeeze %dma_start3A_8 : memref<1x512xi32, #tpu.memory_space<vmem_shared>> -> memref<512xi32, #tpu.memory_space<vmem_shared>>
      %dma_start3A_10 = tpu.memref_slice %arg2[%mul3A_2] : memref<16384xi32, #tpu.memory_space<hbm>> -> memref<512xi32, #tpu.memory_space<hbm>>
      tpu.enqueue_dma source(%dma_start3A_10 : memref<512xi32, #tpu.memory_space<hbm>>) target(%dma_start3A_9 : memref<512xi32, #tpu.memory_space<vmem_shared>>) target_semaphore(%run_scoped3A : memref<!tpu.dma_semaphore, #tpu.memory_space<semaphore_mem>>)
      %dma_wait3A = arith.constant 0 : i32
      %dma_wait3A_11 = tpu.memref_slice %arg9[%arg1, %dma_wait3A] : memref<16x512xi32, #tpu.memory_space<vmem_shared>> -> memref<1x512xi32, #tpu.memory_space<vmem_shared>>
      %dma_wait3A_12 = tpu.memref_squeeze %dma_wait3A_11 : memref<1x512xi32, #tpu.memory_space<vmem_shared>> -> memref<512xi32, #tpu.memory_space<vmem_shared>>
      %dma_wait3A_13 = tpu.memref_slice %arg2[%mul3A_2] : memref<16384xi32, #tpu.memory_space<hbm>> -> memref<512xi32, #tpu.memory_space<hbm>>
      tpu.wait_dma2 semaphore(%run_scoped3A : memref<!tpu.dma_semaphore, #tpu.memory_space<semaphore_mem>>) src(%dma_wait3A_13 : memref<512xi32, #tpu.memory_space<hbm>>) dst(%dma_wait3A_12 : memref<512xi32, #tpu.memory_space<vmem_shared>>)
      tpu.yield
    }) : () -> ()
    "tpu.region"() ({
      %run_scoped3A = tpu.sem_alloc : memref<!tpu.dma_semaphore, #tpu.memory_space<semaphore_mem>>
      %dma_start3A = arith.constant 0 : i32
      %dma_start3A_8 = tpu.memref_slice %arg10[%arg1, %dma_start3A] : memref<16x512xi32, #tpu.memory_space<vmem_shared>> -> memref<1x512xi32, #tpu.memory_space<vmem_shared>>
      %dma_start3A_9 = tpu.memref_squeeze %dma_start3A_8 : memref<1x512xi32, #tpu.memory_space<vmem_shared>> -> memref<512xi32, #tpu.memory_space<vmem_shared>>
      %dma_start3A_10 = tpu.memref_slice %arg3[%mul3A_2] : memref<16384xi32, #tpu.memory_space<hbm>> -> memref<512xi32, #tpu.memory_space<hbm>>
      tpu.enqueue_dma source(%dma_start3A_10 : memref<512xi32, #tpu.memory_space<hbm>>) target(%dma_start3A_9 : memref<512xi32, #tpu.memory_space<vmem_shared>>) target_semaphore(%run_scoped3A : memref<!tpu.dma_semaphore, #tpu.memory_space<semaphore_mem>>)
      %dma_wait3A = arith.constant 0 : i32
      %dma_wait3A_11 = tpu.memref_slice %arg10[%arg1, %dma_wait3A] : memref<16x512xi32, #tpu.memory_space<vmem_shared>> -> memref<1x512xi32, #tpu.memory_space<vmem_shared>>
      %dma_wait3A_12 = tpu.memref_squeeze %dma_wait3A_11 : memref<1x512xi32, #tpu.memory_space<vmem_shared>> -> memref<512xi32, #tpu.memory_space<vmem_shared>>
      %dma_wait3A_13 = tpu.memref_slice %arg3[%mul3A_2] : memref<16384xi32, #tpu.memory_space<hbm>> -> memref<512xi32, #tpu.memory_space<hbm>>
      tpu.wait_dma2 semaphore(%run_scoped3A : memref<!tpu.dma_semaphore, #tpu.memory_space<semaphore_mem>>) src(%dma_wait3A_13 : memref<512xi32, #tpu.memory_space<hbm>>) dst(%dma_wait3A_12 : memref<512xi32, #tpu.memory_space<vmem_shared>>)
      tpu.yield
    }) : () -> ()
    "tpu.region"() ({
      %run_scoped3A = tpu.sem_alloc : memref<!tpu.dma_semaphore, #tpu.memory_space<semaphore_mem>>
      %dma_start3A = arith.constant 0 : i32
      %dma_start3A_8 = tpu.memref_slice %arg9[%arg1, %dma_start3A] : memref<16x512xi32, #tpu.memory_space<vmem_shared>> -> memref<1x512xi32, #tpu.memory_space<vmem_shared>>
      %dma_start3A_9 = tpu.memref_squeeze %dma_start3A_8 : memref<1x512xi32, #tpu.memory_space<vmem_shared>> -> memref<512xi32, #tpu.memory_space<vmem_shared>>
      tpu.enqueue_dma source(%dma_start3A_9 : memref<512xi32, #tpu.memory_space<vmem_shared>>) target(%arg7 : memref<512xi32, #tpu.memory_space<smem>>) target_semaphore(%run_scoped3A : memref<!tpu.dma_semaphore, #tpu.memory_space<semaphore_mem>>)
      %dma_wait3A = arith.constant 0 : i32
      %dma_wait3A_10 = tpu.memref_slice %arg9[%arg1, %dma_wait3A] : memref<16x512xi32, #tpu.memory_space<vmem_shared>> -> memref<1x512xi32, #tpu.memory_space<vmem_shared>>
      %dma_wait3A_11 = tpu.memref_squeeze %dma_wait3A_10 : memref<1x512xi32, #tpu.memory_space<vmem_shared>> -> memref<512xi32, #tpu.memory_space<vmem_shared>>
      tpu.wait_dma2 semaphore(%run_scoped3A : memref<!tpu.dma_semaphore, #tpu.memory_space<semaphore_mem>>) src(%dma_wait3A_11 : memref<512xi32, #tpu.memory_space<vmem_shared>>) dst(%arg7 : memref<512xi32, #tpu.memory_space<smem>>)
      tpu.yield
    }) : () -> ()
    "tpu.region"() ({
      %run_scoped3A = tpu.sem_alloc : memref<!tpu.dma_semaphore, #tpu.memory_space<semaphore_mem>>
      %dma_start3A = arith.constant 0 : i32
      %dma_start3A_8 = tpu.memref_slice %arg10[%arg1, %dma_start3A] : memref<16x512xi32, #tpu.memory_space<vmem_shared>> -> memref<1x512xi32, #tpu.memory_space<vmem_shared>>
      %dma_start3A_9 = tpu.memref_squeeze %dma_start3A_8 : memref<1x512xi32, #tpu.memory_space<vmem_shared>> -> memref<512xi32, #tpu.memory_space<vmem_shared>>
      tpu.enqueue_dma source(%dma_start3A_9 : memref<512xi32, #tpu.memory_space<vmem_shared>>) target(%arg8 : memref<512xi32, #tpu.memory_space<smem>>) target_semaphore(%run_scoped3A : memref<!tpu.dma_semaphore, #tpu.memory_space<semaphore_mem>>)
      %dma_wait3A = arith.constant 0 : i32
      %dma_wait3A_10 = tpu.memref_slice %arg10[%arg1, %dma_wait3A] : memref<16x512xi32, #tpu.memory_space<vmem_shared>> -> memref<1x512xi32, #tpu.memory_space<vmem_shared>>
      %dma_wait3A_11 = tpu.memref_squeeze %dma_wait3A_10 : memref<1x512xi32, #tpu.memory_space<vmem_shared>> -> memref<512xi32, #tpu.memory_space<vmem_shared>>
      tpu.wait_dma2 semaphore(%run_scoped3A : memref<!tpu.dma_semaphore, #tpu.memory_space<semaphore_mem>>) src(%dma_wait3A_11 : memref<512xi32, #tpu.memory_space<vmem_shared>>) dst(%arg8 : memref<512xi32, #tpu.memory_space<smem>>)
      tpu.yield
    }) : () -> ()
    %iota3A = tpu.iota {dimensions = array<i32: 0>} : vector<16xi32>
    %broadcast_in_dim3A = arith.constant 15 : i32
    %broadcast_in_dim3A_3 = vector.broadcast %broadcast_in_dim3A : i32 to vector<16xi32>
    %scan3A = arith.constant 0 : i32
    %scan3A_4 = arith.constant 16 : i32
    %scan3A_5 = arith.addi %scan3A, %scan3A_4 : i32
    %scan3A_6 = arith.constant 1 : i32
    scf.for %scan3A_8 = %scan3A to %scan3A_5 step %scan3A_6  : i32 {
      %mul3A_9 = arith.constant 1 : i32
      %mul3A_10 = arith.muli %scan3A_8, %mul3A_9 : i32
      %add3A_11 = arith.constant 0 : i32
      %add3A_12 = arith.addi %add3A_11, %mul3A_10 : i32
      %mul3A_13 = arith.constant 32 : i32
      %mul3A_14 = arith.muli %add3A_12, %mul3A_13 : i32
      %add3A_15 = arith.constant 0 : i32
      %add3A_16 = arith.addi %mul3A_14, %add3A_15 : i32
      %get3A = arith.index_cast %add3A_16 : i32 to index
      %get3A_17 = memref.load %arg7[%get3A] : memref<512xi32, #tpu.memory_space<smem>>
      %shift_right_arithmetic3A = arith.constant 3 : i32
      %shift_right_arithmetic3A_18 = arith.shrsi %get3A_17, %shift_right_arithmetic3A : i32
      %add3A_19 = arith.constant 0 : i32
      %add3A_20 = arith.addi %mul3A_14, %add3A_19 : i32
      %get3A_21 = arith.index_cast %add3A_20 : i32 to index
      %get3A_22 = memref.load %arg8[%get3A_21] : memref<512xi32, #tpu.memory_space<smem>>
      %shift_right_arithmetic3A_23 = arith.constant 3 : i32
      %shift_right_arithmetic3A_24 = arith.shrsi %get3A_22, %shift_right_arithmetic3A_23 : i32
      %mul3A_25 = arith.constant 8 : i32
      %mul3A_26 = arith.muli %shift_right_arithmetic3A_18, %mul3A_25 : i32
      %dma_start3A = arith.constant 0 : i32
      %dma_start3A_27 = arith.constant 0 : i32
      %dma_start3A_28 = arith.constant 0 : i32
      %dma_start3A_29 = tpu.memref_slice %arg11[%dma_start3A, %dma_start3A_27, %dma_start3A_28] : memref<32x8x64xf32, #tpu.memory_space<vmem>> -> memref<1x8x64xf32, #tpu.memory_space<vmem>>
      %dma_start3A_30 = tpu.memref_squeeze %dma_start3A_29 : memref<1x8x64xf32, #tpu.memory_space<vmem>> -> memref<8x64xf32, #tpu.memory_space<vmem>>
      %dma_start3A_31 = arith.constant 0 : i32
      %dma_start3A_32 = tpu.memref_slice %arg4[%mul3A_26, %dma_start3A_31] : memref<1000000x64xf32, #tpu.memory_space<hbm>> -> memref<8x64xf32, #tpu.memory_space<hbm>>
      %dma_start3A_33 = arith.constant 0 : i32
      %dma_start3A_34 = arith.constant 0 : i32
      %dma_start3A_35 = tpu.memref_slice %arg11[%dma_start3A, %dma_start3A_33, %dma_start3A_34] : memref<32x8x64xf32, #tpu.memory_space<vmem>> -> memref<1x8x64xf32, #tpu.memory_space<vmem>>
      %dma_start3A_36 = tpu.memref_squeeze %dma_start3A_35 : memref<1x8x64xf32, #tpu.memory_space<vmem>> -> memref<8x64xf32, #tpu.memory_space<vmem>>
      %dma_start3A_37 = arith.constant 0 : i32
      %dma_start3A_38 = tpu.memref_slice %arg4[%mul3A_26, %dma_start3A_37] : memref<1000000x64xf32, #tpu.memory_space<hbm>> -> memref<8x64xf32, #tpu.memory_space<hbm>>
      tpu.enqueue_dma source(%dma_start3A_38 : memref<8x64xf32, #tpu.memory_space<hbm>>) target(%dma_start3A_36 : memref<8x64xf32, #tpu.memory_space<vmem>>) target_semaphore(%arg15 : memref<!tpu.dma_semaphore, #tpu.memory_space<semaphore_mem>>)
      %mul3A_39 = arith.constant 8 : i32
      %mul3A_40 = arith.muli %shift_right_arithmetic3A_24, %mul3A_39 : i32
      %dma_start3A_41 = arith.constant 0 : i32
      %dma_start3A_42 = arith.constant 0 : i32
      %dma_start3A_43 = arith.constant 0 : i32
      %dma_start3A_44 = tpu.memref_slice %arg12[%dma_start3A_41, %dma_start3A_42, %dma_start3A_43] : memref<32x8x64xf32, #tpu.memory_space<vmem>> -> memref<1x8x64xf32, #tpu.memory_space<vmem>>
      %dma_start3A_45 = tpu.memref_squeeze %dma_start3A_44 : memref<1x8x64xf32, #tpu.memory_space<vmem>> -> memref<8x64xf32, #tpu.memory_space<vmem>>
      %dma_start3A_46 = arith.constant 0 : i32
      %dma_start3A_47 = tpu.memref_slice %arg5[%mul3A_40, %dma_start3A_46] : memref<1000000x64xf32, #tpu.memory_space<hbm>> -> memref<8x64xf32, #tpu.memory_space<hbm>>
      %dma_start3A_48 = arith.constant 0 : i32
      %dma_start3A_49 = arith.constant 0 : i32
      %dma_start3A_50 = tpu.memref_slice %arg12[%dma_start3A_41, %dma_start3A_48, %dma_start3A_49] : memref<32x8x64xf32, #tpu.memory_space<vmem>> -> memref<1x8x64xf32, #tpu.memory_space<vmem>>
      %dma_start3A_51 = tpu.memref_squeeze %dma_start3A_50 : memref<1x8x64xf32, #tpu.memory_space<vmem>> -> memref<8x64xf32, #tpu.memory_space<vmem>>
      %dma_start3A_52 = arith.constant 0 : i32
      %dma_start3A_53 = tpu.memref_slice %arg5[%mul3A_40, %dma_start3A_52] : memref<1000000x64xf32, #tpu.memory_space<hbm>> -> memref<8x64xf32, #tpu.memory_space<hbm>>
      tpu.enqueue_dma source(%dma_start3A_53 : memref<8x64xf32, #tpu.memory_space<hbm>>) target(%dma_start3A_51 : memref<8x64xf32, #tpu.memory_space<vmem>>) target_semaphore(%arg16 : memref<!tpu.dma_semaphore, #tpu.memory_space<semaphore_mem>>)
      %add3A_54 = arith.constant 1 : i32
      %add3A_55 = arith.addi %mul3A_14, %add3A_54 : i32
      %get3A_56 = arith.index_cast %add3A_55 : i32 to index
      %get3A_57 = memref.load %arg7[%get3A_56] : memref<512xi32, #tpu.memory_space<smem>>
      %shift_right_arithmetic3A_58 = arith.constant 3 : i32
      %shift_right_arithmetic3A_59 = arith.shrsi %get3A_57, %shift_right_arithmetic3A_58 : i32
      %add3A_60 = arith.constant 1 : i32
      %add3A_61 = arith.addi %mul3A_14, %add3A_60 : i32
      %get3A_62 = arith.index_cast %add3A_61 : i32 to index
      %get3A_63 = memref.load %arg8[%get3A_62] : memref<512xi32, #tpu.memory_space<smem>>
      %shift_right_arithmetic3A_64 = arith.constant 3 : i32
      %shift_right_arithmetic3A_65 = arith.shrsi %get3A_63, %shift_right_arithmetic3A_64 : i32
      %mul3A_66 = arith.constant 8 : i32
      %mul3A_67 = arith.muli %shift_right_arithmetic3A_59, %mul3A_66 : i32
      %dma_start3A_68 = arith.constant 1 : i32
      %dma_start3A_69 = arith.constant 0 : i32
      %dma_start3A_70 = arith.constant 0 : i32
      %dma_start3A_71 = tpu.memref_slice %arg11[%dma_start3A_68, %dma_start3A_69, %dma_start3A_70] : memref<32x8x64xf32, #tpu.memory_space<vmem>> -> memref<1x8x64xf32, #tpu.memory_space<vmem>>
      %dma_start3A_72 = tpu.memref_squeeze %dma_start3A_71 : memref<1x8x64xf32, #tpu.memory_space<vmem>> -> memref<8x64xf32, #tpu.memory_space<vmem>>
      %dma_start3A_73 = arith.constant 0 : i32
      %dma_start3A_74 = tpu.memref_slice %arg4[%mul3A_67, %dma_start3A_73] : memref<1000000x64xf32, #tpu.memory_space<hbm>> -> memref<8x64xf32, #tpu.memory_space<hbm>>
      %dma_start3A_75 = arith.constant 0 : i32
      %dma_start3A_76 = arith.constant 0 : i32
      %dma_start3A_77 = tpu.memref_slice %arg11[%dma_start3A_68, %dma_start3A_75, %dma_start3A_76] : memref<32x8x64xf32, #tpu.memory_space<vmem>> -> memref<1x8x64xf32, #tpu.memory_space<vmem>>
      %dma_start3A_78 = tpu.memref_squeeze %dma_start3A_77 : memref<1x8x64xf32, #tpu.memory_space<vmem>> -> memref<8x64xf32, #tpu.memory_space<vmem>>
      %dma_start3A_79 = arith.constant 0 : i32
      %dma_start3A_80 = tpu.memref_slice %arg4[%mul3A_67, %dma_start3A_79] : memref<1000000x64xf32, #tpu.memory_space<hbm>> -> memref<8x64xf32, #tpu.memory_space<hbm>>
      tpu.enqueue_dma source(%dma_start3A_80 : memref<8x64xf32, #tpu.memory_space<hbm>>) target(%dma_start3A_78 : memref<8x64xf32, #tpu.memory_space<vmem>>) target_semaphore(%arg17 : memref<!tpu.dma_semaphore, #tpu.memory_space<semaphore_mem>>)
      %mul3A_81 = arith.constant 8 : i32
      %mul3A_82 = arith.muli %shift_right_arithmetic3A_65, %mul3A_81 : i32
      %dma_start3A_83 = arith.constant 1 : i32
      %dma_start3A_84 = arith.constant 0 : i32
      %dma_start3A_85 = arith.constant 0 : i32
      %dma_start3A_86 = tpu.memref_slice %arg12[%dma_start3A_83, %dma_start3A_84, %dma_start3A_85] : memref<32x8x64xf32, #tpu.memory_space<vmem>> -> memref<1x8x64xf32, #tpu.memory_space<vmem>>
      %dma_start3A_87 = tpu.memref_squeeze %dma_start3A_86 : memref<1x8x64xf32, #tpu.memory_space<vmem>> -> memref<8x64xf32, #tpu.memory_space<vmem>>
      %dma_start3A_88 = arith.constant 0 : i32
      %dma_start3A_89 = tpu.memref_slice %arg5[%mul3A_82, %dma_start3A_88] : memref<1000000x64xf32, #tpu.memory_space<hbm>> -> memref<8x64xf32, #tpu.memory_space<hbm>>
      %dma_start3A_90 = arith.constant 0 : i32
      %dma_start3A_91 = arith.constant 0 : i32
      %dma_start3A_92 = tpu.memref_slice %arg12[%dma_start3A_83, %dma_start3A_90, %dma_start3A_91] : memref<32x8x64xf32, #tpu.memory_space<vmem>> -> memref<1x8x64xf32, #tpu.memory_space<vmem>>
      %dma_start3A_93 = tpu.memref_squeeze %dma_start3A_92 : memref<1x8x64xf32, #tpu.memory_space<vmem>> -> memref<8x64xf32, #tpu.memory_space<vmem>>
      %dma_start3A_94 = arith.constant 0 : i32
      %dma_start3A_95 = tpu.memref_slice %arg5[%mul3A_82, %dma_start3A_94] : memref<1000000x64xf32, #tpu.memory_space<hbm>> -> memref<8x64xf32, #tpu.memory_space<hbm>>
      tpu.enqueue_dma source(%dma_start3A_95 : memref<8x64xf32, #tpu.memory_space<hbm>>) target(%dma_start3A_93 : memref<8x64xf32, #tpu.memory_space<vmem>>) target_semaphore(%arg18 : memref<!tpu.dma_semaphore, #tpu.memory_space<semaphore_mem>>)
      %add3A_96 = arith.constant 2 : i32
      %add3A_97 = arith.addi %mul3A_14, %add3A_96 : i32
      %get3A_98 = arith.index_cast %add3A_97 : i32 to index
      %get3A_99 = memref.load %arg7[%get3A_98] : memref<512xi32, #tpu.memory_space<smem>>
      %shift_right_arithmetic3A_100 = arith.constant 3 : i32
      %shift_right_arithmetic3A_101 = arith.shrsi %get3A_99, %shift_right_arithmetic3A_100 : i32
      %add3A_102 = arith.constant 2 : i32
      %add3A_103 = arith.addi %mul3A_14, %add3A_102 : i32
      %get3A_104 = arith.index_cast %add3A_103 : i32 to index
      %get3A_105 = memref.load %arg8[%get3A_104] : memref<512xi32, #tpu.memory_space<smem>>
      %shift_right_arithmetic3A_106 = arith.constant 3 : i32
      %shift_right_arithmetic3A_107 = arith.shrsi %get3A_105, %shift_right_arithmetic3A_106 : i32
      %mul3A_108 = arith.constant 8 : i32
      %mul3A_109 = arith.muli %shift_right_arithmetic3A_101, %mul3A_108 : i32
      %dma_start3A_110 = arith.constant 2 : i32
      %dma_start3A_111 = arith.constant 0 : i32
      %dma_start3A_112 = arith.constant 0 : i32
      %dma_start3A_113 = tpu.memref_slice %arg11[%dma_start3A_110, %dma_start3A_111, %dma_start3A_112] : memref<32x8x64xf32, #tpu.memory_space<vmem>> -> memref<1x8x64xf32, #tpu.memory_space<vmem>>
      %dma_start3A_114 = tpu.memref_squeeze %dma_start3A_113 : memref<1x8x64xf32, #tpu.memory_space<vmem>> -> memref<8x64xf32, #tpu.memory_space<vmem>>
      %dma_start3A_115 = arith.constant 0 : i32
      %dma_start3A_116 = tpu.memref_slice %arg4[%mul3A_109, %dma_start3A_115] : memref<1000000x64xf32, #tpu.memory_space<hbm>> -> memref<8x64xf32, #tpu.memory_space<hbm>>
      %dma_start3A_117 = arith.constant 0 : i32
      %dma_start3A_118 = arith.constant 0 : i32
      %dma_start3A_119 = tpu.memref_slice %arg11[%dma_start3A_110, %dma_start3A_117, %dma_start3A_118] : memref<32x8x64xf32, #tpu.memory_space<vmem>> -> memref<1x8x64xf32, #tpu.memory_space<vmem>>
      %dma_start3A_120 = tpu.memref_squeeze %dma_start3A_119 : memref<1x8x64xf32, #tpu.memory_space<vmem>> -> memref<8x64xf32, #tpu.memory_space<vmem>>
      %dma_start3A_121 = arith.constant 0 : i32
      %dma_start3A_122 = tpu.memref_slice %arg4[%mul3A_109, %dma_start3A_121] : memref<1000000x64xf32, #tpu.memory_space<hbm>> -> memref<8x64xf32, #tpu.memory_space<hbm>>
      tpu.enqueue_dma source(%dma_start3A_122 : memref<8x64xf32, #tpu.memory_space<hbm>>) target(%dma_start3A_120 : memref<8x64xf32, #tpu.memory_space<vmem>>) target_semaphore(%arg15 : memref<!tpu.dma_semaphore, #tpu.memory_space<semaphore_mem>>)
      %mul3A_123 = arith.constant 8 : i32
      %mul3A_124 = arith.muli %shift_right_arithmetic3A_107, %mul3A_123 : i32
      %dma_start3A_125 = arith.constant 2 : i32
      %dma_start3A_126 = arith.constant 0 : i32
      %dma_start3A_127 = arith.constant 0 : i32
      %dma_start3A_128 = tpu.memref_slice %arg12[%dma_start3A_125, %dma_start3A_126, %dma_start3A_127] : memref<32x8x64xf32, #tpu.memory_space<vmem>> -> memref<1x8x64xf32, #tpu.memory_space<vmem>>
      %dma_start3A_129 = tpu.memref_squeeze %dma_start3A_128 : memref<1x8x64xf32, #tpu.memory_space<vmem>> -> memref<8x64xf32, #tpu.memory_space<vmem>>
      %dma_start3A_130 = arith.constant 0 : i32
      %dma_start3A_131 = tpu.memref_slice %arg5[%mul3A_124, %dma_start3A_130] : memref<1000000x64xf32, #tpu.memory_space<hbm>> -> memref<8x64xf32, #tpu.memory_space<hbm>>
      %dma_start3A_132 = arith.constant 0 : i32
      %dma_start3A_133 = arith.constant 0 : i32
      %dma_start3A_134 = tpu.memref_slice %arg12[%dma_start3A_125, %dma_start3A_132, %dma_start3A_133] : memref<32x8x64xf32, #tpu.memory_space<vmem>> -> memref<1x8x64xf32, #tpu.memory_space<vmem>>
      %dma_start3A_135 = tpu.memref_squeeze %dma_start3A_134 : memref<1x8x64xf32, #tpu.memory_space<vmem>> -> memref<8x64xf32, #tpu.memory_space<vmem>>
      %dma_start3A_136 = arith.constant 0 : i32
      %dma_start3A_137 = tpu.memref_slice %arg5[%mul3A_124, %dma_start3A_136] : memref<1000000x64xf32, #tpu.memory_space<hbm>> -> memref<8x64xf32, #tpu.memory_space<hbm>>
      tpu.enqueue_dma source(%dma_start3A_137 : memref<8x64xf32, #tpu.memory_space<hbm>>) target(%dma_start3A_135 : memref<8x64xf32, #tpu.memory_space<vmem>>) target_semaphore(%arg16 : memref<!tpu.dma_semaphore, #tpu.memory_space<semaphore_mem>>)
      %add3A_138 = arith.constant 3 : i32
      %add3A_139 = arith.addi %mul3A_14, %add3A_138 : i32
      %get3A_140 = arith.index_cast %add3A_139 : i32 to index
      %get3A_141 = memref.load %arg7[%get3A_140] : memref<512xi32, #tpu.memory_space<smem>>
      %shift_right_arithmetic3A_142 = arith.constant 3 : i32
      %shift_right_arithmetic3A_143 = arith.shrsi %get3A_141, %shift_right_arithmetic3A_142 : i32
      %add3A_144 = arith.constant 3 : i32
      %add3A_145 = arith.addi %mul3A_14, %add3A_144 : i32
      %get3A_146 = arith.index_cast %add3A_145 : i32 to index
      %get3A_147 = memref.load %arg8[%get3A_146] : memref<512xi32, #tpu.memory_space<smem>>
      %shift_right_arithmetic3A_148 = arith.constant 3 : i32
      %shift_right_arithmetic3A_149 = arith.shrsi %get3A_147, %shift_right_arithmetic3A_148 : i32
      %mul3A_150 = arith.constant 8 : i32
      %mul3A_151 = arith.muli %shift_right_arithmetic3A_143, %mul3A_150 : i32
      %dma_start3A_152 = arith.constant 3 : i32
      %dma_start3A_153 = arith.constant 0 : i32
      %dma_start3A_154 = arith.constant 0 : i32
      %dma_start3A_155 = tpu.memref_slice %arg11[%dma_start3A_152, %dma_start3A_153, %dma_start3A_154] : memref<32x8x64xf32, #tpu.memory_space<vmem>> -> memref<1x8x64xf32, #tpu.memory_space<vmem>>
      %dma_start3A_156 = tpu.memref_squeeze %dma_start3A_155 : memref<1x8x64xf32, #tpu.memory_space<vmem>> -> memref<8x64xf32, #tpu.memory_space<vmem>>
      %dma_start3A_157 = arith.constant 0 : i32
      %dma_start3A_158 = tpu.memref_slice %arg4[%mul3A_151, %dma_start3A_157] : memref<1000000x64xf32, #tpu.memory_space<hbm>> -> memref<8x64xf32, #tpu.memory_space<hbm>>
      %dma_start3A_159 = arith.constant 0 : i32
      %dma_start3A_160 = arith.constant 0 : i32
      %dma_start3A_161 = tpu.memref_slice %arg11[%dma_start3A_152, %dma_start3A_159, %dma_start3A_160] : memref<32x8x64xf32, #tpu.memory_space<vmem>> -> memref<1x8x64xf32, #tpu.memory_space<vmem>>
      %dma_start3A_162 = tpu.memref_squeeze %dma_start3A_161 : memref<1x8x64xf32, #tpu.memory_space<vmem>> -> memref<8x64xf32, #tpu.memory_space<vmem>>
      %dma_start3A_163 = arith.constant 0 : i32
      %dma_start3A_164 = tpu.memref_slice %arg4[%mul3A_151, %dma_start3A_163] : memref<1000000x64xf32, #tpu.memory_space<hbm>> -> memref<8x64xf32, #tpu.memory_space<hbm>>
      tpu.enqueue_dma source(%dma_start3A_164 : memref<8x64xf32, #tpu.memory_space<hbm>>) target(%dma_start3A_162 : memref<8x64xf32, #tpu.memory_space<vmem>>) target_semaphore(%arg17 : memref<!tpu.dma_semaphore, #tpu.memory_space<semaphore_mem>>)
      %mul3A_165 = arith.constant 8 : i32
      %mul3A_166 = arith.muli %shift_right_arithmetic3A_149, %mul3A_165 : i32
      %dma_start3A_167 = arith.constant 3 : i32
      %dma_start3A_168 = arith.constant 0 : i32
      %dma_start3A_169 = arith.constant 0 : i32
      %dma_start3A_170 = tpu.memref_slice %arg12[%dma_start3A_167, %dma_start3A_168, %dma_start3A_169] : memref<32x8x64xf32, #tpu.memory_space<vmem>> -> memref<1x8x64xf32, #tpu.memory_space<vmem>>
      %dma_start3A_171 = tpu.memref_squeeze %dma_start3A_170 : memref<1x8x64xf32, #tpu.memory_space<vmem>> -> memref<8x64xf32, #tpu.memory_space<vmem>>
      %dma_start3A_172 = arith.constant 0 : i32
      %dma_start3A_173 = tpu.memref_slice %arg5[%mul3A_166, %dma_start3A_172] : memref<1000000x64xf32, #tpu.memory_space<hbm>> -> memref<8x64xf32, #tpu.memory_space<hbm>>
      %dma_start3A_174 = arith.constant 0 : i32
      %dma_start3A_175 = arith.constant 0 : i32
      %dma_start3A_176 = tpu.memref_slice %arg12[%dma_start3A_167, %dma_start3A_174, %dma_start3A_175] : memref<32x8x64xf32, #tpu.memory_space<vmem>> -> memref<1x8x64xf32, #tpu.memory_space<vmem>>
      %dma_start3A_177 = tpu.memref_squeeze %dma_start3A_176 : memref<1x8x64xf32, #tpu.memory_space<vmem>> -> memref<8x64xf32, #tpu.memory_space<vmem>>
      %dma_start3A_178 = arith.constant 0 : i32
      %dma_start3A_179 = tpu.memref_slice %arg5[%mul3A_166, %dma_start3A_178] : memref<1000000x64xf32, #tpu.memory_space<hbm>> -> memref<8x64xf32, #tpu.memory_space<hbm>>
      tpu.enqueue_dma source(%dma_start3A_179 : memref<8x64xf32, #tpu.memory_space<hbm>>) target(%dma_start3A_177 : memref<8x64xf32, #tpu.memory_space<vmem>>) target_semaphore(%arg18 : memref<!tpu.dma_semaphore, #tpu.memory_space<semaphore_mem>>)
      %add3A_180 = arith.constant 4 : i32
      %add3A_181 = arith.addi %mul3A_14, %add3A_180 : i32
      %get3A_182 = arith.index_cast %add3A_181 : i32 to index
      %get3A_183 = memref.load %arg7[%get3A_182] : memref<512xi32, #tpu.memory_space<smem>>
      %shift_right_arithmetic3A_184 = arith.constant 3 : i32
      %shift_right_arithmetic3A_185 = arith.shrsi %get3A_183, %shift_right_arithmetic3A_184 : i32
      %add3A_186 = arith.constant 4 : i32
      %add3A_187 = arith.addi %mul3A_14, %add3A_186 : i32
      %get3A_188 = arith.index_cast %add3A_187 : i32 to index
      %get3A_189 = memref.load %arg8[%get3A_188] : memref<512xi32, #tpu.memory_space<smem>>
      %shift_right_arithmetic3A_190 = arith.constant 3 : i32
      %shift_right_arithmetic3A_191 = arith.shrsi %get3A_189, %shift_right_arithmetic3A_190 : i32
      %mul3A_192 = arith.constant 8 : i32
      %mul3A_193 = arith.muli %shift_right_arithmetic3A_185, %mul3A_192 : i32
      %dma_start3A_194 = arith.constant 4 : i32
      %dma_start3A_195 = arith.constant 0 : i32
      %dma_start3A_196 = arith.constant 0 : i32
      %dma_start3A_197 = tpu.memref_slice %arg11[%dma_start3A_194, %dma_start3A_195, %dma_start3A_196] : memref<32x8x64xf32, #tpu.memory_space<vmem>> -> memref<1x8x64xf32, #tpu.memory_space<vmem>>
      %dma_start3A_198 = tpu.memref_squeeze %dma_start3A_197 : memref<1x8x64xf32, #tpu.memory_space<vmem>> -> memref<8x64xf32, #tpu.memory_space<vmem>>
      %dma_start3A_199 = arith.constant 0 : i32
      %dma_start3A_200 = tpu.memref_slice %arg4[%mul3A_193, %dma_start3A_199] : memref<1000000x64xf32, #tpu.memory_space<hbm>> -> memref<8x64xf32, #tpu.memory_space<hbm>>
      %dma_start3A_201 = arith.constant 0 : i32
      %dma_start3A_202 = arith.constant 0 : i32
      %dma_start3A_203 = tpu.memref_slice %arg11[%dma_start3A_194, %dma_start3A_201, %dma_start3A_202] : memref<32x8x64xf32, #tpu.memory_space<vmem>> -> memref<1x8x64xf32, #tpu.memory_space<vmem>>
      %dma_start3A_204 = tpu.memref_squeeze %dma_start3A_203 : memref<1x8x64xf32, #tpu.memory_space<vmem>> -> memref<8x64xf32, #tpu.memory_space<vmem>>
      %dma_start3A_205 = arith.constant 0 : i32
      %dma_start3A_206 = tpu.memref_slice %arg4[%mul3A_193, %dma_start3A_205] : memref<1000000x64xf32, #tpu.memory_space<hbm>> -> memref<8x64xf32, #tpu.memory_space<hbm>>
      tpu.enqueue_dma source(%dma_start3A_206 : memref<8x64xf32, #tpu.memory_space<hbm>>) target(%dma_start3A_204 : memref<8x64xf32, #tpu.memory_space<vmem>>) target_semaphore(%arg15 : memref<!tpu.dma_semaphore, #tpu.memory_space<semaphore_mem>>)
      %mul3A_207 = arith.constant 8 : i32
      %mul3A_208 = arith.muli %shift_right_arithmetic3A_191, %mul3A_207 : i32
      %dma_start3A_209 = arith.constant 4 : i32
      %dma_start3A_210 = arith.constant 0 : i32
      %dma_start3A_211 = arith.constant 0 : i32
      %dma_start3A_212 = tpu.memref_slice %arg12[%dma_start3A_209, %dma_start3A_210, %dma_start3A_211] : memref<32x8x64xf32, #tpu.memory_space<vmem>> -> memref<1x8x64xf32, #tpu.memory_space<vmem>>
      %dma_start3A_213 = tpu.memref_squeeze %dma_start3A_212 : memref<1x8x64xf32, #tpu.memory_space<vmem>> -> memref<8x64xf32, #tpu.memory_space<vmem>>
      %dma_start3A_214 = arith.constant 0 : i32
      %dma_start3A_215 = tpu.memref_slice %arg5[%mul3A_208, %dma_start3A_214] : memref<1000000x64xf32, #tpu.memory_space<hbm>> -> memref<8x64xf32, #tpu.memory_space<hbm>>
      %dma_start3A_216 = arith.constant 0 : i32
      %dma_start3A_217 = arith.constant 0 : i32
      %dma_start3A_218 = tpu.memref_slice %arg12[%dma_start3A_209, %dma_start3A_216, %dma_start3A_217] : memref<32x8x64xf32, #tpu.memory_space<vmem>> -> memref<1x8x64xf32, #tpu.memory_space<vmem>>
      %dma_start3A_219 = tpu.memref_squeeze %dma_start3A_218 : memref<1x8x64xf32, #tpu.memory_space<vmem>> -> memref<8x64xf32, #tpu.memory_space<vmem>>
      %dma_start3A_220 = arith.constant 0 : i32
      %dma_start3A_221 = tpu.memref_slice %arg5[%mul3A_208, %dma_start3A_220] : memref<1000000x64xf32, #tpu.memory_space<hbm>> -> memref<8x64xf32, #tpu.memory_space<hbm>>
      tpu.enqueue_dma source(%dma_start3A_221 : memref<8x64xf32, #tpu.memory_space<hbm>>) target(%dma_start3A_219 : memref<8x64xf32, #tpu.memory_space<vmem>>) target_semaphore(%arg16 : memref<!tpu.dma_semaphore, #tpu.memory_space<semaphore_mem>>)
      %add3A_222 = arith.constant 5 : i32
      %add3A_223 = arith.addi %mul3A_14, %add3A_222 : i32
      %get3A_224 = arith.index_cast %add3A_223 : i32 to index
      %get3A_225 = memref.load %arg7[%get3A_224] : memref<512xi32, #tpu.memory_space<smem>>
      %shift_right_arithmetic3A_226 = arith.constant 3 : i32
      %shift_right_arithmetic3A_227 = arith.shrsi %get3A_225, %shift_right_arithmetic3A_226 : i32
      %add3A_228 = arith.constant 5 : i32
      %add3A_229 = arith.addi %mul3A_14, %add3A_228 : i32
      %get3A_230 = arith.index_cast %add3A_229 : i32 to index
      %get3A_231 = memref.load %arg8[%get3A_230] : memref<512xi32, #tpu.memory_space<smem>>
      %shift_right_arithmetic3A_232 = arith.constant 3 : i32
      %shift_right_arithmetic3A_233 = arith.shrsi %get3A_231, %shift_right_arithmetic3A_232 : i32
      %mul3A_234 = arith.constant 8 : i32
      %mul3A_235 = arith.muli %shift_right_arithmetic3A_227, %mul3A_234 : i32
      %dma_start3A_236 = arith.constant 5 : i32
      %dma_start3A_237 = arith.constant 0 : i32
      %dma_start3A_238 = arith.constant 0 : i32
      %dma_start3A_239 = tpu.memref_slice %arg11[%dma_start3A_236, %dma_start3A_237, %dma_start3A_238] : memref<32x8x64xf32, #tpu.memory_space<vmem>> -> memref<1x8x64xf32, #tpu.memory_space<vmem>>
      %dma_start3A_240 = tpu.memref_squeeze %dma_start3A_239 : memref<1x8x64xf32, #tpu.memory_space<vmem>> -> memref<8x64xf32, #tpu.memory_space<vmem>>
      %dma_start3A_241 = arith.constant 0 : i32
      %dma_start3A_242 = tpu.memref_slice %arg4[%mul3A_235, %dma_start3A_241] : memref<1000000x64xf32, #tpu.memory_space<hbm>> -> memref<8x64xf32, #tpu.memory_space<hbm>>
      %dma_start3A_243 = arith.constant 0 : i32
      %dma_start3A_244 = arith.constant 0 : i32
      %dma_start3A_245 = tpu.memref_slice %arg11[%dma_start3A_236, %dma_start3A_243, %dma_start3A_244] : memref<32x8x64xf32, #tpu.memory_space<vmem>> -> memref<1x8x64xf32, #tpu.memory_space<vmem>>
      %dma_start3A_246 = tpu.memref_squeeze %dma_start3A_245 : memref<1x8x64xf32, #tpu.memory_space<vmem>> -> memref<8x64xf32, #tpu.memory_space<vmem>>
      %dma_start3A_247 = arith.constant 0 : i32
      %dma_start3A_248 = tpu.memref_slice %arg4[%mul3A_235, %dma_start3A_247] : memref<1000000x64xf32, #tpu.memory_space<hbm>> -> memref<8x64xf32, #tpu.memory_space<hbm>>
      tpu.enqueue_dma source(%dma_start3A_248 : memref<8x64xf32, #tpu.memory_space<hbm>>) target(%dma_start3A_246 : memref<8x64xf32, #tpu.memory_space<vmem>>) target_semaphore(%arg17 : memref<!tpu.dma_semaphore, #tpu.memory_space<semaphore_mem>>)
      %mul3A_249 = arith.constant 8 : i32
      %mul3A_250 = arith.muli %shift_right_arithmetic3A_233, %mul3A_249 : i32
      %dma_start3A_251 = arith.constant 5 : i32
      %dma_start3A_252 = arith.constant 0 : i32
      %dma_start3A_253 = arith.constant 0 : i32
      %dma_start3A_254 = tpu.memref_slice %arg12[%dma_start3A_251, %dma_start3A_252, %dma_start3A_253] : memref<32x8x64xf32, #tpu.memory_space<vmem>> -> memref<1x8x64xf32, #tpu.memory_space<vmem>>
      %dma_start3A_255 = tpu.memref_squeeze %dma_start3A_254 : memref<1x8x64xf32, #tpu.memory_space<vmem>> -> memref<8x64xf32, #tpu.memory_space<vmem>>
      %dma_start3A_256 = arith.constant 0 : i32
      %dma_start3A_257 = tpu.memref_slice %arg5[%mul3A_250, %dma_start3A_256] : memref<1000000x64xf32, #tpu.memory_space<hbm>> -> memref<8x64xf32, #tpu.memory_space<hbm>>
      %dma_start3A_258 = arith.constant 0 : i32
      %dma_start3A_259 = arith.constant 0 : i32
      %dma_start3A_260 = tpu.memref_slice %arg12[%dma_start3A_251, %dma_start3A_258, %dma_start3A_259] : memref<32x8x64xf32, #tpu.memory_space<vmem>> -> memref<1x8x64xf32, #tpu.memory_space<vmem>>
      %dma_start3A_261 = tpu.memref_squeeze %dma_start3A_260 : memref<1x8x64xf32, #tpu.memory_space<vmem>> -> memref<8x64xf32, #tpu.memory_space<vmem>>
      %dma_start3A_262 = arith.constant 0 : i32
      %dma_start3A_263 = tpu.memref_slice %arg5[%mul3A_250, %dma_start3A_262] : memref<1000000x64xf32, #tpu.memory_space<hbm>> -> memref<8x64xf32, #tpu.memory_space<hbm>>
      tpu.enqueue_dma source(%dma_start3A_263 : memref<8x64xf32, #tpu.memory_space<hbm>>) target(%dma_start3A_261 : memref<8x64xf32, #tpu.memory_space<vmem>>) target_semaphore(%arg18 : memref<!tpu.dma_semaphore, #tpu.memory_space<semaphore_mem>>)
      %add3A_264 = arith.constant 6 : i32
      %add3A_265 = arith.addi %mul3A_14, %add3A_264 : i32
      %get3A_266 = arith.index_cast %add3A_265 : i32 to index
      %get3A_267 = memref.load %arg7[%get3A_266] : memref<512xi32, #tpu.memory_space<smem>>
      %shift_right_arithmetic3A_268 = arith.constant 3 : i32
      %shift_right_arithmetic3A_269 = arith.shrsi %get3A_267, %shift_right_arithmetic3A_268 : i32
      %add3A_270 = arith.constant 6 : i32
      %add3A_271 = arith.addi %mul3A_14, %add3A_270 : i32
      %get3A_272 = arith.index_cast %add3A_271 : i32 to index
      %get3A_273 = memref.load %arg8[%get3A_272] : memref<512xi32, #tpu.memory_space<smem>>
      %shift_right_arithmetic3A_274 = arith.constant 3 : i32
      %shift_right_arithmetic3A_275 = arith.shrsi %get3A_273, %shift_right_arithmetic3A_274 : i32
      %mul3A_276 = arith.constant 8 : i32
      %mul3A_277 = arith.muli %shift_right_arithmetic3A_269, %mul3A_276 : i32
      %dma_start3A_278 = arith.constant 6 : i32
      %dma_start3A_279 = arith.constant 0 : i32
      %dma_start3A_280 = arith.constant 0 : i32
      %dma_start3A_281 = tpu.memref_slice %arg11[%dma_start3A_278, %dma_start3A_279, %dma_start3A_280] : memref<32x8x64xf32, #tpu.memory_space<vmem>> -> memref<1x8x64xf32, #tpu.memory_space<vmem>>
      %dma_start3A_282 = tpu.memref_squeeze %dma_start3A_281 : memref<1x8x64xf32, #tpu.memory_space<vmem>> -> memref<8x64xf32, #tpu.memory_space<vmem>>
      %dma_start3A_283 = arith.constant 0 : i32
      %dma_start3A_284 = tpu.memref_slice %arg4[%mul3A_277, %dma_start3A_283] : memref<1000000x64xf32, #tpu.memory_space<hbm>> -> memref<8x64xf32, #tpu.memory_space<hbm>>
      %dma_start3A_285 = arith.constant 0 : i32
      %dma_start3A_286 = arith.constant 0 : i32
      %dma_start3A_287 = tpu.memref_slice %arg11[%dma_start3A_278, %dma_start3A_285, %dma_start3A_286] : memref<32x8x64xf32, #tpu.memory_space<vmem>> -> memref<1x8x64xf32, #tpu.memory_space<vmem>>
      %dma_start3A_288 = tpu.memref_squeeze %dma_start3A_287 : memref<1x8x64xf32, #tpu.memory_space<vmem>> -> memref<8x64xf32, #tpu.memory_space<vmem>>
      %dma_start3A_289 = arith.constant 0 : i32
      %dma_start3A_290 = tpu.memref_slice %arg4[%mul3A_277, %dma_start3A_289] : memref<1000000x64xf32, #tpu.memory_space<hbm>> -> memref<8x64xf32, #tpu.memory_space<hbm>>
      tpu.enqueue_dma source(%dma_start3A_290 : memref<8x64xf32, #tpu.memory_space<hbm>>) target(%dma_start3A_288 : memref<8x64xf32, #tpu.memory_space<vmem>>) target_semaphore(%arg15 : memref<!tpu.dma_semaphore, #tpu.memory_space<semaphore_mem>>)
      %mul3A_291 = arith.constant 8 : i32
      %mul3A_292 = arith.muli %shift_right_arithmetic3A_275, %mul3A_291 : i32
      %dma_start3A_293 = arith.constant 6 : i32
      %dma_start3A_294 = arith.constant 0 : i32
      %dma_start3A_295 = arith.constant 0 : i32
      %dma_start3A_296 = tpu.memref_slice %arg12[%dma_start3A_293, %dma_start3A_294, %dma_start3A_295] : memref<32x8x64xf32, #tpu.memory_space<vmem>> -> memref<1x8x64xf32, #tpu.memory_space<vmem>>
      %dma_start3A_297 = tpu.memref_squeeze %dma_start3A_296 : memref<1x8x64xf32, #tpu.memory_space<vmem>> -> memref<8x64xf32, #tpu.memory_space<vmem>>
      %dma_start3A_298 = arith.constant 0 : i32
      %dma_start3A_299 = tpu.memref_slice %arg5[%mul3A_292, %dma_start3A_298] : memref<1000000x64xf32, #tpu.memory_space<hbm>> -> memref<8x64xf32, #tpu.memory_space<hbm>>
      %dma_start3A_300 = arith.constant 0 : i32
      %dma_start3A_301 = arith.constant 0 : i32
      %dma_start3A_302 = tpu.memref_slice %arg12[%dma_start3A_293, %dma_start3A_300, %dma_start3A_301] : memref<32x8x64xf32, #tpu.memory_space<vmem>> -> memref<1x8x64xf32, #tpu.memory_space<vmem>>
      %dma_start3A_303 = tpu.memref_squeeze %dma_start3A_302 : memref<1x8x64xf32, #tpu.memory_space<vmem>> -> memref<8x64xf32, #tpu.memory_space<vmem>>
      %dma_start3A_304 = arith.constant 0 : i32
      %dma_start3A_305 = tpu.memref_slice %arg5[%mul3A_292, %dma_start3A_304] : memref<1000000x64xf32, #tpu.memory_space<hbm>> -> memref<8x64xf32, #tpu.memory_space<hbm>>
      tpu.enqueue_dma source(%dma_start3A_305 : memref<8x64xf32, #tpu.memory_space<hbm>>) target(%dma_start3A_303 : memref<8x64xf32, #tpu.memory_space<vmem>>) target_semaphore(%arg16 : memref<!tpu.dma_semaphore, #tpu.memory_space<semaphore_mem>>)
      %add3A_306 = arith.constant 7 : i32
      %add3A_307 = arith.addi %mul3A_14, %add3A_306 : i32
      %get3A_308 = arith.index_cast %add3A_307 : i32 to index
      %get3A_309 = memref.load %arg7[%get3A_308] : memref<512xi32, #tpu.memory_space<smem>>
      %shift_right_arithmetic3A_310 = arith.constant 3 : i32
      %shift_right_arithmetic3A_311 = arith.shrsi %get3A_309, %shift_right_arithmetic3A_310 : i32
      %add3A_312 = arith.constant 7 : i32
      %add3A_313 = arith.addi %mul3A_14, %add3A_312 : i32
      %get3A_314 = arith.index_cast %add3A_313 : i32 to index
      %get3A_315 = memref.load %arg8[%get3A_314] : memref<512xi32, #tpu.memory_space<smem>>
      %shift_right_arithmetic3A_316 = arith.constant 3 : i32
      %shift_right_arithmetic3A_317 = arith.shrsi %get3A_315, %shift_right_arithmetic3A_316 : i32
      %mul3A_318 = arith.constant 8 : i32
      %mul3A_319 = arith.muli %shift_right_arithmetic3A_311, %mul3A_318 : i32
      %dma_start3A_320 = arith.constant 7 : i32
      %dma_start3A_321 = arith.constant 0 : i32
      %dma_start3A_322 = arith.constant 0 : i32
      %dma_start3A_323 = tpu.memref_slice %arg11[%dma_start3A_320, %dma_start3A_321, %dma_start3A_322] : memref<32x8x64xf32, #tpu.memory_space<vmem>> -> memref<1x8x64xf32, #tpu.memory_space<vmem>>
      %dma_start3A_324 = tpu.memref_squeeze %dma_start3A_323 : memref<1x8x64xf32, #tpu.memory_space<vmem>> -> memref<8x64xf32, #tpu.memory_space<vmem>>
      %dma_start3A_325 = arith.constant 0 : i32
      %dma_start3A_326 = tpu.memref_slice %arg4[%mul3A_319, %dma_start3A_325] : memref<1000000x64xf32, #tpu.memory_space<hbm>> -> memref<8x64xf32, #tpu.memory_space<hbm>>
      %dma_start3A_327 = arith.constant 0 : i32
      %dma_start3A_328 = arith.constant 0 : i32
      %dma_start3A_329 = tpu.memref_slice %arg11[%dma_start3A_320, %dma_start3A_327, %dma_start3A_328] : memref<32x8x64xf32, #tpu.memory_space<vmem>> -> memref<1x8x64xf32, #tpu.memory_space<vmem>>
      %dma_start3A_330 = tpu.memref_squeeze %dma_start3A_329 : memref<1x8x64xf32, #tpu.memory_space<vmem>> -> memref<8x64xf32, #tpu.memory_space<vmem>>
      %dma_start3A_331 = arith.constant 0 : i32
      %dma_start3A_332 = tpu.memref_slice %arg4[%mul3A_319, %dma_start3A_331] : memref<1000000x64xf32, #tpu.memory_space<hbm>> -> memref<8x64xf32, #tpu.memory_space<hbm>>
      tpu.enqueue_dma source(%dma_start3A_332 : memref<8x64xf32, #tpu.memory_space<hbm>>) target(%dma_start3A_330 : memref<8x64xf32, #tpu.memory_space<vmem>>) target_semaphore(%arg17 : memref<!tpu.dma_semaphore, #tpu.memory_space<semaphore_mem>>)
      %mul3A_333 = arith.constant 8 : i32
      %mul3A_334 = arith.muli %shift_right_arithmetic3A_317, %mul3A_333 : i32
      %dma_start3A_335 = arith.constant 7 : i32
      %dma_start3A_336 = arith.constant 0 : i32
      %dma_start3A_337 = arith.constant 0 : i32
      %dma_start3A_338 = tpu.memref_slice %arg12[%dma_start3A_335, %dma_start3A_336, %dma_start3A_337] : memref<32x8x64xf32, #tpu.memory_space<vmem>> -> memref<1x8x64xf32, #tpu.memory_space<vmem>>
      %dma_start3A_339 = tpu.memref_squeeze %dma_start3A_338 : memref<1x8x64xf32, #tpu.memory_space<vmem>> -> memref<8x64xf32, #tpu.memory_space<vmem>>
      %dma_start3A_340 = arith.constant 0 : i32
      %dma_start3A_341 = tpu.memref_slice %arg5[%mul3A_334, %dma_start3A_340] : memref<1000000x64xf32, #tpu.memory_space<hbm>> -> memref<8x64xf32, #tpu.memory_space<hbm>>
      %dma_start3A_342 = arith.constant 0 : i32
      %dma_start3A_343 = arith.constant 0 : i32
      %dma_start3A_344 = tpu.memref_slice %arg12[%dma_start3A_335, %dma_start3A_342, %dma_start3A_343] : memref<32x8x64xf32, #tpu.memory_space<vmem>> -> memref<1x8x64xf32, #tpu.memory_space<vmem>>
      %dma_start3A_345 = tpu.memref_squeeze %dma_start3A_344 : memref<1x8x64xf32, #tpu.memory_space<vmem>> -> memref<8x64xf32, #tpu.memory_space<vmem>>
      %dma_start3A_346 = arith.constant 0 : i32
      %dma_start3A_347 = tpu.memref_slice %arg5[%mul3A_334, %dma_start3A_346] : memref<1000000x64xf32, #tpu.memory_space<hbm>> -> memref<8x64xf32, #tpu.memory_space<hbm>>
      tpu.enqueue_dma source(%dma_start3A_347 : memref<8x64xf32, #tpu.memory_space<hbm>>) target(%dma_start3A_345 : memref<8x64xf32, #tpu.memory_space<vmem>>) target_semaphore(%arg18 : memref<!tpu.dma_semaphore, #tpu.memory_space<semaphore_mem>>)
      %add3A_348 = arith.constant 8 : i32
      %add3A_349 = arith.addi %mul3A_14, %add3A_348 : i32
      %get3A_350 = arith.index_cast %add3A_349 : i32 to index
      %get3A_351 = memref.load %arg7[%get3A_350] : memref<512xi32, #tpu.memory_space<smem>>
      %shift_right_arithmetic3A_352 = arith.constant 3 : i32
      %shift_right_arithmetic3A_353 = arith.shrsi %get3A_351, %shift_right_arithmetic3A_352 : i32
      %add3A_354 = arith.constant 8 : i32
      %add3A_355 = arith.addi %mul3A_14, %add3A_354 : i32
      %get3A_356 = arith.index_cast %add3A_355 : i32 to index
      %get3A_357 = memref.load %arg8[%get3A_356] : memref<512xi32, #tpu.memory_space<smem>>
      %shift_right_arithmetic3A_358 = arith.constant 3 : i32
      %shift_right_arithmetic3A_359 = arith.shrsi %get3A_357, %shift_right_arithmetic3A_358 : i32
      %mul3A_360 = arith.constant 8 : i32
      %mul3A_361 = arith.muli %shift_right_arithmetic3A_353, %mul3A_360 : i32
      %dma_start3A_362 = arith.constant 8 : i32
      %dma_start3A_363 = arith.constant 0 : i32
      %dma_start3A_364 = arith.constant 0 : i32
      %dma_start3A_365 = tpu.memref_slice %arg11[%dma_start3A_362, %dma_start3A_363, %dma_start3A_364] : memref<32x8x64xf32, #tpu.memory_space<vmem>> -> memref<1x8x64xf32, #tpu.memory_space<vmem>>
      %dma_start3A_366 = tpu.memref_squeeze %dma_start3A_365 : memref<1x8x64xf32, #tpu.memory_space<vmem>> -> memref<8x64xf32, #tpu.memory_space<vmem>>
      %dma_start3A_367 = arith.constant 0 : i32
      %dma_start3A_368 = tpu.memref_slice %arg4[%mul3A_361, %dma_start3A_367] : memref<1000000x64xf32, #tpu.memory_space<hbm>> -> memref<8x64xf32, #tpu.memory_space<hbm>>
      %dma_start3A_369 = arith.constant 0 : i32
      %dma_start3A_370 = arith.constant 0 : i32
      %dma_start3A_371 = tpu.memref_slice %arg11[%dma_start3A_362, %dma_start3A_369, %dma_start3A_370] : memref<32x8x64xf32, #tpu.memory_space<vmem>> -> memref<1x8x64xf32, #tpu.memory_space<vmem>>
      %dma_start3A_372 = tpu.memref_squeeze %dma_start3A_371 : memref<1x8x64xf32, #tpu.memory_space<vmem>> -> memref<8x64xf32, #tpu.memory_space<vmem>>
      %dma_start3A_373 = arith.constant 0 : i32
      %dma_start3A_374 = tpu.memref_slice %arg4[%mul3A_361, %dma_start3A_373] : memref<1000000x64xf32, #tpu.memory_space<hbm>> -> memref<8x64xf32, #tpu.memory_space<hbm>>
      tpu.enqueue_dma source(%dma_start3A_374 : memref<8x64xf32, #tpu.memory_space<hbm>>) target(%dma_start3A_372 : memref<8x64xf32, #tpu.memory_space<vmem>>) target_semaphore(%arg15 : memref<!tpu.dma_semaphore, #tpu.memory_space<semaphore_mem>>)
      %mul3A_375 = arith.constant 8 : i32
      %mul3A_376 = arith.muli %shift_right_arithmetic3A_359, %mul3A_375 : i32
      %dma_start3A_377 = arith.constant 8 : i32
      %dma_start3A_378 = arith.constant 0 : i32
      %dma_start3A_379 = arith.constant 0 : i32
      %dma_start3A_380 = tpu.memref_slice %arg12[%dma_start3A_377, %dma_start3A_378, %dma_start3A_379] : memref<32x8x64xf32, #tpu.memory_space<vmem>> -> memref<1x8x64xf32, #tpu.memory_space<vmem>>
      %dma_start3A_381 = tpu.memref_squeeze %dma_start3A_380 : memref<1x8x64xf32, #tpu.memory_space<vmem>> -> memref<8x64xf32, #tpu.memory_space<vmem>>
      %dma_start3A_382 = arith.constant 0 : i32
      %dma_start3A_383 = tpu.memref_slice %arg5[%mul3A_376, %dma_start3A_382] : memref<1000000x64xf32, #tpu.memory_space<hbm>> -> memref<8x64xf32, #tpu.memory_space<hbm>>
      %dma_start3A_384 = arith.constant 0 : i32
      %dma_start3A_385 = arith.constant 0 : i32
      %dma_start3A_386 = tpu.memref_slice %arg12[%dma_start3A_377, %dma_start3A_384, %dma_start3A_385] : memref<32x8x64xf32, #tpu.memory_space<vmem>> -> memref<1x8x64xf32, #tpu.memory_space<vmem>>
      %dma_start3A_387 = tpu.memref_squeeze %dma_start3A_386 : memref<1x8x64xf32, #tpu.memory_space<vmem>> -> memref<8x64xf32, #tpu.memory_space<vmem>>
      %dma_start3A_388 = arith.constant 0 : i32
      %dma_start3A_389 = tpu.memref_slice %arg5[%mul3A_376, %dma_start3A_388] : memref<1000000x64xf32, #tpu.memory_space<hbm>> -> memref<8x64xf32, #tpu.memory_space<hbm>>
      tpu.enqueue_dma source(%dma_start3A_389 : memref<8x64xf32, #tpu.memory_space<hbm>>) target(%dma_start3A_387 : memref<8x64xf32, #tpu.memory_space<vmem>>) target_semaphore(%arg16 : memref<!tpu.dma_semaphore, #tpu.memory_space<semaphore_mem>>)
      %add3A_390 = arith.constant 9 : i32
      %add3A_391 = arith.addi %mul3A_14, %add3A_390 : i32
      %get3A_392 = arith.index_cast %add3A_391 : i32 to index
      %get3A_393 = memref.load %arg7[%get3A_392] : memref<512xi32, #tpu.memory_space<smem>>
      %shift_right_arithmetic3A_394 = arith.constant 3 : i32
      %shift_right_arithmetic3A_395 = arith.shrsi %get3A_393, %shift_right_arithmetic3A_394 : i32
      %add3A_396 = arith.constant 9 : i32
      %add3A_397 = arith.addi %mul3A_14, %add3A_396 : i32
      %get3A_398 = arith.index_cast %add3A_397 : i32 to index
      %get3A_399 = memref.load %arg8[%get3A_398] : memref<512xi32, #tpu.memory_space<smem>>
      %shift_right_arithmetic3A_400 = arith.constant 3 : i32
      %shift_right_arithmetic3A_401 = arith.shrsi %get3A_399, %shift_right_arithmetic3A_400 : i32
      %mul3A_402 = arith.constant 8 : i32
      %mul3A_403 = arith.muli %shift_right_arithmetic3A_395, %mul3A_402 : i32
      %dma_start3A_404 = arith.constant 9 : i32
      %dma_start3A_405 = arith.constant 0 : i32
      %dma_start3A_406 = arith.constant 0 : i32
      %dma_start3A_407 = tpu.memref_slice %arg11[%dma_start3A_404, %dma_start3A_405, %dma_start3A_406] : memref<32x8x64xf32, #tpu.memory_space<vmem>> -> memref<1x8x64xf32, #tpu.memory_space<vmem>>
      %dma_start3A_408 = tpu.memref_squeeze %dma_start3A_407 : memref<1x8x64xf32, #tpu.memory_space<vmem>> -> memref<8x64xf32, #tpu.memory_space<vmem>>
      %dma_start3A_409 = arith.constant 0 : i32
      %dma_start3A_410 = tpu.memref_slice %arg4[%mul3A_403, %dma_start3A_409] : memref<1000000x64xf32, #tpu.memory_space<hbm>> -> memref<8x64xf32, #tpu.memory_space<hbm>>
      %dma_start3A_411 = arith.constant 0 : i32
      %dma_start3A_412 = arith.constant 0 : i32
      %dma_start3A_413 = tpu.memref_slice %arg11[%dma_start3A_404, %dma_start3A_411, %dma_start3A_412] : memref<32x8x64xf32, #tpu.memory_space<vmem>> -> memref<1x8x64xf32, #tpu.memory_space<vmem>>
      %dma_start3A_414 = tpu.memref_squeeze %dma_start3A_413 : memref<1x8x64xf32, #tpu.memory_space<vmem>> -> memref<8x64xf32, #tpu.memory_space<vmem>>
      %dma_start3A_415 = arith.constant 0 : i32
      %dma_start3A_416 = tpu.memref_slice %arg4[%mul3A_403, %dma_start3A_415] : memref<1000000x64xf32, #tpu.memory_space<hbm>> -> memref<8x64xf32, #tpu.memory_space<hbm>>
      tpu.enqueue_dma source(%dma_start3A_416 : memref<8x64xf32, #tpu.memory_space<hbm>>) target(%dma_start3A_414 : memref<8x64xf32, #tpu.memory_space<vmem>>) target_semaphore(%arg17 : memref<!tpu.dma_semaphore, #tpu.memory_space<semaphore_mem>>)
      %mul3A_417 = arith.constant 8 : i32
      %mul3A_418 = arith.muli %shift_right_arithmetic3A_401, %mul3A_417 : i32
      %dma_start3A_419 = arith.constant 9 : i32
      %dma_start3A_420 = arith.constant 0 : i32
      %dma_start3A_421 = arith.constant 0 : i32
      %dma_start3A_422 = tpu.memref_slice %arg12[%dma_start3A_419, %dma_start3A_420, %dma_start3A_421] : memref<32x8x64xf32, #tpu.memory_space<vmem>> -> memref<1x8x64xf32, #tpu.memory_space<vmem>>
      %dma_start3A_423 = tpu.memref_squeeze %dma_start3A_422 : memref<1x8x64xf32, #tpu.memory_space<vmem>> -> memref<8x64xf32, #tpu.memory_space<vmem>>
      %dma_start3A_424 = arith.constant 0 : i32
      %dma_start3A_425 = tpu.memref_slice %arg5[%mul3A_418, %dma_start3A_424] : memref<1000000x64xf32, #tpu.memory_space<hbm>> -> memref<8x64xf32, #tpu.memory_space<hbm>>
      %dma_start3A_426 = arith.constant 0 : i32
      %dma_start3A_427 = arith.constant 0 : i32
      %dma_start3A_428 = tpu.memref_slice %arg12[%dma_start3A_419, %dma_start3A_426, %dma_start3A_427] : memref<32x8x64xf32, #tpu.memory_space<vmem>> -> memref<1x8x64xf32, #tpu.memory_space<vmem>>
      %dma_start3A_429 = tpu.memref_squeeze %dma_start3A_428 : memref<1x8x64xf32, #tpu.memory_space<vmem>> -> memref<8x64xf32, #tpu.memory_space<vmem>>
      %dma_start3A_430 = arith.constant 0 : i32
      %dma_start3A_431 = tpu.memref_slice %arg5[%mul3A_418, %dma_start3A_430] : memref<1000000x64xf32, #tpu.memory_space<hbm>> -> memref<8x64xf32, #tpu.memory_space<hbm>>
      tpu.enqueue_dma source(%dma_start3A_431 : memref<8x64xf32, #tpu.memory_space<hbm>>) target(%dma_start3A_429 : memref<8x64xf32, #tpu.memory_space<vmem>>) target_semaphore(%arg18 : memref<!tpu.dma_semaphore, #tpu.memory_space<semaphore_mem>>)
      %add3A_432 = arith.constant 10 : i32
      %add3A_433 = arith.addi %mul3A_14, %add3A_432 : i32
      %get3A_434 = arith.index_cast %add3A_433 : i32 to index
      %get3A_435 = memref.load %arg7[%get3A_434] : memref<512xi32, #tpu.memory_space<smem>>
      %shift_right_arithmetic3A_436 = arith.constant 3 : i32
      %shift_right_arithmetic3A_437 = arith.shrsi %get3A_435, %shift_right_arithmetic3A_436 : i32
      %add3A_438 = arith.constant 10 : i32
      %add3A_439 = arith.addi %mul3A_14, %add3A_438 : i32
      %get3A_440 = arith.index_cast %add3A_439 : i32 to index
      %get3A_441 = memref.load %arg8[%get3A_440] : memref<512xi32, #tpu.memory_space<smem>>
      %shift_right_arithmetic3A_442 = arith.constant 3 : i32
      %shift_right_arithmetic3A_443 = arith.shrsi %get3A_441, %shift_right_arithmetic3A_442 : i32
      %mul3A_444 = arith.constant 8 : i32
      %mul3A_445 = arith.muli %shift_right_arithmetic3A_437, %mul3A_444 : i32
      %dma_start3A_446 = arith.constant 10 : i32
      %dma_start3A_447 = arith.constant 0 : i32
      %dma_start3A_448 = arith.constant 0 : i32
      %dma_start3A_449 = tpu.memref_slice %arg11[%dma_start3A_446, %dma_start3A_447, %dma_start3A_448] : memref<32x8x64xf32, #tpu.memory_space<vmem>> -> memref<1x8x64xf32, #tpu.memory_space<vmem>>
      %dma_start3A_450 = tpu.memref_squeeze %dma_start3A_449 : memref<1x8x64xf32, #tpu.memory_space<vmem>> -> memref<8x64xf32, #tpu.memory_space<vmem>>
      %dma_start3A_451 = arith.constant 0 : i32
      %dma_start3A_452 = tpu.memref_slice %arg4[%mul3A_445, %dma_start3A_451] : memref<1000000x64xf32, #tpu.memory_space<hbm>> -> memref<8x64xf32, #tpu.memory_space<hbm>>
      %dma_start3A_453 = arith.constant 0 : i32
      %dma_start3A_454 = arith.constant 0 : i32
      %dma_start3A_455 = tpu.memref_slice %arg11[%dma_start3A_446, %dma_start3A_453, %dma_start3A_454] : memref<32x8x64xf32, #tpu.memory_space<vmem>> -> memref<1x8x64xf32, #tpu.memory_space<vmem>>
      %dma_start3A_456 = tpu.memref_squeeze %dma_start3A_455 : memref<1x8x64xf32, #tpu.memory_space<vmem>> -> memref<8x64xf32, #tpu.memory_space<vmem>>
      %dma_start3A_457 = arith.constant 0 : i32
      %dma_start3A_458 = tpu.memref_slice %arg4[%mul3A_445, %dma_start3A_457] : memref<1000000x64xf32, #tpu.memory_space<hbm>> -> memref<8x64xf32, #tpu.memory_space<hbm>>
      tpu.enqueue_dma source(%dma_start3A_458 : memref<8x64xf32, #tpu.memory_space<hbm>>) target(%dma_start3A_456 : memref<8x64xf32, #tpu.memory_space<vmem>>) target_semaphore(%arg15 : memref<!tpu.dma_semaphore, #tpu.memory_space<semaphore_mem>>)
      %mul3A_459 = arith.constant 8 : i32
      %mul3A_460 = arith.muli %shift_right_arithmetic3A_443, %mul3A_459 : i32
      %dma_start3A_461 = arith.constant 10 : i32
      %dma_start3A_462 = arith.constant 0 : i32
      %dma_start3A_463 = arith.constant 0 : i32
      %dma_start3A_464 = tpu.memref_slice %arg12[%dma_start3A_461, %dma_start3A_462, %dma_start3A_463] : memref<32x8x64xf32, #tpu.memory_space<vmem>> -> memref<1x8x64xf32, #tpu.memory_space<vmem>>
      %dma_start3A_465 = tpu.memref_squeeze %dma_start3A_464 : memref<1x8x64xf32, #tpu.memory_space<vmem>> -> memref<8x64xf32, #tpu.memory_space<vmem>>
      %dma_start3A_466 = arith.constant 0 : i32
      %dma_start3A_467 = tpu.memref_slice %arg5[%mul3A_460, %dma_start3A_466] : memref<1000000x64xf32, #tpu.memory_space<hbm>> -> memref<8x64xf32, #tpu.memory_space<hbm>>
      %dma_start3A_468 = arith.constant 0 : i32
      %dma_start3A_469 = arith.constant 0 : i32
      %dma_start3A_470 = tpu.memref_slice %arg12[%dma_start3A_461, %dma_start3A_468, %dma_start3A_469] : memref<32x8x64xf32, #tpu.memory_space<vmem>> -> memref<1x8x64xf32, #tpu.memory_space<vmem>>
      %dma_start3A_471 = tpu.memref_squeeze %dma_start3A_470 : memref<1x8x64xf32, #tpu.memory_space<vmem>> -> memref<8x64xf32, #tpu.memory_space<vmem>>
      %dma_start3A_472 = arith.constant 0 : i32
      %dma_start3A_473 = tpu.memref_slice %arg5[%mul3A_460, %dma_start3A_472] : memref<1000000x64xf32, #tpu.memory_space<hbm>> -> memref<8x64xf32, #tpu.memory_space<hbm>>
      tpu.enqueue_dma source(%dma_start3A_473 : memref<8x64xf32, #tpu.memory_space<hbm>>) target(%dma_start3A_471 : memref<8x64xf32, #tpu.memory_space<vmem>>) target_semaphore(%arg16 : memref<!tpu.dma_semaphore, #tpu.memory_space<semaphore_mem>>)
      %add3A_474 = arith.constant 11 : i32
      %add3A_475 = arith.addi %mul3A_14, %add3A_474 : i32
      %get3A_476 = arith.index_cast %add3A_475 : i32 to index
      %get3A_477 = memref.load %arg7[%get3A_476] : memref<512xi32, #tpu.memory_space<smem>>
      %shift_right_arithmetic3A_478 = arith.constant 3 : i32
      %shift_right_arithmetic3A_479 = arith.shrsi %get3A_477, %shift_right_arithmetic3A_478 : i32
      %add3A_480 = arith.constant 11 : i32
      %add3A_481 = arith.addi %mul3A_14, %add3A_480 : i32
      %get3A_482 = arith.index_cast %add3A_481 : i32 to index
      %get3A_483 = memref.load %arg8[%get3A_482] : memref<512xi32, #tpu.memory_space<smem>>
      %shift_right_arithmetic3A_484 = arith.constant 3 : i32
      %shift_right_arithmetic3A_485 = arith.shrsi %get3A_483, %shift_right_arithmetic3A_484 : i32
      %mul3A_486 = arith.constant 8 : i32
      %mul3A_487 = arith.muli %shift_right_arithmetic3A_479, %mul3A_486 : i32
      %dma_start3A_488 = arith.constant 11 : i32
      %dma_start3A_489 = arith.constant 0 : i32
      %dma_start3A_490 = arith.constant 0 : i32
      %dma_start3A_491 = tpu.memref_slice %arg11[%dma_start3A_488, %dma_start3A_489, %dma_start3A_490] : memref<32x8x64xf32, #tpu.memory_space<vmem>> -> memref<1x8x64xf32, #tpu.memory_space<vmem>>
      %dma_start3A_492 = tpu.memref_squeeze %dma_start3A_491 : memref<1x8x64xf32, #tpu.memory_space<vmem>> -> memref<8x64xf32, #tpu.memory_space<vmem>>
      %dma_start3A_493 = arith.constant 0 : i32
      %dma_start3A_494 = tpu.memref_slice %arg4[%mul3A_487, %dma_start3A_493] : memref<1000000x64xf32, #tpu.memory_space<hbm>> -> memref<8x64xf32, #tpu.memory_space<hbm>>
      %dma_start3A_495 = arith.constant 0 : i32
      %dma_start3A_496 = arith.constant 0 : i32
      %dma_start3A_497 = tpu.memref_slice %arg11[%dma_start3A_488, %dma_start3A_495, %dma_start3A_496] : memref<32x8x64xf32, #tpu.memory_space<vmem>> -> memref<1x8x64xf32, #tpu.memory_space<vmem>>
      %dma_start3A_498 = tpu.memref_squeeze %dma_start3A_497 : memref<1x8x64xf32, #tpu.memory_space<vmem>> -> memref<8x64xf32, #tpu.memory_space<vmem>>
      %dma_start3A_499 = arith.constant 0 : i32
      %dma_start3A_500 = tpu.memref_slice %arg4[%mul3A_487, %dma_start3A_499] : memref<1000000x64xf32, #tpu.memory_space<hbm>> -> memref<8x64xf32, #tpu.memory_space<hbm>>
      tpu.enqueue_dma source(%dma_start3A_500 : memref<8x64xf32, #tpu.memory_space<hbm>>) target(%dma_start3A_498 : memref<8x64xf32, #tpu.memory_space<vmem>>) target_semaphore(%arg17 : memref<!tpu.dma_semaphore, #tpu.memory_space<semaphore_mem>>)
      %mul3A_501 = arith.constant 8 : i32
      %mul3A_502 = arith.muli %shift_right_arithmetic3A_485, %mul3A_501 : i32
      %dma_start3A_503 = arith.constant 11 : i32
      %dma_start3A_504 = arith.constant 0 : i32
      %dma_start3A_505 = arith.constant 0 : i32
      %dma_start3A_506 = tpu.memref_slice %arg12[%dma_start3A_503, %dma_start3A_504, %dma_start3A_505] : memref<32x8x64xf32, #tpu.memory_space<vmem>> -> memref<1x8x64xf32, #tpu.memory_space<vmem>>
      %dma_start3A_507 = tpu.memref_squeeze %dma_start3A_506 : memref<1x8x64xf32, #tpu.memory_space<vmem>> -> memref<8x64xf32, #tpu.memory_space<vmem>>
      %dma_start3A_508 = arith.constant 0 : i32
      %dma_start3A_509 = tpu.memref_slice %arg5[%mul3A_502, %dma_start3A_508] : memref<1000000x64xf32, #tpu.memory_space<hbm>> -> memref<8x64xf32, #tpu.memory_space<hbm>>
      %dma_start3A_510 = arith.constant 0 : i32
      %dma_start3A_511 = arith.constant 0 : i32
      %dma_start3A_512 = tpu.memref_slice %arg12[%dma_start3A_503, %dma_start3A_510, %dma_start3A_511] : memref<32x8x64xf32, #tpu.memory_space<vmem>> -> memref<1x8x64xf32, #tpu.memory_space<vmem>>
      %dma_start3A_513 = tpu.memref_squeeze %dma_start3A_512 : memref<1x8x64xf32, #tpu.memory_space<vmem>> -> memref<8x64xf32, #tpu.memory_space<vmem>>
      %dma_start3A_514 = arith.constant 0 : i32
      %dma_start3A_515 = tpu.memref_slice %arg5[%mul3A_502, %dma_start3A_514] : memref<1000000x64xf32, #tpu.memory_space<hbm>> -> memref<8x64xf32, #tpu.memory_space<hbm>>
      tpu.enqueue_dma source(%dma_start3A_515 : memref<8x64xf32, #tpu.memory_space<hbm>>) target(%dma_start3A_513 : memref<8x64xf32, #tpu.memory_space<vmem>>) target_semaphore(%arg18 : memref<!tpu.dma_semaphore, #tpu.memory_space<semaphore_mem>>)
      %add3A_516 = arith.constant 12 : i32
      %add3A_517 = arith.addi %mul3A_14, %add3A_516 : i32
      %get3A_518 = arith.index_cast %add3A_517 : i32 to index
      %get3A_519 = memref.load %arg7[%get3A_518] : memref<512xi32, #tpu.memory_space<smem>>
      %shift_right_arithmetic3A_520 = arith.constant 3 : i32
      %shift_right_arithmetic3A_521 = arith.shrsi %get3A_519, %shift_right_arithmetic3A_520 : i32
      %add3A_522 = arith.constant 12 : i32
      %add3A_523 = arith.addi %mul3A_14, %add3A_522 : i32
      %get3A_524 = arith.index_cast %add3A_523 : i32 to index
      %get3A_525 = memref.load %arg8[%get3A_524] : memref<512xi32, #tpu.memory_space<smem>>
      %shift_right_arithmetic3A_526 = arith.constant 3 : i32
      %shift_right_arithmetic3A_527 = arith.shrsi %get3A_525, %shift_right_arithmetic3A_526 : i32
      %mul3A_528 = arith.constant 8 : i32
      %mul3A_529 = arith.muli %shift_right_arithmetic3A_521, %mul3A_528 : i32
      %dma_start3A_530 = arith.constant 12 : i32
      %dma_start3A_531 = arith.constant 0 : i32
      %dma_start3A_532 = arith.constant 0 : i32
      %dma_start3A_533 = tpu.memref_slice %arg11[%dma_start3A_530, %dma_start3A_531, %dma_start3A_532] : memref<32x8x64xf32, #tpu.memory_space<vmem>> -> memref<1x8x64xf32, #tpu.memory_space<vmem>>
      %dma_start3A_534 = tpu.memref_squeeze %dma_start3A_533 : memref<1x8x64xf32, #tpu.memory_space<vmem>> -> memref<8x64xf32, #tpu.memory_space<vmem>>
      %dma_start3A_535 = arith.constant 0 : i32
      %dma_start3A_536 = tpu.memref_slice %arg4[%mul3A_529, %dma_start3A_535] : memref<1000000x64xf32, #tpu.memory_space<hbm>> -> memref<8x64xf32, #tpu.memory_space<hbm>>
      %dma_start3A_537 = arith.constant 0 : i32
      %dma_start3A_538 = arith.constant 0 : i32
      %dma_start3A_539 = tpu.memref_slice %arg11[%dma_start3A_530, %dma_start3A_537, %dma_start3A_538] : memref<32x8x64xf32, #tpu.memory_space<vmem>> -> memref<1x8x64xf32, #tpu.memory_space<vmem>>
      %dma_start3A_540 = tpu.memref_squeeze %dma_start3A_539 : memref<1x8x64xf32, #tpu.memory_space<vmem>> -> memref<8x64xf32, #tpu.memory_space<vmem>>
      %dma_start3A_541 = arith.constant 0 : i32
      %dma_start3A_542 = tpu.memref_slice %arg4[%mul3A_529, %dma_start3A_541] : memref<1000000x64xf32, #tpu.memory_space<hbm>> -> memref<8x64xf32, #tpu.memory_space<hbm>>
      tpu.enqueue_dma source(%dma_start3A_542 : memref<8x64xf32, #tpu.memory_space<hbm>>) target(%dma_start3A_540 : memref<8x64xf32, #tpu.memory_space<vmem>>) target_semaphore(%arg15 : memref<!tpu.dma_semaphore, #tpu.memory_space<semaphore_mem>>)
      %mul3A_543 = arith.constant 8 : i32
      %mul3A_544 = arith.muli %shift_right_arithmetic3A_527, %mul3A_543 : i32
      %dma_start3A_545 = arith.constant 12 : i32
      %dma_start3A_546 = arith.constant 0 : i32
      %dma_start3A_547 = arith.constant 0 : i32
      %dma_start3A_548 = tpu.memref_slice %arg12[%dma_start3A_545, %dma_start3A_546, %dma_start3A_547] : memref<32x8x64xf32, #tpu.memory_space<vmem>> -> memref<1x8x64xf32, #tpu.memory_space<vmem>>
      %dma_start3A_549 = tpu.memref_squeeze %dma_start3A_548 : memref<1x8x64xf32, #tpu.memory_space<vmem>> -> memref<8x64xf32, #tpu.memory_space<vmem>>
      %dma_start3A_550 = arith.constant 0 : i32
      %dma_start3A_551 = tpu.memref_slice %arg5[%mul3A_544, %dma_start3A_550] : memref<1000000x64xf32, #tpu.memory_space<hbm>> -> memref<8x64xf32, #tpu.memory_space<hbm>>
      %dma_start3A_552 = arith.constant 0 : i32
      %dma_start3A_553 = arith.constant 0 : i32
      %dma_start3A_554 = tpu.memref_slice %arg12[%dma_start3A_545, %dma_start3A_552, %dma_start3A_553] : memref<32x8x64xf32, #tpu.memory_space<vmem>> -> memref<1x8x64xf32, #tpu.memory_space<vmem>>
      %dma_start3A_555 = tpu.memref_squeeze %dma_start3A_554 : memref<1x8x64xf32, #tpu.memory_space<vmem>> -> memref<8x64xf32, #tpu.memory_space<vmem>>
      %dma_start3A_556 = arith.constant 0 : i32
      %dma_start3A_557 = tpu.memref_slice %arg5[%mul3A_544, %dma_start3A_556] : memref<1000000x64xf32, #tpu.memory_space<hbm>> -> memref<8x64xf32, #tpu.memory_space<hbm>>
      tpu.enqueue_dma source(%dma_start3A_557 : memref<8x64xf32, #tpu.memory_space<hbm>>) target(%dma_start3A_555 : memref<8x64xf32, #tpu.memory_space<vmem>>) target_semaphore(%arg16 : memref<!tpu.dma_semaphore, #tpu.memory_space<semaphore_mem>>)
      %add3A_558 = arith.constant 13 : i32
      %add3A_559 = arith.addi %mul3A_14, %add3A_558 : i32
      %get3A_560 = arith.index_cast %add3A_559 : i32 to index
      %get3A_561 = memref.load %arg7[%get3A_560] : memref<512xi32, #tpu.memory_space<smem>>
      %shift_right_arithmetic3A_562 = arith.constant 3 : i32
      %shift_right_arithmetic3A_563 = arith.shrsi %get3A_561, %shift_right_arithmetic3A_562 : i32
      %add3A_564 = arith.constant 13 : i32
      %add3A_565 = arith.addi %mul3A_14, %add3A_564 : i32
      %get3A_566 = arith.index_cast %add3A_565 : i32 to index
      %get3A_567 = memref.load %arg8[%get3A_566] : memref<512xi32, #tpu.memory_space<smem>>
      %shift_right_arithmetic3A_568 = arith.constant 3 : i32
      %shift_right_arithmetic3A_569 = arith.shrsi %get3A_567, %shift_right_arithmetic3A_568 : i32
      %mul3A_570 = arith.constant 8 : i32
      %mul3A_571 = arith.muli %shift_right_arithmetic3A_563, %mul3A_570 : i32
      %dma_start3A_572 = arith.constant 13 : i32
      %dma_start3A_573 = arith.constant 0 : i32
      %dma_start3A_574 = arith.constant 0 : i32
      %dma_start3A_575 = tpu.memref_slice %arg11[%dma_start3A_572, %dma_start3A_573, %dma_start3A_574] : memref<32x8x64xf32, #tpu.memory_space<vmem>> -> memref<1x8x64xf32, #tpu.memory_space<vmem>>
      %dma_start3A_576 = tpu.memref_squeeze %dma_start3A_575 : memref<1x8x64xf32, #tpu.memory_space<vmem>> -> memref<8x64xf32, #tpu.memory_space<vmem>>
      %dma_start3A_577 = arith.constant 0 : i32
      %dma_start3A_578 = tpu.memref_slice %arg4[%mul3A_571, %dma_start3A_577] : memref<1000000x64xf32, #tpu.memory_space<hbm>> -> memref<8x64xf32, #tpu.memory_space<hbm>>
      %dma_start3A_579 = arith.constant 0 : i32
      %dma_start3A_580 = arith.constant 0 : i32
      %dma_start3A_581 = tpu.memref_slice %arg11[%dma_start3A_572, %dma_start3A_579, %dma_start3A_580] : memref<32x8x64xf32, #tpu.memory_space<vmem>> -> memref<1x8x64xf32, #tpu.memory_space<vmem>>
      %dma_start3A_582 = tpu.memref_squeeze %dma_start3A_581 : memref<1x8x64xf32, #tpu.memory_space<vmem>> -> memref<8x64xf32, #tpu.memory_space<vmem>>
      %dma_start3A_583 = arith.constant 0 : i32
      %dma_start3A_584 = tpu.memref_slice %arg4[%mul3A_571, %dma_start3A_583] : memref<1000000x64xf32, #tpu.memory_space<hbm>> -> memref<8x64xf32, #tpu.memory_space<hbm>>
      tpu.enqueue_dma source(%dma_start3A_584 : memref<8x64xf32, #tpu.memory_space<hbm>>) target(%dma_start3A_582 : memref<8x64xf32, #tpu.memory_space<vmem>>) target_semaphore(%arg17 : memref<!tpu.dma_semaphore, #tpu.memory_space<semaphore_mem>>)
      %mul3A_585 = arith.constant 8 : i32
      %mul3A_586 = arith.muli %shift_right_arithmetic3A_569, %mul3A_585 : i32
      %dma_start3A_587 = arith.constant 13 : i32
      %dma_start3A_588 = arith.constant 0 : i32
      %dma_start3A_589 = arith.constant 0 : i32
      %dma_start3A_590 = tpu.memref_slice %arg12[%dma_start3A_587, %dma_start3A_588, %dma_start3A_589] : memref<32x8x64xf32, #tpu.memory_space<vmem>> -> memref<1x8x64xf32, #tpu.memory_space<vmem>>
      %dma_start3A_591 = tpu.memref_squeeze %dma_start3A_590 : memref<1x8x64xf32, #tpu.memory_space<vmem>> -> memref<8x64xf32, #tpu.memory_space<vmem>>
      %dma_start3A_592 = arith.constant 0 : i32
      %dma_start3A_593 = tpu.memref_slice %arg5[%mul3A_586, %dma_start3A_592] : memref<1000000x64xf32, #tpu.memory_space<hbm>> -> memref<8x64xf32, #tpu.memory_space<hbm>>
      %dma_start3A_594 = arith.constant 0 : i32
      %dma_start3A_595 = arith.constant 0 : i32
      %dma_start3A_596 = tpu.memref_slice %arg12[%dma_start3A_587, %dma_start3A_594, %dma_start3A_595] : memref<32x8x64xf32, #tpu.memory_space<vmem>> -> memref<1x8x64xf32, #tpu.memory_space<vmem>>
      %dma_start3A_597 = tpu.memref_squeeze %dma_start3A_596 : memref<1x8x64xf32, #tpu.memory_space<vmem>> -> memref<8x64xf32, #tpu.memory_space<vmem>>
      %dma_start3A_598 = arith.constant 0 : i32
      %dma_start3A_599 = tpu.memref_slice %arg5[%mul3A_586, %dma_start3A_598] : memref<1000000x64xf32, #tpu.memory_space<hbm>> -> memref<8x64xf32, #tpu.memory_space<hbm>>
      tpu.enqueue_dma source(%dma_start3A_599 : memref<8x64xf32, #tpu.memory_space<hbm>>) target(%dma_start3A_597 : memref<8x64xf32, #tpu.memory_space<vmem>>) target_semaphore(%arg18 : memref<!tpu.dma_semaphore, #tpu.memory_space<semaphore_mem>>)
      %add3A_600 = arith.constant 14 : i32
      %add3A_601 = arith.addi %mul3A_14, %add3A_600 : i32
      %get3A_602 = arith.index_cast %add3A_601 : i32 to index
      %get3A_603 = memref.load %arg7[%get3A_602] : memref<512xi32, #tpu.memory_space<smem>>
      %shift_right_arithmetic3A_604 = arith.constant 3 : i32
      %shift_right_arithmetic3A_605 = arith.shrsi %get3A_603, %shift_right_arithmetic3A_604 : i32
      %add3A_606 = arith.constant 14 : i32
      %add3A_607 = arith.addi %mul3A_14, %add3A_606 : i32
      %get3A_608 = arith.index_cast %add3A_607 : i32 to index
      %get3A_609 = memref.load %arg8[%get3A_608] : memref<512xi32, #tpu.memory_space<smem>>
      %shift_right_arithmetic3A_610 = arith.constant 3 : i32
      %shift_right_arithmetic3A_611 = arith.shrsi %get3A_609, %shift_right_arithmetic3A_610 : i32
      %mul3A_612 = arith.constant 8 : i32
      %mul3A_613 = arith.muli %shift_right_arithmetic3A_605, %mul3A_612 : i32
      %dma_start3A_614 = arith.constant 14 : i32
      %dma_start3A_615 = arith.constant 0 : i32
      %dma_start3A_616 = arith.constant 0 : i32
      %dma_start3A_617 = tpu.memref_slice %arg11[%dma_start3A_614, %dma_start3A_615, %dma_start3A_616] : memref<32x8x64xf32, #tpu.memory_space<vmem>> -> memref<1x8x64xf32, #tpu.memory_space<vmem>>
      %dma_start3A_618 = tpu.memref_squeeze %dma_start3A_617 : memref<1x8x64xf32, #tpu.memory_space<vmem>> -> memref<8x64xf32, #tpu.memory_space<vmem>>
      %dma_start3A_619 = arith.constant 0 : i32
      %dma_start3A_620 = tpu.memref_slice %arg4[%mul3A_613, %dma_start3A_619] : memref<1000000x64xf32, #tpu.memory_space<hbm>> -> memref<8x64xf32, #tpu.memory_space<hbm>>
      %dma_start3A_621 = arith.constant 0 : i32
      %dma_start3A_622 = arith.constant 0 : i32
      %dma_start3A_623 = tpu.memref_slice %arg11[%dma_start3A_614, %dma_start3A_621, %dma_start3A_622] : memref<32x8x64xf32, #tpu.memory_space<vmem>> -> memref<1x8x64xf32, #tpu.memory_space<vmem>>
      %dma_start3A_624 = tpu.memref_squeeze %dma_start3A_623 : memref<1x8x64xf32, #tpu.memory_space<vmem>> -> memref<8x64xf32, #tpu.memory_space<vmem>>
      %dma_start3A_625 = arith.constant 0 : i32
      %dma_start3A_626 = tpu.memref_slice %arg4[%mul3A_613, %dma_start3A_625] : memref<1000000x64xf32, #tpu.memory_space<hbm>> -> memref<8x64xf32, #tpu.memory_space<hbm>>
      tpu.enqueue_dma source(%dma_start3A_626 : memref<8x64xf32, #tpu.memory_space<hbm>>) target(%dma_start3A_624 : memref<8x64xf32, #tpu.memory_space<vmem>>) target_semaphore(%arg15 : memref<!tpu.dma_semaphore, #tpu.memory_space<semaphore_mem>>)
      %mul3A_627 = arith.constant 8 : i32
      %mul3A_628 = arith.muli %shift_right_arithmetic3A_611, %mul3A_627 : i32
      %dma_start3A_629 = arith.constant 14 : i32
      %dma_start3A_630 = arith.constant 0 : i32
      %dma_start3A_631 = arith.constant 0 : i32
      %dma_start3A_632 = tpu.memref_slice %arg12[%dma_start3A_629, %dma_start3A_630, %dma_start3A_631] : memref<32x8x64xf32, #tpu.memory_space<vmem>> -> memref<1x8x64xf32, #tpu.memory_space<vmem>>
      %dma_start3A_633 = tpu.memref_squeeze %dma_start3A_632 : memref<1x8x64xf32, #tpu.memory_space<vmem>> -> memref<8x64xf32, #tpu.memory_space<vmem>>
      %dma_start3A_634 = arith.constant 0 : i32
      %dma_start3A_635 = tpu.memref_slice %arg5[%mul3A_628, %dma_start3A_634] : memref<1000000x64xf32, #tpu.memory_space<hbm>> -> memref<8x64xf32, #tpu.memory_space<hbm>>
      %dma_start3A_636 = arith.constant 0 : i32
      %dma_start3A_637 = arith.constant 0 : i32
      %dma_start3A_638 = tpu.memref_slice %arg12[%dma_start3A_629, %dma_start3A_636, %dma_start3A_637] : memref<32x8x64xf32, #tpu.memory_space<vmem>> -> memref<1x8x64xf32, #tpu.memory_space<vmem>>
      %dma_start3A_639 = tpu.memref_squeeze %dma_start3A_638 : memref<1x8x64xf32, #tpu.memory_space<vmem>> -> memref<8x64xf32, #tpu.memory_space<vmem>>
      %dma_start3A_640 = arith.constant 0 : i32
      %dma_start3A_641 = tpu.memref_slice %arg5[%mul3A_628, %dma_start3A_640] : memref<1000000x64xf32, #tpu.memory_space<hbm>> -> memref<8x64xf32, #tpu.memory_space<hbm>>
      tpu.enqueue_dma source(%dma_start3A_641 : memref<8x64xf32, #tpu.memory_space<hbm>>) target(%dma_start3A_639 : memref<8x64xf32, #tpu.memory_space<vmem>>) target_semaphore(%arg16 : memref<!tpu.dma_semaphore, #tpu.memory_space<semaphore_mem>>)
      %add3A_642 = arith.constant 15 : i32
      %add3A_643 = arith.addi %mul3A_14, %add3A_642 : i32
      %get3A_644 = arith.index_cast %add3A_643 : i32 to index
      %get3A_645 = memref.load %arg7[%get3A_644] : memref<512xi32, #tpu.memory_space<smem>>
      %shift_right_arithmetic3A_646 = arith.constant 3 : i32
      %shift_right_arithmetic3A_647 = arith.shrsi %get3A_645, %shift_right_arithmetic3A_646 : i32
      %add3A_648 = arith.constant 15 : i32
      %add3A_649 = arith.addi %mul3A_14, %add3A_648 : i32
      %get3A_650 = arith.index_cast %add3A_649 : i32 to index
      %get3A_651 = memref.load %arg8[%get3A_650] : memref<512xi32, #tpu.memory_space<smem>>
      %shift_right_arithmetic3A_652 = arith.constant 3 : i32
      %shift_right_arithmetic3A_653 = arith.shrsi %get3A_651, %shift_right_arithmetic3A_652 : i32
      %mul3A_654 = arith.constant 8 : i32
      %mul3A_655 = arith.muli %shift_right_arithmetic3A_647, %mul3A_654 : i32
      %dma_start3A_656 = arith.constant 15 : i32
      %dma_start3A_657 = arith.constant 0 : i32
      %dma_start3A_658 = arith.constant 0 : i32
      %dma_start3A_659 = tpu.memref_slice %arg11[%dma_start3A_656, %dma_start3A_657, %dma_start3A_658] : memref<32x8x64xf32, #tpu.memory_space<vmem>> -> memref<1x8x64xf32, #tpu.memory_space<vmem>>
      %dma_start3A_660 = tpu.memref_squeeze %dma_start3A_659 : memref<1x8x64xf32, #tpu.memory_space<vmem>> -> memref<8x64xf32, #tpu.memory_space<vmem>>
      %dma_start3A_661 = arith.constant 0 : i32
      %dma_start3A_662 = tpu.memref_slice %arg4[%mul3A_655, %dma_start3A_661] : memref<1000000x64xf32, #tpu.memory_space<hbm>> -> memref<8x64xf32, #tpu.memory_space<hbm>>
      %dma_start3A_663 = arith.constant 0 : i32
      %dma_start3A_664 = arith.constant 0 : i32
      %dma_start3A_665 = tpu.memref_slice %arg11[%dma_start3A_656, %dma_start3A_663, %dma_start3A_664] : memref<32x8x64xf32, #tpu.memory_space<vmem>> -> memref<1x8x64xf32, #tpu.memory_space<vmem>>
      %dma_start3A_666 = tpu.memref_squeeze %dma_start3A_665 : memref<1x8x64xf32, #tpu.memory_space<vmem>> -> memref<8x64xf32, #tpu.memory_space<vmem>>
      %dma_start3A_667 = arith.constant 0 : i32
      %dma_start3A_668 = tpu.memref_slice %arg4[%mul3A_655, %dma_start3A_667] : memref<1000000x64xf32, #tpu.memory_space<hbm>> -> memref<8x64xf32, #tpu.memory_space<hbm>>
      tpu.enqueue_dma source(%dma_start3A_668 : memref<8x64xf32, #tpu.memory_space<hbm>>) target(%dma_start3A_666 : memref<8x64xf32, #tpu.memory_space<vmem>>) target_semaphore(%arg17 : memref<!tpu.dma_semaphore, #tpu.memory_space<semaphore_mem>>)
      %mul3A_669 = arith.constant 8 : i32
      %mul3A_670 = arith.muli %shift_right_arithmetic3A_653, %mul3A_669 : i32
      %dma_start3A_671 = arith.constant 15 : i32
      %dma_start3A_672 = arith.constant 0 : i32
      %dma_start3A_673 = arith.constant 0 : i32
      %dma_start3A_674 = tpu.memref_slice %arg12[%dma_start3A_671, %dma_start3A_672, %dma_start3A_673] : memref<32x8x64xf32, #tpu.memory_space<vmem>> -> memref<1x8x64xf32, #tpu.memory_space<vmem>>
      %dma_start3A_675 = tpu.memref_squeeze %dma_start3A_674 : memref<1x8x64xf32, #tpu.memory_space<vmem>> -> memref<8x64xf32, #tpu.memory_space<vmem>>
      %dma_start3A_676 = arith.constant 0 : i32
      %dma_start3A_677 = tpu.memref_slice %arg5[%mul3A_670, %dma_start3A_676] : memref<1000000x64xf32, #tpu.memory_space<hbm>> -> memref<8x64xf32, #tpu.memory_space<hbm>>
      %dma_start3A_678 = arith.constant 0 : i32
      %dma_start3A_679 = arith.constant 0 : i32
      %dma_start3A_680 = tpu.memref_slice %arg12[%dma_start3A_671, %dma_start3A_678, %dma_start3A_679] : memref<32x8x64xf32, #tpu.memory_space<vmem>> -> memref<1x8x64xf32, #tpu.memory_space<vmem>>
      %dma_start3A_681 = tpu.memref_squeeze %dma_start3A_680 : memref<1x8x64xf32, #tpu.memory_space<vmem>> -> memref<8x64xf32, #tpu.memory_space<vmem>>
      %dma_start3A_682 = arith.constant 0 : i32
      %dma_start3A_683 = tpu.memref_slice %arg5[%mul3A_670, %dma_start3A_682] : memref<1000000x64xf32, #tpu.memory_space<hbm>> -> memref<8x64xf32, #tpu.memory_space<hbm>>
      tpu.enqueue_dma source(%dma_start3A_683 : memref<8x64xf32, #tpu.memory_space<hbm>>) target(%dma_start3A_681 : memref<8x64xf32, #tpu.memory_space<vmem>>) target_semaphore(%arg18 : memref<!tpu.dma_semaphore, #tpu.memory_space<semaphore_mem>>)
      %add3A_684 = arith.constant 16 : i32
      %add3A_685 = arith.addi %mul3A_14, %add3A_684 : i32
      %get3A_686 = arith.index_cast %add3A_685 : i32 to index
      %get3A_687 = memref.load %arg7[%get3A_686] : memref<512xi32, #tpu.memory_space<smem>>
      %shift_right_arithmetic3A_688 = arith.constant 3 : i32
      %shift_right_arithmetic3A_689 = arith.shrsi %get3A_687, %shift_right_arithmetic3A_688 : i32
      %add3A_690 = arith.constant 16 : i32
      %add3A_691 = arith.addi %mul3A_14, %add3A_690 : i32
      %get3A_692 = arith.index_cast %add3A_691 : i32 to index
      %get3A_693 = memref.load %arg8[%get3A_692] : memref<512xi32, #tpu.memory_space<smem>>
      %shift_right_arithmetic3A_694 = arith.constant 3 : i32
      %shift_right_arithmetic3A_695 = arith.shrsi %get3A_693, %shift_right_arithmetic3A_694 : i32
      %mul3A_696 = arith.constant 8 : i32
      %mul3A_697 = arith.muli %shift_right_arithmetic3A_689, %mul3A_696 : i32
      %dma_start3A_698 = arith.constant 16 : i32
      %dma_start3A_699 = arith.constant 0 : i32
      %dma_start3A_700 = arith.constant 0 : i32
      %dma_start3A_701 = tpu.memref_slice %arg11[%dma_start3A_698, %dma_start3A_699, %dma_start3A_700] : memref<32x8x64xf32, #tpu.memory_space<vmem>> -> memref<1x8x64xf32, #tpu.memory_space<vmem>>
      %dma_start3A_702 = tpu.memref_squeeze %dma_start3A_701 : memref<1x8x64xf32, #tpu.memory_space<vmem>> -> memref<8x64xf32, #tpu.memory_space<vmem>>
      %dma_start3A_703 = arith.constant 0 : i32
      %dma_start3A_704 = tpu.memref_slice %arg4[%mul3A_697, %dma_start3A_703] : memref<1000000x64xf32, #tpu.memory_space<hbm>> -> memref<8x64xf32, #tpu.memory_space<hbm>>
      %dma_start3A_705 = arith.constant 0 : i32
      %dma_start3A_706 = arith.constant 0 : i32
      %dma_start3A_707 = tpu.memref_slice %arg11[%dma_start3A_698, %dma_start3A_705, %dma_start3A_706] : memref<32x8x64xf32, #tpu.memory_space<vmem>> -> memref<1x8x64xf32, #tpu.memory_space<vmem>>
      %dma_start3A_708 = tpu.memref_squeeze %dma_start3A_707 : memref<1x8x64xf32, #tpu.memory_space<vmem>> -> memref<8x64xf32, #tpu.memory_space<vmem>>
      %dma_start3A_709 = arith.constant 0 : i32
      %dma_start3A_710 = tpu.memref_slice %arg4[%mul3A_697, %dma_start3A_709] : memref<1000000x64xf32, #tpu.memory_space<hbm>> -> memref<8x64xf32, #tpu.memory_space<hbm>>
      tpu.enqueue_dma source(%dma_start3A_710 : memref<8x64xf32, #tpu.memory_space<hbm>>) target(%dma_start3A_708 : memref<8x64xf32, #tpu.memory_space<vmem>>) target_semaphore(%arg15 : memref<!tpu.dma_semaphore, #tpu.memory_space<semaphore_mem>>)
      %mul3A_711 = arith.constant 8 : i32
      %mul3A_712 = arith.muli %shift_right_arithmetic3A_695, %mul3A_711 : i32
      %dma_start3A_713 = arith.constant 16 : i32
      %dma_start3A_714 = arith.constant 0 : i32
      %dma_start3A_715 = arith.constant 0 : i32
      %dma_start3A_716 = tpu.memref_slice %arg12[%dma_start3A_713, %dma_start3A_714, %dma_start3A_715] : memref<32x8x64xf32, #tpu.memory_space<vmem>> -> memref<1x8x64xf32, #tpu.memory_space<vmem>>
      %dma_start3A_717 = tpu.memref_squeeze %dma_start3A_716 : memref<1x8x64xf32, #tpu.memory_space<vmem>> -> memref<8x64xf32, #tpu.memory_space<vmem>>
      %dma_start3A_718 = arith.constant 0 : i32
      %dma_start3A_719 = tpu.memref_slice %arg5[%mul3A_712, %dma_start3A_718] : memref<1000000x64xf32, #tpu.memory_space<hbm>> -> memref<8x64xf32, #tpu.memory_space<hbm>>
      %dma_start3A_720 = arith.constant 0 : i32
      %dma_start3A_721 = arith.constant 0 : i32
      %dma_start3A_722 = tpu.memref_slice %arg12[%dma_start3A_713, %dma_start3A_720, %dma_start3A_721] : memref<32x8x64xf32, #tpu.memory_space<vmem>> -> memref<1x8x64xf32, #tpu.memory_space<vmem>>
      %dma_start3A_723 = tpu.memref_squeeze %dma_start3A_722 : memref<1x8x64xf32, #tpu.memory_space<vmem>> -> memref<8x64xf32, #tpu.memory_space<vmem>>
      %dma_start3A_724 = arith.constant 0 : i32
      %dma_start3A_725 = tpu.memref_slice %arg5[%mul3A_712, %dma_start3A_724] : memref<1000000x64xf32, #tpu.memory_space<hbm>> -> memref<8x64xf32, #tpu.memory_space<hbm>>
      tpu.enqueue_dma source(%dma_start3A_725 : memref<8x64xf32, #tpu.memory_space<hbm>>) target(%dma_start3A_723 : memref<8x64xf32, #tpu.memory_space<vmem>>) target_semaphore(%arg16 : memref<!tpu.dma_semaphore, #tpu.memory_space<semaphore_mem>>)
      %add3A_726 = arith.constant 17 : i32
      %add3A_727 = arith.addi %mul3A_14, %add3A_726 : i32
      %get3A_728 = arith.index_cast %add3A_727 : i32 to index
      %get3A_729 = memref.load %arg7[%get3A_728] : memref<512xi32, #tpu.memory_space<smem>>
      %shift_right_arithmetic3A_730 = arith.constant 3 : i32
      %shift_right_arithmetic3A_731 = arith.shrsi %get3A_729, %shift_right_arithmetic3A_730 : i32
      %add3A_732 = arith.constant 17 : i32
      %add3A_733 = arith.addi %mul3A_14, %add3A_732 : i32
      %get3A_734 = arith.index_cast %add3A_733 : i32 to index
      %get3A_735 = memref.load %arg8[%get3A_734] : memref<512xi32, #tpu.memory_space<smem>>
      %shift_right_arithmetic3A_736 = arith.constant 3 : i32
      %shift_right_arithmetic3A_737 = arith.shrsi %get3A_735, %shift_right_arithmetic3A_736 : i32
      %mul3A_738 = arith.constant 8 : i32
      %mul3A_739 = arith.muli %shift_right_arithmetic3A_731, %mul3A_738 : i32
      %dma_start3A_740 = arith.constant 17 : i32
      %dma_start3A_741 = arith.constant 0 : i32
      %dma_start3A_742 = arith.constant 0 : i32
      %dma_start3A_743 = tpu.memref_slice %arg11[%dma_start3A_740, %dma_start3A_741, %dma_start3A_742] : memref<32x8x64xf32, #tpu.memory_space<vmem>> -> memref<1x8x64xf32, #tpu.memory_space<vmem>>
      %dma_start3A_744 = tpu.memref_squeeze %dma_start3A_743 : memref<1x8x64xf32, #tpu.memory_space<vmem>> -> memref<8x64xf32, #tpu.memory_space<vmem>>
      %dma_start3A_745 = arith.constant 0 : i32
      %dma_start3A_746 = tpu.memref_slice %arg4[%mul3A_739, %dma_start3A_745] : memref<1000000x64xf32, #tpu.memory_space<hbm>> -> memref<8x64xf32, #tpu.memory_space<hbm>>
      %dma_start3A_747 = arith.constant 0 : i32
      %dma_start3A_748 = arith.constant 0 : i32
      %dma_start3A_749 = tpu.memref_slice %arg11[%dma_start3A_740, %dma_start3A_747, %dma_start3A_748] : memref<32x8x64xf32, #tpu.memory_space<vmem>> -> memref<1x8x64xf32, #tpu.memory_space<vmem>>
      %dma_start3A_750 = tpu.memref_squeeze %dma_start3A_749 : memref<1x8x64xf32, #tpu.memory_space<vmem>> -> memref<8x64xf32, #tpu.memory_space<vmem>>
      %dma_start3A_751 = arith.constant 0 : i32
      %dma_start3A_752 = tpu.memref_slice %arg4[%mul3A_739, %dma_start3A_751] : memref<1000000x64xf32, #tpu.memory_space<hbm>> -> memref<8x64xf32, #tpu.memory_space<hbm>>
      tpu.enqueue_dma source(%dma_start3A_752 : memref<8x64xf32, #tpu.memory_space<hbm>>) target(%dma_start3A_750 : memref<8x64xf32, #tpu.memory_space<vmem>>) target_semaphore(%arg17 : memref<!tpu.dma_semaphore, #tpu.memory_space<semaphore_mem>>)
      %mul3A_753 = arith.constant 8 : i32
      %mul3A_754 = arith.muli %shift_right_arithmetic3A_737, %mul3A_753 : i32
      %dma_start3A_755 = arith.constant 17 : i32
      %dma_start3A_756 = arith.constant 0 : i32
      %dma_start3A_757 = arith.constant 0 : i32
      %dma_start3A_758 = tpu.memref_slice %arg12[%dma_start3A_755, %dma_start3A_756, %dma_start3A_757] : memref<32x8x64xf32, #tpu.memory_space<vmem>> -> memref<1x8x64xf32, #tpu.memory_space<vmem>>
      %dma_start3A_759 = tpu.memref_squeeze %dma_start3A_758 : memref<1x8x64xf32, #tpu.memory_space<vmem>> -> memref<8x64xf32, #tpu.memory_space<vmem>>
      %dma_start3A_760 = arith.constant 0 : i32
      %dma_start3A_761 = tpu.memref_slice %arg5[%mul3A_754, %dma_start3A_760] : memref<1000000x64xf32, #tpu.memory_space<hbm>> -> memref<8x64xf32, #tpu.memory_space<hbm>>
      %dma_start3A_762 = arith.constant 0 : i32
      %dma_start3A_763 = arith.constant 0 : i32
      %dma_start3A_764 = tpu.memref_slice %arg12[%dma_start3A_755, %dma_start3A_762, %dma_start3A_763] : memref<32x8x64xf32, #tpu.memory_space<vmem>> -> memref<1x8x64xf32, #tpu.memory_space<vmem>>
      %dma_start3A_765 = tpu.memref_squeeze %dma_start3A_764 : memref<1x8x64xf32, #tpu.memory_space<vmem>> -> memref<8x64xf32, #tpu.memory_space<vmem>>
      %dma_start3A_766 = arith.constant 0 : i32
      %dma_start3A_767 = tpu.memref_slice %arg5[%mul3A_754, %dma_start3A_766] : memref<1000000x64xf32, #tpu.memory_space<hbm>> -> memref<8x64xf32, #tpu.memory_space<hbm>>
      tpu.enqueue_dma source(%dma_start3A_767 : memref<8x64xf32, #tpu.memory_space<hbm>>) target(%dma_start3A_765 : memref<8x64xf32, #tpu.memory_space<vmem>>) target_semaphore(%arg18 : memref<!tpu.dma_semaphore, #tpu.memory_space<semaphore_mem>>)
      %add3A_768 = arith.constant 18 : i32
      %add3A_769 = arith.addi %mul3A_14, %add3A_768 : i32
      %get3A_770 = arith.index_cast %add3A_769 : i32 to index
      %get3A_771 = memref.load %arg7[%get3A_770] : memref<512xi32, #tpu.memory_space<smem>>
      %shift_right_arithmetic3A_772 = arith.constant 3 : i32
      %shift_right_arithmetic3A_773 = arith.shrsi %get3A_771, %shift_right_arithmetic3A_772 : i32
      %add3A_774 = arith.constant 18 : i32
      %add3A_775 = arith.addi %mul3A_14, %add3A_774 : i32
      %get3A_776 = arith.index_cast %add3A_775 : i32 to index
      %get3A_777 = memref.load %arg8[%get3A_776] : memref<512xi32, #tpu.memory_space<smem>>
      %shift_right_arithmetic3A_778 = arith.constant 3 : i32
      %shift_right_arithmetic3A_779 = arith.shrsi %get3A_777, %shift_right_arithmetic3A_778 : i32
      %mul3A_780 = arith.constant 8 : i32
      %mul3A_781 = arith.muli %shift_right_arithmetic3A_773, %mul3A_780 : i32
      %dma_start3A_782 = arith.constant 18 : i32
      %dma_start3A_783 = arith.constant 0 : i32
      %dma_start3A_784 = arith.constant 0 : i32
      %dma_start3A_785 = tpu.memref_slice %arg11[%dma_start3A_782, %dma_start3A_783, %dma_start3A_784] : memref<32x8x64xf32, #tpu.memory_space<vmem>> -> memref<1x8x64xf32, #tpu.memory_space<vmem>>
      %dma_start3A_786 = tpu.memref_squeeze %dma_start3A_785 : memref<1x8x64xf32, #tpu.memory_space<vmem>> -> memref<8x64xf32, #tpu.memory_space<vmem>>
      %dma_start3A_787 = arith.constant 0 : i32
      %dma_start3A_788 = tpu.memref_slice %arg4[%mul3A_781, %dma_start3A_787] : memref<1000000x64xf32, #tpu.memory_space<hbm>> -> memref<8x64xf32, #tpu.memory_space<hbm>>
      %dma_start3A_789 = arith.constant 0 : i32
      %dma_start3A_790 = arith.constant 0 : i32
      %dma_start3A_791 = tpu.memref_slice %arg11[%dma_start3A_782, %dma_start3A_789, %dma_start3A_790] : memref<32x8x64xf32, #tpu.memory_space<vmem>> -> memref<1x8x64xf32, #tpu.memory_space<vmem>>
      %dma_start3A_792 = tpu.memref_squeeze %dma_start3A_791 : memref<1x8x64xf32, #tpu.memory_space<vmem>> -> memref<8x64xf32, #tpu.memory_space<vmem>>
      %dma_start3A_793 = arith.constant 0 : i32
      %dma_start3A_794 = tpu.memref_slice %arg4[%mul3A_781, %dma_start3A_793] : memref<1000000x64xf32, #tpu.memory_space<hbm>> -> memref<8x64xf32, #tpu.memory_space<hbm>>
      tpu.enqueue_dma source(%dma_start3A_794 : memref<8x64xf32, #tpu.memory_space<hbm>>) target(%dma_start3A_792 : memref<8x64xf32, #tpu.memory_space<vmem>>) target_semaphore(%arg15 : memref<!tpu.dma_semaphore, #tpu.memory_space<semaphore_mem>>)
      %mul3A_795 = arith.constant 8 : i32
      %mul3A_796 = arith.muli %shift_right_arithmetic3A_779, %mul3A_795 : i32
      %dma_start3A_797 = arith.constant 18 : i32
      %dma_start3A_798 = arith.constant 0 : i32
      %dma_start3A_799 = arith.constant 0 : i32
      %dma_start3A_800 = tpu.memref_slice %arg12[%dma_start3A_797, %dma_start3A_798, %dma_start3A_799] : memref<32x8x64xf32, #tpu.memory_space<vmem>> -> memref<1x8x64xf32, #tpu.memory_space<vmem>>
      %dma_start3A_801 = tpu.memref_squeeze %dma_start3A_800 : memref<1x8x64xf32, #tpu.memory_space<vmem>> -> memref<8x64xf32, #tpu.memory_space<vmem>>
      %dma_start3A_802 = arith.constant 0 : i32
      %dma_start3A_803 = tpu.memref_slice %arg5[%mul3A_796, %dma_start3A_802] : memref<1000000x64xf32, #tpu.memory_space<hbm>> -> memref<8x64xf32, #tpu.memory_space<hbm>>
      %dma_start3A_804 = arith.constant 0 : i32
      %dma_start3A_805 = arith.constant 0 : i32
      %dma_start3A_806 = tpu.memref_slice %arg12[%dma_start3A_797, %dma_start3A_804, %dma_start3A_805] : memref<32x8x64xf32, #tpu.memory_space<vmem>> -> memref<1x8x64xf32, #tpu.memory_space<vmem>>
      %dma_start3A_807 = tpu.memref_squeeze %dma_start3A_806 : memref<1x8x64xf32, #tpu.memory_space<vmem>> -> memref<8x64xf32, #tpu.memory_space<vmem>>
      %dma_start3A_808 = arith.constant 0 : i32
      %dma_start3A_809 = tpu.memref_slice %arg5[%mul3A_796, %dma_start3A_808] : memref<1000000x64xf32, #tpu.memory_space<hbm>> -> memref<8x64xf32, #tpu.memory_space<hbm>>
      tpu.enqueue_dma source(%dma_start3A_809 : memref<8x64xf32, #tpu.memory_space<hbm>>) target(%dma_start3A_807 : memref<8x64xf32, #tpu.memory_space<vmem>>) target_semaphore(%arg16 : memref<!tpu.dma_semaphore, #tpu.memory_space<semaphore_mem>>)
      %add3A_810 = arith.constant 19 : i32
      %add3A_811 = arith.addi %mul3A_14, %add3A_810 : i32
      %get3A_812 = arith.index_cast %add3A_811 : i32 to index
      %get3A_813 = memref.load %arg7[%get3A_812] : memref<512xi32, #tpu.memory_space<smem>>
      %shift_right_arithmetic3A_814 = arith.constant 3 : i32
      %shift_right_arithmetic3A_815 = arith.shrsi %get3A_813, %shift_right_arithmetic3A_814 : i32
      %add3A_816 = arith.constant 19 : i32
      %add3A_817 = arith.addi %mul3A_14, %add3A_816 : i32
      %get3A_818 = arith.index_cast %add3A_817 : i32 to index
      %get3A_819 = memref.load %arg8[%get3A_818] : memref<512xi32, #tpu.memory_space<smem>>
      %shift_right_arithmetic3A_820 = arith.constant 3 : i32
      %shift_right_arithmetic3A_821 = arith.shrsi %get3A_819, %shift_right_arithmetic3A_820 : i32
      %mul3A_822 = arith.constant 8 : i32
      %mul3A_823 = arith.muli %shift_right_arithmetic3A_815, %mul3A_822 : i32
      %dma_start3A_824 = arith.constant 19 : i32
      %dma_start3A_825 = arith.constant 0 : i32
      %dma_start3A_826 = arith.constant 0 : i32
      %dma_start3A_827 = tpu.memref_slice %arg11[%dma_start3A_824, %dma_start3A_825, %dma_start3A_826] : memref<32x8x64xf32, #tpu.memory_space<vmem>> -> memref<1x8x64xf32, #tpu.memory_space<vmem>>
      %dma_start3A_828 = tpu.memref_squeeze %dma_start3A_827 : memref<1x8x64xf32, #tpu.memory_space<vmem>> -> memref<8x64xf32, #tpu.memory_space<vmem>>
      %dma_start3A_829 = arith.constant 0 : i32
      %dma_start3A_830 = tpu.memref_slice %arg4[%mul3A_823, %dma_start3A_829] : memref<1000000x64xf32, #tpu.memory_space<hbm>> -> memref<8x64xf32, #tpu.memory_space<hbm>>
      %dma_start3A_831 = arith.constant 0 : i32
      %dma_start3A_832 = arith.constant 0 : i32
      %dma_start3A_833 = tpu.memref_slice %arg11[%dma_start3A_824, %dma_start3A_831, %dma_start3A_832] : memref<32x8x64xf32, #tpu.memory_space<vmem>> -> memref<1x8x64xf32, #tpu.memory_space<vmem>>
      %dma_start3A_834 = tpu.memref_squeeze %dma_start3A_833 : memref<1x8x64xf32, #tpu.memory_space<vmem>> -> memref<8x64xf32, #tpu.memory_space<vmem>>
      %dma_start3A_835 = arith.constant 0 : i32
      %dma_start3A_836 = tpu.memref_slice %arg4[%mul3A_823, %dma_start3A_835] : memref<1000000x64xf32, #tpu.memory_space<hbm>> -> memref<8x64xf32, #tpu.memory_space<hbm>>
      tpu.enqueue_dma source(%dma_start3A_836 : memref<8x64xf32, #tpu.memory_space<hbm>>) target(%dma_start3A_834 : memref<8x64xf32, #tpu.memory_space<vmem>>) target_semaphore(%arg17 : memref<!tpu.dma_semaphore, #tpu.memory_space<semaphore_mem>>)
      %mul3A_837 = arith.constant 8 : i32
      %mul3A_838 = arith.muli %shift_right_arithmetic3A_821, %mul3A_837 : i32
      %dma_start3A_839 = arith.constant 19 : i32
      %dma_start3A_840 = arith.constant 0 : i32
      %dma_start3A_841 = arith.constant 0 : i32
      %dma_start3A_842 = tpu.memref_slice %arg12[%dma_start3A_839, %dma_start3A_840, %dma_start3A_841] : memref<32x8x64xf32, #tpu.memory_space<vmem>> -> memref<1x8x64xf32, #tpu.memory_space<vmem>>
      %dma_start3A_843 = tpu.memref_squeeze %dma_start3A_842 : memref<1x8x64xf32, #tpu.memory_space<vmem>> -> memref<8x64xf32, #tpu.memory_space<vmem>>
      %dma_start3A_844 = arith.constant 0 : i32
      %dma_start3A_845 = tpu.memref_slice %arg5[%mul3A_838, %dma_start3A_844] : memref<1000000x64xf32, #tpu.memory_space<hbm>> -> memref<8x64xf32, #tpu.memory_space<hbm>>
      %dma_start3A_846 = arith.constant 0 : i32
      %dma_start3A_847 = arith.constant 0 : i32
      %dma_start3A_848 = tpu.memref_slice %arg12[%dma_start3A_839, %dma_start3A_846, %dma_start3A_847] : memref<32x8x64xf32, #tpu.memory_space<vmem>> -> memref<1x8x64xf32, #tpu.memory_space<vmem>>
      %dma_start3A_849 = tpu.memref_squeeze %dma_start3A_848 : memref<1x8x64xf32, #tpu.memory_space<vmem>> -> memref<8x64xf32, #tpu.memory_space<vmem>>
      %dma_start3A_850 = arith.constant 0 : i32
      %dma_start3A_851 = tpu.memref_slice %arg5[%mul3A_838, %dma_start3A_850] : memref<1000000x64xf32, #tpu.memory_space<hbm>> -> memref<8x64xf32, #tpu.memory_space<hbm>>
      tpu.enqueue_dma source(%dma_start3A_851 : memref<8x64xf32, #tpu.memory_space<hbm>>) target(%dma_start3A_849 : memref<8x64xf32, #tpu.memory_space<vmem>>) target_semaphore(%arg18 : memref<!tpu.dma_semaphore, #tpu.memory_space<semaphore_mem>>)
      %add3A_852 = arith.constant 20 : i32
      %add3A_853 = arith.addi %mul3A_14, %add3A_852 : i32
      %get3A_854 = arith.index_cast %add3A_853 : i32 to index
      %get3A_855 = memref.load %arg7[%get3A_854] : memref<512xi32, #tpu.memory_space<smem>>
      %shift_right_arithmetic3A_856 = arith.constant 3 : i32
      %shift_right_arithmetic3A_857 = arith.shrsi %get3A_855, %shift_right_arithmetic3A_856 : i32
      %add3A_858 = arith.constant 20 : i32
      %add3A_859 = arith.addi %mul3A_14, %add3A_858 : i32
      %get3A_860 = arith.index_cast %add3A_859 : i32 to index
      %get3A_861 = memref.load %arg8[%get3A_860] : memref<512xi32, #tpu.memory_space<smem>>
      %shift_right_arithmetic3A_862 = arith.constant 3 : i32
      %shift_right_arithmetic3A_863 = arith.shrsi %get3A_861, %shift_right_arithmetic3A_862 : i32
      %mul3A_864 = arith.constant 8 : i32
      %mul3A_865 = arith.muli %shift_right_arithmetic3A_857, %mul3A_864 : i32
      %dma_start3A_866 = arith.constant 20 : i32
      %dma_start3A_867 = arith.constant 0 : i32
      %dma_start3A_868 = arith.constant 0 : i32
      %dma_start3A_869 = tpu.memref_slice %arg11[%dma_start3A_866, %dma_start3A_867, %dma_start3A_868] : memref<32x8x64xf32, #tpu.memory_space<vmem>> -> memref<1x8x64xf32, #tpu.memory_space<vmem>>
      %dma_start3A_870 = tpu.memref_squeeze %dma_start3A_869 : memref<1x8x64xf32, #tpu.memory_space<vmem>> -> memref<8x64xf32, #tpu.memory_space<vmem>>
      %dma_start3A_871 = arith.constant 0 : i32
      %dma_start3A_872 = tpu.memref_slice %arg4[%mul3A_865, %dma_start3A_871] : memref<1000000x64xf32, #tpu.memory_space<hbm>> -> memref<8x64xf32, #tpu.memory_space<hbm>>
      %dma_start3A_873 = arith.constant 0 : i32
      %dma_start3A_874 = arith.constant 0 : i32
      %dma_start3A_875 = tpu.memref_slice %arg11[%dma_start3A_866, %dma_start3A_873, %dma_start3A_874] : memref<32x8x64xf32, #tpu.memory_space<vmem>> -> memref<1x8x64xf32, #tpu.memory_space<vmem>>
      %dma_start3A_876 = tpu.memref_squeeze %dma_start3A_875 : memref<1x8x64xf32, #tpu.memory_space<vmem>> -> memref<8x64xf32, #tpu.memory_space<vmem>>
      %dma_start3A_877 = arith.constant 0 : i32
      %dma_start3A_878 = tpu.memref_slice %arg4[%mul3A_865, %dma_start3A_877] : memref<1000000x64xf32, #tpu.memory_space<hbm>> -> memref<8x64xf32, #tpu.memory_space<hbm>>
      tpu.enqueue_dma source(%dma_start3A_878 : memref<8x64xf32, #tpu.memory_space<hbm>>) target(%dma_start3A_876 : memref<8x64xf32, #tpu.memory_space<vmem>>) target_semaphore(%arg15 : memref<!tpu.dma_semaphore, #tpu.memory_space<semaphore_mem>>)
      %mul3A_879 = arith.constant 8 : i32
      %mul3A_880 = arith.muli %shift_right_arithmetic3A_863, %mul3A_879 : i32
      %dma_start3A_881 = arith.constant 20 : i32
      %dma_start3A_882 = arith.constant 0 : i32
      %dma_start3A_883 = arith.constant 0 : i32
      %dma_start3A_884 = tpu.memref_slice %arg12[%dma_start3A_881, %dma_start3A_882, %dma_start3A_883] : memref<32x8x64xf32, #tpu.memory_space<vmem>> -> memref<1x8x64xf32, #tpu.memory_space<vmem>>
      %dma_start3A_885 = tpu.memref_squeeze %dma_start3A_884 : memref<1x8x64xf32, #tpu.memory_space<vmem>> -> memref<8x64xf32, #tpu.memory_space<vmem>>
      %dma_start3A_886 = arith.constant 0 : i32
      %dma_start3A_887 = tpu.memref_slice %arg5[%mul3A_880, %dma_start3A_886] : memref<1000000x64xf32, #tpu.memory_space<hbm>> -> memref<8x64xf32, #tpu.memory_space<hbm>>
      %dma_start3A_888 = arith.constant 0 : i32
      %dma_start3A_889 = arith.constant 0 : i32
      %dma_start3A_890 = tpu.memref_slice %arg12[%dma_start3A_881, %dma_start3A_888, %dma_start3A_889] : memref<32x8x64xf32, #tpu.memory_space<vmem>> -> memref<1x8x64xf32, #tpu.memory_space<vmem>>
      %dma_start3A_891 = tpu.memref_squeeze %dma_start3A_890 : memref<1x8x64xf32, #tpu.memory_space<vmem>> -> memref<8x64xf32, #tpu.memory_space<vmem>>
      %dma_start3A_892 = arith.constant 0 : i32
      %dma_start3A_893 = tpu.memref_slice %arg5[%mul3A_880, %dma_start3A_892] : memref<1000000x64xf32, #tpu.memory_space<hbm>> -> memref<8x64xf32, #tpu.memory_space<hbm>>
      tpu.enqueue_dma source(%dma_start3A_893 : memref<8x64xf32, #tpu.memory_space<hbm>>) target(%dma_start3A_891 : memref<8x64xf32, #tpu.memory_space<vmem>>) target_semaphore(%arg16 : memref<!tpu.dma_semaphore, #tpu.memory_space<semaphore_mem>>)
      %add3A_894 = arith.constant 21 : i32
      %add3A_895 = arith.addi %mul3A_14, %add3A_894 : i32
      %get3A_896 = arith.index_cast %add3A_895 : i32 to index
      %get3A_897 = memref.load %arg7[%get3A_896] : memref<512xi32, #tpu.memory_space<smem>>
      %shift_right_arithmetic3A_898 = arith.constant 3 : i32
      %shift_right_arithmetic3A_899 = arith.shrsi %get3A_897, %shift_right_arithmetic3A_898 : i32
      %add3A_900 = arith.constant 21 : i32
      %add3A_901 = arith.addi %mul3A_14, %add3A_900 : i32
      %get3A_902 = arith.index_cast %add3A_901 : i32 to index
      %get3A_903 = memref.load %arg8[%get3A_902] : memref<512xi32, #tpu.memory_space<smem>>
      %shift_right_arithmetic3A_904 = arith.constant 3 : i32
      %shift_right_arithmetic3A_905 = arith.shrsi %get3A_903, %shift_right_arithmetic3A_904 : i32
      %mul3A_906 = arith.constant 8 : i32
      %mul3A_907 = arith.muli %shift_right_arithmetic3A_899, %mul3A_906 : i32
      %dma_start3A_908 = arith.constant 21 : i32
      %dma_start3A_909 = arith.constant 0 : i32
      %dma_start3A_910 = arith.constant 0 : i32
      %dma_start3A_911 = tpu.memref_slice %arg11[%dma_start3A_908, %dma_start3A_909, %dma_start3A_910] : memref<32x8x64xf32, #tpu.memory_space<vmem>> -> memref<1x8x64xf32, #tpu.memory_space<vmem>>
      %dma_start3A_912 = tpu.memref_squeeze %dma_start3A_911 : memref<1x8x64xf32, #tpu.memory_space<vmem>> -> memref<8x64xf32, #tpu.memory_space<vmem>>
      %dma_start3A_913 = arith.constant 0 : i32
      %dma_start3A_914 = tpu.memref_slice %arg4[%mul3A_907, %dma_start3A_913] : memref<1000000x64xf32, #tpu.memory_space<hbm>> -> memref<8x64xf32, #tpu.memory_space<hbm>>
      %dma_start3A_915 = arith.constant 0 : i32
      %dma_start3A_916 = arith.constant 0 : i32
      %dma_start3A_917 = tpu.memref_slice %arg11[%dma_start3A_908, %dma_start3A_915, %dma_start3A_916] : memref<32x8x64xf32, #tpu.memory_space<vmem>> -> memref<1x8x64xf32, #tpu.memory_space<vmem>>
      %dma_start3A_918 = tpu.memref_squeeze %dma_start3A_917 : memref<1x8x64xf32, #tpu.memory_space<vmem>> -> memref<8x64xf32, #tpu.memory_space<vmem>>
      %dma_start3A_919 = arith.constant 0 : i32
      %dma_start3A_920 = tpu.memref_slice %arg4[%mul3A_907, %dma_start3A_919] : memref<1000000x64xf32, #tpu.memory_space<hbm>> -> memref<8x64xf32, #tpu.memory_space<hbm>>
      tpu.enqueue_dma source(%dma_start3A_920 : memref<8x64xf32, #tpu.memory_space<hbm>>) target(%dma_start3A_918 : memref<8x64xf32, #tpu.memory_space<vmem>>) target_semaphore(%arg17 : memref<!tpu.dma_semaphore, #tpu.memory_space<semaphore_mem>>)
      %mul3A_921 = arith.constant 8 : i32
      %mul3A_922 = arith.muli %shift_right_arithmetic3A_905, %mul3A_921 : i32
      %dma_start3A_923 = arith.constant 21 : i32
      %dma_start3A_924 = arith.constant 0 : i32
      %dma_start3A_925 = arith.constant 0 : i32
      %dma_start3A_926 = tpu.memref_slice %arg12[%dma_start3A_923, %dma_start3A_924, %dma_start3A_925] : memref<32x8x64xf32, #tpu.memory_space<vmem>> -> memref<1x8x64xf32, #tpu.memory_space<vmem>>
      %dma_start3A_927 = tpu.memref_squeeze %dma_start3A_926 : memref<1x8x64xf32, #tpu.memory_space<vmem>> -> memref<8x64xf32, #tpu.memory_space<vmem>>
      %dma_start3A_928 = arith.constant 0 : i32
      %dma_start3A_929 = tpu.memref_slice %arg5[%mul3A_922, %dma_start3A_928] : memref<1000000x64xf32, #tpu.memory_space<hbm>> -> memref<8x64xf32, #tpu.memory_space<hbm>>
      %dma_start3A_930 = arith.constant 0 : i32
      %dma_start3A_931 = arith.constant 0 : i32
      %dma_start3A_932 = tpu.memref_slice %arg12[%dma_start3A_923, %dma_start3A_930, %dma_start3A_931] : memref<32x8x64xf32, #tpu.memory_space<vmem>> -> memref<1x8x64xf32, #tpu.memory_space<vmem>>
      %dma_start3A_933 = tpu.memref_squeeze %dma_start3A_932 : memref<1x8x64xf32, #tpu.memory_space<vmem>> -> memref<8x64xf32, #tpu.memory_space<vmem>>
      %dma_start3A_934 = arith.constant 0 : i32
      %dma_start3A_935 = tpu.memref_slice %arg5[%mul3A_922, %dma_start3A_934] : memref<1000000x64xf32, #tpu.memory_space<hbm>> -> memref<8x64xf32, #tpu.memory_space<hbm>>
      tpu.enqueue_dma source(%dma_start3A_935 : memref<8x64xf32, #tpu.memory_space<hbm>>) target(%dma_start3A_933 : memref<8x64xf32, #tpu.memory_space<vmem>>) target_semaphore(%arg18 : memref<!tpu.dma_semaphore, #tpu.memory_space<semaphore_mem>>)
      %add3A_936 = arith.constant 22 : i32
      %add3A_937 = arith.addi %mul3A_14, %add3A_936 : i32
      %get3A_938 = arith.index_cast %add3A_937 : i32 to index
      %get3A_939 = memref.load %arg7[%get3A_938] : memref<512xi32, #tpu.memory_space<smem>>
      %shift_right_arithmetic3A_940 = arith.constant 3 : i32
      %shift_right_arithmetic3A_941 = arith.shrsi %get3A_939, %shift_right_arithmetic3A_940 : i32
      %add3A_942 = arith.constant 22 : i32
      %add3A_943 = arith.addi %mul3A_14, %add3A_942 : i32
      %get3A_944 = arith.index_cast %add3A_943 : i32 to index
      %get3A_945 = memref.load %arg8[%get3A_944] : memref<512xi32, #tpu.memory_space<smem>>
      %shift_right_arithmetic3A_946 = arith.constant 3 : i32
      %shift_right_arithmetic3A_947 = arith.shrsi %get3A_945, %shift_right_arithmetic3A_946 : i32
      %mul3A_948 = arith.constant 8 : i32
      %mul3A_949 = arith.muli %shift_right_arithmetic3A_941, %mul3A_948 : i32
      %dma_start3A_950 = arith.constant 22 : i32
      %dma_start3A_951 = arith.constant 0 : i32
      %dma_start3A_952 = arith.constant 0 : i32
      %dma_start3A_953 = tpu.memref_slice %arg11[%dma_start3A_950, %dma_start3A_951, %dma_start3A_952] : memref<32x8x64xf32, #tpu.memory_space<vmem>> -> memref<1x8x64xf32, #tpu.memory_space<vmem>>
      %dma_start3A_954 = tpu.memref_squeeze %dma_start3A_953 : memref<1x8x64xf32, #tpu.memory_space<vmem>> -> memref<8x64xf32, #tpu.memory_space<vmem>>
      %dma_start3A_955 = arith.constant 0 : i32
      %dma_start3A_956 = tpu.memref_slice %arg4[%mul3A_949, %dma_start3A_955] : memref<1000000x64xf32, #tpu.memory_space<hbm>> -> memref<8x64xf32, #tpu.memory_space<hbm>>
      %dma_start3A_957 = arith.constant 0 : i32
      %dma_start3A_958 = arith.constant 0 : i32
      %dma_start3A_959 = tpu.memref_slice %arg11[%dma_start3A_950, %dma_start3A_957, %dma_start3A_958] : memref<32x8x64xf32, #tpu.memory_space<vmem>> -> memref<1x8x64xf32, #tpu.memory_space<vmem>>
      %dma_start3A_960 = tpu.memref_squeeze %dma_start3A_959 : memref<1x8x64xf32, #tpu.memory_space<vmem>> -> memref<8x64xf32, #tpu.memory_space<vmem>>
      %dma_start3A_961 = arith.constant 0 : i32
      %dma_start3A_962 = tpu.memref_slice %arg4[%mul3A_949, %dma_start3A_961] : memref<1000000x64xf32, #tpu.memory_space<hbm>> -> memref<8x64xf32, #tpu.memory_space<hbm>>
      tpu.enqueue_dma source(%dma_start3A_962 : memref<8x64xf32, #tpu.memory_space<hbm>>) target(%dma_start3A_960 : memref<8x64xf32, #tpu.memory_space<vmem>>) target_semaphore(%arg15 : memref<!tpu.dma_semaphore, #tpu.memory_space<semaphore_mem>>)
      %mul3A_963 = arith.constant 8 : i32
      %mul3A_964 = arith.muli %shift_right_arithmetic3A_947, %mul3A_963 : i32
      %dma_start3A_965 = arith.constant 22 : i32
      %dma_start3A_966 = arith.constant 0 : i32
      %dma_start3A_967 = arith.constant 0 : i32
      %dma_start3A_968 = tpu.memref_slice %arg12[%dma_start3A_965, %dma_start3A_966, %dma_start3A_967] : memref<32x8x64xf32, #tpu.memory_space<vmem>> -> memref<1x8x64xf32, #tpu.memory_space<vmem>>
      %dma_start3A_969 = tpu.memref_squeeze %dma_start3A_968 : memref<1x8x64xf32, #tpu.memory_space<vmem>> -> memref<8x64xf32, #tpu.memory_space<vmem>>
      %dma_start3A_970 = arith.constant 0 : i32
      %dma_start3A_971 = tpu.memref_slice %arg5[%mul3A_964, %dma_start3A_970] : memref<1000000x64xf32, #tpu.memory_space<hbm>> -> memref<8x64xf32, #tpu.memory_space<hbm>>
      %dma_start3A_972 = arith.constant 0 : i32
      %dma_start3A_973 = arith.constant 0 : i32
      %dma_start3A_974 = tpu.memref_slice %arg12[%dma_start3A_965, %dma_start3A_972, %dma_start3A_973] : memref<32x8x64xf32, #tpu.memory_space<vmem>> -> memref<1x8x64xf32, #tpu.memory_space<vmem>>
      %dma_start3A_975 = tpu.memref_squeeze %dma_start3A_974 : memref<1x8x64xf32, #tpu.memory_space<vmem>> -> memref<8x64xf32, #tpu.memory_space<vmem>>
      %dma_start3A_976 = arith.constant 0 : i32
      %dma_start3A_977 = tpu.memref_slice %arg5[%mul3A_964, %dma_start3A_976] : memref<1000000x64xf32, #tpu.memory_space<hbm>> -> memref<8x64xf32, #tpu.memory_space<hbm>>
      tpu.enqueue_dma source(%dma_start3A_977 : memref<8x64xf32, #tpu.memory_space<hbm>>) target(%dma_start3A_975 : memref<8x64xf32, #tpu.memory_space<vmem>>) target_semaphore(%arg16 : memref<!tpu.dma_semaphore, #tpu.memory_space<semaphore_mem>>)
      %add3A_978 = arith.constant 23 : i32
      %add3A_979 = arith.addi %mul3A_14, %add3A_978 : i32
      %get3A_980 = arith.index_cast %add3A_979 : i32 to index
      %get3A_981 = memref.load %arg7[%get3A_980] : memref<512xi32, #tpu.memory_space<smem>>
      %shift_right_arithmetic3A_982 = arith.constant 3 : i32
      %shift_right_arithmetic3A_983 = arith.shrsi %get3A_981, %shift_right_arithmetic3A_982 : i32
      %add3A_984 = arith.constant 23 : i32
      %add3A_985 = arith.addi %mul3A_14, %add3A_984 : i32
      %get3A_986 = arith.index_cast %add3A_985 : i32 to index
      %get3A_987 = memref.load %arg8[%get3A_986] : memref<512xi32, #tpu.memory_space<smem>>
      %shift_right_arithmetic3A_988 = arith.constant 3 : i32
      %shift_right_arithmetic3A_989 = arith.shrsi %get3A_987, %shift_right_arithmetic3A_988 : i32
      %mul3A_990 = arith.constant 8 : i32
      %mul3A_991 = arith.muli %shift_right_arithmetic3A_983, %mul3A_990 : i32
      %dma_start3A_992 = arith.constant 23 : i32
      %dma_start3A_993 = arith.constant 0 : i32
      %dma_start3A_994 = arith.constant 0 : i32
      %dma_start3A_995 = tpu.memref_slice %arg11[%dma_start3A_992, %dma_start3A_993, %dma_start3A_994] : memref<32x8x64xf32, #tpu.memory_space<vmem>> -> memref<1x8x64xf32, #tpu.memory_space<vmem>>
      %dma_start3A_996 = tpu.memref_squeeze %dma_start3A_995 : memref<1x8x64xf32, #tpu.memory_space<vmem>> -> memref<8x64xf32, #tpu.memory_space<vmem>>
      %dma_start3A_997 = arith.constant 0 : i32
      %dma_start3A_998 = tpu.memref_slice %arg4[%mul3A_991, %dma_start3A_997] : memref<1000000x64xf32, #tpu.memory_space<hbm>> -> memref<8x64xf32, #tpu.memory_space<hbm>>
      %dma_start3A_999 = arith.constant 0 : i32
      %dma_start3A_1000 = arith.constant 0 : i32
      %dma_start3A_1001 = tpu.memref_slice %arg11[%dma_start3A_992, %dma_start3A_999, %dma_start3A_1000] : memref<32x8x64xf32, #tpu.memory_space<vmem>> -> memref<1x8x64xf32, #tpu.memory_space<vmem>>
      %dma_start3A_1002 = tpu.memref_squeeze %dma_start3A_1001 : memref<1x8x64xf32, #tpu.memory_space<vmem>> -> memref<8x64xf32, #tpu.memory_space<vmem>>
      %dma_start3A_1003 = arith.constant 0 : i32
      %dma_start3A_1004 = tpu.memref_slice %arg4[%mul3A_991, %dma_start3A_1003] : memref<1000000x64xf32, #tpu.memory_space<hbm>> -> memref<8x64xf32, #tpu.memory_space<hbm>>
      tpu.enqueue_dma source(%dma_start3A_1004 : memref<8x64xf32, #tpu.memory_space<hbm>>) target(%dma_start3A_1002 : memref<8x64xf32, #tpu.memory_space<vmem>>) target_semaphore(%arg17 : memref<!tpu.dma_semaphore, #tpu.memory_space<semaphore_mem>>)
      %mul3A_1005 = arith.constant 8 : i32
      %mul3A_1006 = arith.muli %shift_right_arithmetic3A_989, %mul3A_1005 : i32
      %dma_start3A_1007 = arith.constant 23 : i32
      %dma_start3A_1008 = arith.constant 0 : i32
      %dma_start3A_1009 = arith.constant 0 : i32
      %dma_start3A_1010 = tpu.memref_slice %arg12[%dma_start3A_1007, %dma_start3A_1008, %dma_start3A_1009] : memref<32x8x64xf32, #tpu.memory_space<vmem>> -> memref<1x8x64xf32, #tpu.memory_space<vmem>>
      %dma_start3A_1011 = tpu.memref_squeeze %dma_start3A_1010 : memref<1x8x64xf32, #tpu.memory_space<vmem>> -> memref<8x64xf32, #tpu.memory_space<vmem>>
      %dma_start3A_1012 = arith.constant 0 : i32
      %dma_start3A_1013 = tpu.memref_slice %arg5[%mul3A_1006, %dma_start3A_1012] : memref<1000000x64xf32, #tpu.memory_space<hbm>> -> memref<8x64xf32, #tpu.memory_space<hbm>>
      %dma_start3A_1014 = arith.constant 0 : i32
      %dma_start3A_1015 = arith.constant 0 : i32
      %dma_start3A_1016 = tpu.memref_slice %arg12[%dma_start3A_1007, %dma_start3A_1014, %dma_start3A_1015] : memref<32x8x64xf32, #tpu.memory_space<vmem>> -> memref<1x8x64xf32, #tpu.memory_space<vmem>>
      %dma_start3A_1017 = tpu.memref_squeeze %dma_start3A_1016 : memref<1x8x64xf32, #tpu.memory_space<vmem>> -> memref<8x64xf32, #tpu.memory_space<vmem>>
      %dma_start3A_1018 = arith.constant 0 : i32
      %dma_start3A_1019 = tpu.memref_slice %arg5[%mul3A_1006, %dma_start3A_1018] : memref<1000000x64xf32, #tpu.memory_space<hbm>> -> memref<8x64xf32, #tpu.memory_space<hbm>>
      tpu.enqueue_dma source(%dma_start3A_1019 : memref<8x64xf32, #tpu.memory_space<hbm>>) target(%dma_start3A_1017 : memref<8x64xf32, #tpu.memory_space<vmem>>) target_semaphore(%arg18 : memref<!tpu.dma_semaphore, #tpu.memory_space<semaphore_mem>>)
      %add3A_1020 = arith.constant 24 : i32
      %add3A_1021 = arith.addi %mul3A_14, %add3A_1020 : i32
      %get3A_1022 = arith.index_cast %add3A_1021 : i32 to index
      %get3A_1023 = memref.load %arg7[%get3A_1022] : memref<512xi32, #tpu.memory_space<smem>>
      %shift_right_arithmetic3A_1024 = arith.constant 3 : i32
      %shift_right_arithmetic3A_1025 = arith.shrsi %get3A_1023, %shift_right_arithmetic3A_1024 : i32
      %add3A_1026 = arith.constant 24 : i32
      %add3A_1027 = arith.addi %mul3A_14, %add3A_1026 : i32
      %get3A_1028 = arith.index_cast %add3A_1027 : i32 to index
      %get3A_1029 = memref.load %arg8[%get3A_1028] : memref<512xi32, #tpu.memory_space<smem>>
      %shift_right_arithmetic3A_1030 = arith.constant 3 : i32
      %shift_right_arithmetic3A_1031 = arith.shrsi %get3A_1029, %shift_right_arithmetic3A_1030 : i32
      %mul3A_1032 = arith.constant 8 : i32
      %mul3A_1033 = arith.muli %shift_right_arithmetic3A_1025, %mul3A_1032 : i32
      %dma_start3A_1034 = arith.constant 24 : i32
      %dma_start3A_1035 = arith.constant 0 : i32
      %dma_start3A_1036 = arith.constant 0 : i32
      %dma_start3A_1037 = tpu.memref_slice %arg11[%dma_start3A_1034, %dma_start3A_1035, %dma_start3A_1036] : memref<32x8x64xf32, #tpu.memory_space<vmem>> -> memref<1x8x64xf32, #tpu.memory_space<vmem>>
      %dma_start3A_1038 = tpu.memref_squeeze %dma_start3A_1037 : memref<1x8x64xf32, #tpu.memory_space<vmem>> -> memref<8x64xf32, #tpu.memory_space<vmem>>
      %dma_start3A_1039 = arith.constant 0 : i32
      %dma_start3A_1040 = tpu.memref_slice %arg4[%mul3A_1033, %dma_start3A_1039] : memref<1000000x64xf32, #tpu.memory_space<hbm>> -> memref<8x64xf32, #tpu.memory_space<hbm>>
      %dma_start3A_1041 = arith.constant 0 : i32
      %dma_start3A_1042 = arith.constant 0 : i32
      %dma_start3A_1043 = tpu.memref_slice %arg11[%dma_start3A_1034, %dma_start3A_1041, %dma_start3A_1042] : memref<32x8x64xf32, #tpu.memory_space<vmem>> -> memref<1x8x64xf32, #tpu.memory_space<vmem>>
      %dma_start3A_1044 = tpu.memref_squeeze %dma_start3A_1043 : memref<1x8x64xf32, #tpu.memory_space<vmem>> -> memref<8x64xf32, #tpu.memory_space<vmem>>
      %dma_start3A_1045 = arith.constant 0 : i32
      %dma_start3A_1046 = tpu.memref_slice %arg4[%mul3A_1033, %dma_start3A_1045] : memref<1000000x64xf32, #tpu.memory_space<hbm>> -> memref<8x64xf32, #tpu.memory_space<hbm>>
      tpu.enqueue_dma source(%dma_start3A_1046 : memref<8x64xf32, #tpu.memory_space<hbm>>) target(%dma_start3A_1044 : memref<8x64xf32, #tpu.memory_space<vmem>>) target_semaphore(%arg15 : memref<!tpu.dma_semaphore, #tpu.memory_space<semaphore_mem>>)
      %mul3A_1047 = arith.constant 8 : i32
      %mul3A_1048 = arith.muli %shift_right_arithmetic3A_1031, %mul3A_1047 : i32
      %dma_start3A_1049 = arith.constant 24 : i32
      %dma_start3A_1050 = arith.constant 0 : i32
      %dma_start3A_1051 = arith.constant 0 : i32
      %dma_start3A_1052 = tpu.memref_slice %arg12[%dma_start3A_1049, %dma_start3A_1050, %dma_start3A_1051] : memref<32x8x64xf32, #tpu.memory_space<vmem>> -> memref<1x8x64xf32, #tpu.memory_space<vmem>>
      %dma_start3A_1053 = tpu.memref_squeeze %dma_start3A_1052 : memref<1x8x64xf32, #tpu.memory_space<vmem>> -> memref<8x64xf32, #tpu.memory_space<vmem>>
      %dma_start3A_1054 = arith.constant 0 : i32
      %dma_start3A_1055 = tpu.memref_slice %arg5[%mul3A_1048, %dma_start3A_1054] : memref<1000000x64xf32, #tpu.memory_space<hbm>> -> memref<8x64xf32, #tpu.memory_space<hbm>>
      %dma_start3A_1056 = arith.constant 0 : i32
      %dma_start3A_1057 = arith.constant 0 : i32
      %dma_start3A_1058 = tpu.memref_slice %arg12[%dma_start3A_1049, %dma_start3A_1056, %dma_start3A_1057] : memref<32x8x64xf32, #tpu.memory_space<vmem>> -> memref<1x8x64xf32, #tpu.memory_space<vmem>>
      %dma_start3A_1059 = tpu.memref_squeeze %dma_start3A_1058 : memref<1x8x64xf32, #tpu.memory_space<vmem>> -> memref<8x64xf32, #tpu.memory_space<vmem>>
      %dma_start3A_1060 = arith.constant 0 : i32
      %dma_start3A_1061 = tpu.memref_slice %arg5[%mul3A_1048, %dma_start3A_1060] : memref<1000000x64xf32, #tpu.memory_space<hbm>> -> memref<8x64xf32, #tpu.memory_space<hbm>>
      tpu.enqueue_dma source(%dma_start3A_1061 : memref<8x64xf32, #tpu.memory_space<hbm>>) target(%dma_start3A_1059 : memref<8x64xf32, #tpu.memory_space<vmem>>) target_semaphore(%arg16 : memref<!tpu.dma_semaphore, #tpu.memory_space<semaphore_mem>>)
      %add3A_1062 = arith.constant 25 : i32
      %add3A_1063 = arith.addi %mul3A_14, %add3A_1062 : i32
      %get3A_1064 = arith.index_cast %add3A_1063 : i32 to index
      %get3A_1065 = memref.load %arg7[%get3A_1064] : memref<512xi32, #tpu.memory_space<smem>>
      %shift_right_arithmetic3A_1066 = arith.constant 3 : i32
      %shift_right_arithmetic3A_1067 = arith.shrsi %get3A_1065, %shift_right_arithmetic3A_1066 : i32
      %add3A_1068 = arith.constant 25 : i32
      %add3A_1069 = arith.addi %mul3A_14, %add3A_1068 : i32
      %get3A_1070 = arith.index_cast %add3A_1069 : i32 to index
      %get3A_1071 = memref.load %arg8[%get3A_1070] : memref<512xi32, #tpu.memory_space<smem>>
      %shift_right_arithmetic3A_1072 = arith.constant 3 : i32
      %shift_right_arithmetic3A_1073 = arith.shrsi %get3A_1071, %shift_right_arithmetic3A_1072 : i32
      %mul3A_1074 = arith.constant 8 : i32
      %mul3A_1075 = arith.muli %shift_right_arithmetic3A_1067, %mul3A_1074 : i32
      %dma_start3A_1076 = arith.constant 25 : i32
      %dma_start3A_1077 = arith.constant 0 : i32
      %dma_start3A_1078 = arith.constant 0 : i32
      %dma_start3A_1079 = tpu.memref_slice %arg11[%dma_start3A_1076, %dma_start3A_1077, %dma_start3A_1078] : memref<32x8x64xf32, #tpu.memory_space<vmem>> -> memref<1x8x64xf32, #tpu.memory_space<vmem>>
      %dma_start3A_1080 = tpu.memref_squeeze %dma_start3A_1079 : memref<1x8x64xf32, #tpu.memory_space<vmem>> -> memref<8x64xf32, #tpu.memory_space<vmem>>
      %dma_start3A_1081 = arith.constant 0 : i32
      %dma_start3A_1082 = tpu.memref_slice %arg4[%mul3A_1075, %dma_start3A_1081] : memref<1000000x64xf32, #tpu.memory_space<hbm>> -> memref<8x64xf32, #tpu.memory_space<hbm>>
      %dma_start3A_1083 = arith.constant 0 : i32
      %dma_start3A_1084 = arith.constant 0 : i32
      %dma_start3A_1085 = tpu.memref_slice %arg11[%dma_start3A_1076, %dma_start3A_1083, %dma_start3A_1084] : memref<32x8x64xf32, #tpu.memory_space<vmem>> -> memref<1x8x64xf32, #tpu.memory_space<vmem>>
      %dma_start3A_1086 = tpu.memref_squeeze %dma_start3A_1085 : memref<1x8x64xf32, #tpu.memory_space<vmem>> -> memref<8x64xf32, #tpu.memory_space<vmem>>
      %dma_start3A_1087 = arith.constant 0 : i32
      %dma_start3A_1088 = tpu.memref_slice %arg4[%mul3A_1075, %dma_start3A_1087] : memref<1000000x64xf32, #tpu.memory_space<hbm>> -> memref<8x64xf32, #tpu.memory_space<hbm>>
      tpu.enqueue_dma source(%dma_start3A_1088 : memref<8x64xf32, #tpu.memory_space<hbm>>) target(%dma_start3A_1086 : memref<8x64xf32, #tpu.memory_space<vmem>>) target_semaphore(%arg17 : memref<!tpu.dma_semaphore, #tpu.memory_space<semaphore_mem>>)
      %mul3A_1089 = arith.constant 8 : i32
      %mul3A_1090 = arith.muli %shift_right_arithmetic3A_1073, %mul3A_1089 : i32
      %dma_start3A_1091 = arith.constant 25 : i32
      %dma_start3A_1092 = arith.constant 0 : i32
      %dma_start3A_1093 = arith.constant 0 : i32
      %dma_start3A_1094 = tpu.memref_slice %arg12[%dma_start3A_1091, %dma_start3A_1092, %dma_start3A_1093] : memref<32x8x64xf32, #tpu.memory_space<vmem>> -> memref<1x8x64xf32, #tpu.memory_space<vmem>>
      %dma_start3A_1095 = tpu.memref_squeeze %dma_start3A_1094 : memref<1x8x64xf32, #tpu.memory_space<vmem>> -> memref<8x64xf32, #tpu.memory_space<vmem>>
      %dma_start3A_1096 = arith.constant 0 : i32
      %dma_start3A_1097 = tpu.memref_slice %arg5[%mul3A_1090, %dma_start3A_1096] : memref<1000000x64xf32, #tpu.memory_space<hbm>> -> memref<8x64xf32, #tpu.memory_space<hbm>>
      %dma_start3A_1098 = arith.constant 0 : i32
      %dma_start3A_1099 = arith.constant 0 : i32
      %dma_start3A_1100 = tpu.memref_slice %arg12[%dma_start3A_1091, %dma_start3A_1098, %dma_start3A_1099] : memref<32x8x64xf32, #tpu.memory_space<vmem>> -> memref<1x8x64xf32, #tpu.memory_space<vmem>>
      %dma_start3A_1101 = tpu.memref_squeeze %dma_start3A_1100 : memref<1x8x64xf32, #tpu.memory_space<vmem>> -> memref<8x64xf32, #tpu.memory_space<vmem>>
      %dma_start3A_1102 = arith.constant 0 : i32
      %dma_start3A_1103 = tpu.memref_slice %arg5[%mul3A_1090, %dma_start3A_1102] : memref<1000000x64xf32, #tpu.memory_space<hbm>> -> memref<8x64xf32, #tpu.memory_space<hbm>>
      tpu.enqueue_dma source(%dma_start3A_1103 : memref<8x64xf32, #tpu.memory_space<hbm>>) target(%dma_start3A_1101 : memref<8x64xf32, #tpu.memory_space<vmem>>) target_semaphore(%arg18 : memref<!tpu.dma_semaphore, #tpu.memory_space<semaphore_mem>>)
      %add3A_1104 = arith.constant 26 : i32
      %add3A_1105 = arith.addi %mul3A_14, %add3A_1104 : i32
      %get3A_1106 = arith.index_cast %add3A_1105 : i32 to index
      %get3A_1107 = memref.load %arg7[%get3A_1106] : memref<512xi32, #tpu.memory_space<smem>>
      %shift_right_arithmetic3A_1108 = arith.constant 3 : i32
      %shift_right_arithmetic3A_1109 = arith.shrsi %get3A_1107, %shift_right_arithmetic3A_1108 : i32
      %add3A_1110 = arith.constant 26 : i32
      %add3A_1111 = arith.addi %mul3A_14, %add3A_1110 : i32
      %get3A_1112 = arith.index_cast %add3A_1111 : i32 to index
      %get3A_1113 = memref.load %arg8[%get3A_1112] : memref<512xi32, #tpu.memory_space<smem>>
      %shift_right_arithmetic3A_1114 = arith.constant 3 : i32
      %shift_right_arithmetic3A_1115 = arith.shrsi %get3A_1113, %shift_right_arithmetic3A_1114 : i32
      %mul3A_1116 = arith.constant 8 : i32
      %mul3A_1117 = arith.muli %shift_right_arithmetic3A_1109, %mul3A_1116 : i32
      %dma_start3A_1118 = arith.constant 26 : i32
      %dma_start3A_1119 = arith.constant 0 : i32
      %dma_start3A_1120 = arith.constant 0 : i32
      %dma_start3A_1121 = tpu.memref_slice %arg11[%dma_start3A_1118, %dma_start3A_1119, %dma_start3A_1120] : memref<32x8x64xf32, #tpu.memory_space<vmem>> -> memref<1x8x64xf32, #tpu.memory_space<vmem>>
      %dma_start3A_1122 = tpu.memref_squeeze %dma_start3A_1121 : memref<1x8x64xf32, #tpu.memory_space<vmem>> -> memref<8x64xf32, #tpu.memory_space<vmem>>
      %dma_start3A_1123 = arith.constant 0 : i32
      %dma_start3A_1124 = tpu.memref_slice %arg4[%mul3A_1117, %dma_start3A_1123] : memref<1000000x64xf32, #tpu.memory_space<hbm>> -> memref<8x64xf32, #tpu.memory_space<hbm>>
      %dma_start3A_1125 = arith.constant 0 : i32
      %dma_start3A_1126 = arith.constant 0 : i32
      %dma_start3A_1127 = tpu.memref_slice %arg11[%dma_start3A_1118, %dma_start3A_1125, %dma_start3A_1126] : memref<32x8x64xf32, #tpu.memory_space<vmem>> -> memref<1x8x64xf32, #tpu.memory_space<vmem>>
      %dma_start3A_1128 = tpu.memref_squeeze %dma_start3A_1127 : memref<1x8x64xf32, #tpu.memory_space<vmem>> -> memref<8x64xf32, #tpu.memory_space<vmem>>
      %dma_start3A_1129 = arith.constant 0 : i32
      %dma_start3A_1130 = tpu.memref_slice %arg4[%mul3A_1117, %dma_start3A_1129] : memref<1000000x64xf32, #tpu.memory_space<hbm>> -> memref<8x64xf32, #tpu.memory_space<hbm>>
      tpu.enqueue_dma source(%dma_start3A_1130 : memref<8x64xf32, #tpu.memory_space<hbm>>) target(%dma_start3A_1128 : memref<8x64xf32, #tpu.memory_space<vmem>>) target_semaphore(%arg15 : memref<!tpu.dma_semaphore, #tpu.memory_space<semaphore_mem>>)
      %mul3A_1131 = arith.constant 8 : i32
      %mul3A_1132 = arith.muli %shift_right_arithmetic3A_1115, %mul3A_1131 : i32
      %dma_start3A_1133 = arith.constant 26 : i32
      %dma_start3A_1134 = arith.constant 0 : i32
      %dma_start3A_1135 = arith.constant 0 : i32
      %dma_start3A_1136 = tpu.memref_slice %arg12[%dma_start3A_1133, %dma_start3A_1134, %dma_start3A_1135] : memref<32x8x64xf32, #tpu.memory_space<vmem>> -> memref<1x8x64xf32, #tpu.memory_space<vmem>>
      %dma_start3A_1137 = tpu.memref_squeeze %dma_start3A_1136 : memref<1x8x64xf32, #tpu.memory_space<vmem>> -> memref<8x64xf32, #tpu.memory_space<vmem>>
      %dma_start3A_1138 = arith.constant 0 : i32
      %dma_start3A_1139 = tpu.memref_slice %arg5[%mul3A_1132, %dma_start3A_1138] : memref<1000000x64xf32, #tpu.memory_space<hbm>> -> memref<8x64xf32, #tpu.memory_space<hbm>>
      %dma_start3A_1140 = arith.constant 0 : i32
      %dma_start3A_1141 = arith.constant 0 : i32
      %dma_start3A_1142 = tpu.memref_slice %arg12[%dma_start3A_1133, %dma_start3A_1140, %dma_start3A_1141] : memref<32x8x64xf32, #tpu.memory_space<vmem>> -> memref<1x8x64xf32, #tpu.memory_space<vmem>>
      %dma_start3A_1143 = tpu.memref_squeeze %dma_start3A_1142 : memref<1x8x64xf32, #tpu.memory_space<vmem>> -> memref<8x64xf32, #tpu.memory_space<vmem>>
      %dma_start3A_1144 = arith.constant 0 : i32
      %dma_start3A_1145 = tpu.memref_slice %arg5[%mul3A_1132, %dma_start3A_1144] : memref<1000000x64xf32, #tpu.memory_space<hbm>> -> memref<8x64xf32, #tpu.memory_space<hbm>>
      tpu.enqueue_dma source(%dma_start3A_1145 : memref<8x64xf32, #tpu.memory_space<hbm>>) target(%dma_start3A_1143 : memref<8x64xf32, #tpu.memory_space<vmem>>) target_semaphore(%arg16 : memref<!tpu.dma_semaphore, #tpu.memory_space<semaphore_mem>>)
      %add3A_1146 = arith.constant 27 : i32
      %add3A_1147 = arith.addi %mul3A_14, %add3A_1146 : i32
      %get3A_1148 = arith.index_cast %add3A_1147 : i32 to index
      %get3A_1149 = memref.load %arg7[%get3A_1148] : memref<512xi32, #tpu.memory_space<smem>>
      %shift_right_arithmetic3A_1150 = arith.constant 3 : i32
      %shift_right_arithmetic3A_1151 = arith.shrsi %get3A_1149, %shift_right_arithmetic3A_1150 : i32
      %add3A_1152 = arith.constant 27 : i32
      %add3A_1153 = arith.addi %mul3A_14, %add3A_1152 : i32
      %get3A_1154 = arith.index_cast %add3A_1153 : i32 to index
      %get3A_1155 = memref.load %arg8[%get3A_1154] : memref<512xi32, #tpu.memory_space<smem>>
      %shift_right_arithmetic3A_1156 = arith.constant 3 : i32
      %shift_right_arithmetic3A_1157 = arith.shrsi %get3A_1155, %shift_right_arithmetic3A_1156 : i32
      %mul3A_1158 = arith.constant 8 : i32
      %mul3A_1159 = arith.muli %shift_right_arithmetic3A_1151, %mul3A_1158 : i32
      %dma_start3A_1160 = arith.constant 27 : i32
      %dma_start3A_1161 = arith.constant 0 : i32
      %dma_start3A_1162 = arith.constant 0 : i32
      %dma_start3A_1163 = tpu.memref_slice %arg11[%dma_start3A_1160, %dma_start3A_1161, %dma_start3A_1162] : memref<32x8x64xf32, #tpu.memory_space<vmem>> -> memref<1x8x64xf32, #tpu.memory_space<vmem>>
      %dma_start3A_1164 = tpu.memref_squeeze %dma_start3A_1163 : memref<1x8x64xf32, #tpu.memory_space<vmem>> -> memref<8x64xf32, #tpu.memory_space<vmem>>
      %dma_start3A_1165 = arith.constant 0 : i32
      %dma_start3A_1166 = tpu.memref_slice %arg4[%mul3A_1159, %dma_start3A_1165] : memref<1000000x64xf32, #tpu.memory_space<hbm>> -> memref<8x64xf32, #tpu.memory_space<hbm>>
      %dma_start3A_1167 = arith.constant 0 : i32
      %dma_start3A_1168 = arith.constant 0 : i32
      %dma_start3A_1169 = tpu.memref_slice %arg11[%dma_start3A_1160, %dma_start3A_1167, %dma_start3A_1168] : memref<32x8x64xf32, #tpu.memory_space<vmem>> -> memref<1x8x64xf32, #tpu.memory_space<vmem>>
      %dma_start3A_1170 = tpu.memref_squeeze %dma_start3A_1169 : memref<1x8x64xf32, #tpu.memory_space<vmem>> -> memref<8x64xf32, #tpu.memory_space<vmem>>
      %dma_start3A_1171 = arith.constant 0 : i32
      %dma_start3A_1172 = tpu.memref_slice %arg4[%mul3A_1159, %dma_start3A_1171] : memref<1000000x64xf32, #tpu.memory_space<hbm>> -> memref<8x64xf32, #tpu.memory_space<hbm>>
      tpu.enqueue_dma source(%dma_start3A_1172 : memref<8x64xf32, #tpu.memory_space<hbm>>) target(%dma_start3A_1170 : memref<8x64xf32, #tpu.memory_space<vmem>>) target_semaphore(%arg17 : memref<!tpu.dma_semaphore, #tpu.memory_space<semaphore_mem>>)
      %mul3A_1173 = arith.constant 8 : i32
      %mul3A_1174 = arith.muli %shift_right_arithmetic3A_1157, %mul3A_1173 : i32
      %dma_start3A_1175 = arith.constant 27 : i32
      %dma_start3A_1176 = arith.constant 0 : i32
      %dma_start3A_1177 = arith.constant 0 : i32
      %dma_start3A_1178 = tpu.memref_slice %arg12[%dma_start3A_1175, %dma_start3A_1176, %dma_start3A_1177] : memref<32x8x64xf32, #tpu.memory_space<vmem>> -> memref<1x8x64xf32, #tpu.memory_space<vmem>>
      %dma_start3A_1179 = tpu.memref_squeeze %dma_start3A_1178 : memref<1x8x64xf32, #tpu.memory_space<vmem>> -> memref<8x64xf32, #tpu.memory_space<vmem>>
      %dma_start3A_1180 = arith.constant 0 : i32
      %dma_start3A_1181 = tpu.memref_slice %arg5[%mul3A_1174, %dma_start3A_1180] : memref<1000000x64xf32, #tpu.memory_space<hbm>> -> memref<8x64xf32, #tpu.memory_space<hbm>>
      %dma_start3A_1182 = arith.constant 0 : i32
      %dma_start3A_1183 = arith.constant 0 : i32
      %dma_start3A_1184 = tpu.memref_slice %arg12[%dma_start3A_1175, %dma_start3A_1182, %dma_start3A_1183] : memref<32x8x64xf32, #tpu.memory_space<vmem>> -> memref<1x8x64xf32, #tpu.memory_space<vmem>>
      %dma_start3A_1185 = tpu.memref_squeeze %dma_start3A_1184 : memref<1x8x64xf32, #tpu.memory_space<vmem>> -> memref<8x64xf32, #tpu.memory_space<vmem>>
      %dma_start3A_1186 = arith.constant 0 : i32
      %dma_start3A_1187 = tpu.memref_slice %arg5[%mul3A_1174, %dma_start3A_1186] : memref<1000000x64xf32, #tpu.memory_space<hbm>> -> memref<8x64xf32, #tpu.memory_space<hbm>>
      tpu.enqueue_dma source(%dma_start3A_1187 : memref<8x64xf32, #tpu.memory_space<hbm>>) target(%dma_start3A_1185 : memref<8x64xf32, #tpu.memory_space<vmem>>) target_semaphore(%arg18 : memref<!tpu.dma_semaphore, #tpu.memory_space<semaphore_mem>>)
      %add3A_1188 = arith.constant 28 : i32
      %add3A_1189 = arith.addi %mul3A_14, %add3A_1188 : i32
      %get3A_1190 = arith.index_cast %add3A_1189 : i32 to index
      %get3A_1191 = memref.load %arg7[%get3A_1190] : memref<512xi32, #tpu.memory_space<smem>>
      %shift_right_arithmetic3A_1192 = arith.constant 3 : i32
      %shift_right_arithmetic3A_1193 = arith.shrsi %get3A_1191, %shift_right_arithmetic3A_1192 : i32
      %add3A_1194 = arith.constant 28 : i32
      %add3A_1195 = arith.addi %mul3A_14, %add3A_1194 : i32
      %get3A_1196 = arith.index_cast %add3A_1195 : i32 to index
      %get3A_1197 = memref.load %arg8[%get3A_1196] : memref<512xi32, #tpu.memory_space<smem>>
      %shift_right_arithmetic3A_1198 = arith.constant 3 : i32
      %shift_right_arithmetic3A_1199 = arith.shrsi %get3A_1197, %shift_right_arithmetic3A_1198 : i32
      %mul3A_1200 = arith.constant 8 : i32
      %mul3A_1201 = arith.muli %shift_right_arithmetic3A_1193, %mul3A_1200 : i32
      %dma_start3A_1202 = arith.constant 28 : i32
      %dma_start3A_1203 = arith.constant 0 : i32
      %dma_start3A_1204 = arith.constant 0 : i32
      %dma_start3A_1205 = tpu.memref_slice %arg11[%dma_start3A_1202, %dma_start3A_1203, %dma_start3A_1204] : memref<32x8x64xf32, #tpu.memory_space<vmem>> -> memref<1x8x64xf32, #tpu.memory_space<vmem>>
      %dma_start3A_1206 = tpu.memref_squeeze %dma_start3A_1205 : memref<1x8x64xf32, #tpu.memory_space<vmem>> -> memref<8x64xf32, #tpu.memory_space<vmem>>
      %dma_start3A_1207 = arith.constant 0 : i32
      %dma_start3A_1208 = tpu.memref_slice %arg4[%mul3A_1201, %dma_start3A_1207] : memref<1000000x64xf32, #tpu.memory_space<hbm>> -> memref<8x64xf32, #tpu.memory_space<hbm>>
      %dma_start3A_1209 = arith.constant 0 : i32
      %dma_start3A_1210 = arith.constant 0 : i32
      %dma_start3A_1211 = tpu.memref_slice %arg11[%dma_start3A_1202, %dma_start3A_1209, %dma_start3A_1210] : memref<32x8x64xf32, #tpu.memory_space<vmem>> -> memref<1x8x64xf32, #tpu.memory_space<vmem>>
      %dma_start3A_1212 = tpu.memref_squeeze %dma_start3A_1211 : memref<1x8x64xf32, #tpu.memory_space<vmem>> -> memref<8x64xf32, #tpu.memory_space<vmem>>
      %dma_start3A_1213 = arith.constant 0 : i32
      %dma_start3A_1214 = tpu.memref_slice %arg4[%mul3A_1201, %dma_start3A_1213] : memref<1000000x64xf32, #tpu.memory_space<hbm>> -> memref<8x64xf32, #tpu.memory_space<hbm>>
      tpu.enqueue_dma source(%dma_start3A_1214 : memref<8x64xf32, #tpu.memory_space<hbm>>) target(%dma_start3A_1212 : memref<8x64xf32, #tpu.memory_space<vmem>>) target_semaphore(%arg15 : memref<!tpu.dma_semaphore, #tpu.memory_space<semaphore_mem>>)
      %mul3A_1215 = arith.constant 8 : i32
      %mul3A_1216 = arith.muli %shift_right_arithmetic3A_1199, %mul3A_1215 : i32
      %dma_start3A_1217 = arith.constant 28 : i32
      %dma_start3A_1218 = arith.constant 0 : i32
      %dma_start3A_1219 = arith.constant 0 : i32
      %dma_start3A_1220 = tpu.memref_slice %arg12[%dma_start3A_1217, %dma_start3A_1218, %dma_start3A_1219] : memref<32x8x64xf32, #tpu.memory_space<vmem>> -> memref<1x8x64xf32, #tpu.memory_space<vmem>>
      %dma_start3A_1221 = tpu.memref_squeeze %dma_start3A_1220 : memref<1x8x64xf32, #tpu.memory_space<vmem>> -> memref<8x64xf32, #tpu.memory_space<vmem>>
      %dma_start3A_1222 = arith.constant 0 : i32
      %dma_start3A_1223 = tpu.memref_slice %arg5[%mul3A_1216, %dma_start3A_1222] : memref<1000000x64xf32, #tpu.memory_space<hbm>> -> memref<8x64xf32, #tpu.memory_space<hbm>>
      %dma_start3A_1224 = arith.constant 0 : i32
      %dma_start3A_1225 = arith.constant 0 : i32
      %dma_start3A_1226 = tpu.memref_slice %arg12[%dma_start3A_1217, %dma_start3A_1224, %dma_start3A_1225] : memref<32x8x64xf32, #tpu.memory_space<vmem>> -> memref<1x8x64xf32, #tpu.memory_space<vmem>>
      %dma_start3A_1227 = tpu.memref_squeeze %dma_start3A_1226 : memref<1x8x64xf32, #tpu.memory_space<vmem>> -> memref<8x64xf32, #tpu.memory_space<vmem>>
      %dma_start3A_1228 = arith.constant 0 : i32
      %dma_start3A_1229 = tpu.memref_slice %arg5[%mul3A_1216, %dma_start3A_1228] : memref<1000000x64xf32, #tpu.memory_space<hbm>> -> memref<8x64xf32, #tpu.memory_space<hbm>>
      tpu.enqueue_dma source(%dma_start3A_1229 : memref<8x64xf32, #tpu.memory_space<hbm>>) target(%dma_start3A_1227 : memref<8x64xf32, #tpu.memory_space<vmem>>) target_semaphore(%arg16 : memref<!tpu.dma_semaphore, #tpu.memory_space<semaphore_mem>>)
      %add3A_1230 = arith.constant 29 : i32
      %add3A_1231 = arith.addi %mul3A_14, %add3A_1230 : i32
      %get3A_1232 = arith.index_cast %add3A_1231 : i32 to index
      %get3A_1233 = memref.load %arg7[%get3A_1232] : memref<512xi32, #tpu.memory_space<smem>>
      %shift_right_arithmetic3A_1234 = arith.constant 3 : i32
      %shift_right_arithmetic3A_1235 = arith.shrsi %get3A_1233, %shift_right_arithmetic3A_1234 : i32
      %add3A_1236 = arith.constant 29 : i32
      %add3A_1237 = arith.addi %mul3A_14, %add3A_1236 : i32
      %get3A_1238 = arith.index_cast %add3A_1237 : i32 to index
      %get3A_1239 = memref.load %arg8[%get3A_1238] : memref<512xi32, #tpu.memory_space<smem>>
      %shift_right_arithmetic3A_1240 = arith.constant 3 : i32
      %shift_right_arithmetic3A_1241 = arith.shrsi %get3A_1239, %shift_right_arithmetic3A_1240 : i32
      %mul3A_1242 = arith.constant 8 : i32
      %mul3A_1243 = arith.muli %shift_right_arithmetic3A_1235, %mul3A_1242 : i32
      %dma_start3A_1244 = arith.constant 29 : i32
      %dma_start3A_1245 = arith.constant 0 : i32
      %dma_start3A_1246 = arith.constant 0 : i32
      %dma_start3A_1247 = tpu.memref_slice %arg11[%dma_start3A_1244, %dma_start3A_1245, %dma_start3A_1246] : memref<32x8x64xf32, #tpu.memory_space<vmem>> -> memref<1x8x64xf32, #tpu.memory_space<vmem>>
      %dma_start3A_1248 = tpu.memref_squeeze %dma_start3A_1247 : memref<1x8x64xf32, #tpu.memory_space<vmem>> -> memref<8x64xf32, #tpu.memory_space<vmem>>
      %dma_start3A_1249 = arith.constant 0 : i32
      %dma_start3A_1250 = tpu.memref_slice %arg4[%mul3A_1243, %dma_start3A_1249] : memref<1000000x64xf32, #tpu.memory_space<hbm>> -> memref<8x64xf32, #tpu.memory_space<hbm>>
      %dma_start3A_1251 = arith.constant 0 : i32
      %dma_start3A_1252 = arith.constant 0 : i32
      %dma_start3A_1253 = tpu.memref_slice %arg11[%dma_start3A_1244, %dma_start3A_1251, %dma_start3A_1252] : memref<32x8x64xf32, #tpu.memory_space<vmem>> -> memref<1x8x64xf32, #tpu.memory_space<vmem>>
      %dma_start3A_1254 = tpu.memref_squeeze %dma_start3A_1253 : memref<1x8x64xf32, #tpu.memory_space<vmem>> -> memref<8x64xf32, #tpu.memory_space<vmem>>
      %dma_start3A_1255 = arith.constant 0 : i32
      %dma_start3A_1256 = tpu.memref_slice %arg4[%mul3A_1243, %dma_start3A_1255] : memref<1000000x64xf32, #tpu.memory_space<hbm>> -> memref<8x64xf32, #tpu.memory_space<hbm>>
      tpu.enqueue_dma source(%dma_start3A_1256 : memref<8x64xf32, #tpu.memory_space<hbm>>) target(%dma_start3A_1254 : memref<8x64xf32, #tpu.memory_space<vmem>>) target_semaphore(%arg17 : memref<!tpu.dma_semaphore, #tpu.memory_space<semaphore_mem>>)
      %mul3A_1257 = arith.constant 8 : i32
      %mul3A_1258 = arith.muli %shift_right_arithmetic3A_1241, %mul3A_1257 : i32
      %dma_start3A_1259 = arith.constant 29 : i32
      %dma_start3A_1260 = arith.constant 0 : i32
      %dma_start3A_1261 = arith.constant 0 : i32
      %dma_start3A_1262 = tpu.memref_slice %arg12[%dma_start3A_1259, %dma_start3A_1260, %dma_start3A_1261] : memref<32x8x64xf32, #tpu.memory_space<vmem>> -> memref<1x8x64xf32, #tpu.memory_space<vmem>>
      %dma_start3A_1263 = tpu.memref_squeeze %dma_start3A_1262 : memref<1x8x64xf32, #tpu.memory_space<vmem>> -> memref<8x64xf32, #tpu.memory_space<vmem>>
      %dma_start3A_1264 = arith.constant 0 : i32
      %dma_start3A_1265 = tpu.memref_slice %arg5[%mul3A_1258, %dma_start3A_1264] : memref<1000000x64xf32, #tpu.memory_space<hbm>> -> memref<8x64xf32, #tpu.memory_space<hbm>>
      %dma_start3A_1266 = arith.constant 0 : i32
      %dma_start3A_1267 = arith.constant 0 : i32
      %dma_start3A_1268 = tpu.memref_slice %arg12[%dma_start3A_1259, %dma_start3A_1266, %dma_start3A_1267] : memref<32x8x64xf32, #tpu.memory_space<vmem>> -> memref<1x8x64xf32, #tpu.memory_space<vmem>>
      %dma_start3A_1269 = tpu.memref_squeeze %dma_start3A_1268 : memref<1x8x64xf32, #tpu.memory_space<vmem>> -> memref<8x64xf32, #tpu.memory_space<vmem>>
      %dma_start3A_1270 = arith.constant 0 : i32
      %dma_start3A_1271 = tpu.memref_slice %arg5[%mul3A_1258, %dma_start3A_1270] : memref<1000000x64xf32, #tpu.memory_space<hbm>> -> memref<8x64xf32, #tpu.memory_space<hbm>>
      tpu.enqueue_dma source(%dma_start3A_1271 : memref<8x64xf32, #tpu.memory_space<hbm>>) target(%dma_start3A_1269 : memref<8x64xf32, #tpu.memory_space<vmem>>) target_semaphore(%arg18 : memref<!tpu.dma_semaphore, #tpu.memory_space<semaphore_mem>>)
      %add3A_1272 = arith.constant 30 : i32
      %add3A_1273 = arith.addi %mul3A_14, %add3A_1272 : i32
      %get3A_1274 = arith.index_cast %add3A_1273 : i32 to index
      %get3A_1275 = memref.load %arg7[%get3A_1274] : memref<512xi32, #tpu.memory_space<smem>>
      %shift_right_arithmetic3A_1276 = arith.constant 3 : i32
      %shift_right_arithmetic3A_1277 = arith.shrsi %get3A_1275, %shift_right_arithmetic3A_1276 : i32
      %add3A_1278 = arith.constant 30 : i32
      %add3A_1279 = arith.addi %mul3A_14, %add3A_1278 : i32
      %get3A_1280 = arith.index_cast %add3A_1279 : i32 to index
      %get3A_1281 = memref.load %arg8[%get3A_1280] : memref<512xi32, #tpu.memory_space<smem>>
      %shift_right_arithmetic3A_1282 = arith.constant 3 : i32
      %shift_right_arithmetic3A_1283 = arith.shrsi %get3A_1281, %shift_right_arithmetic3A_1282 : i32
      %mul3A_1284 = arith.constant 8 : i32
      %mul3A_1285 = arith.muli %shift_right_arithmetic3A_1277, %mul3A_1284 : i32
      %dma_start3A_1286 = arith.constant 30 : i32
      %dma_start3A_1287 = arith.constant 0 : i32
      %dma_start3A_1288 = arith.constant 0 : i32
      %dma_start3A_1289 = tpu.memref_slice %arg11[%dma_start3A_1286, %dma_start3A_1287, %dma_start3A_1288] : memref<32x8x64xf32, #tpu.memory_space<vmem>> -> memref<1x8x64xf32, #tpu.memory_space<vmem>>
      %dma_start3A_1290 = tpu.memref_squeeze %dma_start3A_1289 : memref<1x8x64xf32, #tpu.memory_space<vmem>> -> memref<8x64xf32, #tpu.memory_space<vmem>>
      %dma_start3A_1291 = arith.constant 0 : i32
      %dma_start3A_1292 = tpu.memref_slice %arg4[%mul3A_1285, %dma_start3A_1291] : memref<1000000x64xf32, #tpu.memory_space<hbm>> -> memref<8x64xf32, #tpu.memory_space<hbm>>
      %dma_start3A_1293 = arith.constant 0 : i32
      %dma_start3A_1294 = arith.constant 0 : i32
      %dma_start3A_1295 = tpu.memref_slice %arg11[%dma_start3A_1286, %dma_start3A_1293, %dma_start3A_1294] : memref<32x8x64xf32, #tpu.memory_space<vmem>> -> memref<1x8x64xf32, #tpu.memory_space<vmem>>
      %dma_start3A_1296 = tpu.memref_squeeze %dma_start3A_1295 : memref<1x8x64xf32, #tpu.memory_space<vmem>> -> memref<8x64xf32, #tpu.memory_space<vmem>>
      %dma_start3A_1297 = arith.constant 0 : i32
      %dma_start3A_1298 = tpu.memref_slice %arg4[%mul3A_1285, %dma_start3A_1297] : memref<1000000x64xf32, #tpu.memory_space<hbm>> -> memref<8x64xf32, #tpu.memory_space<hbm>>
      tpu.enqueue_dma source(%dma_start3A_1298 : memref<8x64xf32, #tpu.memory_space<hbm>>) target(%dma_start3A_1296 : memref<8x64xf32, #tpu.memory_space<vmem>>) target_semaphore(%arg15 : memref<!tpu.dma_semaphore, #tpu.memory_space<semaphore_mem>>)
      %mul3A_1299 = arith.constant 8 : i32
      %mul3A_1300 = arith.muli %shift_right_arithmetic3A_1283, %mul3A_1299 : i32
      %dma_start3A_1301 = arith.constant 30 : i32
      %dma_start3A_1302 = arith.constant 0 : i32
      %dma_start3A_1303 = arith.constant 0 : i32
      %dma_start3A_1304 = tpu.memref_slice %arg12[%dma_start3A_1301, %dma_start3A_1302, %dma_start3A_1303] : memref<32x8x64xf32, #tpu.memory_space<vmem>> -> memref<1x8x64xf32, #tpu.memory_space<vmem>>
      %dma_start3A_1305 = tpu.memref_squeeze %dma_start3A_1304 : memref<1x8x64xf32, #tpu.memory_space<vmem>> -> memref<8x64xf32, #tpu.memory_space<vmem>>
      %dma_start3A_1306 = arith.constant 0 : i32
      %dma_start3A_1307 = tpu.memref_slice %arg5[%mul3A_1300, %dma_start3A_1306] : memref<1000000x64xf32, #tpu.memory_space<hbm>> -> memref<8x64xf32, #tpu.memory_space<hbm>>
      %dma_start3A_1308 = arith.constant 0 : i32
      %dma_start3A_1309 = arith.constant 0 : i32
      %dma_start3A_1310 = tpu.memref_slice %arg12[%dma_start3A_1301, %dma_start3A_1308, %dma_start3A_1309] : memref<32x8x64xf32, #tpu.memory_space<vmem>> -> memref<1x8x64xf32, #tpu.memory_space<vmem>>
      %dma_start3A_1311 = tpu.memref_squeeze %dma_start3A_1310 : memref<1x8x64xf32, #tpu.memory_space<vmem>> -> memref<8x64xf32, #tpu.memory_space<vmem>>
      %dma_start3A_1312 = arith.constant 0 : i32
      %dma_start3A_1313 = tpu.memref_slice %arg5[%mul3A_1300, %dma_start3A_1312] : memref<1000000x64xf32, #tpu.memory_space<hbm>> -> memref<8x64xf32, #tpu.memory_space<hbm>>
      tpu.enqueue_dma source(%dma_start3A_1313 : memref<8x64xf32, #tpu.memory_space<hbm>>) target(%dma_start3A_1311 : memref<8x64xf32, #tpu.memory_space<vmem>>) target_semaphore(%arg16 : memref<!tpu.dma_semaphore, #tpu.memory_space<semaphore_mem>>)
      %add3A_1314 = arith.constant 31 : i32
      %add3A_1315 = arith.addi %mul3A_14, %add3A_1314 : i32
      %get3A_1316 = arith.index_cast %add3A_1315 : i32 to index
      %get3A_1317 = memref.load %arg7[%get3A_1316] : memref<512xi32, #tpu.memory_space<smem>>
      %shift_right_arithmetic3A_1318 = arith.constant 3 : i32
      %shift_right_arithmetic3A_1319 = arith.shrsi %get3A_1317, %shift_right_arithmetic3A_1318 : i32
      %add3A_1320 = arith.constant 31 : i32
      %add3A_1321 = arith.addi %mul3A_14, %add3A_1320 : i32
      %get3A_1322 = arith.index_cast %add3A_1321 : i32 to index
      %get3A_1323 = memref.load %arg8[%get3A_1322] : memref<512xi32, #tpu.memory_space<smem>>
      %shift_right_arithmetic3A_1324 = arith.constant 3 : i32
      %shift_right_arithmetic3A_1325 = arith.shrsi %get3A_1323, %shift_right_arithmetic3A_1324 : i32
      %mul3A_1326 = arith.constant 8 : i32
      %mul3A_1327 = arith.muli %shift_right_arithmetic3A_1319, %mul3A_1326 : i32
      %dma_start3A_1328 = arith.constant 31 : i32
      %dma_start3A_1329 = arith.constant 0 : i32
      %dma_start3A_1330 = arith.constant 0 : i32
      %dma_start3A_1331 = tpu.memref_slice %arg11[%dma_start3A_1328, %dma_start3A_1329, %dma_start3A_1330] : memref<32x8x64xf32, #tpu.memory_space<vmem>> -> memref<1x8x64xf32, #tpu.memory_space<vmem>>
      %dma_start3A_1332 = tpu.memref_squeeze %dma_start3A_1331 : memref<1x8x64xf32, #tpu.memory_space<vmem>> -> memref<8x64xf32, #tpu.memory_space<vmem>>
      %dma_start3A_1333 = arith.constant 0 : i32
      %dma_start3A_1334 = tpu.memref_slice %arg4[%mul3A_1327, %dma_start3A_1333] : memref<1000000x64xf32, #tpu.memory_space<hbm>> -> memref<8x64xf32, #tpu.memory_space<hbm>>
      %dma_start3A_1335 = arith.constant 0 : i32
      %dma_start3A_1336 = arith.constant 0 : i32
      %dma_start3A_1337 = tpu.memref_slice %arg11[%dma_start3A_1328, %dma_start3A_1335, %dma_start3A_1336] : memref<32x8x64xf32, #tpu.memory_space<vmem>> -> memref<1x8x64xf32, #tpu.memory_space<vmem>>
      %dma_start3A_1338 = tpu.memref_squeeze %dma_start3A_1337 : memref<1x8x64xf32, #tpu.memory_space<vmem>> -> memref<8x64xf32, #tpu.memory_space<vmem>>
      %dma_start3A_1339 = arith.constant 0 : i32
      %dma_start3A_1340 = tpu.memref_slice %arg4[%mul3A_1327, %dma_start3A_1339] : memref<1000000x64xf32, #tpu.memory_space<hbm>> -> memref<8x64xf32, #tpu.memory_space<hbm>>
      tpu.enqueue_dma source(%dma_start3A_1340 : memref<8x64xf32, #tpu.memory_space<hbm>>) target(%dma_start3A_1338 : memref<8x64xf32, #tpu.memory_space<vmem>>) target_semaphore(%arg17 : memref<!tpu.dma_semaphore, #tpu.memory_space<semaphore_mem>>)
      %mul3A_1341 = arith.constant 8 : i32
      %mul3A_1342 = arith.muli %shift_right_arithmetic3A_1325, %mul3A_1341 : i32
      %dma_start3A_1343 = arith.constant 31 : i32
      %dma_start3A_1344 = arith.constant 0 : i32
      %dma_start3A_1345 = arith.constant 0 : i32
      %dma_start3A_1346 = tpu.memref_slice %arg12[%dma_start3A_1343, %dma_start3A_1344, %dma_start3A_1345] : memref<32x8x64xf32, #tpu.memory_space<vmem>> -> memref<1x8x64xf32, #tpu.memory_space<vmem>>
      %dma_start3A_1347 = tpu.memref_squeeze %dma_start3A_1346 : memref<1x8x64xf32, #tpu.memory_space<vmem>> -> memref<8x64xf32, #tpu.memory_space<vmem>>
      %dma_start3A_1348 = arith.constant 0 : i32
      %dma_start3A_1349 = tpu.memref_slice %arg5[%mul3A_1342, %dma_start3A_1348] : memref<1000000x64xf32, #tpu.memory_space<hbm>> -> memref<8x64xf32, #tpu.memory_space<hbm>>
      %dma_start3A_1350 = arith.constant 0 : i32
      %dma_start3A_1351 = arith.constant 0 : i32
      %dma_start3A_1352 = tpu.memref_slice %arg12[%dma_start3A_1343, %dma_start3A_1350, %dma_start3A_1351] : memref<32x8x64xf32, #tpu.memory_space<vmem>> -> memref<1x8x64xf32, #tpu.memory_space<vmem>>
      %dma_start3A_1353 = tpu.memref_squeeze %dma_start3A_1352 : memref<1x8x64xf32, #tpu.memory_space<vmem>> -> memref<8x64xf32, #tpu.memory_space<vmem>>
      %dma_start3A_1354 = arith.constant 0 : i32
      %dma_start3A_1355 = tpu.memref_slice %arg5[%mul3A_1342, %dma_start3A_1354] : memref<1000000x64xf32, #tpu.memory_space<hbm>> -> memref<8x64xf32, #tpu.memory_space<hbm>>
      tpu.enqueue_dma source(%dma_start3A_1355 : memref<8x64xf32, #tpu.memory_space<hbm>>) target(%dma_start3A_1353 : memref<8x64xf32, #tpu.memory_space<vmem>>) target_semaphore(%arg18 : memref<!tpu.dma_semaphore, #tpu.memory_space<semaphore_mem>>)
      %dma_wait3A = arith.constant 0 : i32
      %dma_wait3A_1356 = arith.constant 0 : i32
      %dma_wait3A_1357 = arith.constant 0 : i32
      %dma_wait3A_1358 = tpu.memref_slice %arg11[%dma_wait3A, %dma_wait3A_1356, %dma_wait3A_1357] : memref<32x8x64xf32, #tpu.memory_space<vmem>> -> memref<1x8x64xf32, #tpu.memory_space<vmem>>
      %dma_wait3A_1359 = tpu.memref_squeeze %dma_wait3A_1358 : memref<1x8x64xf32, #tpu.memory_space<vmem>> -> memref<8x64xf32, #tpu.memory_space<vmem>>
      %dma_wait3A_1360 = arith.constant 0 : i32
      %dma_wait3A_1361 = tpu.memref_slice %arg4[%mul3A_26, %dma_wait3A_1360] : memref<1000000x64xf32, #tpu.memory_space<hbm>> -> memref<8x64xf32, #tpu.memory_space<hbm>>
      %dma_wait3A_1362 = arith.constant 0 : i32
      %dma_wait3A_1363 = arith.constant 0 : i32
      %dma_wait3A_1364 = tpu.memref_slice %arg11[%dma_wait3A, %dma_wait3A_1362, %dma_wait3A_1363] : memref<32x8x64xf32, #tpu.memory_space<vmem>> -> memref<1x8x64xf32, #tpu.memory_space<vmem>>
      %dma_wait3A_1365 = tpu.memref_squeeze %dma_wait3A_1364 : memref<1x8x64xf32, #tpu.memory_space<vmem>> -> memref<8x64xf32, #tpu.memory_space<vmem>>
      %dma_wait3A_1366 = arith.constant 0 : i32
      %dma_wait3A_1367 = tpu.memref_slice %arg4[%mul3A_26, %dma_wait3A_1366] : memref<1000000x64xf32, #tpu.memory_space<hbm>> -> memref<8x64xf32, #tpu.memory_space<hbm>>
      tpu.wait_dma2 semaphore(%arg15 : memref<!tpu.dma_semaphore, #tpu.memory_space<semaphore_mem>>) src(%dma_wait3A_1367 : memref<8x64xf32, #tpu.memory_space<hbm>>) dst(%dma_wait3A_1365 : memref<8x64xf32, #tpu.memory_space<vmem>>)
      %dma_wait3A_1368 = arith.constant 0 : i32
      %dma_wait3A_1369 = arith.constant 0 : i32
      %dma_wait3A_1370 = arith.constant 0 : i32
      %dma_wait3A_1371 = tpu.memref_slice %arg12[%dma_wait3A_1368, %dma_wait3A_1369, %dma_wait3A_1370] : memref<32x8x64xf32, #tpu.memory_space<vmem>> -> memref<1x8x64xf32, #tpu.memory_space<vmem>>
      %dma_wait3A_1372 = tpu.memref_squeeze %dma_wait3A_1371 : memref<1x8x64xf32, #tpu.memory_space<vmem>> -> memref<8x64xf32, #tpu.memory_space<vmem>>
      %dma_wait3A_1373 = arith.constant 0 : i32
      %dma_wait3A_1374 = tpu.memref_slice %arg5[%mul3A_40, %dma_wait3A_1373] : memref<1000000x64xf32, #tpu.memory_space<hbm>> -> memref<8x64xf32, #tpu.memory_space<hbm>>
      %dma_wait3A_1375 = arith.constant 0 : i32
      %dma_wait3A_1376 = arith.constant 0 : i32
      %dma_wait3A_1377 = tpu.memref_slice %arg12[%dma_wait3A_1368, %dma_wait3A_1375, %dma_wait3A_1376] : memref<32x8x64xf32, #tpu.memory_space<vmem>> -> memref<1x8x64xf32, #tpu.memory_space<vmem>>
      %dma_wait3A_1378 = tpu.memref_squeeze %dma_wait3A_1377 : memref<1x8x64xf32, #tpu.memory_space<vmem>> -> memref<8x64xf32, #tpu.memory_space<vmem>>
      %dma_wait3A_1379 = arith.constant 0 : i32
      %dma_wait3A_1380 = tpu.memref_slice %arg5[%mul3A_40, %dma_wait3A_1379] : memref<1000000x64xf32, #tpu.memory_space<hbm>> -> memref<8x64xf32, #tpu.memory_space<hbm>>
      tpu.wait_dma2 semaphore(%arg16 : memref<!tpu.dma_semaphore, #tpu.memory_space<semaphore_mem>>) src(%dma_wait3A_1380 : memref<8x64xf32, #tpu.memory_space<hbm>>) dst(%dma_wait3A_1378 : memref<8x64xf32, #tpu.memory_space<vmem>>)
      %dma_wait3A_1381 = arith.constant 1 : i32
      %dma_wait3A_1382 = arith.constant 0 : i32
      %dma_wait3A_1383 = arith.constant 0 : i32
      %dma_wait3A_1384 = tpu.memref_slice %arg11[%dma_wait3A_1381, %dma_wait3A_1382, %dma_wait3A_1383] : memref<32x8x64xf32, #tpu.memory_space<vmem>> -> memref<1x8x64xf32, #tpu.memory_space<vmem>>
      %dma_wait3A_1385 = tpu.memref_squeeze %dma_wait3A_1384 : memref<1x8x64xf32, #tpu.memory_space<vmem>> -> memref<8x64xf32, #tpu.memory_space<vmem>>
      %dma_wait3A_1386 = arith.constant 0 : i32
      %dma_wait3A_1387 = tpu.memref_slice %arg4[%mul3A_67, %dma_wait3A_1386] : memref<1000000x64xf32, #tpu.memory_space<hbm>> -> memref<8x64xf32, #tpu.memory_space<hbm>>
      %dma_wait3A_1388 = arith.constant 0 : i32
      %dma_wait3A_1389 = arith.constant 0 : i32
      %dma_wait3A_1390 = tpu.memref_slice %arg11[%dma_wait3A_1381, %dma_wait3A_1388, %dma_wait3A_1389] : memref<32x8x64xf32, #tpu.memory_space<vmem>> -> memref<1x8x64xf32, #tpu.memory_space<vmem>>
      %dma_wait3A_1391 = tpu.memref_squeeze %dma_wait3A_1390 : memref<1x8x64xf32, #tpu.memory_space<vmem>> -> memref<8x64xf32, #tpu.memory_space<vmem>>
      %dma_wait3A_1392 = arith.constant 0 : i32
      %dma_wait3A_1393 = tpu.memref_slice %arg4[%mul3A_67, %dma_wait3A_1392] : memref<1000000x64xf32, #tpu.memory_space<hbm>> -> memref<8x64xf32, #tpu.memory_space<hbm>>
      tpu.wait_dma2 semaphore(%arg17 : memref<!tpu.dma_semaphore, #tpu.memory_space<semaphore_mem>>) src(%dma_wait3A_1393 : memref<8x64xf32, #tpu.memory_space<hbm>>) dst(%dma_wait3A_1391 : memref<8x64xf32, #tpu.memory_space<vmem>>)
      %dma_wait3A_1394 = arith.constant 1 : i32
      %dma_wait3A_1395 = arith.constant 0 : i32
      %dma_wait3A_1396 = arith.constant 0 : i32
      %dma_wait3A_1397 = tpu.memref_slice %arg12[%dma_wait3A_1394, %dma_wait3A_1395, %dma_wait3A_1396] : memref<32x8x64xf32, #tpu.memory_space<vmem>> -> memref<1x8x64xf32, #tpu.memory_space<vmem>>
      %dma_wait3A_1398 = tpu.memref_squeeze %dma_wait3A_1397 : memref<1x8x64xf32, #tpu.memory_space<vmem>> -> memref<8x64xf32, #tpu.memory_space<vmem>>
      %dma_wait3A_1399 = arith.constant 0 : i32
      %dma_wait3A_1400 = tpu.memref_slice %arg5[%mul3A_82, %dma_wait3A_1399] : memref<1000000x64xf32, #tpu.memory_space<hbm>> -> memref<8x64xf32, #tpu.memory_space<hbm>>
      %dma_wait3A_1401 = arith.constant 0 : i32
      %dma_wait3A_1402 = arith.constant 0 : i32
      %dma_wait3A_1403 = tpu.memref_slice %arg12[%dma_wait3A_1394, %dma_wait3A_1401, %dma_wait3A_1402] : memref<32x8x64xf32, #tpu.memory_space<vmem>> -> memref<1x8x64xf32, #tpu.memory_space<vmem>>
      %dma_wait3A_1404 = tpu.memref_squeeze %dma_wait3A_1403 : memref<1x8x64xf32, #tpu.memory_space<vmem>> -> memref<8x64xf32, #tpu.memory_space<vmem>>
      %dma_wait3A_1405 = arith.constant 0 : i32
      %dma_wait3A_1406 = tpu.memref_slice %arg5[%mul3A_82, %dma_wait3A_1405] : memref<1000000x64xf32, #tpu.memory_space<hbm>> -> memref<8x64xf32, #tpu.memory_space<hbm>>
      tpu.wait_dma2 semaphore(%arg18 : memref<!tpu.dma_semaphore, #tpu.memory_space<semaphore_mem>>) src(%dma_wait3A_1406 : memref<8x64xf32, #tpu.memory_space<hbm>>) dst(%dma_wait3A_1404 : memref<8x64xf32, #tpu.memory_space<vmem>>)
      %dma_wait3A_1407 = arith.constant 2 : i32
      %dma_wait3A_1408 = arith.constant 0 : i32
      %dma_wait3A_1409 = arith.constant 0 : i32
      %dma_wait3A_1410 = tpu.memref_slice %arg11[%dma_wait3A_1407, %dma_wait3A_1408, %dma_wait3A_1409] : memref<32x8x64xf32, #tpu.memory_space<vmem>> -> memref<1x8x64xf32, #tpu.memory_space<vmem>>
      %dma_wait3A_1411 = tpu.memref_squeeze %dma_wait3A_1410 : memref<1x8x64xf32, #tpu.memory_space<vmem>> -> memref<8x64xf32, #tpu.memory_space<vmem>>
      %dma_wait3A_1412 = arith.constant 0 : i32
      %dma_wait3A_1413 = tpu.memref_slice %arg4[%mul3A_109, %dma_wait3A_1412] : memref<1000000x64xf32, #tpu.memory_space<hbm>> -> memref<8x64xf32, #tpu.memory_space<hbm>>
      %dma_wait3A_1414 = arith.constant 0 : i32
      %dma_wait3A_1415 = arith.constant 0 : i32
      %dma_wait3A_1416 = tpu.memref_slice %arg11[%dma_wait3A_1407, %dma_wait3A_1414, %dma_wait3A_1415] : memref<32x8x64xf32, #tpu.memory_space<vmem>> -> memref<1x8x64xf32, #tpu.memory_space<vmem>>
      %dma_wait3A_1417 = tpu.memref_squeeze %dma_wait3A_1416 : memref<1x8x64xf32, #tpu.memory_space<vmem>> -> memref<8x64xf32, #tpu.memory_space<vmem>>
      %dma_wait3A_1418 = arith.constant 0 : i32
      %dma_wait3A_1419 = tpu.memref_slice %arg4[%mul3A_109, %dma_wait3A_1418] : memref<1000000x64xf32, #tpu.memory_space<hbm>> -> memref<8x64xf32, #tpu.memory_space<hbm>>
      tpu.wait_dma2 semaphore(%arg15 : memref<!tpu.dma_semaphore, #tpu.memory_space<semaphore_mem>>) src(%dma_wait3A_1419 : memref<8x64xf32, #tpu.memory_space<hbm>>) dst(%dma_wait3A_1417 : memref<8x64xf32, #tpu.memory_space<vmem>>)
      %dma_wait3A_1420 = arith.constant 2 : i32
      %dma_wait3A_1421 = arith.constant 0 : i32
      %dma_wait3A_1422 = arith.constant 0 : i32
      %dma_wait3A_1423 = tpu.memref_slice %arg12[%dma_wait3A_1420, %dma_wait3A_1421, %dma_wait3A_1422] : memref<32x8x64xf32, #tpu.memory_space<vmem>> -> memref<1x8x64xf32, #tpu.memory_space<vmem>>
      %dma_wait3A_1424 = tpu.memref_squeeze %dma_wait3A_1423 : memref<1x8x64xf32, #tpu.memory_space<vmem>> -> memref<8x64xf32, #tpu.memory_space<vmem>>
      %dma_wait3A_1425 = arith.constant 0 : i32
      %dma_wait3A_1426 = tpu.memref_slice %arg5[%mul3A_124, %dma_wait3A_1425] : memref<1000000x64xf32, #tpu.memory_space<hbm>> -> memref<8x64xf32, #tpu.memory_space<hbm>>
      %dma_wait3A_1427 = arith.constant 0 : i32
      %dma_wait3A_1428 = arith.constant 0 : i32
      %dma_wait3A_1429 = tpu.memref_slice %arg12[%dma_wait3A_1420, %dma_wait3A_1427, %dma_wait3A_1428] : memref<32x8x64xf32, #tpu.memory_space<vmem>> -> memref<1x8x64xf32, #tpu.memory_space<vmem>>
      %dma_wait3A_1430 = tpu.memref_squeeze %dma_wait3A_1429 : memref<1x8x64xf32, #tpu.memory_space<vmem>> -> memref<8x64xf32, #tpu.memory_space<vmem>>
      %dma_wait3A_1431 = arith.constant 0 : i32
      %dma_wait3A_1432 = tpu.memref_slice %arg5[%mul3A_124, %dma_wait3A_1431] : memref<1000000x64xf32, #tpu.memory_space<hbm>> -> memref<8x64xf32, #tpu.memory_space<hbm>>
      tpu.wait_dma2 semaphore(%arg16 : memref<!tpu.dma_semaphore, #tpu.memory_space<semaphore_mem>>) src(%dma_wait3A_1432 : memref<8x64xf32, #tpu.memory_space<hbm>>) dst(%dma_wait3A_1430 : memref<8x64xf32, #tpu.memory_space<vmem>>)
      %dma_wait3A_1433 = arith.constant 3 : i32
      %dma_wait3A_1434 = arith.constant 0 : i32
      %dma_wait3A_1435 = arith.constant 0 : i32
      %dma_wait3A_1436 = tpu.memref_slice %arg11[%dma_wait3A_1433, %dma_wait3A_1434, %dma_wait3A_1435] : memref<32x8x64xf32, #tpu.memory_space<vmem>> -> memref<1x8x64xf32, #tpu.memory_space<vmem>>
      %dma_wait3A_1437 = tpu.memref_squeeze %dma_wait3A_1436 : memref<1x8x64xf32, #tpu.memory_space<vmem>> -> memref<8x64xf32, #tpu.memory_space<vmem>>
      %dma_wait3A_1438 = arith.constant 0 : i32
      %dma_wait3A_1439 = tpu.memref_slice %arg4[%mul3A_151, %dma_wait3A_1438] : memref<1000000x64xf32, #tpu.memory_space<hbm>> -> memref<8x64xf32, #tpu.memory_space<hbm>>
      %dma_wait3A_1440 = arith.constant 0 : i32
      %dma_wait3A_1441 = arith.constant 0 : i32
      %dma_wait3A_1442 = tpu.memref_slice %arg11[%dma_wait3A_1433, %dma_wait3A_1440, %dma_wait3A_1441] : memref<32x8x64xf32, #tpu.memory_space<vmem>> -> memref<1x8x64xf32, #tpu.memory_space<vmem>>
      %dma_wait3A_1443 = tpu.memref_squeeze %dma_wait3A_1442 : memref<1x8x64xf32, #tpu.memory_space<vmem>> -> memref<8x64xf32, #tpu.memory_space<vmem>>
      %dma_wait3A_1444 = arith.constant 0 : i32
      %dma_wait3A_1445 = tpu.memref_slice %arg4[%mul3A_151, %dma_wait3A_1444] : memref<1000000x64xf32, #tpu.memory_space<hbm>> -> memref<8x64xf32, #tpu.memory_space<hbm>>
      tpu.wait_dma2 semaphore(%arg17 : memref<!tpu.dma_semaphore, #tpu.memory_space<semaphore_mem>>) src(%dma_wait3A_1445 : memref<8x64xf32, #tpu.memory_space<hbm>>) dst(%dma_wait3A_1443 : memref<8x64xf32, #tpu.memory_space<vmem>>)
      %dma_wait3A_1446 = arith.constant 3 : i32
      %dma_wait3A_1447 = arith.constant 0 : i32
      %dma_wait3A_1448 = arith.constant 0 : i32
      %dma_wait3A_1449 = tpu.memref_slice %arg12[%dma_wait3A_1446, %dma_wait3A_1447, %dma_wait3A_1448] : memref<32x8x64xf32, #tpu.memory_space<vmem>> -> memref<1x8x64xf32, #tpu.memory_space<vmem>>
      %dma_wait3A_1450 = tpu.memref_squeeze %dma_wait3A_1449 : memref<1x8x64xf32, #tpu.memory_space<vmem>> -> memref<8x64xf32, #tpu.memory_space<vmem>>
      %dma_wait3A_1451 = arith.constant 0 : i32
      %dma_wait3A_1452 = tpu.memref_slice %arg5[%mul3A_166, %dma_wait3A_1451] : memref<1000000x64xf32, #tpu.memory_space<hbm>> -> memref<8x64xf32, #tpu.memory_space<hbm>>
      %dma_wait3A_1453 = arith.constant 0 : i32
      %dma_wait3A_1454 = arith.constant 0 : i32
      %dma_wait3A_1455 = tpu.memref_slice %arg12[%dma_wait3A_1446, %dma_wait3A_1453, %dma_wait3A_1454] : memref<32x8x64xf32, #tpu.memory_space<vmem>> -> memref<1x8x64xf32, #tpu.memory_space<vmem>>
      %dma_wait3A_1456 = tpu.memref_squeeze %dma_wait3A_1455 : memref<1x8x64xf32, #tpu.memory_space<vmem>> -> memref<8x64xf32, #tpu.memory_space<vmem>>
      %dma_wait3A_1457 = arith.constant 0 : i32
      %dma_wait3A_1458 = tpu.memref_slice %arg5[%mul3A_166, %dma_wait3A_1457] : memref<1000000x64xf32, #tpu.memory_space<hbm>> -> memref<8x64xf32, #tpu.memory_space<hbm>>
      tpu.wait_dma2 semaphore(%arg18 : memref<!tpu.dma_semaphore, #tpu.memory_space<semaphore_mem>>) src(%dma_wait3A_1458 : memref<8x64xf32, #tpu.memory_space<hbm>>) dst(%dma_wait3A_1456 : memref<8x64xf32, #tpu.memory_space<vmem>>)
      %dma_wait3A_1459 = arith.constant 4 : i32
      %dma_wait3A_1460 = arith.constant 0 : i32
      %dma_wait3A_1461 = arith.constant 0 : i32
      %dma_wait3A_1462 = tpu.memref_slice %arg11[%dma_wait3A_1459, %dma_wait3A_1460, %dma_wait3A_1461] : memref<32x8x64xf32, #tpu.memory_space<vmem>> -> memref<1x8x64xf32, #tpu.memory_space<vmem>>
      %dma_wait3A_1463 = tpu.memref_squeeze %dma_wait3A_1462 : memref<1x8x64xf32, #tpu.memory_space<vmem>> -> memref<8x64xf32, #tpu.memory_space<vmem>>
      %dma_wait3A_1464 = arith.constant 0 : i32
      %dma_wait3A_1465 = tpu.memref_slice %arg4[%mul3A_193, %dma_wait3A_1464] : memref<1000000x64xf32, #tpu.memory_space<hbm>> -> memref<8x64xf32, #tpu.memory_space<hbm>>
      %dma_wait3A_1466 = arith.constant 0 : i32
      %dma_wait3A_1467 = arith.constant 0 : i32
      %dma_wait3A_1468 = tpu.memref_slice %arg11[%dma_wait3A_1459, %dma_wait3A_1466, %dma_wait3A_1467] : memref<32x8x64xf32, #tpu.memory_space<vmem>> -> memref<1x8x64xf32, #tpu.memory_space<vmem>>
      %dma_wait3A_1469 = tpu.memref_squeeze %dma_wait3A_1468 : memref<1x8x64xf32, #tpu.memory_space<vmem>> -> memref<8x64xf32, #tpu.memory_space<vmem>>
      %dma_wait3A_1470 = arith.constant 0 : i32
      %dma_wait3A_1471 = tpu.memref_slice %arg4[%mul3A_193, %dma_wait3A_1470] : memref<1000000x64xf32, #tpu.memory_space<hbm>> -> memref<8x64xf32, #tpu.memory_space<hbm>>
      tpu.wait_dma2 semaphore(%arg15 : memref<!tpu.dma_semaphore, #tpu.memory_space<semaphore_mem>>) src(%dma_wait3A_1471 : memref<8x64xf32, #tpu.memory_space<hbm>>) dst(%dma_wait3A_1469 : memref<8x64xf32, #tpu.memory_space<vmem>>)
      %dma_wait3A_1472 = arith.constant 4 : i32
      %dma_wait3A_1473 = arith.constant 0 : i32
      %dma_wait3A_1474 = arith.constant 0 : i32
      %dma_wait3A_1475 = tpu.memref_slice %arg12[%dma_wait3A_1472, %dma_wait3A_1473, %dma_wait3A_1474] : memref<32x8x64xf32, #tpu.memory_space<vmem>> -> memref<1x8x64xf32, #tpu.memory_space<vmem>>
      %dma_wait3A_1476 = tpu.memref_squeeze %dma_wait3A_1475 : memref<1x8x64xf32, #tpu.memory_space<vmem>> -> memref<8x64xf32, #tpu.memory_space<vmem>>
      %dma_wait3A_1477 = arith.constant 0 : i32
      %dma_wait3A_1478 = tpu.memref_slice %arg5[%mul3A_208, %dma_wait3A_1477] : memref<1000000x64xf32, #tpu.memory_space<hbm>> -> memref<8x64xf32, #tpu.memory_space<hbm>>
      %dma_wait3A_1479 = arith.constant 0 : i32
      %dma_wait3A_1480 = arith.constant 0 : i32
      %dma_wait3A_1481 = tpu.memref_slice %arg12[%dma_wait3A_1472, %dma_wait3A_1479, %dma_wait3A_1480] : memref<32x8x64xf32, #tpu.memory_space<vmem>> -> memref<1x8x64xf32, #tpu.memory_space<vmem>>
      %dma_wait3A_1482 = tpu.memref_squeeze %dma_wait3A_1481 : memref<1x8x64xf32, #tpu.memory_space<vmem>> -> memref<8x64xf32, #tpu.memory_space<vmem>>
      %dma_wait3A_1483 = arith.constant 0 : i32
      %dma_wait3A_1484 = tpu.memref_slice %arg5[%mul3A_208, %dma_wait3A_1483] : memref<1000000x64xf32, #tpu.memory_space<hbm>> -> memref<8x64xf32, #tpu.memory_space<hbm>>
      tpu.wait_dma2 semaphore(%arg16 : memref<!tpu.dma_semaphore, #tpu.memory_space<semaphore_mem>>) src(%dma_wait3A_1484 : memref<8x64xf32, #tpu.memory_space<hbm>>) dst(%dma_wait3A_1482 : memref<8x64xf32, #tpu.memory_space<vmem>>)
      %dma_wait3A_1485 = arith.constant 5 : i32
      %dma_wait3A_1486 = arith.constant 0 : i32
      %dma_wait3A_1487 = arith.constant 0 : i32
      %dma_wait3A_1488 = tpu.memref_slice %arg11[%dma_wait3A_1485, %dma_wait3A_1486, %dma_wait3A_1487] : memref<32x8x64xf32, #tpu.memory_space<vmem>> -> memref<1x8x64xf32, #tpu.memory_space<vmem>>
      %dma_wait3A_1489 = tpu.memref_squeeze %dma_wait3A_1488 : memref<1x8x64xf32, #tpu.memory_space<vmem>> -> memref<8x64xf32, #tpu.memory_space<vmem>>
      %dma_wait3A_1490 = arith.constant 0 : i32
      %dma_wait3A_1491 = tpu.memref_slice %arg4[%mul3A_235, %dma_wait3A_1490] : memref<1000000x64xf32, #tpu.memory_space<hbm>> -> memref<8x64xf32, #tpu.memory_space<hbm>>
      %dma_wait3A_1492 = arith.constant 0 : i32
      %dma_wait3A_1493 = arith.constant 0 : i32
      %dma_wait3A_1494 = tpu.memref_slice %arg11[%dma_wait3A_1485, %dma_wait3A_1492, %dma_wait3A_1493] : memref<32x8x64xf32, #tpu.memory_space<vmem>> -> memref<1x8x64xf32, #tpu.memory_space<vmem>>
      %dma_wait3A_1495 = tpu.memref_squeeze %dma_wait3A_1494 : memref<1x8x64xf32, #tpu.memory_space<vmem>> -> memref<8x64xf32, #tpu.memory_space<vmem>>
      %dma_wait3A_1496 = arith.constant 0 : i32
      %dma_wait3A_1497 = tpu.memref_slice %arg4[%mul3A_235, %dma_wait3A_1496] : memref<1000000x64xf32, #tpu.memory_space<hbm>> -> memref<8x64xf32, #tpu.memory_space<hbm>>
      tpu.wait_dma2 semaphore(%arg17 : memref<!tpu.dma_semaphore, #tpu.memory_space<semaphore_mem>>) src(%dma_wait3A_1497 : memref<8x64xf32, #tpu.memory_space<hbm>>) dst(%dma_wait3A_1495 : memref<8x64xf32, #tpu.memory_space<vmem>>)
      %dma_wait3A_1498 = arith.constant 5 : i32
      %dma_wait3A_1499 = arith.constant 0 : i32
      %dma_wait3A_1500 = arith.constant 0 : i32
      %dma_wait3A_1501 = tpu.memref_slice %arg12[%dma_wait3A_1498, %dma_wait3A_1499, %dma_wait3A_1500] : memref<32x8x64xf32, #tpu.memory_space<vmem>> -> memref<1x8x64xf32, #tpu.memory_space<vmem>>
      %dma_wait3A_1502 = tpu.memref_squeeze %dma_wait3A_1501 : memref<1x8x64xf32, #tpu.memory_space<vmem>> -> memref<8x64xf32, #tpu.memory_space<vmem>>
      %dma_wait3A_1503 = arith.constant 0 : i32
      %dma_wait3A_1504 = tpu.memref_slice %arg5[%mul3A_250, %dma_wait3A_1503] : memref<1000000x64xf32, #tpu.memory_space<hbm>> -> memref<8x64xf32, #tpu.memory_space<hbm>>
      %dma_wait3A_1505 = arith.constant 0 : i32
      %dma_wait3A_1506 = arith.constant 0 : i32
      %dma_wait3A_1507 = tpu.memref_slice %arg12[%dma_wait3A_1498, %dma_wait3A_1505, %dma_wait3A_1506] : memref<32x8x64xf32, #tpu.memory_space<vmem>> -> memref<1x8x64xf32, #tpu.memory_space<vmem>>
      %dma_wait3A_1508 = tpu.memref_squeeze %dma_wait3A_1507 : memref<1x8x64xf32, #tpu.memory_space<vmem>> -> memref<8x64xf32, #tpu.memory_space<vmem>>
      %dma_wait3A_1509 = arith.constant 0 : i32
      %dma_wait3A_1510 = tpu.memref_slice %arg5[%mul3A_250, %dma_wait3A_1509] : memref<1000000x64xf32, #tpu.memory_space<hbm>> -> memref<8x64xf32, #tpu.memory_space<hbm>>
      tpu.wait_dma2 semaphore(%arg18 : memref<!tpu.dma_semaphore, #tpu.memory_space<semaphore_mem>>) src(%dma_wait3A_1510 : memref<8x64xf32, #tpu.memory_space<hbm>>) dst(%dma_wait3A_1508 : memref<8x64xf32, #tpu.memory_space<vmem>>)
      %dma_wait3A_1511 = arith.constant 6 : i32
      %dma_wait3A_1512 = arith.constant 0 : i32
      %dma_wait3A_1513 = arith.constant 0 : i32
      %dma_wait3A_1514 = tpu.memref_slice %arg11[%dma_wait3A_1511, %dma_wait3A_1512, %dma_wait3A_1513] : memref<32x8x64xf32, #tpu.memory_space<vmem>> -> memref<1x8x64xf32, #tpu.memory_space<vmem>>
      %dma_wait3A_1515 = tpu.memref_squeeze %dma_wait3A_1514 : memref<1x8x64xf32, #tpu.memory_space<vmem>> -> memref<8x64xf32, #tpu.memory_space<vmem>>
      %dma_wait3A_1516 = arith.constant 0 : i32
      %dma_wait3A_1517 = tpu.memref_slice %arg4[%mul3A_277, %dma_wait3A_1516] : memref<1000000x64xf32, #tpu.memory_space<hbm>> -> memref<8x64xf32, #tpu.memory_space<hbm>>
      %dma_wait3A_1518 = arith.constant 0 : i32
      %dma_wait3A_1519 = arith.constant 0 : i32
      %dma_wait3A_1520 = tpu.memref_slice %arg11[%dma_wait3A_1511, %dma_wait3A_1518, %dma_wait3A_1519] : memref<32x8x64xf32, #tpu.memory_space<vmem>> -> memref<1x8x64xf32, #tpu.memory_space<vmem>>
      %dma_wait3A_1521 = tpu.memref_squeeze %dma_wait3A_1520 : memref<1x8x64xf32, #tpu.memory_space<vmem>> -> memref<8x64xf32, #tpu.memory_space<vmem>>
      %dma_wait3A_1522 = arith.constant 0 : i32
      %dma_wait3A_1523 = tpu.memref_slice %arg4[%mul3A_277, %dma_wait3A_1522] : memref<1000000x64xf32, #tpu.memory_space<hbm>> -> memref<8x64xf32, #tpu.memory_space<hbm>>
      tpu.wait_dma2 semaphore(%arg15 : memref<!tpu.dma_semaphore, #tpu.memory_space<semaphore_mem>>) src(%dma_wait3A_1523 : memref<8x64xf32, #tpu.memory_space<hbm>>) dst(%dma_wait3A_1521 : memref<8x64xf32, #tpu.memory_space<vmem>>)
      %dma_wait3A_1524 = arith.constant 6 : i32
      %dma_wait3A_1525 = arith.constant 0 : i32
      %dma_wait3A_1526 = arith.constant 0 : i32
      %dma_wait3A_1527 = tpu.memref_slice %arg12[%dma_wait3A_1524, %dma_wait3A_1525, %dma_wait3A_1526] : memref<32x8x64xf32, #tpu.memory_space<vmem>> -> memref<1x8x64xf32, #tpu.memory_space<vmem>>
      %dma_wait3A_1528 = tpu.memref_squeeze %dma_wait3A_1527 : memref<1x8x64xf32, #tpu.memory_space<vmem>> -> memref<8x64xf32, #tpu.memory_space<vmem>>
      %dma_wait3A_1529 = arith.constant 0 : i32
      %dma_wait3A_1530 = tpu.memref_slice %arg5[%mul3A_292, %dma_wait3A_1529] : memref<1000000x64xf32, #tpu.memory_space<hbm>> -> memref<8x64xf32, #tpu.memory_space<hbm>>
      %dma_wait3A_1531 = arith.constant 0 : i32
      %dma_wait3A_1532 = arith.constant 0 : i32
      %dma_wait3A_1533 = tpu.memref_slice %arg12[%dma_wait3A_1524, %dma_wait3A_1531, %dma_wait3A_1532] : memref<32x8x64xf32, #tpu.memory_space<vmem>> -> memref<1x8x64xf32, #tpu.memory_space<vmem>>
      %dma_wait3A_1534 = tpu.memref_squeeze %dma_wait3A_1533 : memref<1x8x64xf32, #tpu.memory_space<vmem>> -> memref<8x64xf32, #tpu.memory_space<vmem>>
      %dma_wait3A_1535 = arith.constant 0 : i32
      %dma_wait3A_1536 = tpu.memref_slice %arg5[%mul3A_292, %dma_wait3A_1535] : memref<1000000x64xf32, #tpu.memory_space<hbm>> -> memref<8x64xf32, #tpu.memory_space<hbm>>
      tpu.wait_dma2 semaphore(%arg16 : memref<!tpu.dma_semaphore, #tpu.memory_space<semaphore_mem>>) src(%dma_wait3A_1536 : memref<8x64xf32, #tpu.memory_space<hbm>>) dst(%dma_wait3A_1534 : memref<8x64xf32, #tpu.memory_space<vmem>>)
      %dma_wait3A_1537 = arith.constant 7 : i32
      %dma_wait3A_1538 = arith.constant 0 : i32
      %dma_wait3A_1539 = arith.constant 0 : i32
      %dma_wait3A_1540 = tpu.memref_slice %arg11[%dma_wait3A_1537, %dma_wait3A_1538, %dma_wait3A_1539] : memref<32x8x64xf32, #tpu.memory_space<vmem>> -> memref<1x8x64xf32, #tpu.memory_space<vmem>>
      %dma_wait3A_1541 = tpu.memref_squeeze %dma_wait3A_1540 : memref<1x8x64xf32, #tpu.memory_space<vmem>> -> memref<8x64xf32, #tpu.memory_space<vmem>>
      %dma_wait3A_1542 = arith.constant 0 : i32
      %dma_wait3A_1543 = tpu.memref_slice %arg4[%mul3A_319, %dma_wait3A_1542] : memref<1000000x64xf32, #tpu.memory_space<hbm>> -> memref<8x64xf32, #tpu.memory_space<hbm>>
      %dma_wait3A_1544 = arith.constant 0 : i32
      %dma_wait3A_1545 = arith.constant 0 : i32
      %dma_wait3A_1546 = tpu.memref_slice %arg11[%dma_wait3A_1537, %dma_wait3A_1544, %dma_wait3A_1545] : memref<32x8x64xf32, #tpu.memory_space<vmem>> -> memref<1x8x64xf32, #tpu.memory_space<vmem>>
      %dma_wait3A_1547 = tpu.memref_squeeze %dma_wait3A_1546 : memref<1x8x64xf32, #tpu.memory_space<vmem>> -> memref<8x64xf32, #tpu.memory_space<vmem>>
      %dma_wait3A_1548 = arith.constant 0 : i32
      %dma_wait3A_1549 = tpu.memref_slice %arg4[%mul3A_319, %dma_wait3A_1548] : memref<1000000x64xf32, #tpu.memory_space<hbm>> -> memref<8x64xf32, #tpu.memory_space<hbm>>
      tpu.wait_dma2 semaphore(%arg17 : memref<!tpu.dma_semaphore, #tpu.memory_space<semaphore_mem>>) src(%dma_wait3A_1549 : memref<8x64xf32, #tpu.memory_space<hbm>>) dst(%dma_wait3A_1547 : memref<8x64xf32, #tpu.memory_space<vmem>>)
      %dma_wait3A_1550 = arith.constant 7 : i32
      %dma_wait3A_1551 = arith.constant 0 : i32
      %dma_wait3A_1552 = arith.constant 0 : i32
      %dma_wait3A_1553 = tpu.memref_slice %arg12[%dma_wait3A_1550, %dma_wait3A_1551, %dma_wait3A_1552] : memref<32x8x64xf32, #tpu.memory_space<vmem>> -> memref<1x8x64xf32, #tpu.memory_space<vmem>>
      %dma_wait3A_1554 = tpu.memref_squeeze %dma_wait3A_1553 : memref<1x8x64xf32, #tpu.memory_space<vmem>> -> memref<8x64xf32, #tpu.memory_space<vmem>>
      %dma_wait3A_1555 = arith.constant 0 : i32
      %dma_wait3A_1556 = tpu.memref_slice %arg5[%mul3A_334, %dma_wait3A_1555] : memref<1000000x64xf32, #tpu.memory_space<hbm>> -> memref<8x64xf32, #tpu.memory_space<hbm>>
      %dma_wait3A_1557 = arith.constant 0 : i32
      %dma_wait3A_1558 = arith.constant 0 : i32
      %dma_wait3A_1559 = tpu.memref_slice %arg12[%dma_wait3A_1550, %dma_wait3A_1557, %dma_wait3A_1558] : memref<32x8x64xf32, #tpu.memory_space<vmem>> -> memref<1x8x64xf32, #tpu.memory_space<vmem>>
      %dma_wait3A_1560 = tpu.memref_squeeze %dma_wait3A_1559 : memref<1x8x64xf32, #tpu.memory_space<vmem>> -> memref<8x64xf32, #tpu.memory_space<vmem>>
      %dma_wait3A_1561 = arith.constant 0 : i32
      %dma_wait3A_1562 = tpu.memref_slice %arg5[%mul3A_334, %dma_wait3A_1561] : memref<1000000x64xf32, #tpu.memory_space<hbm>> -> memref<8x64xf32, #tpu.memory_space<hbm>>
      tpu.wait_dma2 semaphore(%arg18 : memref<!tpu.dma_semaphore, #tpu.memory_space<semaphore_mem>>) src(%dma_wait3A_1562 : memref<8x64xf32, #tpu.memory_space<hbm>>) dst(%dma_wait3A_1560 : memref<8x64xf32, #tpu.memory_space<vmem>>)
      %dma_wait3A_1563 = arith.constant 8 : i32
      %dma_wait3A_1564 = arith.constant 0 : i32
      %dma_wait3A_1565 = arith.constant 0 : i32
      %dma_wait3A_1566 = tpu.memref_slice %arg11[%dma_wait3A_1563, %dma_wait3A_1564, %dma_wait3A_1565] : memref<32x8x64xf32, #tpu.memory_space<vmem>> -> memref<1x8x64xf32, #tpu.memory_space<vmem>>
      %dma_wait3A_1567 = tpu.memref_squeeze %dma_wait3A_1566 : memref<1x8x64xf32, #tpu.memory_space<vmem>> -> memref<8x64xf32, #tpu.memory_space<vmem>>
      %dma_wait3A_1568 = arith.constant 0 : i32
      %dma_wait3A_1569 = tpu.memref_slice %arg4[%mul3A_361, %dma_wait3A_1568] : memref<1000000x64xf32, #tpu.memory_space<hbm>> -> memref<8x64xf32, #tpu.memory_space<hbm>>
      %dma_wait3A_1570 = arith.constant 0 : i32
      %dma_wait3A_1571 = arith.constant 0 : i32
      %dma_wait3A_1572 = tpu.memref_slice %arg11[%dma_wait3A_1563, %dma_wait3A_1570, %dma_wait3A_1571] : memref<32x8x64xf32, #tpu.memory_space<vmem>> -> memref<1x8x64xf32, #tpu.memory_space<vmem>>
      %dma_wait3A_1573 = tpu.memref_squeeze %dma_wait3A_1572 : memref<1x8x64xf32, #tpu.memory_space<vmem>> -> memref<8x64xf32, #tpu.memory_space<vmem>>
      %dma_wait3A_1574 = arith.constant 0 : i32
      %dma_wait3A_1575 = tpu.memref_slice %arg4[%mul3A_361, %dma_wait3A_1574] : memref<1000000x64xf32, #tpu.memory_space<hbm>> -> memref<8x64xf32, #tpu.memory_space<hbm>>
      tpu.wait_dma2 semaphore(%arg15 : memref<!tpu.dma_semaphore, #tpu.memory_space<semaphore_mem>>) src(%dma_wait3A_1575 : memref<8x64xf32, #tpu.memory_space<hbm>>) dst(%dma_wait3A_1573 : memref<8x64xf32, #tpu.memory_space<vmem>>)
      %dma_wait3A_1576 = arith.constant 8 : i32
      %dma_wait3A_1577 = arith.constant 0 : i32
      %dma_wait3A_1578 = arith.constant 0 : i32
      %dma_wait3A_1579 = tpu.memref_slice %arg12[%dma_wait3A_1576, %dma_wait3A_1577, %dma_wait3A_1578] : memref<32x8x64xf32, #tpu.memory_space<vmem>> -> memref<1x8x64xf32, #tpu.memory_space<vmem>>
      %dma_wait3A_1580 = tpu.memref_squeeze %dma_wait3A_1579 : memref<1x8x64xf32, #tpu.memory_space<vmem>> -> memref<8x64xf32, #tpu.memory_space<vmem>>
      %dma_wait3A_1581 = arith.constant 0 : i32
      %dma_wait3A_1582 = tpu.memref_slice %arg5[%mul3A_376, %dma_wait3A_1581] : memref<1000000x64xf32, #tpu.memory_space<hbm>> -> memref<8x64xf32, #tpu.memory_space<hbm>>
      %dma_wait3A_1583 = arith.constant 0 : i32
      %dma_wait3A_1584 = arith.constant 0 : i32
      %dma_wait3A_1585 = tpu.memref_slice %arg12[%dma_wait3A_1576, %dma_wait3A_1583, %dma_wait3A_1584] : memref<32x8x64xf32, #tpu.memory_space<vmem>> -> memref<1x8x64xf32, #tpu.memory_space<vmem>>
      %dma_wait3A_1586 = tpu.memref_squeeze %dma_wait3A_1585 : memref<1x8x64xf32, #tpu.memory_space<vmem>> -> memref<8x64xf32, #tpu.memory_space<vmem>>
      %dma_wait3A_1587 = arith.constant 0 : i32
      %dma_wait3A_1588 = tpu.memref_slice %arg5[%mul3A_376, %dma_wait3A_1587] : memref<1000000x64xf32, #tpu.memory_space<hbm>> -> memref<8x64xf32, #tpu.memory_space<hbm>>
      tpu.wait_dma2 semaphore(%arg16 : memref<!tpu.dma_semaphore, #tpu.memory_space<semaphore_mem>>) src(%dma_wait3A_1588 : memref<8x64xf32, #tpu.memory_space<hbm>>) dst(%dma_wait3A_1586 : memref<8x64xf32, #tpu.memory_space<vmem>>)
      %dma_wait3A_1589 = arith.constant 9 : i32
      %dma_wait3A_1590 = arith.constant 0 : i32
      %dma_wait3A_1591 = arith.constant 0 : i32
      %dma_wait3A_1592 = tpu.memref_slice %arg11[%dma_wait3A_1589, %dma_wait3A_1590, %dma_wait3A_1591] : memref<32x8x64xf32, #tpu.memory_space<vmem>> -> memref<1x8x64xf32, #tpu.memory_space<vmem>>
      %dma_wait3A_1593 = tpu.memref_squeeze %dma_wait3A_1592 : memref<1x8x64xf32, #tpu.memory_space<vmem>> -> memref<8x64xf32, #tpu.memory_space<vmem>>
      %dma_wait3A_1594 = arith.constant 0 : i32
      %dma_wait3A_1595 = tpu.memref_slice %arg4[%mul3A_403, %dma_wait3A_1594] : memref<1000000x64xf32, #tpu.memory_space<hbm>> -> memref<8x64xf32, #tpu.memory_space<hbm>>
      %dma_wait3A_1596 = arith.constant 0 : i32
      %dma_wait3A_1597 = arith.constant 0 : i32
      %dma_wait3A_1598 = tpu.memref_slice %arg11[%dma_wait3A_1589, %dma_wait3A_1596, %dma_wait3A_1597] : memref<32x8x64xf32, #tpu.memory_space<vmem>> -> memref<1x8x64xf32, #tpu.memory_space<vmem>>
      %dma_wait3A_1599 = tpu.memref_squeeze %dma_wait3A_1598 : memref<1x8x64xf32, #tpu.memory_space<vmem>> -> memref<8x64xf32, #tpu.memory_space<vmem>>
      %dma_wait3A_1600 = arith.constant 0 : i32
      %dma_wait3A_1601 = tpu.memref_slice %arg4[%mul3A_403, %dma_wait3A_1600] : memref<1000000x64xf32, #tpu.memory_space<hbm>> -> memref<8x64xf32, #tpu.memory_space<hbm>>
      tpu.wait_dma2 semaphore(%arg17 : memref<!tpu.dma_semaphore, #tpu.memory_space<semaphore_mem>>) src(%dma_wait3A_1601 : memref<8x64xf32, #tpu.memory_space<hbm>>) dst(%dma_wait3A_1599 : memref<8x64xf32, #tpu.memory_space<vmem>>)
      %dma_wait3A_1602 = arith.constant 9 : i32
      %dma_wait3A_1603 = arith.constant 0 : i32
      %dma_wait3A_1604 = arith.constant 0 : i32
      %dma_wait3A_1605 = tpu.memref_slice %arg12[%dma_wait3A_1602, %dma_wait3A_1603, %dma_wait3A_1604] : memref<32x8x64xf32, #tpu.memory_space<vmem>> -> memref<1x8x64xf32, #tpu.memory_space<vmem>>
      %dma_wait3A_1606 = tpu.memref_squeeze %dma_wait3A_1605 : memref<1x8x64xf32, #tpu.memory_space<vmem>> -> memref<8x64xf32, #tpu.memory_space<vmem>>
      %dma_wait3A_1607 = arith.constant 0 : i32
      %dma_wait3A_1608 = tpu.memref_slice %arg5[%mul3A_418, %dma_wait3A_1607] : memref<1000000x64xf32, #tpu.memory_space<hbm>> -> memref<8x64xf32, #tpu.memory_space<hbm>>
      %dma_wait3A_1609 = arith.constant 0 : i32
      %dma_wait3A_1610 = arith.constant 0 : i32
      %dma_wait3A_1611 = tpu.memref_slice %arg12[%dma_wait3A_1602, %dma_wait3A_1609, %dma_wait3A_1610] : memref<32x8x64xf32, #tpu.memory_space<vmem>> -> memref<1x8x64xf32, #tpu.memory_space<vmem>>
      %dma_wait3A_1612 = tpu.memref_squeeze %dma_wait3A_1611 : memref<1x8x64xf32, #tpu.memory_space<vmem>> -> memref<8x64xf32, #tpu.memory_space<vmem>>
      %dma_wait3A_1613 = arith.constant 0 : i32
      %dma_wait3A_1614 = tpu.memref_slice %arg5[%mul3A_418, %dma_wait3A_1613] : memref<1000000x64xf32, #tpu.memory_space<hbm>> -> memref<8x64xf32, #tpu.memory_space<hbm>>
      tpu.wait_dma2 semaphore(%arg18 : memref<!tpu.dma_semaphore, #tpu.memory_space<semaphore_mem>>) src(%dma_wait3A_1614 : memref<8x64xf32, #tpu.memory_space<hbm>>) dst(%dma_wait3A_1612 : memref<8x64xf32, #tpu.memory_space<vmem>>)
      %dma_wait3A_1615 = arith.constant 10 : i32
      %dma_wait3A_1616 = arith.constant 0 : i32
      %dma_wait3A_1617 = arith.constant 0 : i32
      %dma_wait3A_1618 = tpu.memref_slice %arg11[%dma_wait3A_1615, %dma_wait3A_1616, %dma_wait3A_1617] : memref<32x8x64xf32, #tpu.memory_space<vmem>> -> memref<1x8x64xf32, #tpu.memory_space<vmem>>
      %dma_wait3A_1619 = tpu.memref_squeeze %dma_wait3A_1618 : memref<1x8x64xf32, #tpu.memory_space<vmem>> -> memref<8x64xf32, #tpu.memory_space<vmem>>
      %dma_wait3A_1620 = arith.constant 0 : i32
      %dma_wait3A_1621 = tpu.memref_slice %arg4[%mul3A_445, %dma_wait3A_1620] : memref<1000000x64xf32, #tpu.memory_space<hbm>> -> memref<8x64xf32, #tpu.memory_space<hbm>>
      %dma_wait3A_1622 = arith.constant 0 : i32
      %dma_wait3A_1623 = arith.constant 0 : i32
      %dma_wait3A_1624 = tpu.memref_slice %arg11[%dma_wait3A_1615, %dma_wait3A_1622, %dma_wait3A_1623] : memref<32x8x64xf32, #tpu.memory_space<vmem>> -> memref<1x8x64xf32, #tpu.memory_space<vmem>>
      %dma_wait3A_1625 = tpu.memref_squeeze %dma_wait3A_1624 : memref<1x8x64xf32, #tpu.memory_space<vmem>> -> memref<8x64xf32, #tpu.memory_space<vmem>>
      %dma_wait3A_1626 = arith.constant 0 : i32
      %dma_wait3A_1627 = tpu.memref_slice %arg4[%mul3A_445, %dma_wait3A_1626] : memref<1000000x64xf32, #tpu.memory_space<hbm>> -> memref<8x64xf32, #tpu.memory_space<hbm>>
      tpu.wait_dma2 semaphore(%arg15 : memref<!tpu.dma_semaphore, #tpu.memory_space<semaphore_mem>>) src(%dma_wait3A_1627 : memref<8x64xf32, #tpu.memory_space<hbm>>) dst(%dma_wait3A_1625 : memref<8x64xf32, #tpu.memory_space<vmem>>)
      %dma_wait3A_1628 = arith.constant 10 : i32
      %dma_wait3A_1629 = arith.constant 0 : i32
      %dma_wait3A_1630 = arith.constant 0 : i32
      %dma_wait3A_1631 = tpu.memref_slice %arg12[%dma_wait3A_1628, %dma_wait3A_1629, %dma_wait3A_1630] : memref<32x8x64xf32, #tpu.memory_space<vmem>> -> memref<1x8x64xf32, #tpu.memory_space<vmem>>
      %dma_wait3A_1632 = tpu.memref_squeeze %dma_wait3A_1631 : memref<1x8x64xf32, #tpu.memory_space<vmem>> -> memref<8x64xf32, #tpu.memory_space<vmem>>
      %dma_wait3A_1633 = arith.constant 0 : i32
      %dma_wait3A_1634 = tpu.memref_slice %arg5[%mul3A_460, %dma_wait3A_1633] : memref<1000000x64xf32, #tpu.memory_space<hbm>> -> memref<8x64xf32, #tpu.memory_space<hbm>>
      %dma_wait3A_1635 = arith.constant 0 : i32
      %dma_wait3A_1636 = arith.constant 0 : i32
      %dma_wait3A_1637 = tpu.memref_slice %arg12[%dma_wait3A_1628, %dma_wait3A_1635, %dma_wait3A_1636] : memref<32x8x64xf32, #tpu.memory_space<vmem>> -> memref<1x8x64xf32, #tpu.memory_space<vmem>>
      %dma_wait3A_1638 = tpu.memref_squeeze %dma_wait3A_1637 : memref<1x8x64xf32, #tpu.memory_space<vmem>> -> memref<8x64xf32, #tpu.memory_space<vmem>>
      %dma_wait3A_1639 = arith.constant 0 : i32
      %dma_wait3A_1640 = tpu.memref_slice %arg5[%mul3A_460, %dma_wait3A_1639] : memref<1000000x64xf32, #tpu.memory_space<hbm>> -> memref<8x64xf32, #tpu.memory_space<hbm>>
      tpu.wait_dma2 semaphore(%arg16 : memref<!tpu.dma_semaphore, #tpu.memory_space<semaphore_mem>>) src(%dma_wait3A_1640 : memref<8x64xf32, #tpu.memory_space<hbm>>) dst(%dma_wait3A_1638 : memref<8x64xf32, #tpu.memory_space<vmem>>)
      %dma_wait3A_1641 = arith.constant 11 : i32
      %dma_wait3A_1642 = arith.constant 0 : i32
      %dma_wait3A_1643 = arith.constant 0 : i32
      %dma_wait3A_1644 = tpu.memref_slice %arg11[%dma_wait3A_1641, %dma_wait3A_1642, %dma_wait3A_1643] : memref<32x8x64xf32, #tpu.memory_space<vmem>> -> memref<1x8x64xf32, #tpu.memory_space<vmem>>
      %dma_wait3A_1645 = tpu.memref_squeeze %dma_wait3A_1644 : memref<1x8x64xf32, #tpu.memory_space<vmem>> -> memref<8x64xf32, #tpu.memory_space<vmem>>
      %dma_wait3A_1646 = arith.constant 0 : i32
      %dma_wait3A_1647 = tpu.memref_slice %arg4[%mul3A_487, %dma_wait3A_1646] : memref<1000000x64xf32, #tpu.memory_space<hbm>> -> memref<8x64xf32, #tpu.memory_space<hbm>>
      %dma_wait3A_1648 = arith.constant 0 : i32
      %dma_wait3A_1649 = arith.constant 0 : i32
      %dma_wait3A_1650 = tpu.memref_slice %arg11[%dma_wait3A_1641, %dma_wait3A_1648, %dma_wait3A_1649] : memref<32x8x64xf32, #tpu.memory_space<vmem>> -> memref<1x8x64xf32, #tpu.memory_space<vmem>>
      %dma_wait3A_1651 = tpu.memref_squeeze %dma_wait3A_1650 : memref<1x8x64xf32, #tpu.memory_space<vmem>> -> memref<8x64xf32, #tpu.memory_space<vmem>>
      %dma_wait3A_1652 = arith.constant 0 : i32
      %dma_wait3A_1653 = tpu.memref_slice %arg4[%mul3A_487, %dma_wait3A_1652] : memref<1000000x64xf32, #tpu.memory_space<hbm>> -> memref<8x64xf32, #tpu.memory_space<hbm>>
      tpu.wait_dma2 semaphore(%arg17 : memref<!tpu.dma_semaphore, #tpu.memory_space<semaphore_mem>>) src(%dma_wait3A_1653 : memref<8x64xf32, #tpu.memory_space<hbm>>) dst(%dma_wait3A_1651 : memref<8x64xf32, #tpu.memory_space<vmem>>)
      %dma_wait3A_1654 = arith.constant 11 : i32
      %dma_wait3A_1655 = arith.constant 0 : i32
      %dma_wait3A_1656 = arith.constant 0 : i32
      %dma_wait3A_1657 = tpu.memref_slice %arg12[%dma_wait3A_1654, %dma_wait3A_1655, %dma_wait3A_1656] : memref<32x8x64xf32, #tpu.memory_space<vmem>> -> memref<1x8x64xf32, #tpu.memory_space<vmem>>
      %dma_wait3A_1658 = tpu.memref_squeeze %dma_wait3A_1657 : memref<1x8x64xf32, #tpu.memory_space<vmem>> -> memref<8x64xf32, #tpu.memory_space<vmem>>
      %dma_wait3A_1659 = arith.constant 0 : i32
      %dma_wait3A_1660 = tpu.memref_slice %arg5[%mul3A_502, %dma_wait3A_1659] : memref<1000000x64xf32, #tpu.memory_space<hbm>> -> memref<8x64xf32, #tpu.memory_space<hbm>>
      %dma_wait3A_1661 = arith.constant 0 : i32
      %dma_wait3A_1662 = arith.constant 0 : i32
      %dma_wait3A_1663 = tpu.memref_slice %arg12[%dma_wait3A_1654, %dma_wait3A_1661, %dma_wait3A_1662] : memref<32x8x64xf32, #tpu.memory_space<vmem>> -> memref<1x8x64xf32, #tpu.memory_space<vmem>>
      %dma_wait3A_1664 = tpu.memref_squeeze %dma_wait3A_1663 : memref<1x8x64xf32, #tpu.memory_space<vmem>> -> memref<8x64xf32, #tpu.memory_space<vmem>>
      %dma_wait3A_1665 = arith.constant 0 : i32
      %dma_wait3A_1666 = tpu.memref_slice %arg5[%mul3A_502, %dma_wait3A_1665] : memref<1000000x64xf32, #tpu.memory_space<hbm>> -> memref<8x64xf32, #tpu.memory_space<hbm>>
      tpu.wait_dma2 semaphore(%arg18 : memref<!tpu.dma_semaphore, #tpu.memory_space<semaphore_mem>>) src(%dma_wait3A_1666 : memref<8x64xf32, #tpu.memory_space<hbm>>) dst(%dma_wait3A_1664 : memref<8x64xf32, #tpu.memory_space<vmem>>)
      %dma_wait3A_1667 = arith.constant 12 : i32
      %dma_wait3A_1668 = arith.constant 0 : i32
      %dma_wait3A_1669 = arith.constant 0 : i32
      %dma_wait3A_1670 = tpu.memref_slice %arg11[%dma_wait3A_1667, %dma_wait3A_1668, %dma_wait3A_1669] : memref<32x8x64xf32, #tpu.memory_space<vmem>> -> memref<1x8x64xf32, #tpu.memory_space<vmem>>
      %dma_wait3A_1671 = tpu.memref_squeeze %dma_wait3A_1670 : memref<1x8x64xf32, #tpu.memory_space<vmem>> -> memref<8x64xf32, #tpu.memory_space<vmem>>
      %dma_wait3A_1672 = arith.constant 0 : i32
      %dma_wait3A_1673 = tpu.memref_slice %arg4[%mul3A_529, %dma_wait3A_1672] : memref<1000000x64xf32, #tpu.memory_space<hbm>> -> memref<8x64xf32, #tpu.memory_space<hbm>>
      %dma_wait3A_1674 = arith.constant 0 : i32
      %dma_wait3A_1675 = arith.constant 0 : i32
      %dma_wait3A_1676 = tpu.memref_slice %arg11[%dma_wait3A_1667, %dma_wait3A_1674, %dma_wait3A_1675] : memref<32x8x64xf32, #tpu.memory_space<vmem>> -> memref<1x8x64xf32, #tpu.memory_space<vmem>>
      %dma_wait3A_1677 = tpu.memref_squeeze %dma_wait3A_1676 : memref<1x8x64xf32, #tpu.memory_space<vmem>> -> memref<8x64xf32, #tpu.memory_space<vmem>>
      %dma_wait3A_1678 = arith.constant 0 : i32
      %dma_wait3A_1679 = tpu.memref_slice %arg4[%mul3A_529, %dma_wait3A_1678] : memref<1000000x64xf32, #tpu.memory_space<hbm>> -> memref<8x64xf32, #tpu.memory_space<hbm>>
      tpu.wait_dma2 semaphore(%arg15 : memref<!tpu.dma_semaphore, #tpu.memory_space<semaphore_mem>>) src(%dma_wait3A_1679 : memref<8x64xf32, #tpu.memory_space<hbm>>) dst(%dma_wait3A_1677 : memref<8x64xf32, #tpu.memory_space<vmem>>)
      %dma_wait3A_1680 = arith.constant 12 : i32
      %dma_wait3A_1681 = arith.constant 0 : i32
      %dma_wait3A_1682 = arith.constant 0 : i32
      %dma_wait3A_1683 = tpu.memref_slice %arg12[%dma_wait3A_1680, %dma_wait3A_1681, %dma_wait3A_1682] : memref<32x8x64xf32, #tpu.memory_space<vmem>> -> memref<1x8x64xf32, #tpu.memory_space<vmem>>
      %dma_wait3A_1684 = tpu.memref_squeeze %dma_wait3A_1683 : memref<1x8x64xf32, #tpu.memory_space<vmem>> -> memref<8x64xf32, #tpu.memory_space<vmem>>
      %dma_wait3A_1685 = arith.constant 0 : i32
      %dma_wait3A_1686 = tpu.memref_slice %arg5[%mul3A_544, %dma_wait3A_1685] : memref<1000000x64xf32, #tpu.memory_space<hbm>> -> memref<8x64xf32, #tpu.memory_space<hbm>>
      %dma_wait3A_1687 = arith.constant 0 : i32
      %dma_wait3A_1688 = arith.constant 0 : i32
      %dma_wait3A_1689 = tpu.memref_slice %arg12[%dma_wait3A_1680, %dma_wait3A_1687, %dma_wait3A_1688] : memref<32x8x64xf32, #tpu.memory_space<vmem>> -> memref<1x8x64xf32, #tpu.memory_space<vmem>>
      %dma_wait3A_1690 = tpu.memref_squeeze %dma_wait3A_1689 : memref<1x8x64xf32, #tpu.memory_space<vmem>> -> memref<8x64xf32, #tpu.memory_space<vmem>>
      %dma_wait3A_1691 = arith.constant 0 : i32
      %dma_wait3A_1692 = tpu.memref_slice %arg5[%mul3A_544, %dma_wait3A_1691] : memref<1000000x64xf32, #tpu.memory_space<hbm>> -> memref<8x64xf32, #tpu.memory_space<hbm>>
      tpu.wait_dma2 semaphore(%arg16 : memref<!tpu.dma_semaphore, #tpu.memory_space<semaphore_mem>>) src(%dma_wait3A_1692 : memref<8x64xf32, #tpu.memory_space<hbm>>) dst(%dma_wait3A_1690 : memref<8x64xf32, #tpu.memory_space<vmem>>)
      %dma_wait3A_1693 = arith.constant 13 : i32
      %dma_wait3A_1694 = arith.constant 0 : i32
      %dma_wait3A_1695 = arith.constant 0 : i32
      %dma_wait3A_1696 = tpu.memref_slice %arg11[%dma_wait3A_1693, %dma_wait3A_1694, %dma_wait3A_1695] : memref<32x8x64xf32, #tpu.memory_space<vmem>> -> memref<1x8x64xf32, #tpu.memory_space<vmem>>
      %dma_wait3A_1697 = tpu.memref_squeeze %dma_wait3A_1696 : memref<1x8x64xf32, #tpu.memory_space<vmem>> -> memref<8x64xf32, #tpu.memory_space<vmem>>
      %dma_wait3A_1698 = arith.constant 0 : i32
      %dma_wait3A_1699 = tpu.memref_slice %arg4[%mul3A_571, %dma_wait3A_1698] : memref<1000000x64xf32, #tpu.memory_space<hbm>> -> memref<8x64xf32, #tpu.memory_space<hbm>>
      %dma_wait3A_1700 = arith.constant 0 : i32
      %dma_wait3A_1701 = arith.constant 0 : i32
      %dma_wait3A_1702 = tpu.memref_slice %arg11[%dma_wait3A_1693, %dma_wait3A_1700, %dma_wait3A_1701] : memref<32x8x64xf32, #tpu.memory_space<vmem>> -> memref<1x8x64xf32, #tpu.memory_space<vmem>>
      %dma_wait3A_1703 = tpu.memref_squeeze %dma_wait3A_1702 : memref<1x8x64xf32, #tpu.memory_space<vmem>> -> memref<8x64xf32, #tpu.memory_space<vmem>>
      %dma_wait3A_1704 = arith.constant 0 : i32
      %dma_wait3A_1705 = tpu.memref_slice %arg4[%mul3A_571, %dma_wait3A_1704] : memref<1000000x64xf32, #tpu.memory_space<hbm>> -> memref<8x64xf32, #tpu.memory_space<hbm>>
      tpu.wait_dma2 semaphore(%arg17 : memref<!tpu.dma_semaphore, #tpu.memory_space<semaphore_mem>>) src(%dma_wait3A_1705 : memref<8x64xf32, #tpu.memory_space<hbm>>) dst(%dma_wait3A_1703 : memref<8x64xf32, #tpu.memory_space<vmem>>)
      %dma_wait3A_1706 = arith.constant 13 : i32
      %dma_wait3A_1707 = arith.constant 0 : i32
      %dma_wait3A_1708 = arith.constant 0 : i32
      %dma_wait3A_1709 = tpu.memref_slice %arg12[%dma_wait3A_1706, %dma_wait3A_1707, %dma_wait3A_1708] : memref<32x8x64xf32, #tpu.memory_space<vmem>> -> memref<1x8x64xf32, #tpu.memory_space<vmem>>
      %dma_wait3A_1710 = tpu.memref_squeeze %dma_wait3A_1709 : memref<1x8x64xf32, #tpu.memory_space<vmem>> -> memref<8x64xf32, #tpu.memory_space<vmem>>
      %dma_wait3A_1711 = arith.constant 0 : i32
      %dma_wait3A_1712 = tpu.memref_slice %arg5[%mul3A_586, %dma_wait3A_1711] : memref<1000000x64xf32, #tpu.memory_space<hbm>> -> memref<8x64xf32, #tpu.memory_space<hbm>>
      %dma_wait3A_1713 = arith.constant 0 : i32
      %dma_wait3A_1714 = arith.constant 0 : i32
      %dma_wait3A_1715 = tpu.memref_slice %arg12[%dma_wait3A_1706, %dma_wait3A_1713, %dma_wait3A_1714] : memref<32x8x64xf32, #tpu.memory_space<vmem>> -> memref<1x8x64xf32, #tpu.memory_space<vmem>>
      %dma_wait3A_1716 = tpu.memref_squeeze %dma_wait3A_1715 : memref<1x8x64xf32, #tpu.memory_space<vmem>> -> memref<8x64xf32, #tpu.memory_space<vmem>>
      %dma_wait3A_1717 = arith.constant 0 : i32
      %dma_wait3A_1718 = tpu.memref_slice %arg5[%mul3A_586, %dma_wait3A_1717] : memref<1000000x64xf32, #tpu.memory_space<hbm>> -> memref<8x64xf32, #tpu.memory_space<hbm>>
      tpu.wait_dma2 semaphore(%arg18 : memref<!tpu.dma_semaphore, #tpu.memory_space<semaphore_mem>>) src(%dma_wait3A_1718 : memref<8x64xf32, #tpu.memory_space<hbm>>) dst(%dma_wait3A_1716 : memref<8x64xf32, #tpu.memory_space<vmem>>)
      %dma_wait3A_1719 = arith.constant 14 : i32
      %dma_wait3A_1720 = arith.constant 0 : i32
      %dma_wait3A_1721 = arith.constant 0 : i32
      %dma_wait3A_1722 = tpu.memref_slice %arg11[%dma_wait3A_1719, %dma_wait3A_1720, %dma_wait3A_1721] : memref<32x8x64xf32, #tpu.memory_space<vmem>> -> memref<1x8x64xf32, #tpu.memory_space<vmem>>
      %dma_wait3A_1723 = tpu.memref_squeeze %dma_wait3A_1722 : memref<1x8x64xf32, #tpu.memory_space<vmem>> -> memref<8x64xf32, #tpu.memory_space<vmem>>
      %dma_wait3A_1724 = arith.constant 0 : i32
      %dma_wait3A_1725 = tpu.memref_slice %arg4[%mul3A_613, %dma_wait3A_1724] : memref<1000000x64xf32, #tpu.memory_space<hbm>> -> memref<8x64xf32, #tpu.memory_space<hbm>>
      %dma_wait3A_1726 = arith.constant 0 : i32
      %dma_wait3A_1727 = arith.constant 0 : i32
      %dma_wait3A_1728 = tpu.memref_slice %arg11[%dma_wait3A_1719, %dma_wait3A_1726, %dma_wait3A_1727] : memref<32x8x64xf32, #tpu.memory_space<vmem>> -> memref<1x8x64xf32, #tpu.memory_space<vmem>>
      %dma_wait3A_1729 = tpu.memref_squeeze %dma_wait3A_1728 : memref<1x8x64xf32, #tpu.memory_space<vmem>> -> memref<8x64xf32, #tpu.memory_space<vmem>>
      %dma_wait3A_1730 = arith.constant 0 : i32
      %dma_wait3A_1731 = tpu.memref_slice %arg4[%mul3A_613, %dma_wait3A_1730] : memref<1000000x64xf32, #tpu.memory_space<hbm>> -> memref<8x64xf32, #tpu.memory_space<hbm>>
      tpu.wait_dma2 semaphore(%arg15 : memref<!tpu.dma_semaphore, #tpu.memory_space<semaphore_mem>>) src(%dma_wait3A_1731 : memref<8x64xf32, #tpu.memory_space<hbm>>) dst(%dma_wait3A_1729 : memref<8x64xf32, #tpu.memory_space<vmem>>)
      %dma_wait3A_1732 = arith.constant 14 : i32
      %dma_wait3A_1733 = arith.constant 0 : i32
      %dma_wait3A_1734 = arith.constant 0 : i32
      %dma_wait3A_1735 = tpu.memref_slice %arg12[%dma_wait3A_1732, %dma_wait3A_1733, %dma_wait3A_1734] : memref<32x8x64xf32, #tpu.memory_space<vmem>> -> memref<1x8x64xf32, #tpu.memory_space<vmem>>
      %dma_wait3A_1736 = tpu.memref_squeeze %dma_wait3A_1735 : memref<1x8x64xf32, #tpu.memory_space<vmem>> -> memref<8x64xf32, #tpu.memory_space<vmem>>
      %dma_wait3A_1737 = arith.constant 0 : i32
      %dma_wait3A_1738 = tpu.memref_slice %arg5[%mul3A_628, %dma_wait3A_1737] : memref<1000000x64xf32, #tpu.memory_space<hbm>> -> memref<8x64xf32, #tpu.memory_space<hbm>>
      %dma_wait3A_1739 = arith.constant 0 : i32
      %dma_wait3A_1740 = arith.constant 0 : i32
      %dma_wait3A_1741 = tpu.memref_slice %arg12[%dma_wait3A_1732, %dma_wait3A_1739, %dma_wait3A_1740] : memref<32x8x64xf32, #tpu.memory_space<vmem>> -> memref<1x8x64xf32, #tpu.memory_space<vmem>>
      %dma_wait3A_1742 = tpu.memref_squeeze %dma_wait3A_1741 : memref<1x8x64xf32, #tpu.memory_space<vmem>> -> memref<8x64xf32, #tpu.memory_space<vmem>>
      %dma_wait3A_1743 = arith.constant 0 : i32
      %dma_wait3A_1744 = tpu.memref_slice %arg5[%mul3A_628, %dma_wait3A_1743] : memref<1000000x64xf32, #tpu.memory_space<hbm>> -> memref<8x64xf32, #tpu.memory_space<hbm>>
      tpu.wait_dma2 semaphore(%arg16 : memref<!tpu.dma_semaphore, #tpu.memory_space<semaphore_mem>>) src(%dma_wait3A_1744 : memref<8x64xf32, #tpu.memory_space<hbm>>) dst(%dma_wait3A_1742 : memref<8x64xf32, #tpu.memory_space<vmem>>)
      %dma_wait3A_1745 = arith.constant 15 : i32
      %dma_wait3A_1746 = arith.constant 0 : i32
      %dma_wait3A_1747 = arith.constant 0 : i32
      %dma_wait3A_1748 = tpu.memref_slice %arg11[%dma_wait3A_1745, %dma_wait3A_1746, %dma_wait3A_1747] : memref<32x8x64xf32, #tpu.memory_space<vmem>> -> memref<1x8x64xf32, #tpu.memory_space<vmem>>
      %dma_wait3A_1749 = tpu.memref_squeeze %dma_wait3A_1748 : memref<1x8x64xf32, #tpu.memory_space<vmem>> -> memref<8x64xf32, #tpu.memory_space<vmem>>
      %dma_wait3A_1750 = arith.constant 0 : i32
      %dma_wait3A_1751 = tpu.memref_slice %arg4[%mul3A_655, %dma_wait3A_1750] : memref<1000000x64xf32, #tpu.memory_space<hbm>> -> memref<8x64xf32, #tpu.memory_space<hbm>>
      %dma_wait3A_1752 = arith.constant 0 : i32
      %dma_wait3A_1753 = arith.constant 0 : i32
      %dma_wait3A_1754 = tpu.memref_slice %arg11[%dma_wait3A_1745, %dma_wait3A_1752, %dma_wait3A_1753] : memref<32x8x64xf32, #tpu.memory_space<vmem>> -> memref<1x8x64xf32, #tpu.memory_space<vmem>>
      %dma_wait3A_1755 = tpu.memref_squeeze %dma_wait3A_1754 : memref<1x8x64xf32, #tpu.memory_space<vmem>> -> memref<8x64xf32, #tpu.memory_space<vmem>>
      %dma_wait3A_1756 = arith.constant 0 : i32
      %dma_wait3A_1757 = tpu.memref_slice %arg4[%mul3A_655, %dma_wait3A_1756] : memref<1000000x64xf32, #tpu.memory_space<hbm>> -> memref<8x64xf32, #tpu.memory_space<hbm>>
      tpu.wait_dma2 semaphore(%arg17 : memref<!tpu.dma_semaphore, #tpu.memory_space<semaphore_mem>>) src(%dma_wait3A_1757 : memref<8x64xf32, #tpu.memory_space<hbm>>) dst(%dma_wait3A_1755 : memref<8x64xf32, #tpu.memory_space<vmem>>)
      %dma_wait3A_1758 = arith.constant 15 : i32
      %dma_wait3A_1759 = arith.constant 0 : i32
      %dma_wait3A_1760 = arith.constant 0 : i32
      %dma_wait3A_1761 = tpu.memref_slice %arg12[%dma_wait3A_1758, %dma_wait3A_1759, %dma_wait3A_1760] : memref<32x8x64xf32, #tpu.memory_space<vmem>> -> memref<1x8x64xf32, #tpu.memory_space<vmem>>
      %dma_wait3A_1762 = tpu.memref_squeeze %dma_wait3A_1761 : memref<1x8x64xf32, #tpu.memory_space<vmem>> -> memref<8x64xf32, #tpu.memory_space<vmem>>
      %dma_wait3A_1763 = arith.constant 0 : i32
      %dma_wait3A_1764 = tpu.memref_slice %arg5[%mul3A_670, %dma_wait3A_1763] : memref<1000000x64xf32, #tpu.memory_space<hbm>> -> memref<8x64xf32, #tpu.memory_space<hbm>>
      %dma_wait3A_1765 = arith.constant 0 : i32
      %dma_wait3A_1766 = arith.constant 0 : i32
      %dma_wait3A_1767 = tpu.memref_slice %arg12[%dma_wait3A_1758, %dma_wait3A_1765, %dma_wait3A_1766] : memref<32x8x64xf32, #tpu.memory_space<vmem>> -> memref<1x8x64xf32, #tpu.memory_space<vmem>>
      %dma_wait3A_1768 = tpu.memref_squeeze %dma_wait3A_1767 : memref<1x8x64xf32, #tpu.memory_space<vmem>> -> memref<8x64xf32, #tpu.memory_space<vmem>>
      %dma_wait3A_1769 = arith.constant 0 : i32
      %dma_wait3A_1770 = tpu.memref_slice %arg5[%mul3A_670, %dma_wait3A_1769] : memref<1000000x64xf32, #tpu.memory_space<hbm>> -> memref<8x64xf32, #tpu.memory_space<hbm>>
      tpu.wait_dma2 semaphore(%arg18 : memref<!tpu.dma_semaphore, #tpu.memory_space<semaphore_mem>>) src(%dma_wait3A_1770 : memref<8x64xf32, #tpu.memory_space<hbm>>) dst(%dma_wait3A_1768 : memref<8x64xf32, #tpu.memory_space<vmem>>)
      %dma_wait3A_1771 = arith.constant 16 : i32
      %dma_wait3A_1772 = arith.constant 0 : i32
      %dma_wait3A_1773 = arith.constant 0 : i32
      %dma_wait3A_1774 = tpu.memref_slice %arg11[%dma_wait3A_1771, %dma_wait3A_1772, %dma_wait3A_1773] : memref<32x8x64xf32, #tpu.memory_space<vmem>> -> memref<1x8x64xf32, #tpu.memory_space<vmem>>
      %dma_wait3A_1775 = tpu.memref_squeeze %dma_wait3A_1774 : memref<1x8x64xf32, #tpu.memory_space<vmem>> -> memref<8x64xf32, #tpu.memory_space<vmem>>
      %dma_wait3A_1776 = arith.constant 0 : i32
      %dma_wait3A_1777 = tpu.memref_slice %arg4[%mul3A_697, %dma_wait3A_1776] : memref<1000000x64xf32, #tpu.memory_space<hbm>> -> memref<8x64xf32, #tpu.memory_space<hbm>>
      %dma_wait3A_1778 = arith.constant 0 : i32
      %dma_wait3A_1779 = arith.constant 0 : i32
      %dma_wait3A_1780 = tpu.memref_slice %arg11[%dma_wait3A_1771, %dma_wait3A_1778, %dma_wait3A_1779] : memref<32x8x64xf32, #tpu.memory_space<vmem>> -> memref<1x8x64xf32, #tpu.memory_space<vmem>>
      %dma_wait3A_1781 = tpu.memref_squeeze %dma_wait3A_1780 : memref<1x8x64xf32, #tpu.memory_space<vmem>> -> memref<8x64xf32, #tpu.memory_space<vmem>>
      %dma_wait3A_1782 = arith.constant 0 : i32
      %dma_wait3A_1783 = tpu.memref_slice %arg4[%mul3A_697, %dma_wait3A_1782] : memref<1000000x64xf32, #tpu.memory_space<hbm>> -> memref<8x64xf32, #tpu.memory_space<hbm>>
      tpu.wait_dma2 semaphore(%arg15 : memref<!tpu.dma_semaphore, #tpu.memory_space<semaphore_mem>>) src(%dma_wait3A_1783 : memref<8x64xf32, #tpu.memory_space<hbm>>) dst(%dma_wait3A_1781 : memref<8x64xf32, #tpu.memory_space<vmem>>)
      %dma_wait3A_1784 = arith.constant 16 : i32
      %dma_wait3A_1785 = arith.constant 0 : i32
      %dma_wait3A_1786 = arith.constant 0 : i32
      %dma_wait3A_1787 = tpu.memref_slice %arg12[%dma_wait3A_1784, %dma_wait3A_1785, %dma_wait3A_1786] : memref<32x8x64xf32, #tpu.memory_space<vmem>> -> memref<1x8x64xf32, #tpu.memory_space<vmem>>
      %dma_wait3A_1788 = tpu.memref_squeeze %dma_wait3A_1787 : memref<1x8x64xf32, #tpu.memory_space<vmem>> -> memref<8x64xf32, #tpu.memory_space<vmem>>
      %dma_wait3A_1789 = arith.constant 0 : i32
      %dma_wait3A_1790 = tpu.memref_slice %arg5[%mul3A_712, %dma_wait3A_1789] : memref<1000000x64xf32, #tpu.memory_space<hbm>> -> memref<8x64xf32, #tpu.memory_space<hbm>>
      %dma_wait3A_1791 = arith.constant 0 : i32
      %dma_wait3A_1792 = arith.constant 0 : i32
      %dma_wait3A_1793 = tpu.memref_slice %arg12[%dma_wait3A_1784, %dma_wait3A_1791, %dma_wait3A_1792] : memref<32x8x64xf32, #tpu.memory_space<vmem>> -> memref<1x8x64xf32, #tpu.memory_space<vmem>>
      %dma_wait3A_1794 = tpu.memref_squeeze %dma_wait3A_1793 : memref<1x8x64xf32, #tpu.memory_space<vmem>> -> memref<8x64xf32, #tpu.memory_space<vmem>>
      %dma_wait3A_1795 = arith.constant 0 : i32
      %dma_wait3A_1796 = tpu.memref_slice %arg5[%mul3A_712, %dma_wait3A_1795] : memref<1000000x64xf32, #tpu.memory_space<hbm>> -> memref<8x64xf32, #tpu.memory_space<hbm>>
      tpu.wait_dma2 semaphore(%arg16 : memref<!tpu.dma_semaphore, #tpu.memory_space<semaphore_mem>>) src(%dma_wait3A_1796 : memref<8x64xf32, #tpu.memory_space<hbm>>) dst(%dma_wait3A_1794 : memref<8x64xf32, #tpu.memory_space<vmem>>)
      %dma_wait3A_1797 = arith.constant 17 : i32
      %dma_wait3A_1798 = arith.constant 0 : i32
      %dma_wait3A_1799 = arith.constant 0 : i32
      %dma_wait3A_1800 = tpu.memref_slice %arg11[%dma_wait3A_1797, %dma_wait3A_1798, %dma_wait3A_1799] : memref<32x8x64xf32, #tpu.memory_space<vmem>> -> memref<1x8x64xf32, #tpu.memory_space<vmem>>
      %dma_wait3A_1801 = tpu.memref_squeeze %dma_wait3A_1800 : memref<1x8x64xf32, #tpu.memory_space<vmem>> -> memref<8x64xf32, #tpu.memory_space<vmem>>
      %dma_wait3A_1802 = arith.constant 0 : i32
      %dma_wait3A_1803 = tpu.memref_slice %arg4[%mul3A_739, %dma_wait3A_1802] : memref<1000000x64xf32, #tpu.memory_space<hbm>> -> memref<8x64xf32, #tpu.memory_space<hbm>>
      %dma_wait3A_1804 = arith.constant 0 : i32
      %dma_wait3A_1805 = arith.constant 0 : i32
      %dma_wait3A_1806 = tpu.memref_slice %arg11[%dma_wait3A_1797, %dma_wait3A_1804, %dma_wait3A_1805] : memref<32x8x64xf32, #tpu.memory_space<vmem>> -> memref<1x8x64xf32, #tpu.memory_space<vmem>>
      %dma_wait3A_1807 = tpu.memref_squeeze %dma_wait3A_1806 : memref<1x8x64xf32, #tpu.memory_space<vmem>> -> memref<8x64xf32, #tpu.memory_space<vmem>>
      %dma_wait3A_1808 = arith.constant 0 : i32
      %dma_wait3A_1809 = tpu.memref_slice %arg4[%mul3A_739, %dma_wait3A_1808] : memref<1000000x64xf32, #tpu.memory_space<hbm>> -> memref<8x64xf32, #tpu.memory_space<hbm>>
      tpu.wait_dma2 semaphore(%arg17 : memref<!tpu.dma_semaphore, #tpu.memory_space<semaphore_mem>>) src(%dma_wait3A_1809 : memref<8x64xf32, #tpu.memory_space<hbm>>) dst(%dma_wait3A_1807 : memref<8x64xf32, #tpu.memory_space<vmem>>)
      %dma_wait3A_1810 = arith.constant 17 : i32
      %dma_wait3A_1811 = arith.constant 0 : i32
      %dma_wait3A_1812 = arith.constant 0 : i32
      %dma_wait3A_1813 = tpu.memref_slice %arg12[%dma_wait3A_1810, %dma_wait3A_1811, %dma_wait3A_1812] : memref<32x8x64xf32, #tpu.memory_space<vmem>> -> memref<1x8x64xf32, #tpu.memory_space<vmem>>
      %dma_wait3A_1814 = tpu.memref_squeeze %dma_wait3A_1813 : memref<1x8x64xf32, #tpu.memory_space<vmem>> -> memref<8x64xf32, #tpu.memory_space<vmem>>
      %dma_wait3A_1815 = arith.constant 0 : i32
      %dma_wait3A_1816 = tpu.memref_slice %arg5[%mul3A_754, %dma_wait3A_1815] : memref<1000000x64xf32, #tpu.memory_space<hbm>> -> memref<8x64xf32, #tpu.memory_space<hbm>>
      %dma_wait3A_1817 = arith.constant 0 : i32
      %dma_wait3A_1818 = arith.constant 0 : i32
      %dma_wait3A_1819 = tpu.memref_slice %arg12[%dma_wait3A_1810, %dma_wait3A_1817, %dma_wait3A_1818] : memref<32x8x64xf32, #tpu.memory_space<vmem>> -> memref<1x8x64xf32, #tpu.memory_space<vmem>>
      %dma_wait3A_1820 = tpu.memref_squeeze %dma_wait3A_1819 : memref<1x8x64xf32, #tpu.memory_space<vmem>> -> memref<8x64xf32, #tpu.memory_space<vmem>>
      %dma_wait3A_1821 = arith.constant 0 : i32
      %dma_wait3A_1822 = tpu.memref_slice %arg5[%mul3A_754, %dma_wait3A_1821] : memref<1000000x64xf32, #tpu.memory_space<hbm>> -> memref<8x64xf32, #tpu.memory_space<hbm>>
      tpu.wait_dma2 semaphore(%arg18 : memref<!tpu.dma_semaphore, #tpu.memory_space<semaphore_mem>>) src(%dma_wait3A_1822 : memref<8x64xf32, #tpu.memory_space<hbm>>) dst(%dma_wait3A_1820 : memref<8x64xf32, #tpu.memory_space<vmem>>)
      %dma_wait3A_1823 = arith.constant 18 : i32
      %dma_wait3A_1824 = arith.constant 0 : i32
      %dma_wait3A_1825 = arith.constant 0 : i32
      %dma_wait3A_1826 = tpu.memref_slice %arg11[%dma_wait3A_1823, %dma_wait3A_1824, %dma_wait3A_1825] : memref<32x8x64xf32, #tpu.memory_space<vmem>> -> memref<1x8x64xf32, #tpu.memory_space<vmem>>
      %dma_wait3A_1827 = tpu.memref_squeeze %dma_wait3A_1826 : memref<1x8x64xf32, #tpu.memory_space<vmem>> -> memref<8x64xf32, #tpu.memory_space<vmem>>
      %dma_wait3A_1828 = arith.constant 0 : i32
      %dma_wait3A_1829 = tpu.memref_slice %arg4[%mul3A_781, %dma_wait3A_1828] : memref<1000000x64xf32, #tpu.memory_space<hbm>> -> memref<8x64xf32, #tpu.memory_space<hbm>>
      %dma_wait3A_1830 = arith.constant 0 : i32
      %dma_wait3A_1831 = arith.constant 0 : i32
      %dma_wait3A_1832 = tpu.memref_slice %arg11[%dma_wait3A_1823, %dma_wait3A_1830, %dma_wait3A_1831] : memref<32x8x64xf32, #tpu.memory_space<vmem>> -> memref<1x8x64xf32, #tpu.memory_space<vmem>>
      %dma_wait3A_1833 = tpu.memref_squeeze %dma_wait3A_1832 : memref<1x8x64xf32, #tpu.memory_space<vmem>> -> memref<8x64xf32, #tpu.memory_space<vmem>>
      %dma_wait3A_1834 = arith.constant 0 : i32
      %dma_wait3A_1835 = tpu.memref_slice %arg4[%mul3A_781, %dma_wait3A_1834] : memref<1000000x64xf32, #tpu.memory_space<hbm>> -> memref<8x64xf32, #tpu.memory_space<hbm>>
      tpu.wait_dma2 semaphore(%arg15 : memref<!tpu.dma_semaphore, #tpu.memory_space<semaphore_mem>>) src(%dma_wait3A_1835 : memref<8x64xf32, #tpu.memory_space<hbm>>) dst(%dma_wait3A_1833 : memref<8x64xf32, #tpu.memory_space<vmem>>)
      %dma_wait3A_1836 = arith.constant 18 : i32
      %dma_wait3A_1837 = arith.constant 0 : i32
      %dma_wait3A_1838 = arith.constant 0 : i32
      %dma_wait3A_1839 = tpu.memref_slice %arg12[%dma_wait3A_1836, %dma_wait3A_1837, %dma_wait3A_1838] : memref<32x8x64xf32, #tpu.memory_space<vmem>> -> memref<1x8x64xf32, #tpu.memory_space<vmem>>
      %dma_wait3A_1840 = tpu.memref_squeeze %dma_wait3A_1839 : memref<1x8x64xf32, #tpu.memory_space<vmem>> -> memref<8x64xf32, #tpu.memory_space<vmem>>
      %dma_wait3A_1841 = arith.constant 0 : i32
      %dma_wait3A_1842 = tpu.memref_slice %arg5[%mul3A_796, %dma_wait3A_1841] : memref<1000000x64xf32, #tpu.memory_space<hbm>> -> memref<8x64xf32, #tpu.memory_space<hbm>>
      %dma_wait3A_1843 = arith.constant 0 : i32
      %dma_wait3A_1844 = arith.constant 0 : i32
      %dma_wait3A_1845 = tpu.memref_slice %arg12[%dma_wait3A_1836, %dma_wait3A_1843, %dma_wait3A_1844] : memref<32x8x64xf32, #tpu.memory_space<vmem>> -> memref<1x8x64xf32, #tpu.memory_space<vmem>>
      %dma_wait3A_1846 = tpu.memref_squeeze %dma_wait3A_1845 : memref<1x8x64xf32, #tpu.memory_space<vmem>> -> memref<8x64xf32, #tpu.memory_space<vmem>>
      %dma_wait3A_1847 = arith.constant 0 : i32
      %dma_wait3A_1848 = tpu.memref_slice %arg5[%mul3A_796, %dma_wait3A_1847] : memref<1000000x64xf32, #tpu.memory_space<hbm>> -> memref<8x64xf32, #tpu.memory_space<hbm>>
      tpu.wait_dma2 semaphore(%arg16 : memref<!tpu.dma_semaphore, #tpu.memory_space<semaphore_mem>>) src(%dma_wait3A_1848 : memref<8x64xf32, #tpu.memory_space<hbm>>) dst(%dma_wait3A_1846 : memref<8x64xf32, #tpu.memory_space<vmem>>)
      %dma_wait3A_1849 = arith.constant 19 : i32
      %dma_wait3A_1850 = arith.constant 0 : i32
      %dma_wait3A_1851 = arith.constant 0 : i32
      %dma_wait3A_1852 = tpu.memref_slice %arg11[%dma_wait3A_1849, %dma_wait3A_1850, %dma_wait3A_1851] : memref<32x8x64xf32, #tpu.memory_space<vmem>> -> memref<1x8x64xf32, #tpu.memory_space<vmem>>
      %dma_wait3A_1853 = tpu.memref_squeeze %dma_wait3A_1852 : memref<1x8x64xf32, #tpu.memory_space<vmem>> -> memref<8x64xf32, #tpu.memory_space<vmem>>
      %dma_wait3A_1854 = arith.constant 0 : i32
      %dma_wait3A_1855 = tpu.memref_slice %arg4[%mul3A_823, %dma_wait3A_1854] : memref<1000000x64xf32, #tpu.memory_space<hbm>> -> memref<8x64xf32, #tpu.memory_space<hbm>>
      %dma_wait3A_1856 = arith.constant 0 : i32
      %dma_wait3A_1857 = arith.constant 0 : i32
      %dma_wait3A_1858 = tpu.memref_slice %arg11[%dma_wait3A_1849, %dma_wait3A_1856, %dma_wait3A_1857] : memref<32x8x64xf32, #tpu.memory_space<vmem>> -> memref<1x8x64xf32, #tpu.memory_space<vmem>>
      %dma_wait3A_1859 = tpu.memref_squeeze %dma_wait3A_1858 : memref<1x8x64xf32, #tpu.memory_space<vmem>> -> memref<8x64xf32, #tpu.memory_space<vmem>>
      %dma_wait3A_1860 = arith.constant 0 : i32
      %dma_wait3A_1861 = tpu.memref_slice %arg4[%mul3A_823, %dma_wait3A_1860] : memref<1000000x64xf32, #tpu.memory_space<hbm>> -> memref<8x64xf32, #tpu.memory_space<hbm>>
      tpu.wait_dma2 semaphore(%arg17 : memref<!tpu.dma_semaphore, #tpu.memory_space<semaphore_mem>>) src(%dma_wait3A_1861 : memref<8x64xf32, #tpu.memory_space<hbm>>) dst(%dma_wait3A_1859 : memref<8x64xf32, #tpu.memory_space<vmem>>)
      %dma_wait3A_1862 = arith.constant 19 : i32
      %dma_wait3A_1863 = arith.constant 0 : i32
      %dma_wait3A_1864 = arith.constant 0 : i32
      %dma_wait3A_1865 = tpu.memref_slice %arg12[%dma_wait3A_1862, %dma_wait3A_1863, %dma_wait3A_1864] : memref<32x8x64xf32, #tpu.memory_space<vmem>> -> memref<1x8x64xf32, #tpu.memory_space<vmem>>
      %dma_wait3A_1866 = tpu.memref_squeeze %dma_wait3A_1865 : memref<1x8x64xf32, #tpu.memory_space<vmem>> -> memref<8x64xf32, #tpu.memory_space<vmem>>
      %dma_wait3A_1867 = arith.constant 0 : i32
      %dma_wait3A_1868 = tpu.memref_slice %arg5[%mul3A_838, %dma_wait3A_1867] : memref<1000000x64xf32, #tpu.memory_space<hbm>> -> memref<8x64xf32, #tpu.memory_space<hbm>>
      %dma_wait3A_1869 = arith.constant 0 : i32
      %dma_wait3A_1870 = arith.constant 0 : i32
      %dma_wait3A_1871 = tpu.memref_slice %arg12[%dma_wait3A_1862, %dma_wait3A_1869, %dma_wait3A_1870] : memref<32x8x64xf32, #tpu.memory_space<vmem>> -> memref<1x8x64xf32, #tpu.memory_space<vmem>>
      %dma_wait3A_1872 = tpu.memref_squeeze %dma_wait3A_1871 : memref<1x8x64xf32, #tpu.memory_space<vmem>> -> memref<8x64xf32, #tpu.memory_space<vmem>>
      %dma_wait3A_1873 = arith.constant 0 : i32
      %dma_wait3A_1874 = tpu.memref_slice %arg5[%mul3A_838, %dma_wait3A_1873] : memref<1000000x64xf32, #tpu.memory_space<hbm>> -> memref<8x64xf32, #tpu.memory_space<hbm>>
      tpu.wait_dma2 semaphore(%arg18 : memref<!tpu.dma_semaphore, #tpu.memory_space<semaphore_mem>>) src(%dma_wait3A_1874 : memref<8x64xf32, #tpu.memory_space<hbm>>) dst(%dma_wait3A_1872 : memref<8x64xf32, #tpu.memory_space<vmem>>)
      %dma_wait3A_1875 = arith.constant 20 : i32
      %dma_wait3A_1876 = arith.constant 0 : i32
      %dma_wait3A_1877 = arith.constant 0 : i32
      %dma_wait3A_1878 = tpu.memref_slice %arg11[%dma_wait3A_1875, %dma_wait3A_1876, %dma_wait3A_1877] : memref<32x8x64xf32, #tpu.memory_space<vmem>> -> memref<1x8x64xf32, #tpu.memory_space<vmem>>
      %dma_wait3A_1879 = tpu.memref_squeeze %dma_wait3A_1878 : memref<1x8x64xf32, #tpu.memory_space<vmem>> -> memref<8x64xf32, #tpu.memory_space<vmem>>
      %dma_wait3A_1880 = arith.constant 0 : i32
      %dma_wait3A_1881 = tpu.memref_slice %arg4[%mul3A_865, %dma_wait3A_1880] : memref<1000000x64xf32, #tpu.memory_space<hbm>> -> memref<8x64xf32, #tpu.memory_space<hbm>>
      %dma_wait3A_1882 = arith.constant 0 : i32
      %dma_wait3A_1883 = arith.constant 0 : i32
      %dma_wait3A_1884 = tpu.memref_slice %arg11[%dma_wait3A_1875, %dma_wait3A_1882, %dma_wait3A_1883] : memref<32x8x64xf32, #tpu.memory_space<vmem>> -> memref<1x8x64xf32, #tpu.memory_space<vmem>>
      %dma_wait3A_1885 = tpu.memref_squeeze %dma_wait3A_1884 : memref<1x8x64xf32, #tpu.memory_space<vmem>> -> memref<8x64xf32, #tpu.memory_space<vmem>>
      %dma_wait3A_1886 = arith.constant 0 : i32
      %dma_wait3A_1887 = tpu.memref_slice %arg4[%mul3A_865, %dma_wait3A_1886] : memref<1000000x64xf32, #tpu.memory_space<hbm>> -> memref<8x64xf32, #tpu.memory_space<hbm>>
      tpu.wait_dma2 semaphore(%arg15 : memref<!tpu.dma_semaphore, #tpu.memory_space<semaphore_mem>>) src(%dma_wait3A_1887 : memref<8x64xf32, #tpu.memory_space<hbm>>) dst(%dma_wait3A_1885 : memref<8x64xf32, #tpu.memory_space<vmem>>)
      %dma_wait3A_1888 = arith.constant 20 : i32
      %dma_wait3A_1889 = arith.constant 0 : i32
      %dma_wait3A_1890 = arith.constant 0 : i32
      %dma_wait3A_1891 = tpu.memref_slice %arg12[%dma_wait3A_1888, %dma_wait3A_1889, %dma_wait3A_1890] : memref<32x8x64xf32, #tpu.memory_space<vmem>> -> memref<1x8x64xf32, #tpu.memory_space<vmem>>
      %dma_wait3A_1892 = tpu.memref_squeeze %dma_wait3A_1891 : memref<1x8x64xf32, #tpu.memory_space<vmem>> -> memref<8x64xf32, #tpu.memory_space<vmem>>
      %dma_wait3A_1893 = arith.constant 0 : i32
      %dma_wait3A_1894 = tpu.memref_slice %arg5[%mul3A_880, %dma_wait3A_1893] : memref<1000000x64xf32, #tpu.memory_space<hbm>> -> memref<8x64xf32, #tpu.memory_space<hbm>>
      %dma_wait3A_1895 = arith.constant 0 : i32
      %dma_wait3A_1896 = arith.constant 0 : i32
      %dma_wait3A_1897 = tpu.memref_slice %arg12[%dma_wait3A_1888, %dma_wait3A_1895, %dma_wait3A_1896] : memref<32x8x64xf32, #tpu.memory_space<vmem>> -> memref<1x8x64xf32, #tpu.memory_space<vmem>>
      %dma_wait3A_1898 = tpu.memref_squeeze %dma_wait3A_1897 : memref<1x8x64xf32, #tpu.memory_space<vmem>> -> memref<8x64xf32, #tpu.memory_space<vmem>>
      %dma_wait3A_1899 = arith.constant 0 : i32
      %dma_wait3A_1900 = tpu.memref_slice %arg5[%mul3A_880, %dma_wait3A_1899] : memref<1000000x64xf32, #tpu.memory_space<hbm>> -> memref<8x64xf32, #tpu.memory_space<hbm>>
      tpu.wait_dma2 semaphore(%arg16 : memref<!tpu.dma_semaphore, #tpu.memory_space<semaphore_mem>>) src(%dma_wait3A_1900 : memref<8x64xf32, #tpu.memory_space<hbm>>) dst(%dma_wait3A_1898 : memref<8x64xf32, #tpu.memory_space<vmem>>)
      %dma_wait3A_1901 = arith.constant 21 : i32
      %dma_wait3A_1902 = arith.constant 0 : i32
      %dma_wait3A_1903 = arith.constant 0 : i32
      %dma_wait3A_1904 = tpu.memref_slice %arg11[%dma_wait3A_1901, %dma_wait3A_1902, %dma_wait3A_1903] : memref<32x8x64xf32, #tpu.memory_space<vmem>> -> memref<1x8x64xf32, #tpu.memory_space<vmem>>
      %dma_wait3A_1905 = tpu.memref_squeeze %dma_wait3A_1904 : memref<1x8x64xf32, #tpu.memory_space<vmem>> -> memref<8x64xf32, #tpu.memory_space<vmem>>
      %dma_wait3A_1906 = arith.constant 0 : i32
      %dma_wait3A_1907 = tpu.memref_slice %arg4[%mul3A_907, %dma_wait3A_1906] : memref<1000000x64xf32, #tpu.memory_space<hbm>> -> memref<8x64xf32, #tpu.memory_space<hbm>>
      %dma_wait3A_1908 = arith.constant 0 : i32
      %dma_wait3A_1909 = arith.constant 0 : i32
      %dma_wait3A_1910 = tpu.memref_slice %arg11[%dma_wait3A_1901, %dma_wait3A_1908, %dma_wait3A_1909] : memref<32x8x64xf32, #tpu.memory_space<vmem>> -> memref<1x8x64xf32, #tpu.memory_space<vmem>>
      %dma_wait3A_1911 = tpu.memref_squeeze %dma_wait3A_1910 : memref<1x8x64xf32, #tpu.memory_space<vmem>> -> memref<8x64xf32, #tpu.memory_space<vmem>>
      %dma_wait3A_1912 = arith.constant 0 : i32
      %dma_wait3A_1913 = tpu.memref_slice %arg4[%mul3A_907, %dma_wait3A_1912] : memref<1000000x64xf32, #tpu.memory_space<hbm>> -> memref<8x64xf32, #tpu.memory_space<hbm>>
      tpu.wait_dma2 semaphore(%arg17 : memref<!tpu.dma_semaphore, #tpu.memory_space<semaphore_mem>>) src(%dma_wait3A_1913 : memref<8x64xf32, #tpu.memory_space<hbm>>) dst(%dma_wait3A_1911 : memref<8x64xf32, #tpu.memory_space<vmem>>)
      %dma_wait3A_1914 = arith.constant 21 : i32
      %dma_wait3A_1915 = arith.constant 0 : i32
      %dma_wait3A_1916 = arith.constant 0 : i32
      %dma_wait3A_1917 = tpu.memref_slice %arg12[%dma_wait3A_1914, %dma_wait3A_1915, %dma_wait3A_1916] : memref<32x8x64xf32, #tpu.memory_space<vmem>> -> memref<1x8x64xf32, #tpu.memory_space<vmem>>
      %dma_wait3A_1918 = tpu.memref_squeeze %dma_wait3A_1917 : memref<1x8x64xf32, #tpu.memory_space<vmem>> -> memref<8x64xf32, #tpu.memory_space<vmem>>
      %dma_wait3A_1919 = arith.constant 0 : i32
      %dma_wait3A_1920 = tpu.memref_slice %arg5[%mul3A_922, %dma_wait3A_1919] : memref<1000000x64xf32, #tpu.memory_space<hbm>> -> memref<8x64xf32, #tpu.memory_space<hbm>>
      %dma_wait3A_1921 = arith.constant 0 : i32
      %dma_wait3A_1922 = arith.constant 0 : i32
      %dma_wait3A_1923 = tpu.memref_slice %arg12[%dma_wait3A_1914, %dma_wait3A_1921, %dma_wait3A_1922] : memref<32x8x64xf32, #tpu.memory_space<vmem>> -> memref<1x8x64xf32, #tpu.memory_space<vmem>>
      %dma_wait3A_1924 = tpu.memref_squeeze %dma_wait3A_1923 : memref<1x8x64xf32, #tpu.memory_space<vmem>> -> memref<8x64xf32, #tpu.memory_space<vmem>>
      %dma_wait3A_1925 = arith.constant 0 : i32
      %dma_wait3A_1926 = tpu.memref_slice %arg5[%mul3A_922, %dma_wait3A_1925] : memref<1000000x64xf32, #tpu.memory_space<hbm>> -> memref<8x64xf32, #tpu.memory_space<hbm>>
      tpu.wait_dma2 semaphore(%arg18 : memref<!tpu.dma_semaphore, #tpu.memory_space<semaphore_mem>>) src(%dma_wait3A_1926 : memref<8x64xf32, #tpu.memory_space<hbm>>) dst(%dma_wait3A_1924 : memref<8x64xf32, #tpu.memory_space<vmem>>)
      %dma_wait3A_1927 = arith.constant 22 : i32
      %dma_wait3A_1928 = arith.constant 0 : i32
      %dma_wait3A_1929 = arith.constant 0 : i32
      %dma_wait3A_1930 = tpu.memref_slice %arg11[%dma_wait3A_1927, %dma_wait3A_1928, %dma_wait3A_1929] : memref<32x8x64xf32, #tpu.memory_space<vmem>> -> memref<1x8x64xf32, #tpu.memory_space<vmem>>
      %dma_wait3A_1931 = tpu.memref_squeeze %dma_wait3A_1930 : memref<1x8x64xf32, #tpu.memory_space<vmem>> -> memref<8x64xf32, #tpu.memory_space<vmem>>
      %dma_wait3A_1932 = arith.constant 0 : i32
      %dma_wait3A_1933 = tpu.memref_slice %arg4[%mul3A_949, %dma_wait3A_1932] : memref<1000000x64xf32, #tpu.memory_space<hbm>> -> memref<8x64xf32, #tpu.memory_space<hbm>>
      %dma_wait3A_1934 = arith.constant 0 : i32
      %dma_wait3A_1935 = arith.constant 0 : i32
      %dma_wait3A_1936 = tpu.memref_slice %arg11[%dma_wait3A_1927, %dma_wait3A_1934, %dma_wait3A_1935] : memref<32x8x64xf32, #tpu.memory_space<vmem>> -> memref<1x8x64xf32, #tpu.memory_space<vmem>>
      %dma_wait3A_1937 = tpu.memref_squeeze %dma_wait3A_1936 : memref<1x8x64xf32, #tpu.memory_space<vmem>> -> memref<8x64xf32, #tpu.memory_space<vmem>>
      %dma_wait3A_1938 = arith.constant 0 : i32
      %dma_wait3A_1939 = tpu.memref_slice %arg4[%mul3A_949, %dma_wait3A_1938] : memref<1000000x64xf32, #tpu.memory_space<hbm>> -> memref<8x64xf32, #tpu.memory_space<hbm>>
      tpu.wait_dma2 semaphore(%arg15 : memref<!tpu.dma_semaphore, #tpu.memory_space<semaphore_mem>>) src(%dma_wait3A_1939 : memref<8x64xf32, #tpu.memory_space<hbm>>) dst(%dma_wait3A_1937 : memref<8x64xf32, #tpu.memory_space<vmem>>)
      %dma_wait3A_1940 = arith.constant 22 : i32
      %dma_wait3A_1941 = arith.constant 0 : i32
      %dma_wait3A_1942 = arith.constant 0 : i32
      %dma_wait3A_1943 = tpu.memref_slice %arg12[%dma_wait3A_1940, %dma_wait3A_1941, %dma_wait3A_1942] : memref<32x8x64xf32, #tpu.memory_space<vmem>> -> memref<1x8x64xf32, #tpu.memory_space<vmem>>
      %dma_wait3A_1944 = tpu.memref_squeeze %dma_wait3A_1943 : memref<1x8x64xf32, #tpu.memory_space<vmem>> -> memref<8x64xf32, #tpu.memory_space<vmem>>
      %dma_wait3A_1945 = arith.constant 0 : i32
      %dma_wait3A_1946 = tpu.memref_slice %arg5[%mul3A_964, %dma_wait3A_1945] : memref<1000000x64xf32, #tpu.memory_space<hbm>> -> memref<8x64xf32, #tpu.memory_space<hbm>>
      %dma_wait3A_1947 = arith.constant 0 : i32
      %dma_wait3A_1948 = arith.constant 0 : i32
      %dma_wait3A_1949 = tpu.memref_slice %arg12[%dma_wait3A_1940, %dma_wait3A_1947, %dma_wait3A_1948] : memref<32x8x64xf32, #tpu.memory_space<vmem>> -> memref<1x8x64xf32, #tpu.memory_space<vmem>>
      %dma_wait3A_1950 = tpu.memref_squeeze %dma_wait3A_1949 : memref<1x8x64xf32, #tpu.memory_space<vmem>> -> memref<8x64xf32, #tpu.memory_space<vmem>>
      %dma_wait3A_1951 = arith.constant 0 : i32
      %dma_wait3A_1952 = tpu.memref_slice %arg5[%mul3A_964, %dma_wait3A_1951] : memref<1000000x64xf32, #tpu.memory_space<hbm>> -> memref<8x64xf32, #tpu.memory_space<hbm>>
      tpu.wait_dma2 semaphore(%arg16 : memref<!tpu.dma_semaphore, #tpu.memory_space<semaphore_mem>>) src(%dma_wait3A_1952 : memref<8x64xf32, #tpu.memory_space<hbm>>) dst(%dma_wait3A_1950 : memref<8x64xf32, #tpu.memory_space<vmem>>)
      %dma_wait3A_1953 = arith.constant 23 : i32
      %dma_wait3A_1954 = arith.constant 0 : i32
      %dma_wait3A_1955 = arith.constant 0 : i32
      %dma_wait3A_1956 = tpu.memref_slice %arg11[%dma_wait3A_1953, %dma_wait3A_1954, %dma_wait3A_1955] : memref<32x8x64xf32, #tpu.memory_space<vmem>> -> memref<1x8x64xf32, #tpu.memory_space<vmem>>
      %dma_wait3A_1957 = tpu.memref_squeeze %dma_wait3A_1956 : memref<1x8x64xf32, #tpu.memory_space<vmem>> -> memref<8x64xf32, #tpu.memory_space<vmem>>
      %dma_wait3A_1958 = arith.constant 0 : i32
      %dma_wait3A_1959 = tpu.memref_slice %arg4[%mul3A_991, %dma_wait3A_1958] : memref<1000000x64xf32, #tpu.memory_space<hbm>> -> memref<8x64xf32, #tpu.memory_space<hbm>>
      %dma_wait3A_1960 = arith.constant 0 : i32
      %dma_wait3A_1961 = arith.constant 0 : i32
      %dma_wait3A_1962 = tpu.memref_slice %arg11[%dma_wait3A_1953, %dma_wait3A_1960, %dma_wait3A_1961] : memref<32x8x64xf32, #tpu.memory_space<vmem>> -> memref<1x8x64xf32, #tpu.memory_space<vmem>>
      %dma_wait3A_1963 = tpu.memref_squeeze %dma_wait3A_1962 : memref<1x8x64xf32, #tpu.memory_space<vmem>> -> memref<8x64xf32, #tpu.memory_space<vmem>>
      %dma_wait3A_1964 = arith.constant 0 : i32
      %dma_wait3A_1965 = tpu.memref_slice %arg4[%mul3A_991, %dma_wait3A_1964] : memref<1000000x64xf32, #tpu.memory_space<hbm>> -> memref<8x64xf32, #tpu.memory_space<hbm>>
      tpu.wait_dma2 semaphore(%arg17 : memref<!tpu.dma_semaphore, #tpu.memory_space<semaphore_mem>>) src(%dma_wait3A_1965 : memref<8x64xf32, #tpu.memory_space<hbm>>) dst(%dma_wait3A_1963 : memref<8x64xf32, #tpu.memory_space<vmem>>)
      %dma_wait3A_1966 = arith.constant 23 : i32
      %dma_wait3A_1967 = arith.constant 0 : i32
      %dma_wait3A_1968 = arith.constant 0 : i32
      %dma_wait3A_1969 = tpu.memref_slice %arg12[%dma_wait3A_1966, %dma_wait3A_1967, %dma_wait3A_1968] : memref<32x8x64xf32, #tpu.memory_space<vmem>> -> memref<1x8x64xf32, #tpu.memory_space<vmem>>
      %dma_wait3A_1970 = tpu.memref_squeeze %dma_wait3A_1969 : memref<1x8x64xf32, #tpu.memory_space<vmem>> -> memref<8x64xf32, #tpu.memory_space<vmem>>
      %dma_wait3A_1971 = arith.constant 0 : i32
      %dma_wait3A_1972 = tpu.memref_slice %arg5[%mul3A_1006, %dma_wait3A_1971] : memref<1000000x64xf32, #tpu.memory_space<hbm>> -> memref<8x64xf32, #tpu.memory_space<hbm>>
      %dma_wait3A_1973 = arith.constant 0 : i32
      %dma_wait3A_1974 = arith.constant 0 : i32
      %dma_wait3A_1975 = tpu.memref_slice %arg12[%dma_wait3A_1966, %dma_wait3A_1973, %dma_wait3A_1974] : memref<32x8x64xf32, #tpu.memory_space<vmem>> -> memref<1x8x64xf32, #tpu.memory_space<vmem>>
      %dma_wait3A_1976 = tpu.memref_squeeze %dma_wait3A_1975 : memref<1x8x64xf32, #tpu.memory_space<vmem>> -> memref<8x64xf32, #tpu.memory_space<vmem>>
      %dma_wait3A_1977 = arith.constant 0 : i32
      %dma_wait3A_1978 = tpu.memref_slice %arg5[%mul3A_1006, %dma_wait3A_1977] : memref<1000000x64xf32, #tpu.memory_space<hbm>> -> memref<8x64xf32, #tpu.memory_space<hbm>>
      tpu.wait_dma2 semaphore(%arg18 : memref<!tpu.dma_semaphore, #tpu.memory_space<semaphore_mem>>) src(%dma_wait3A_1978 : memref<8x64xf32, #tpu.memory_space<hbm>>) dst(%dma_wait3A_1976 : memref<8x64xf32, #tpu.memory_space<vmem>>)
      %dma_wait3A_1979 = arith.constant 24 : i32
      %dma_wait3A_1980 = arith.constant 0 : i32
      %dma_wait3A_1981 = arith.constant 0 : i32
      %dma_wait3A_1982 = tpu.memref_slice %arg11[%dma_wait3A_1979, %dma_wait3A_1980, %dma_wait3A_1981] : memref<32x8x64xf32, #tpu.memory_space<vmem>> -> memref<1x8x64xf32, #tpu.memory_space<vmem>>
      %dma_wait3A_1983 = tpu.memref_squeeze %dma_wait3A_1982 : memref<1x8x64xf32, #tpu.memory_space<vmem>> -> memref<8x64xf32, #tpu.memory_space<vmem>>
      %dma_wait3A_1984 = arith.constant 0 : i32
      %dma_wait3A_1985 = tpu.memref_slice %arg4[%mul3A_1033, %dma_wait3A_1984] : memref<1000000x64xf32, #tpu.memory_space<hbm>> -> memref<8x64xf32, #tpu.memory_space<hbm>>
      %dma_wait3A_1986 = arith.constant 0 : i32
      %dma_wait3A_1987 = arith.constant 0 : i32
      %dma_wait3A_1988 = tpu.memref_slice %arg11[%dma_wait3A_1979, %dma_wait3A_1986, %dma_wait3A_1987] : memref<32x8x64xf32, #tpu.memory_space<vmem>> -> memref<1x8x64xf32, #tpu.memory_space<vmem>>
      %dma_wait3A_1989 = tpu.memref_squeeze %dma_wait3A_1988 : memref<1x8x64xf32, #tpu.memory_space<vmem>> -> memref<8x64xf32, #tpu.memory_space<vmem>>
      %dma_wait3A_1990 = arith.constant 0 : i32
      %dma_wait3A_1991 = tpu.memref_slice %arg4[%mul3A_1033, %dma_wait3A_1990] : memref<1000000x64xf32, #tpu.memory_space<hbm>> -> memref<8x64xf32, #tpu.memory_space<hbm>>
      tpu.wait_dma2 semaphore(%arg15 : memref<!tpu.dma_semaphore, #tpu.memory_space<semaphore_mem>>) src(%dma_wait3A_1991 : memref<8x64xf32, #tpu.memory_space<hbm>>) dst(%dma_wait3A_1989 : memref<8x64xf32, #tpu.memory_space<vmem>>)
      %dma_wait3A_1992 = arith.constant 24 : i32
      %dma_wait3A_1993 = arith.constant 0 : i32
      %dma_wait3A_1994 = arith.constant 0 : i32
      %dma_wait3A_1995 = tpu.memref_slice %arg12[%dma_wait3A_1992, %dma_wait3A_1993, %dma_wait3A_1994] : memref<32x8x64xf32, #tpu.memory_space<vmem>> -> memref<1x8x64xf32, #tpu.memory_space<vmem>>
      %dma_wait3A_1996 = tpu.memref_squeeze %dma_wait3A_1995 : memref<1x8x64xf32, #tpu.memory_space<vmem>> -> memref<8x64xf32, #tpu.memory_space<vmem>>
      %dma_wait3A_1997 = arith.constant 0 : i32
      %dma_wait3A_1998 = tpu.memref_slice %arg5[%mul3A_1048, %dma_wait3A_1997] : memref<1000000x64xf32, #tpu.memory_space<hbm>> -> memref<8x64xf32, #tpu.memory_space<hbm>>
      %dma_wait3A_1999 = arith.constant 0 : i32
      %dma_wait3A_2000 = arith.constant 0 : i32
      %dma_wait3A_2001 = tpu.memref_slice %arg12[%dma_wait3A_1992, %dma_wait3A_1999, %dma_wait3A_2000] : memref<32x8x64xf32, #tpu.memory_space<vmem>> -> memref<1x8x64xf32, #tpu.memory_space<vmem>>
      %dma_wait3A_2002 = tpu.memref_squeeze %dma_wait3A_2001 : memref<1x8x64xf32, #tpu.memory_space<vmem>> -> memref<8x64xf32, #tpu.memory_space<vmem>>
      %dma_wait3A_2003 = arith.constant 0 : i32
      %dma_wait3A_2004 = tpu.memref_slice %arg5[%mul3A_1048, %dma_wait3A_2003] : memref<1000000x64xf32, #tpu.memory_space<hbm>> -> memref<8x64xf32, #tpu.memory_space<hbm>>
      tpu.wait_dma2 semaphore(%arg16 : memref<!tpu.dma_semaphore, #tpu.memory_space<semaphore_mem>>) src(%dma_wait3A_2004 : memref<8x64xf32, #tpu.memory_space<hbm>>) dst(%dma_wait3A_2002 : memref<8x64xf32, #tpu.memory_space<vmem>>)
      %dma_wait3A_2005 = arith.constant 25 : i32
      %dma_wait3A_2006 = arith.constant 0 : i32
      %dma_wait3A_2007 = arith.constant 0 : i32
      %dma_wait3A_2008 = tpu.memref_slice %arg11[%dma_wait3A_2005, %dma_wait3A_2006, %dma_wait3A_2007] : memref<32x8x64xf32, #tpu.memory_space<vmem>> -> memref<1x8x64xf32, #tpu.memory_space<vmem>>
      %dma_wait3A_2009 = tpu.memref_squeeze %dma_wait3A_2008 : memref<1x8x64xf32, #tpu.memory_space<vmem>> -> memref<8x64xf32, #tpu.memory_space<vmem>>
      %dma_wait3A_2010 = arith.constant 0 : i32
      %dma_wait3A_2011 = tpu.memref_slice %arg4[%mul3A_1075, %dma_wait3A_2010] : memref<1000000x64xf32, #tpu.memory_space<hbm>> -> memref<8x64xf32, #tpu.memory_space<hbm>>
      %dma_wait3A_2012 = arith.constant 0 : i32
      %dma_wait3A_2013 = arith.constant 0 : i32
      %dma_wait3A_2014 = tpu.memref_slice %arg11[%dma_wait3A_2005, %dma_wait3A_2012, %dma_wait3A_2013] : memref<32x8x64xf32, #tpu.memory_space<vmem>> -> memref<1x8x64xf32, #tpu.memory_space<vmem>>
      %dma_wait3A_2015 = tpu.memref_squeeze %dma_wait3A_2014 : memref<1x8x64xf32, #tpu.memory_space<vmem>> -> memref<8x64xf32, #tpu.memory_space<vmem>>
      %dma_wait3A_2016 = arith.constant 0 : i32
      %dma_wait3A_2017 = tpu.memref_slice %arg4[%mul3A_1075, %dma_wait3A_2016] : memref<1000000x64xf32, #tpu.memory_space<hbm>> -> memref<8x64xf32, #tpu.memory_space<hbm>>
      tpu.wait_dma2 semaphore(%arg17 : memref<!tpu.dma_semaphore, #tpu.memory_space<semaphore_mem>>) src(%dma_wait3A_2017 : memref<8x64xf32, #tpu.memory_space<hbm>>) dst(%dma_wait3A_2015 : memref<8x64xf32, #tpu.memory_space<vmem>>)
      %dma_wait3A_2018 = arith.constant 25 : i32
      %dma_wait3A_2019 = arith.constant 0 : i32
      %dma_wait3A_2020 = arith.constant 0 : i32
      %dma_wait3A_2021 = tpu.memref_slice %arg12[%dma_wait3A_2018, %dma_wait3A_2019, %dma_wait3A_2020] : memref<32x8x64xf32, #tpu.memory_space<vmem>> -> memref<1x8x64xf32, #tpu.memory_space<vmem>>
      %dma_wait3A_2022 = tpu.memref_squeeze %dma_wait3A_2021 : memref<1x8x64xf32, #tpu.memory_space<vmem>> -> memref<8x64xf32, #tpu.memory_space<vmem>>
      %dma_wait3A_2023 = arith.constant 0 : i32
      %dma_wait3A_2024 = tpu.memref_slice %arg5[%mul3A_1090, %dma_wait3A_2023] : memref<1000000x64xf32, #tpu.memory_space<hbm>> -> memref<8x64xf32, #tpu.memory_space<hbm>>
      %dma_wait3A_2025 = arith.constant 0 : i32
      %dma_wait3A_2026 = arith.constant 0 : i32
      %dma_wait3A_2027 = tpu.memref_slice %arg12[%dma_wait3A_2018, %dma_wait3A_2025, %dma_wait3A_2026] : memref<32x8x64xf32, #tpu.memory_space<vmem>> -> memref<1x8x64xf32, #tpu.memory_space<vmem>>
      %dma_wait3A_2028 = tpu.memref_squeeze %dma_wait3A_2027 : memref<1x8x64xf32, #tpu.memory_space<vmem>> -> memref<8x64xf32, #tpu.memory_space<vmem>>
      %dma_wait3A_2029 = arith.constant 0 : i32
      %dma_wait3A_2030 = tpu.memref_slice %arg5[%mul3A_1090, %dma_wait3A_2029] : memref<1000000x64xf32, #tpu.memory_space<hbm>> -> memref<8x64xf32, #tpu.memory_space<hbm>>
      tpu.wait_dma2 semaphore(%arg18 : memref<!tpu.dma_semaphore, #tpu.memory_space<semaphore_mem>>) src(%dma_wait3A_2030 : memref<8x64xf32, #tpu.memory_space<hbm>>) dst(%dma_wait3A_2028 : memref<8x64xf32, #tpu.memory_space<vmem>>)
      %dma_wait3A_2031 = arith.constant 26 : i32
      %dma_wait3A_2032 = arith.constant 0 : i32
      %dma_wait3A_2033 = arith.constant 0 : i32
      %dma_wait3A_2034 = tpu.memref_slice %arg11[%dma_wait3A_2031, %dma_wait3A_2032, %dma_wait3A_2033] : memref<32x8x64xf32, #tpu.memory_space<vmem>> -> memref<1x8x64xf32, #tpu.memory_space<vmem>>
      %dma_wait3A_2035 = tpu.memref_squeeze %dma_wait3A_2034 : memref<1x8x64xf32, #tpu.memory_space<vmem>> -> memref<8x64xf32, #tpu.memory_space<vmem>>
      %dma_wait3A_2036 = arith.constant 0 : i32
      %dma_wait3A_2037 = tpu.memref_slice %arg4[%mul3A_1117, %dma_wait3A_2036] : memref<1000000x64xf32, #tpu.memory_space<hbm>> -> memref<8x64xf32, #tpu.memory_space<hbm>>
      %dma_wait3A_2038 = arith.constant 0 : i32
      %dma_wait3A_2039 = arith.constant 0 : i32
      %dma_wait3A_2040 = tpu.memref_slice %arg11[%dma_wait3A_2031, %dma_wait3A_2038, %dma_wait3A_2039] : memref<32x8x64xf32, #tpu.memory_space<vmem>> -> memref<1x8x64xf32, #tpu.memory_space<vmem>>
      %dma_wait3A_2041 = tpu.memref_squeeze %dma_wait3A_2040 : memref<1x8x64xf32, #tpu.memory_space<vmem>> -> memref<8x64xf32, #tpu.memory_space<vmem>>
      %dma_wait3A_2042 = arith.constant 0 : i32
      %dma_wait3A_2043 = tpu.memref_slice %arg4[%mul3A_1117, %dma_wait3A_2042] : memref<1000000x64xf32, #tpu.memory_space<hbm>> -> memref<8x64xf32, #tpu.memory_space<hbm>>
      tpu.wait_dma2 semaphore(%arg15 : memref<!tpu.dma_semaphore, #tpu.memory_space<semaphore_mem>>) src(%dma_wait3A_2043 : memref<8x64xf32, #tpu.memory_space<hbm>>) dst(%dma_wait3A_2041 : memref<8x64xf32, #tpu.memory_space<vmem>>)
      %dma_wait3A_2044 = arith.constant 26 : i32
      %dma_wait3A_2045 = arith.constant 0 : i32
      %dma_wait3A_2046 = arith.constant 0 : i32
      %dma_wait3A_2047 = tpu.memref_slice %arg12[%dma_wait3A_2044, %dma_wait3A_2045, %dma_wait3A_2046] : memref<32x8x64xf32, #tpu.memory_space<vmem>> -> memref<1x8x64xf32, #tpu.memory_space<vmem>>
      %dma_wait3A_2048 = tpu.memref_squeeze %dma_wait3A_2047 : memref<1x8x64xf32, #tpu.memory_space<vmem>> -> memref<8x64xf32, #tpu.memory_space<vmem>>
      %dma_wait3A_2049 = arith.constant 0 : i32
      %dma_wait3A_2050 = tpu.memref_slice %arg5[%mul3A_1132, %dma_wait3A_2049] : memref<1000000x64xf32, #tpu.memory_space<hbm>> -> memref<8x64xf32, #tpu.memory_space<hbm>>
      %dma_wait3A_2051 = arith.constant 0 : i32
      %dma_wait3A_2052 = arith.constant 0 : i32
      %dma_wait3A_2053 = tpu.memref_slice %arg12[%dma_wait3A_2044, %dma_wait3A_2051, %dma_wait3A_2052] : memref<32x8x64xf32, #tpu.memory_space<vmem>> -> memref<1x8x64xf32, #tpu.memory_space<vmem>>
      %dma_wait3A_2054 = tpu.memref_squeeze %dma_wait3A_2053 : memref<1x8x64xf32, #tpu.memory_space<vmem>> -> memref<8x64xf32, #tpu.memory_space<vmem>>
      %dma_wait3A_2055 = arith.constant 0 : i32
      %dma_wait3A_2056 = tpu.memref_slice %arg5[%mul3A_1132, %dma_wait3A_2055] : memref<1000000x64xf32, #tpu.memory_space<hbm>> -> memref<8x64xf32, #tpu.memory_space<hbm>>
      tpu.wait_dma2 semaphore(%arg16 : memref<!tpu.dma_semaphore, #tpu.memory_space<semaphore_mem>>) src(%dma_wait3A_2056 : memref<8x64xf32, #tpu.memory_space<hbm>>) dst(%dma_wait3A_2054 : memref<8x64xf32, #tpu.memory_space<vmem>>)
      %dma_wait3A_2057 = arith.constant 27 : i32
      %dma_wait3A_2058 = arith.constant 0 : i32
      %dma_wait3A_2059 = arith.constant 0 : i32
      %dma_wait3A_2060 = tpu.memref_slice %arg11[%dma_wait3A_2057, %dma_wait3A_2058, %dma_wait3A_2059] : memref<32x8x64xf32, #tpu.memory_space<vmem>> -> memref<1x8x64xf32, #tpu.memory_space<vmem>>
      %dma_wait3A_2061 = tpu.memref_squeeze %dma_wait3A_2060 : memref<1x8x64xf32, #tpu.memory_space<vmem>> -> memref<8x64xf32, #tpu.memory_space<vmem>>
      %dma_wait3A_2062 = arith.constant 0 : i32
      %dma_wait3A_2063 = tpu.memref_slice %arg4[%mul3A_1159, %dma_wait3A_2062] : memref<1000000x64xf32, #tpu.memory_space<hbm>> -> memref<8x64xf32, #tpu.memory_space<hbm>>
      %dma_wait3A_2064 = arith.constant 0 : i32
      %dma_wait3A_2065 = arith.constant 0 : i32
      %dma_wait3A_2066 = tpu.memref_slice %arg11[%dma_wait3A_2057, %dma_wait3A_2064, %dma_wait3A_2065] : memref<32x8x64xf32, #tpu.memory_space<vmem>> -> memref<1x8x64xf32, #tpu.memory_space<vmem>>
      %dma_wait3A_2067 = tpu.memref_squeeze %dma_wait3A_2066 : memref<1x8x64xf32, #tpu.memory_space<vmem>> -> memref<8x64xf32, #tpu.memory_space<vmem>>
      %dma_wait3A_2068 = arith.constant 0 : i32
      %dma_wait3A_2069 = tpu.memref_slice %arg4[%mul3A_1159, %dma_wait3A_2068] : memref<1000000x64xf32, #tpu.memory_space<hbm>> -> memref<8x64xf32, #tpu.memory_space<hbm>>
      tpu.wait_dma2 semaphore(%arg17 : memref<!tpu.dma_semaphore, #tpu.memory_space<semaphore_mem>>) src(%dma_wait3A_2069 : memref<8x64xf32, #tpu.memory_space<hbm>>) dst(%dma_wait3A_2067 : memref<8x64xf32, #tpu.memory_space<vmem>>)
      %dma_wait3A_2070 = arith.constant 27 : i32
      %dma_wait3A_2071 = arith.constant 0 : i32
      %dma_wait3A_2072 = arith.constant 0 : i32
      %dma_wait3A_2073 = tpu.memref_slice %arg12[%dma_wait3A_2070, %dma_wait3A_2071, %dma_wait3A_2072] : memref<32x8x64xf32, #tpu.memory_space<vmem>> -> memref<1x8x64xf32, #tpu.memory_space<vmem>>
      %dma_wait3A_2074 = tpu.memref_squeeze %dma_wait3A_2073 : memref<1x8x64xf32, #tpu.memory_space<vmem>> -> memref<8x64xf32, #tpu.memory_space<vmem>>
      %dma_wait3A_2075 = arith.constant 0 : i32
      %dma_wait3A_2076 = tpu.memref_slice %arg5[%mul3A_1174, %dma_wait3A_2075] : memref<1000000x64xf32, #tpu.memory_space<hbm>> -> memref<8x64xf32, #tpu.memory_space<hbm>>
      %dma_wait3A_2077 = arith.constant 0 : i32
      %dma_wait3A_2078 = arith.constant 0 : i32
      %dma_wait3A_2079 = tpu.memref_slice %arg12[%dma_wait3A_2070, %dma_wait3A_2077, %dma_wait3A_2078] : memref<32x8x64xf32, #tpu.memory_space<vmem>> -> memref<1x8x64xf32, #tpu.memory_space<vmem>>
      %dma_wait3A_2080 = tpu.memref_squeeze %dma_wait3A_2079 : memref<1x8x64xf32, #tpu.memory_space<vmem>> -> memref<8x64xf32, #tpu.memory_space<vmem>>
      %dma_wait3A_2081 = arith.constant 0 : i32
      %dma_wait3A_2082 = tpu.memref_slice %arg5[%mul3A_1174, %dma_wait3A_2081] : memref<1000000x64xf32, #tpu.memory_space<hbm>> -> memref<8x64xf32, #tpu.memory_space<hbm>>
      tpu.wait_dma2 semaphore(%arg18 : memref<!tpu.dma_semaphore, #tpu.memory_space<semaphore_mem>>) src(%dma_wait3A_2082 : memref<8x64xf32, #tpu.memory_space<hbm>>) dst(%dma_wait3A_2080 : memref<8x64xf32, #tpu.memory_space<vmem>>)
      %dma_wait3A_2083 = arith.constant 28 : i32
      %dma_wait3A_2084 = arith.constant 0 : i32
      %dma_wait3A_2085 = arith.constant 0 : i32
      %dma_wait3A_2086 = tpu.memref_slice %arg11[%dma_wait3A_2083, %dma_wait3A_2084, %dma_wait3A_2085] : memref<32x8x64xf32, #tpu.memory_space<vmem>> -> memref<1x8x64xf32, #tpu.memory_space<vmem>>
      %dma_wait3A_2087 = tpu.memref_squeeze %dma_wait3A_2086 : memref<1x8x64xf32, #tpu.memory_space<vmem>> -> memref<8x64xf32, #tpu.memory_space<vmem>>
      %dma_wait3A_2088 = arith.constant 0 : i32
      %dma_wait3A_2089 = tpu.memref_slice %arg4[%mul3A_1201, %dma_wait3A_2088] : memref<1000000x64xf32, #tpu.memory_space<hbm>> -> memref<8x64xf32, #tpu.memory_space<hbm>>
      %dma_wait3A_2090 = arith.constant 0 : i32
      %dma_wait3A_2091 = arith.constant 0 : i32
      %dma_wait3A_2092 = tpu.memref_slice %arg11[%dma_wait3A_2083, %dma_wait3A_2090, %dma_wait3A_2091] : memref<32x8x64xf32, #tpu.memory_space<vmem>> -> memref<1x8x64xf32, #tpu.memory_space<vmem>>
      %dma_wait3A_2093 = tpu.memref_squeeze %dma_wait3A_2092 : memref<1x8x64xf32, #tpu.memory_space<vmem>> -> memref<8x64xf32, #tpu.memory_space<vmem>>
      %dma_wait3A_2094 = arith.constant 0 : i32
      %dma_wait3A_2095 = tpu.memref_slice %arg4[%mul3A_1201, %dma_wait3A_2094] : memref<1000000x64xf32, #tpu.memory_space<hbm>> -> memref<8x64xf32, #tpu.memory_space<hbm>>
      tpu.wait_dma2 semaphore(%arg15 : memref<!tpu.dma_semaphore, #tpu.memory_space<semaphore_mem>>) src(%dma_wait3A_2095 : memref<8x64xf32, #tpu.memory_space<hbm>>) dst(%dma_wait3A_2093 : memref<8x64xf32, #tpu.memory_space<vmem>>)
      %dma_wait3A_2096 = arith.constant 28 : i32
      %dma_wait3A_2097 = arith.constant 0 : i32
      %dma_wait3A_2098 = arith.constant 0 : i32
      %dma_wait3A_2099 = tpu.memref_slice %arg12[%dma_wait3A_2096, %dma_wait3A_2097, %dma_wait3A_2098] : memref<32x8x64xf32, #tpu.memory_space<vmem>> -> memref<1x8x64xf32, #tpu.memory_space<vmem>>
      %dma_wait3A_2100 = tpu.memref_squeeze %dma_wait3A_2099 : memref<1x8x64xf32, #tpu.memory_space<vmem>> -> memref<8x64xf32, #tpu.memory_space<vmem>>
      %dma_wait3A_2101 = arith.constant 0 : i32
      %dma_wait3A_2102 = tpu.memref_slice %arg5[%mul3A_1216, %dma_wait3A_2101] : memref<1000000x64xf32, #tpu.memory_space<hbm>> -> memref<8x64xf32, #tpu.memory_space<hbm>>
      %dma_wait3A_2103 = arith.constant 0 : i32
      %dma_wait3A_2104 = arith.constant 0 : i32
      %dma_wait3A_2105 = tpu.memref_slice %arg12[%dma_wait3A_2096, %dma_wait3A_2103, %dma_wait3A_2104] : memref<32x8x64xf32, #tpu.memory_space<vmem>> -> memref<1x8x64xf32, #tpu.memory_space<vmem>>
      %dma_wait3A_2106 = tpu.memref_squeeze %dma_wait3A_2105 : memref<1x8x64xf32, #tpu.memory_space<vmem>> -> memref<8x64xf32, #tpu.memory_space<vmem>>
      %dma_wait3A_2107 = arith.constant 0 : i32
      %dma_wait3A_2108 = tpu.memref_slice %arg5[%mul3A_1216, %dma_wait3A_2107] : memref<1000000x64xf32, #tpu.memory_space<hbm>> -> memref<8x64xf32, #tpu.memory_space<hbm>>
      tpu.wait_dma2 semaphore(%arg16 : memref<!tpu.dma_semaphore, #tpu.memory_space<semaphore_mem>>) src(%dma_wait3A_2108 : memref<8x64xf32, #tpu.memory_space<hbm>>) dst(%dma_wait3A_2106 : memref<8x64xf32, #tpu.memory_space<vmem>>)
      %dma_wait3A_2109 = arith.constant 29 : i32
      %dma_wait3A_2110 = arith.constant 0 : i32
      %dma_wait3A_2111 = arith.constant 0 : i32
      %dma_wait3A_2112 = tpu.memref_slice %arg11[%dma_wait3A_2109, %dma_wait3A_2110, %dma_wait3A_2111] : memref<32x8x64xf32, #tpu.memory_space<vmem>> -> memref<1x8x64xf32, #tpu.memory_space<vmem>>
      %dma_wait3A_2113 = tpu.memref_squeeze %dma_wait3A_2112 : memref<1x8x64xf32, #tpu.memory_space<vmem>> -> memref<8x64xf32, #tpu.memory_space<vmem>>
      %dma_wait3A_2114 = arith.constant 0 : i32
      %dma_wait3A_2115 = tpu.memref_slice %arg4[%mul3A_1243, %dma_wait3A_2114] : memref<1000000x64xf32, #tpu.memory_space<hbm>> -> memref<8x64xf32, #tpu.memory_space<hbm>>
      %dma_wait3A_2116 = arith.constant 0 : i32
      %dma_wait3A_2117 = arith.constant 0 : i32
      %dma_wait3A_2118 = tpu.memref_slice %arg11[%dma_wait3A_2109, %dma_wait3A_2116, %dma_wait3A_2117] : memref<32x8x64xf32, #tpu.memory_space<vmem>> -> memref<1x8x64xf32, #tpu.memory_space<vmem>>
      %dma_wait3A_2119 = tpu.memref_squeeze %dma_wait3A_2118 : memref<1x8x64xf32, #tpu.memory_space<vmem>> -> memref<8x64xf32, #tpu.memory_space<vmem>>
      %dma_wait3A_2120 = arith.constant 0 : i32
      %dma_wait3A_2121 = tpu.memref_slice %arg4[%mul3A_1243, %dma_wait3A_2120] : memref<1000000x64xf32, #tpu.memory_space<hbm>> -> memref<8x64xf32, #tpu.memory_space<hbm>>
      tpu.wait_dma2 semaphore(%arg17 : memref<!tpu.dma_semaphore, #tpu.memory_space<semaphore_mem>>) src(%dma_wait3A_2121 : memref<8x64xf32, #tpu.memory_space<hbm>>) dst(%dma_wait3A_2119 : memref<8x64xf32, #tpu.memory_space<vmem>>)
      %dma_wait3A_2122 = arith.constant 29 : i32
      %dma_wait3A_2123 = arith.constant 0 : i32
      %dma_wait3A_2124 = arith.constant 0 : i32
      %dma_wait3A_2125 = tpu.memref_slice %arg12[%dma_wait3A_2122, %dma_wait3A_2123, %dma_wait3A_2124] : memref<32x8x64xf32, #tpu.memory_space<vmem>> -> memref<1x8x64xf32, #tpu.memory_space<vmem>>
      %dma_wait3A_2126 = tpu.memref_squeeze %dma_wait3A_2125 : memref<1x8x64xf32, #tpu.memory_space<vmem>> -> memref<8x64xf32, #tpu.memory_space<vmem>>
      %dma_wait3A_2127 = arith.constant 0 : i32
      %dma_wait3A_2128 = tpu.memref_slice %arg5[%mul3A_1258, %dma_wait3A_2127] : memref<1000000x64xf32, #tpu.memory_space<hbm>> -> memref<8x64xf32, #tpu.memory_space<hbm>>
      %dma_wait3A_2129 = arith.constant 0 : i32
      %dma_wait3A_2130 = arith.constant 0 : i32
      %dma_wait3A_2131 = tpu.memref_slice %arg12[%dma_wait3A_2122, %dma_wait3A_2129, %dma_wait3A_2130] : memref<32x8x64xf32, #tpu.memory_space<vmem>> -> memref<1x8x64xf32, #tpu.memory_space<vmem>>
      %dma_wait3A_2132 = tpu.memref_squeeze %dma_wait3A_2131 : memref<1x8x64xf32, #tpu.memory_space<vmem>> -> memref<8x64xf32, #tpu.memory_space<vmem>>
      %dma_wait3A_2133 = arith.constant 0 : i32
      %dma_wait3A_2134 = tpu.memref_slice %arg5[%mul3A_1258, %dma_wait3A_2133] : memref<1000000x64xf32, #tpu.memory_space<hbm>> -> memref<8x64xf32, #tpu.memory_space<hbm>>
      tpu.wait_dma2 semaphore(%arg18 : memref<!tpu.dma_semaphore, #tpu.memory_space<semaphore_mem>>) src(%dma_wait3A_2134 : memref<8x64xf32, #tpu.memory_space<hbm>>) dst(%dma_wait3A_2132 : memref<8x64xf32, #tpu.memory_space<vmem>>)
      %dma_wait3A_2135 = arith.constant 30 : i32
      %dma_wait3A_2136 = arith.constant 0 : i32
      %dma_wait3A_2137 = arith.constant 0 : i32
      %dma_wait3A_2138 = tpu.memref_slice %arg11[%dma_wait3A_2135, %dma_wait3A_2136, %dma_wait3A_2137] : memref<32x8x64xf32, #tpu.memory_space<vmem>> -> memref<1x8x64xf32, #tpu.memory_space<vmem>>
      %dma_wait3A_2139 = tpu.memref_squeeze %dma_wait3A_2138 : memref<1x8x64xf32, #tpu.memory_space<vmem>> -> memref<8x64xf32, #tpu.memory_space<vmem>>
      %dma_wait3A_2140 = arith.constant 0 : i32
      %dma_wait3A_2141 = tpu.memref_slice %arg4[%mul3A_1285, %dma_wait3A_2140] : memref<1000000x64xf32, #tpu.memory_space<hbm>> -> memref<8x64xf32, #tpu.memory_space<hbm>>
      %dma_wait3A_2142 = arith.constant 0 : i32
      %dma_wait3A_2143 = arith.constant 0 : i32
      %dma_wait3A_2144 = tpu.memref_slice %arg11[%dma_wait3A_2135, %dma_wait3A_2142, %dma_wait3A_2143] : memref<32x8x64xf32, #tpu.memory_space<vmem>> -> memref<1x8x64xf32, #tpu.memory_space<vmem>>
      %dma_wait3A_2145 = tpu.memref_squeeze %dma_wait3A_2144 : memref<1x8x64xf32, #tpu.memory_space<vmem>> -> memref<8x64xf32, #tpu.memory_space<vmem>>
      %dma_wait3A_2146 = arith.constant 0 : i32
      %dma_wait3A_2147 = tpu.memref_slice %arg4[%mul3A_1285, %dma_wait3A_2146] : memref<1000000x64xf32, #tpu.memory_space<hbm>> -> memref<8x64xf32, #tpu.memory_space<hbm>>
      tpu.wait_dma2 semaphore(%arg15 : memref<!tpu.dma_semaphore, #tpu.memory_space<semaphore_mem>>) src(%dma_wait3A_2147 : memref<8x64xf32, #tpu.memory_space<hbm>>) dst(%dma_wait3A_2145 : memref<8x64xf32, #tpu.memory_space<vmem>>)
      %dma_wait3A_2148 = arith.constant 30 : i32
      %dma_wait3A_2149 = arith.constant 0 : i32
      %dma_wait3A_2150 = arith.constant 0 : i32
      %dma_wait3A_2151 = tpu.memref_slice %arg12[%dma_wait3A_2148, %dma_wait3A_2149, %dma_wait3A_2150] : memref<32x8x64xf32, #tpu.memory_space<vmem>> -> memref<1x8x64xf32, #tpu.memory_space<vmem>>
      %dma_wait3A_2152 = tpu.memref_squeeze %dma_wait3A_2151 : memref<1x8x64xf32, #tpu.memory_space<vmem>> -> memref<8x64xf32, #tpu.memory_space<vmem>>
      %dma_wait3A_2153 = arith.constant 0 : i32
      %dma_wait3A_2154 = tpu.memref_slice %arg5[%mul3A_1300, %dma_wait3A_2153] : memref<1000000x64xf32, #tpu.memory_space<hbm>> -> memref<8x64xf32, #tpu.memory_space<hbm>>
      %dma_wait3A_2155 = arith.constant 0 : i32
      %dma_wait3A_2156 = arith.constant 0 : i32
      %dma_wait3A_2157 = tpu.memref_slice %arg12[%dma_wait3A_2148, %dma_wait3A_2155, %dma_wait3A_2156] : memref<32x8x64xf32, #tpu.memory_space<vmem>> -> memref<1x8x64xf32, #tpu.memory_space<vmem>>
      %dma_wait3A_2158 = tpu.memref_squeeze %dma_wait3A_2157 : memref<1x8x64xf32, #tpu.memory_space<vmem>> -> memref<8x64xf32, #tpu.memory_space<vmem>>
      %dma_wait3A_2159 = arith.constant 0 : i32
      %dma_wait3A_2160 = tpu.memref_slice %arg5[%mul3A_1300, %dma_wait3A_2159] : memref<1000000x64xf32, #tpu.memory_space<hbm>> -> memref<8x64xf32, #tpu.memory_space<hbm>>
      tpu.wait_dma2 semaphore(%arg16 : memref<!tpu.dma_semaphore, #tpu.memory_space<semaphore_mem>>) src(%dma_wait3A_2160 : memref<8x64xf32, #tpu.memory_space<hbm>>) dst(%dma_wait3A_2158 : memref<8x64xf32, #tpu.memory_space<vmem>>)
      %dma_wait3A_2161 = arith.constant 31 : i32
      %dma_wait3A_2162 = arith.constant 0 : i32
      %dma_wait3A_2163 = arith.constant 0 : i32
      %dma_wait3A_2164 = tpu.memref_slice %arg11[%dma_wait3A_2161, %dma_wait3A_2162, %dma_wait3A_2163] : memref<32x8x64xf32, #tpu.memory_space<vmem>> -> memref<1x8x64xf32, #tpu.memory_space<vmem>>
      %dma_wait3A_2165 = tpu.memref_squeeze %dma_wait3A_2164 : memref<1x8x64xf32, #tpu.memory_space<vmem>> -> memref<8x64xf32, #tpu.memory_space<vmem>>
      %dma_wait3A_2166 = arith.constant 0 : i32
      %dma_wait3A_2167 = tpu.memref_slice %arg4[%mul3A_1327, %dma_wait3A_2166] : memref<1000000x64xf32, #tpu.memory_space<hbm>> -> memref<8x64xf32, #tpu.memory_space<hbm>>
      %dma_wait3A_2168 = arith.constant 0 : i32
      %dma_wait3A_2169 = arith.constant 0 : i32
      %dma_wait3A_2170 = tpu.memref_slice %arg11[%dma_wait3A_2161, %dma_wait3A_2168, %dma_wait3A_2169] : memref<32x8x64xf32, #tpu.memory_space<vmem>> -> memref<1x8x64xf32, #tpu.memory_space<vmem>>
      %dma_wait3A_2171 = tpu.memref_squeeze %dma_wait3A_2170 : memref<1x8x64xf32, #tpu.memory_space<vmem>> -> memref<8x64xf32, #tpu.memory_space<vmem>>
      %dma_wait3A_2172 = arith.constant 0 : i32
      %dma_wait3A_2173 = tpu.memref_slice %arg4[%mul3A_1327, %dma_wait3A_2172] : memref<1000000x64xf32, #tpu.memory_space<hbm>> -> memref<8x64xf32, #tpu.memory_space<hbm>>
      tpu.wait_dma2 semaphore(%arg17 : memref<!tpu.dma_semaphore, #tpu.memory_space<semaphore_mem>>) src(%dma_wait3A_2173 : memref<8x64xf32, #tpu.memory_space<hbm>>) dst(%dma_wait3A_2171 : memref<8x64xf32, #tpu.memory_space<vmem>>)
      %dma_wait3A_2174 = arith.constant 31 : i32
      %dma_wait3A_2175 = arith.constant 0 : i32
      %dma_wait3A_2176 = arith.constant 0 : i32
      %dma_wait3A_2177 = tpu.memref_slice %arg12[%dma_wait3A_2174, %dma_wait3A_2175, %dma_wait3A_2176] : memref<32x8x64xf32, #tpu.memory_space<vmem>> -> memref<1x8x64xf32, #tpu.memory_space<vmem>>
      %dma_wait3A_2178 = tpu.memref_squeeze %dma_wait3A_2177 : memref<1x8x64xf32, #tpu.memory_space<vmem>> -> memref<8x64xf32, #tpu.memory_space<vmem>>
      %dma_wait3A_2179 = arith.constant 0 : i32
      %dma_wait3A_2180 = tpu.memref_slice %arg5[%mul3A_1342, %dma_wait3A_2179] : memref<1000000x64xf32, #tpu.memory_space<hbm>> -> memref<8x64xf32, #tpu.memory_space<hbm>>
      %dma_wait3A_2181 = arith.constant 0 : i32
      %dma_wait3A_2182 = arith.constant 0 : i32
      %dma_wait3A_2183 = tpu.memref_slice %arg12[%dma_wait3A_2174, %dma_wait3A_2181, %dma_wait3A_2182] : memref<32x8x64xf32, #tpu.memory_space<vmem>> -> memref<1x8x64xf32, #tpu.memory_space<vmem>>
      %dma_wait3A_2184 = tpu.memref_squeeze %dma_wait3A_2183 : memref<1x8x64xf32, #tpu.memory_space<vmem>> -> memref<8x64xf32, #tpu.memory_space<vmem>>
      %dma_wait3A_2185 = arith.constant 0 : i32
      %dma_wait3A_2186 = tpu.memref_slice %arg5[%mul3A_1342, %dma_wait3A_2185] : memref<1000000x64xf32, #tpu.memory_space<hbm>> -> memref<8x64xf32, #tpu.memory_space<hbm>>
      tpu.wait_dma2 semaphore(%arg18 : memref<!tpu.dma_semaphore, #tpu.memory_space<semaphore_mem>>) src(%dma_wait3A_2186 : memref<8x64xf32, #tpu.memory_space<hbm>>) dst(%dma_wait3A_2184 : memref<8x64xf32, #tpu.memory_space<vmem>>)
      %scan3A_2187 = arith.constant 0 : i32
      %scan3A_2188 = arith.constant 2 : i32
      %scan3A_2189 = arith.addi %scan3A_2187, %scan3A_2188 : i32
      %scan3A_2190 = arith.constant 1 : i32
      scf.for %scan3A_2192 = %scan3A_2187 to %scan3A_2189 step %scan3A_2190  : i32 {
        %mul3A_2193 = arith.constant 16 : i32
        %mul3A_2194 = arith.muli %scan3A_2192, %mul3A_2193 : i32
        %add3A_2195 = arith.constant 0 : i32
        %add3A_2196 = arith.addi %add3A_2195, %mul3A_2194 : i32
        %add3A_2197 = arith.constant 0 : i32
        %add3A_2198 = arith.addi %add3A_2196, %add3A_2197 : i32
        %add3A_2199 = arith.addi %mul3A_14, %add3A_2198 : i32
        %get3A_2200 = arith.index_cast %add3A_2199 : i32 to index
        %get3A_2201 = memref.load %arg7[%get3A_2200] : memref<512xi32, #tpu.memory_space<smem>>
        %and3A = arith.constant 7 : i32
        %and3A_2202 = arith.andi %get3A_2201, %and3A : i32
        %add3A_2203 = arith.addi %mul3A_14, %add3A_2198 : i32
        %get3A_2204 = arith.index_cast %add3A_2203 : i32 to index
        %get3A_2205 = memref.load %arg8[%get3A_2204] : memref<512xi32, #tpu.memory_space<smem>>
        %and3A_2206 = arith.constant 7 : i32
        %and3A_2207 = arith.andi %get3A_2205, %and3A_2206 : i32
        %get3A_2208 = arith.index_cast %add3A_2198 : i32 to index
        %get3A_2209 = arith.index_cast %and3A_2202 : i32 to index
        %get3A_2210 = arith.constant 0 : index
        %get3A_2211 = tpu.vector_load %arg11[%get3A_2208, %get3A_2209, %get3A_2210] {strides = array<i32>} : memref<32x8x64xf32, #tpu.memory_space<vmem>>, vector<16xf32>,
        %get3A_2212 = arith.index_cast %add3A_2198 : i32 to index
        %get3A_2213 = arith.index_cast %and3A_2207 : i32 to index
        %get3A_2214 = arith.constant 0 : index
        %get3A_2215 = tpu.vector_load %arg12[%get3A_2212, %get3A_2213, %get3A_2214] {strides = array<i32>} : memref<32x8x64xf32, #tpu.memory_space<vmem>>, vector<16xf32>,
        %mul3A_2216 = arith.mulf %get3A_2211, %get3A_2215 : vector<16xf32>
        %get3A_2217 = arith.index_cast %add3A_2198 : i32 to index
        %get3A_2218 = arith.index_cast %and3A_2202 : i32 to index
        %get3A_2219 = arith.constant 16 : index
        %get3A_2220 = tpu.vector_load %arg11[%get3A_2217, %get3A_2218, %get3A_2219] {strides = array<i32>} : memref<32x8x64xf32, #tpu.memory_space<vmem>>, vector<16xf32>,
        %get3A_2221 = arith.index_cast %add3A_2198 : i32 to index
        %get3A_2222 = arith.index_cast %and3A_2207 : i32 to index
        %get3A_2223 = arith.constant 16 : index
        %get3A_2224 = tpu.vector_load %arg12[%get3A_2221, %get3A_2222, %get3A_2223] {strides = array<i32>} : memref<32x8x64xf32, #tpu.memory_space<vmem>>, vector<16xf32>,
        %mul3A_2225 = arith.mulf %get3A_2220, %get3A_2224 : vector<16xf32>
        %add3A_2226 = arith.addf %mul3A_2216, %mul3A_2225 : vector<16xf32>
        %get3A_2227 = arith.index_cast %add3A_2198 : i32 to index
        %get3A_2228 = arith.index_cast %and3A_2202 : i32 to index
        %get3A_2229 = arith.constant 32 : index
        %get3A_2230 = tpu.vector_load %arg11[%get3A_2227, %get3A_2228, %get3A_2229] {strides = array<i32>} : memref<32x8x64xf32, #tpu.memory_space<vmem>>, vector<16xf32>,
        %get3A_2231 = arith.index_cast %add3A_2198 : i32 to index
        %get3A_2232 = arith.index_cast %and3A_2207 : i32 to index
        %get3A_2233 = arith.constant 32 : index
        %get3A_2234 = tpu.vector_load %arg12[%get3A_2231, %get3A_2232, %get3A_2233] {strides = array<i32>} : memref<32x8x64xf32, #tpu.memory_space<vmem>>, vector<16xf32>,
        %mul3A_2235 = arith.mulf %get3A_2230, %get3A_2234 : vector<16xf32>
        %add3A_2236 = arith.addf %add3A_2226, %mul3A_2235 : vector<16xf32>
        %get3A_2237 = arith.index_cast %add3A_2198 : i32 to index
        %get3A_2238 = arith.index_cast %and3A_2202 : i32 to index
        %get3A_2239 = arith.constant 48 : index
        %get3A_2240 = tpu.vector_load %arg11[%get3A_2237, %get3A_2238, %get3A_2239] {strides = array<i32>} : memref<32x8x64xf32, #tpu.memory_space<vmem>>, vector<16xf32>,
        %get3A_2241 = arith.index_cast %add3A_2198 : i32 to index
        %get3A_2242 = arith.index_cast %and3A_2207 : i32 to index
        %get3A_2243 = arith.constant 48 : index
        %get3A_2244 = tpu.vector_load %arg12[%get3A_2241, %get3A_2242, %get3A_2243] {strides = array<i32>} : memref<32x8x64xf32, #tpu.memory_space<vmem>>, vector<16xf32>,
        %mul3A_2245 = arith.mulf %get3A_2240, %get3A_2244 : vector<16xf32>
        %add3A_2246 = arith.addf %add3A_2236, %mul3A_2245 : vector<16xf32>
        %cumsum3A = arith.constant true
        %cumsum3A_2247 = vector.broadcast %cumsum3A : i1 to vector<16xi1>
        %cumsum3A_2248 = tpu.scan <sum>, %add3A_2246 masked %cumsum3A_2247 : vector<16xf32>, vector<16xi1> -> vector<16xf32>
        %swap3A = arith.constant 0 : i32
        %swap3A_2249 = arith.index_cast %swap3A : i32 to index
        %swap3A_2250 = arith.constant 0 : index
        %swap3A_2251 = tpu.vector_load %arg14[%swap3A_2249, %swap3A_2250] {strides = array<i32>} : memref<16x17xf32, #tpu.memory_space<vmem>>, vector<16xf32>,
        tpu.vector_store %arg14[%swap3A_2249, %swap3A_2250], %cumsum3A_2248 {strides = array<i32>} : memref<16x17xf32, #tpu.memory_space<vmem>>, vector<16xf32>,
        %add3A_2252 = arith.constant 1 : i32
        %add3A_2253 = arith.addi %add3A_2196, %add3A_2252 : i32
        %add3A_2254 = arith.addi %mul3A_14, %add3A_2253 : i32
        %get3A_2255 = arith.index_cast %add3A_2254 : i32 to index
        %get3A_2256 = memref.load %arg7[%get3A_2255] : memref<512xi32, #tpu.memory_space<smem>>
        %and3A_2257 = arith.constant 7 : i32
        %and3A_2258 = arith.andi %get3A_2256, %and3A_2257 : i32
        %add3A_2259 = arith.addi %mul3A_14, %add3A_2253 : i32
        %get3A_2260 = arith.index_cast %add3A_2259 : i32 to index
        %get3A_2261 = memref.load %arg8[%get3A_2260] : memref<512xi32, #tpu.memory_space<smem>>
        %and3A_2262 = arith.constant 7 : i32
        %and3A_2263 = arith.andi %get3A_2261, %and3A_2262 : i32
        %get3A_2264 = arith.index_cast %add3A_2253 : i32 to index
        %get3A_2265 = arith.index_cast %and3A_2258 : i32 to index
        %get3A_2266 = arith.constant 0 : index
        %get3A_2267 = tpu.vector_load %arg11[%get3A_2264, %get3A_2265, %get3A_2266] {strides = array<i32>} : memref<32x8x64xf32, #tpu.memory_space<vmem>>, vector<16xf32>,
        %get3A_2268 = arith.index_cast %add3A_2253 : i32 to index
        %get3A_2269 = arith.index_cast %and3A_2263 : i32 to index
        %get3A_2270 = arith.constant 0 : index
        %get3A_2271 = tpu.vector_load %arg12[%get3A_2268, %get3A_2269, %get3A_2270] {strides = array<i32>} : memref<32x8x64xf32, #tpu.memory_space<vmem>>, vector<16xf32>,
        %mul3A_2272 = arith.mulf %get3A_2267, %get3A_2271 : vector<16xf32>
        %get3A_2273 = arith.index_cast %add3A_2253 : i32 to index
        %get3A_2274 = arith.index_cast %and3A_2258 : i32 to index
        %get3A_2275 = arith.constant 16 : index
        %get3A_2276 = tpu.vector_load %arg11[%get3A_2273, %get3A_2274, %get3A_2275] {strides = array<i32>} : memref<32x8x64xf32, #tpu.memory_space<vmem>>, vector<16xf32>,
        %get3A_2277 = arith.index_cast %add3A_2253 : i32 to index
        %get3A_2278 = arith.index_cast %and3A_2263 : i32 to index
        %get3A_2279 = arith.constant 16 : index
        %get3A_2280 = tpu.vector_load %arg12[%get3A_2277, %get3A_2278, %get3A_2279] {strides = array<i32>} : memref<32x8x64xf32, #tpu.memory_space<vmem>>, vector<16xf32>,
        %mul3A_2281 = arith.mulf %get3A_2276, %get3A_2280 : vector<16xf32>
        %add3A_2282 = arith.addf %mul3A_2272, %mul3A_2281 : vector<16xf32>
        %get3A_2283 = arith.index_cast %add3A_2253 : i32 to index
        %get3A_2284 = arith.index_cast %and3A_2258 : i32 to index
        %get3A_2285 = arith.constant 32 : index
        %get3A_2286 = tpu.vector_load %arg11[%get3A_2283, %get3A_2284, %get3A_2285] {strides = array<i32>} : memref<32x8x64xf32, #tpu.memory_space<vmem>>, vector<16xf32>,
        %get3A_2287 = arith.index_cast %add3A_2253 : i32 to index
        %get3A_2288 = arith.index_cast %and3A_2263 : i32 to index
        %get3A_2289 = arith.constant 32 : index
        %get3A_2290 = tpu.vector_load %arg12[%get3A_2287, %get3A_2288, %get3A_2289] {strides = array<i32>} : memref<32x8x64xf32, #tpu.memory_space<vmem>>, vector<16xf32>,
        %mul3A_2291 = arith.mulf %get3A_2286, %get3A_2290 : vector<16xf32>
        %add3A_2292 = arith.addf %add3A_2282, %mul3A_2291 : vector<16xf32>
        %get3A_2293 = arith.index_cast %add3A_2253 : i32 to index
        %get3A_2294 = arith.index_cast %and3A_2258 : i32 to index
        %get3A_2295 = arith.constant 48 : index
        %get3A_2296 = tpu.vector_load %arg11[%get3A_2293, %get3A_2294, %get3A_2295] {strides = array<i32>} : memref<32x8x64xf32, #tpu.memory_space<vmem>>, vector<16xf32>,
        %get3A_2297 = arith.index_cast %add3A_2253 : i32 to index
        %get3A_2298 = arith.index_cast %and3A_2263 : i32 to index
        %get3A_2299 = arith.constant 48 : index
        %get3A_2300 = tpu.vector_load %arg12[%get3A_2297, %get3A_2298, %get3A_2299] {strides = array<i32>} : memref<32x8x64xf32, #tpu.memory_space<vmem>>, vector<16xf32>,
        %mul3A_2301 = arith.mulf %get3A_2296, %get3A_2300 : vector<16xf32>
        %add3A_2302 = arith.addf %add3A_2292, %mul3A_2301 : vector<16xf32>
        %cumsum3A_2303 = arith.constant true
        %cumsum3A_2304 = vector.broadcast %cumsum3A_2303 : i1 to vector<16xi1>
        %cumsum3A_2305 = tpu.scan <sum>, %add3A_2302 masked %cumsum3A_2304 : vector<16xf32>, vector<16xi1> -> vector<16xf32>
        %swap3A_2306 = arith.constant 1 : i32
        %swap3A_2307 = arith.index_cast %swap3A_2306 : i32 to index
        %swap3A_2308 = arith.constant 0 : index
        %swap3A_2309 = tpu.vector_load %arg14[%swap3A_2307, %swap3A_2308] {strides = array<i32>} : memref<16x17xf32, #tpu.memory_space<vmem>>, vector<16xf32>,
        tpu.vector_store %arg14[%swap3A_2307, %swap3A_2308], %cumsum3A_2305 {strides = array<i32>} : memref<16x17xf32, #tpu.memory_space<vmem>>, vector<16xf32>,
        %add3A_2310 = arith.constant 2 : i32
        %add3A_2311 = arith.addi %add3A_2196, %add3A_2310 : i32
        %add3A_2312 = arith.addi %mul3A_14, %add3A_2311 : i32
        %get3A_2313 = arith.index_cast %add3A_2312 : i32 to index
        %get3A_2314 = memref.load %arg7[%get3A_2313] : memref<512xi32, #tpu.memory_space<smem>>
        %and3A_2315 = arith.constant 7 : i32
        %and3A_2316 = arith.andi %get3A_2314, %and3A_2315 : i32
        %add3A_2317 = arith.addi %mul3A_14, %add3A_2311 : i32
        %get3A_2318 = arith.index_cast %add3A_2317 : i32 to index
        %get3A_2319 = memref.load %arg8[%get3A_2318] : memref<512xi32, #tpu.memory_space<smem>>
        %and3A_2320 = arith.constant 7 : i32
        %and3A_2321 = arith.andi %get3A_2319, %and3A_2320 : i32
        %get3A_2322 = arith.index_cast %add3A_2311 : i32 to index
        %get3A_2323 = arith.index_cast %and3A_2316 : i32 to index
        %get3A_2324 = arith.constant 0 : index
        %get3A_2325 = tpu.vector_load %arg11[%get3A_2322, %get3A_2323, %get3A_2324] {strides = array<i32>} : memref<32x8x64xf32, #tpu.memory_space<vmem>>, vector<16xf32>,
        %get3A_2326 = arith.index_cast %add3A_2311 : i32 to index
        %get3A_2327 = arith.index_cast %and3A_2321 : i32 to index
        %get3A_2328 = arith.constant 0 : index
        %get3A_2329 = tpu.vector_load %arg12[%get3A_2326, %get3A_2327, %get3A_2328] {strides = array<i32>} : memref<32x8x64xf32, #tpu.memory_space<vmem>>, vector<16xf32>,
        %mul3A_2330 = arith.mulf %get3A_2325, %get3A_2329 : vector<16xf32>
        %get3A_2331 = arith.index_cast %add3A_2311 : i32 to index
        %get3A_2332 = arith.index_cast %and3A_2316 : i32 to index
        %get3A_2333 = arith.constant 16 : index
        %get3A_2334 = tpu.vector_load %arg11[%get3A_2331, %get3A_2332, %get3A_2333] {strides = array<i32>} : memref<32x8x64xf32, #tpu.memory_space<vmem>>, vector<16xf32>,
        %get3A_2335 = arith.index_cast %add3A_2311 : i32 to index
        %get3A_2336 = arith.index_cast %and3A_2321 : i32 to index
        %get3A_2337 = arith.constant 16 : index
        %get3A_2338 = tpu.vector_load %arg12[%get3A_2335, %get3A_2336, %get3A_2337] {strides = array<i32>} : memref<32x8x64xf32, #tpu.memory_space<vmem>>, vector<16xf32>,
        %mul3A_2339 = arith.mulf %get3A_2334, %get3A_2338 : vector<16xf32>
        %add3A_2340 = arith.addf %mul3A_2330, %mul3A_2339 : vector<16xf32>
        %get3A_2341 = arith.index_cast %add3A_2311 : i32 to index
        %get3A_2342 = arith.index_cast %and3A_2316 : i32 to index
        %get3A_2343 = arith.constant 32 : index
        %get3A_2344 = tpu.vector_load %arg11[%get3A_2341, %get3A_2342, %get3A_2343] {strides = array<i32>} : memref<32x8x64xf32, #tpu.memory_space<vmem>>, vector<16xf32>,
        %get3A_2345 = arith.index_cast %add3A_2311 : i32 to index
        %get3A_2346 = arith.index_cast %and3A_2321 : i32 to index
        %get3A_2347 = arith.constant 32 : index
        %get3A_2348 = tpu.vector_load %arg12[%get3A_2345, %get3A_2346, %get3A_2347] {strides = array<i32>} : memref<32x8x64xf32, #tpu.memory_space<vmem>>, vector<16xf32>,
        %mul3A_2349 = arith.mulf %get3A_2344, %get3A_2348 : vector<16xf32>
        %add3A_2350 = arith.addf %add3A_2340, %mul3A_2349 : vector<16xf32>
        %get3A_2351 = arith.index_cast %add3A_2311 : i32 to index
        %get3A_2352 = arith.index_cast %and3A_2316 : i32 to index
        %get3A_2353 = arith.constant 48 : index
        %get3A_2354 = tpu.vector_load %arg11[%get3A_2351, %get3A_2352, %get3A_2353] {strides = array<i32>} : memref<32x8x64xf32, #tpu.memory_space<vmem>>, vector<16xf32>,
        %get3A_2355 = arith.index_cast %add3A_2311 : i32 to index
        %get3A_2356 = arith.index_cast %and3A_2321 : i32 to index
        %get3A_2357 = arith.constant 48 : index
        %get3A_2358 = tpu.vector_load %arg12[%get3A_2355, %get3A_2356, %get3A_2357] {strides = array<i32>} : memref<32x8x64xf32, #tpu.memory_space<vmem>>, vector<16xf32>,
        %mul3A_2359 = arith.mulf %get3A_2354, %get3A_2358 : vector<16xf32>
        %add3A_2360 = arith.addf %add3A_2350, %mul3A_2359 : vector<16xf32>
        %cumsum3A_2361 = arith.constant true
        %cumsum3A_2362 = vector.broadcast %cumsum3A_2361 : i1 to vector<16xi1>
        %cumsum3A_2363 = tpu.scan <sum>, %add3A_2360 masked %cumsum3A_2362 : vector<16xf32>, vector<16xi1> -> vector<16xf32>
        %swap3A_2364 = arith.constant 2 : i32
        %swap3A_2365 = arith.index_cast %swap3A_2364 : i32 to index
        %swap3A_2366 = arith.constant 0 : index
        %swap3A_2367 = tpu.vector_load %arg14[%swap3A_2365, %swap3A_2366] {strides = array<i32>} : memref<16x17xf32, #tpu.memory_space<vmem>>, vector<16xf32>,
        tpu.vector_store %arg14[%swap3A_2365, %swap3A_2366], %cumsum3A_2363 {strides = array<i32>} : memref<16x17xf32, #tpu.memory_space<vmem>>, vector<16xf32>,
        %add3A_2368 = arith.constant 3 : i32
        %add3A_2369 = arith.addi %add3A_2196, %add3A_2368 : i32
        %add3A_2370 = arith.addi %mul3A_14, %add3A_2369 : i32
        %get3A_2371 = arith.index_cast %add3A_2370 : i32 to index
        %get3A_2372 = memref.load %arg7[%get3A_2371] : memref<512xi32, #tpu.memory_space<smem>>
        %and3A_2373 = arith.constant 7 : i32
        %and3A_2374 = arith.andi %get3A_2372, %and3A_2373 : i32
        %add3A_2375 = arith.addi %mul3A_14, %add3A_2369 : i32
        %get3A_2376 = arith.index_cast %add3A_2375 : i32 to index
        %get3A_2377 = memref.load %arg8[%get3A_2376] : memref<512xi32, #tpu.memory_space<smem>>
        %and3A_2378 = arith.constant 7 : i32
        %and3A_2379 = arith.andi %get3A_2377, %and3A_2378 : i32
        %get3A_2380 = arith.index_cast %add3A_2369 : i32 to index
        %get3A_2381 = arith.index_cast %and3A_2374 : i32 to index
        %get3A_2382 = arith.constant 0 : index
        %get3A_2383 = tpu.vector_load %arg11[%get3A_2380, %get3A_2381, %get3A_2382] {strides = array<i32>} : memref<32x8x64xf32, #tpu.memory_space<vmem>>, vector<16xf32>,
        %get3A_2384 = arith.index_cast %add3A_2369 : i32 to index
        %get3A_2385 = arith.index_cast %and3A_2379 : i32 to index
        %get3A_2386 = arith.constant 0 : index
        %get3A_2387 = tpu.vector_load %arg12[%get3A_2384, %get3A_2385, %get3A_2386] {strides = array<i32>} : memref<32x8x64xf32, #tpu.memory_space<vmem>>, vector<16xf32>,
        %mul3A_2388 = arith.mulf %get3A_2383, %get3A_2387 : vector<16xf32>
        %get3A_2389 = arith.index_cast %add3A_2369 : i32 to index
        %get3A_2390 = arith.index_cast %and3A_2374 : i32 to index
        %get3A_2391 = arith.constant 16 : index
        %get3A_2392 = tpu.vector_load %arg11[%get3A_2389, %get3A_2390, %get3A_2391] {strides = array<i32>} : memref<32x8x64xf32, #tpu.memory_space<vmem>>, vector<16xf32>,
        %get3A_2393 = arith.index_cast %add3A_2369 : i32 to index
        %get3A_2394 = arith.index_cast %and3A_2379 : i32 to index
        %get3A_2395 = arith.constant 16 : index
        %get3A_2396 = tpu.vector_load %arg12[%get3A_2393, %get3A_2394, %get3A_2395] {strides = array<i32>} : memref<32x8x64xf32, #tpu.memory_space<vmem>>, vector<16xf32>,
        %mul3A_2397 = arith.mulf %get3A_2392, %get3A_2396 : vector<16xf32>
        %add3A_2398 = arith.addf %mul3A_2388, %mul3A_2397 : vector<16xf32>
        %get3A_2399 = arith.index_cast %add3A_2369 : i32 to index
        %get3A_2400 = arith.index_cast %and3A_2374 : i32 to index
        %get3A_2401 = arith.constant 32 : index
        %get3A_2402 = tpu.vector_load %arg11[%get3A_2399, %get3A_2400, %get3A_2401] {strides = array<i32>} : memref<32x8x64xf32, #tpu.memory_space<vmem>>, vector<16xf32>,
        %get3A_2403 = arith.index_cast %add3A_2369 : i32 to index
        %get3A_2404 = arith.index_cast %and3A_2379 : i32 to index
        %get3A_2405 = arith.constant 32 : index
        %get3A_2406 = tpu.vector_load %arg12[%get3A_2403, %get3A_2404, %get3A_2405] {strides = array<i32>} : memref<32x8x64xf32, #tpu.memory_space<vmem>>, vector<16xf32>,
        %mul3A_2407 = arith.mulf %get3A_2402, %get3A_2406 : vector<16xf32>
        %add3A_2408 = arith.addf %add3A_2398, %mul3A_2407 : vector<16xf32>
        %get3A_2409 = arith.index_cast %add3A_2369 : i32 to index
        %get3A_2410 = arith.index_cast %and3A_2374 : i32 to index
        %get3A_2411 = arith.constant 48 : index
        %get3A_2412 = tpu.vector_load %arg11[%get3A_2409, %get3A_2410, %get3A_2411] {strides = array<i32>} : memref<32x8x64xf32, #tpu.memory_space<vmem>>, vector<16xf32>,
        %get3A_2413 = arith.index_cast %add3A_2369 : i32 to index
        %get3A_2414 = arith.index_cast %and3A_2379 : i32 to index
        %get3A_2415 = arith.constant 48 : index
        %get3A_2416 = tpu.vector_load %arg12[%get3A_2413, %get3A_2414, %get3A_2415] {strides = array<i32>} : memref<32x8x64xf32, #tpu.memory_space<vmem>>, vector<16xf32>,
        %mul3A_2417 = arith.mulf %get3A_2412, %get3A_2416 : vector<16xf32>
        %add3A_2418 = arith.addf %add3A_2408, %mul3A_2417 : vector<16xf32>
        %cumsum3A_2419 = arith.constant true
        %cumsum3A_2420 = vector.broadcast %cumsum3A_2419 : i1 to vector<16xi1>
        %cumsum3A_2421 = tpu.scan <sum>, %add3A_2418 masked %cumsum3A_2420 : vector<16xf32>, vector<16xi1> -> vector<16xf32>
        %swap3A_2422 = arith.constant 3 : i32
        %swap3A_2423 = arith.index_cast %swap3A_2422 : i32 to index
        %swap3A_2424 = arith.constant 0 : index
        %swap3A_2425 = tpu.vector_load %arg14[%swap3A_2423, %swap3A_2424] {strides = array<i32>} : memref<16x17xf32, #tpu.memory_space<vmem>>, vector<16xf32>,
        tpu.vector_store %arg14[%swap3A_2423, %swap3A_2424], %cumsum3A_2421 {strides = array<i32>} : memref<16x17xf32, #tpu.memory_space<vmem>>, vector<16xf32>,
        %add3A_2426 = arith.constant 4 : i32
        %add3A_2427 = arith.addi %add3A_2196, %add3A_2426 : i32
        %add3A_2428 = arith.addi %mul3A_14, %add3A_2427 : i32
        %get3A_2429 = arith.index_cast %add3A_2428 : i32 to index
        %get3A_2430 = memref.load %arg7[%get3A_2429] : memref<512xi32, #tpu.memory_space<smem>>
        %and3A_2431 = arith.constant 7 : i32
        %and3A_2432 = arith.andi %get3A_2430, %and3A_2431 : i32
        %add3A_2433 = arith.addi %mul3A_14, %add3A_2427 : i32
        %get3A_2434 = arith.index_cast %add3A_2433 : i32 to index
        %get3A_2435 = memref.load %arg8[%get3A_2434] : memref<512xi32, #tpu.memory_space<smem>>
        %and3A_2436 = arith.constant 7 : i32
        %and3A_2437 = arith.andi %get3A_2435, %and3A_2436 : i32
        %get3A_2438 = arith.index_cast %add3A_2427 : i32 to index
        %get3A_2439 = arith.index_cast %and3A_2432 : i32 to index
        %get3A_2440 = arith.constant 0 : index
        %get3A_2441 = tpu.vector_load %arg11[%get3A_2438, %get3A_2439, %get3A_2440] {strides = array<i32>} : memref<32x8x64xf32, #tpu.memory_space<vmem>>, vector<16xf32>,
        %get3A_2442 = arith.index_cast %add3A_2427 : i32 to index
        %get3A_2443 = arith.index_cast %and3A_2437 : i32 to index
        %get3A_2444 = arith.constant 0 : index
        %get3A_2445 = tpu.vector_load %arg12[%get3A_2442, %get3A_2443, %get3A_2444] {strides = array<i32>} : memref<32x8x64xf32, #tpu.memory_space<vmem>>, vector<16xf32>,
        %mul3A_2446 = arith.mulf %get3A_2441, %get3A_2445 : vector<16xf32>
        %get3A_2447 = arith.index_cast %add3A_2427 : i32 to index
        %get3A_2448 = arith.index_cast %and3A_2432 : i32 to index
        %get3A_2449 = arith.constant 16 : index
        %get3A_2450 = tpu.vector_load %arg11[%get3A_2447, %get3A_2448, %get3A_2449] {strides = array<i32>} : memref<32x8x64xf32, #tpu.memory_space<vmem>>, vector<16xf32>,
        %get3A_2451 = arith.index_cast %add3A_2427 : i32 to index
        %get3A_2452 = arith.index_cast %and3A_2437 : i32 to index
        %get3A_2453 = arith.constant 16 : index
        %get3A_2454 = tpu.vector_load %arg12[%get3A_2451, %get3A_2452, %get3A_2453] {strides = array<i32>} : memref<32x8x64xf32, #tpu.memory_space<vmem>>, vector<16xf32>,
        %mul3A_2455 = arith.mulf %get3A_2450, %get3A_2454 : vector<16xf32>
        %add3A_2456 = arith.addf %mul3A_2446, %mul3A_2455 : vector<16xf32>
        %get3A_2457 = arith.index_cast %add3A_2427 : i32 to index
        %get3A_2458 = arith.index_cast %and3A_2432 : i32 to index
        %get3A_2459 = arith.constant 32 : index
        %get3A_2460 = tpu.vector_load %arg11[%get3A_2457, %get3A_2458, %get3A_2459] {strides = array<i32>} : memref<32x8x64xf32, #tpu.memory_space<vmem>>, vector<16xf32>,
        %get3A_2461 = arith.index_cast %add3A_2427 : i32 to index
        %get3A_2462 = arith.index_cast %and3A_2437 : i32 to index
        %get3A_2463 = arith.constant 32 : index
        %get3A_2464 = tpu.vector_load %arg12[%get3A_2461, %get3A_2462, %get3A_2463] {strides = array<i32>} : memref<32x8x64xf32, #tpu.memory_space<vmem>>, vector<16xf32>,
        %mul3A_2465 = arith.mulf %get3A_2460, %get3A_2464 : vector<16xf32>
        %add3A_2466 = arith.addf %add3A_2456, %mul3A_2465 : vector<16xf32>
        %get3A_2467 = arith.index_cast %add3A_2427 : i32 to index
        %get3A_2468 = arith.index_cast %and3A_2432 : i32 to index
        %get3A_2469 = arith.constant 48 : index
        %get3A_2470 = tpu.vector_load %arg11[%get3A_2467, %get3A_2468, %get3A_2469] {strides = array<i32>} : memref<32x8x64xf32, #tpu.memory_space<vmem>>, vector<16xf32>,
        %get3A_2471 = arith.index_cast %add3A_2427 : i32 to index
        %get3A_2472 = arith.index_cast %and3A_2437 : i32 to index
        %get3A_2473 = arith.constant 48 : index
        %get3A_2474 = tpu.vector_load %arg12[%get3A_2471, %get3A_2472, %get3A_2473] {strides = array<i32>} : memref<32x8x64xf32, #tpu.memory_space<vmem>>, vector<16xf32>,
        %mul3A_2475 = arith.mulf %get3A_2470, %get3A_2474 : vector<16xf32>
        %add3A_2476 = arith.addf %add3A_2466, %mul3A_2475 : vector<16xf32>
        %cumsum3A_2477 = arith.constant true
        %cumsum3A_2478 = vector.broadcast %cumsum3A_2477 : i1 to vector<16xi1>
        %cumsum3A_2479 = tpu.scan <sum>, %add3A_2476 masked %cumsum3A_2478 : vector<16xf32>, vector<16xi1> -> vector<16xf32>
        %swap3A_2480 = arith.constant 4 : i32
        %swap3A_2481 = arith.index_cast %swap3A_2480 : i32 to index
        %swap3A_2482 = arith.constant 0 : index
        %swap3A_2483 = tpu.vector_load %arg14[%swap3A_2481, %swap3A_2482] {strides = array<i32>} : memref<16x17xf32, #tpu.memory_space<vmem>>, vector<16xf32>,
        tpu.vector_store %arg14[%swap3A_2481, %swap3A_2482], %cumsum3A_2479 {strides = array<i32>} : memref<16x17xf32, #tpu.memory_space<vmem>>, vector<16xf32>,
        %add3A_2484 = arith.constant 5 : i32
        %add3A_2485 = arith.addi %add3A_2196, %add3A_2484 : i32
        %add3A_2486 = arith.addi %mul3A_14, %add3A_2485 : i32
        %get3A_2487 = arith.index_cast %add3A_2486 : i32 to index
        %get3A_2488 = memref.load %arg7[%get3A_2487] : memref<512xi32, #tpu.memory_space<smem>>
        %and3A_2489 = arith.constant 7 : i32
        %and3A_2490 = arith.andi %get3A_2488, %and3A_2489 : i32
        %add3A_2491 = arith.addi %mul3A_14, %add3A_2485 : i32
        %get3A_2492 = arith.index_cast %add3A_2491 : i32 to index
        %get3A_2493 = memref.load %arg8[%get3A_2492] : memref<512xi32, #tpu.memory_space<smem>>
        %and3A_2494 = arith.constant 7 : i32
        %and3A_2495 = arith.andi %get3A_2493, %and3A_2494 : i32
        %get3A_2496 = arith.index_cast %add3A_2485 : i32 to index
        %get3A_2497 = arith.index_cast %and3A_2490 : i32 to index
        %get3A_2498 = arith.constant 0 : index
        %get3A_2499 = tpu.vector_load %arg11[%get3A_2496, %get3A_2497, %get3A_2498] {strides = array<i32>} : memref<32x8x64xf32, #tpu.memory_space<vmem>>, vector<16xf32>,
        %get3A_2500 = arith.index_cast %add3A_2485 : i32 to index
        %get3A_2501 = arith.index_cast %and3A_2495 : i32 to index
        %get3A_2502 = arith.constant 0 : index
        %get3A_2503 = tpu.vector_load %arg12[%get3A_2500, %get3A_2501, %get3A_2502] {strides = array<i32>} : memref<32x8x64xf32, #tpu.memory_space<vmem>>, vector<16xf32>,
        %mul3A_2504 = arith.mulf %get3A_2499, %get3A_2503 : vector<16xf32>
        %get3A_2505 = arith.index_cast %add3A_2485 : i32 to index
        %get3A_2506 = arith.index_cast %and3A_2490 : i32 to index
        %get3A_2507 = arith.constant 16 : index
        %get3A_2508 = tpu.vector_load %arg11[%get3A_2505, %get3A_2506, %get3A_2507] {strides = array<i32>} : memref<32x8x64xf32, #tpu.memory_space<vmem>>, vector<16xf32>,
        %get3A_2509 = arith.index_cast %add3A_2485 : i32 to index
        %get3A_2510 = arith.index_cast %and3A_2495 : i32 to index
        %get3A_2511 = arith.constant 16 : index
        %get3A_2512 = tpu.vector_load %arg12[%get3A_2509, %get3A_2510, %get3A_2511] {strides = array<i32>} : memref<32x8x64xf32, #tpu.memory_space<vmem>>, vector<16xf32>,
        %mul3A_2513 = arith.mulf %get3A_2508, %get3A_2512 : vector<16xf32>
        %add3A_2514 = arith.addf %mul3A_2504, %mul3A_2513 : vector<16xf32>
        %get3A_2515 = arith.index_cast %add3A_2485 : i32 to index
        %get3A_2516 = arith.index_cast %and3A_2490 : i32 to index
        %get3A_2517 = arith.constant 32 : index
        %get3A_2518 = tpu.vector_load %arg11[%get3A_2515, %get3A_2516, %get3A_2517] {strides = array<i32>} : memref<32x8x64xf32, #tpu.memory_space<vmem>>, vector<16xf32>,
        %get3A_2519 = arith.index_cast %add3A_2485 : i32 to index
        %get3A_2520 = arith.index_cast %and3A_2495 : i32 to index
        %get3A_2521 = arith.constant 32 : index
        %get3A_2522 = tpu.vector_load %arg12[%get3A_2519, %get3A_2520, %get3A_2521] {strides = array<i32>} : memref<32x8x64xf32, #tpu.memory_space<vmem>>, vector<16xf32>,
        %mul3A_2523 = arith.mulf %get3A_2518, %get3A_2522 : vector<16xf32>
        %add3A_2524 = arith.addf %add3A_2514, %mul3A_2523 : vector<16xf32>
        %get3A_2525 = arith.index_cast %add3A_2485 : i32 to index
        %get3A_2526 = arith.index_cast %and3A_2490 : i32 to index
        %get3A_2527 = arith.constant 48 : index
        %get3A_2528 = tpu.vector_load %arg11[%get3A_2525, %get3A_2526, %get3A_2527] {strides = array<i32>} : memref<32x8x64xf32, #tpu.memory_space<vmem>>, vector<16xf32>,
        %get3A_2529 = arith.index_cast %add3A_2485 : i32 to index
        %get3A_2530 = arith.index_cast %and3A_2495 : i32 to index
        %get3A_2531 = arith.constant 48 : index
        %get3A_2532 = tpu.vector_load %arg12[%get3A_2529, %get3A_2530, %get3A_2531] {strides = array<i32>} : memref<32x8x64xf32, #tpu.memory_space<vmem>>, vector<16xf32>,
        %mul3A_2533 = arith.mulf %get3A_2528, %get3A_2532 : vector<16xf32>
        %add3A_2534 = arith.addf %add3A_2524, %mul3A_2533 : vector<16xf32>
        %cumsum3A_2535 = arith.constant true
        %cumsum3A_2536 = vector.broadcast %cumsum3A_2535 : i1 to vector<16xi1>
        %cumsum3A_2537 = tpu.scan <sum>, %add3A_2534 masked %cumsum3A_2536 : vector<16xf32>, vector<16xi1> -> vector<16xf32>
        %swap3A_2538 = arith.constant 5 : i32
        %swap3A_2539 = arith.index_cast %swap3A_2538 : i32 to index
        %swap3A_2540 = arith.constant 0 : index
        %swap3A_2541 = tpu.vector_load %arg14[%swap3A_2539, %swap3A_2540] {strides = array<i32>} : memref<16x17xf32, #tpu.memory_space<vmem>>, vector<16xf32>,
        tpu.vector_store %arg14[%swap3A_2539, %swap3A_2540], %cumsum3A_2537 {strides = array<i32>} : memref<16x17xf32, #tpu.memory_space<vmem>>, vector<16xf32>,
        %add3A_2542 = arith.constant 6 : i32
        %add3A_2543 = arith.addi %add3A_2196, %add3A_2542 : i32
        %add3A_2544 = arith.addi %mul3A_14, %add3A_2543 : i32
        %get3A_2545 = arith.index_cast %add3A_2544 : i32 to index
        %get3A_2546 = memref.load %arg7[%get3A_2545] : memref<512xi32, #tpu.memory_space<smem>>
        %and3A_2547 = arith.constant 7 : i32
        %and3A_2548 = arith.andi %get3A_2546, %and3A_2547 : i32
        %add3A_2549 = arith.addi %mul3A_14, %add3A_2543 : i32
        %get3A_2550 = arith.index_cast %add3A_2549 : i32 to index
        %get3A_2551 = memref.load %arg8[%get3A_2550] : memref<512xi32, #tpu.memory_space<smem>>
        %and3A_2552 = arith.constant 7 : i32
        %and3A_2553 = arith.andi %get3A_2551, %and3A_2552 : i32
        %get3A_2554 = arith.index_cast %add3A_2543 : i32 to index
        %get3A_2555 = arith.index_cast %and3A_2548 : i32 to index
        %get3A_2556 = arith.constant 0 : index
        %get3A_2557 = tpu.vector_load %arg11[%get3A_2554, %get3A_2555, %get3A_2556] {strides = array<i32>} : memref<32x8x64xf32, #tpu.memory_space<vmem>>, vector<16xf32>,
        %get3A_2558 = arith.index_cast %add3A_2543 : i32 to index
        %get3A_2559 = arith.index_cast %and3A_2553 : i32 to index
        %get3A_2560 = arith.constant 0 : index
        %get3A_2561 = tpu.vector_load %arg12[%get3A_2558, %get3A_2559, %get3A_2560] {strides = array<i32>} : memref<32x8x64xf32, #tpu.memory_space<vmem>>, vector<16xf32>,
        %mul3A_2562 = arith.mulf %get3A_2557, %get3A_2561 : vector<16xf32>
        %get3A_2563 = arith.index_cast %add3A_2543 : i32 to index
        %get3A_2564 = arith.index_cast %and3A_2548 : i32 to index
        %get3A_2565 = arith.constant 16 : index
        %get3A_2566 = tpu.vector_load %arg11[%get3A_2563, %get3A_2564, %get3A_2565] {strides = array<i32>} : memref<32x8x64xf32, #tpu.memory_space<vmem>>, vector<16xf32>,
        %get3A_2567 = arith.index_cast %add3A_2543 : i32 to index
        %get3A_2568 = arith.index_cast %and3A_2553 : i32 to index
        %get3A_2569 = arith.constant 16 : index
        %get3A_2570 = tpu.vector_load %arg12[%get3A_2567, %get3A_2568, %get3A_2569] {strides = array<i32>} : memref<32x8x64xf32, #tpu.memory_space<vmem>>, vector<16xf32>,
        %mul3A_2571 = arith.mulf %get3A_2566, %get3A_2570 : vector<16xf32>
        %add3A_2572 = arith.addf %mul3A_2562, %mul3A_2571 : vector<16xf32>
        %get3A_2573 = arith.index_cast %add3A_2543 : i32 to index
        %get3A_2574 = arith.index_cast %and3A_2548 : i32 to index
        %get3A_2575 = arith.constant 32 : index
        %get3A_2576 = tpu.vector_load %arg11[%get3A_2573, %get3A_2574, %get3A_2575] {strides = array<i32>} : memref<32x8x64xf32, #tpu.memory_space<vmem>>, vector<16xf32>,
        %get3A_2577 = arith.index_cast %add3A_2543 : i32 to index
        %get3A_2578 = arith.index_cast %and3A_2553 : i32 to index
        %get3A_2579 = arith.constant 32 : index
        %get3A_2580 = tpu.vector_load %arg12[%get3A_2577, %get3A_2578, %get3A_2579] {strides = array<i32>} : memref<32x8x64xf32, #tpu.memory_space<vmem>>, vector<16xf32>,
        %mul3A_2581 = arith.mulf %get3A_2576, %get3A_2580 : vector<16xf32>
        %add3A_2582 = arith.addf %add3A_2572, %mul3A_2581 : vector<16xf32>
        %get3A_2583 = arith.index_cast %add3A_2543 : i32 to index
        %get3A_2584 = arith.index_cast %and3A_2548 : i32 to index
        %get3A_2585 = arith.constant 48 : index
        %get3A_2586 = tpu.vector_load %arg11[%get3A_2583, %get3A_2584, %get3A_2585] {strides = array<i32>} : memref<32x8x64xf32, #tpu.memory_space<vmem>>, vector<16xf32>,
        %get3A_2587 = arith.index_cast %add3A_2543 : i32 to index
        %get3A_2588 = arith.index_cast %and3A_2553 : i32 to index
        %get3A_2589 = arith.constant 48 : index
        %get3A_2590 = tpu.vector_load %arg12[%get3A_2587, %get3A_2588, %get3A_2589] {strides = array<i32>} : memref<32x8x64xf32, #tpu.memory_space<vmem>>, vector<16xf32>,
        %mul3A_2591 = arith.mulf %get3A_2586, %get3A_2590 : vector<16xf32>
        %add3A_2592 = arith.addf %add3A_2582, %mul3A_2591 : vector<16xf32>
        %cumsum3A_2593 = arith.constant true
        %cumsum3A_2594 = vector.broadcast %cumsum3A_2593 : i1 to vector<16xi1>
        %cumsum3A_2595 = tpu.scan <sum>, %add3A_2592 masked %cumsum3A_2594 : vector<16xf32>, vector<16xi1> -> vector<16xf32>
        %swap3A_2596 = arith.constant 6 : i32
        %swap3A_2597 = arith.index_cast %swap3A_2596 : i32 to index
        %swap3A_2598 = arith.constant 0 : index
        %swap3A_2599 = tpu.vector_load %arg14[%swap3A_2597, %swap3A_2598] {strides = array<i32>} : memref<16x17xf32, #tpu.memory_space<vmem>>, vector<16xf32>,
        tpu.vector_store %arg14[%swap3A_2597, %swap3A_2598], %cumsum3A_2595 {strides = array<i32>} : memref<16x17xf32, #tpu.memory_space<vmem>>, vector<16xf32>,
        %add3A_2600 = arith.constant 7 : i32
        %add3A_2601 = arith.addi %add3A_2196, %add3A_2600 : i32
        %add3A_2602 = arith.addi %mul3A_14, %add3A_2601 : i32
        %get3A_2603 = arith.index_cast %add3A_2602 : i32 to index
        %get3A_2604 = memref.load %arg7[%get3A_2603] : memref<512xi32, #tpu.memory_space<smem>>
        %and3A_2605 = arith.constant 7 : i32
        %and3A_2606 = arith.andi %get3A_2604, %and3A_2605 : i32
        %add3A_2607 = arith.addi %mul3A_14, %add3A_2601 : i32
        %get3A_2608 = arith.index_cast %add3A_2607 : i32 to index
        %get3A_2609 = memref.load %arg8[%get3A_2608] : memref<512xi32, #tpu.memory_space<smem>>
        %and3A_2610 = arith.constant 7 : i32
        %and3A_2611 = arith.andi %get3A_2609, %and3A_2610 : i32
        %get3A_2612 = arith.index_cast %add3A_2601 : i32 to index
        %get3A_2613 = arith.index_cast %and3A_2606 : i32 to index
        %get3A_2614 = arith.constant 0 : index
        %get3A_2615 = tpu.vector_load %arg11[%get3A_2612, %get3A_2613, %get3A_2614] {strides = array<i32>} : memref<32x8x64xf32, #tpu.memory_space<vmem>>, vector<16xf32>,
        %get3A_2616 = arith.index_cast %add3A_2601 : i32 to index
        %get3A_2617 = arith.index_cast %and3A_2611 : i32 to index
        %get3A_2618 = arith.constant 0 : index
        %get3A_2619 = tpu.vector_load %arg12[%get3A_2616, %get3A_2617, %get3A_2618] {strides = array<i32>} : memref<32x8x64xf32, #tpu.memory_space<vmem>>, vector<16xf32>,
        %mul3A_2620 = arith.mulf %get3A_2615, %get3A_2619 : vector<16xf32>
        %get3A_2621 = arith.index_cast %add3A_2601 : i32 to index
        %get3A_2622 = arith.index_cast %and3A_2606 : i32 to index
        %get3A_2623 = arith.constant 16 : index
        %get3A_2624 = tpu.vector_load %arg11[%get3A_2621, %get3A_2622, %get3A_2623] {strides = array<i32>} : memref<32x8x64xf32, #tpu.memory_space<vmem>>, vector<16xf32>,
        %get3A_2625 = arith.index_cast %add3A_2601 : i32 to index
        %get3A_2626 = arith.index_cast %and3A_2611 : i32 to index
        %get3A_2627 = arith.constant 16 : index
        %get3A_2628 = tpu.vector_load %arg12[%get3A_2625, %get3A_2626, %get3A_2627] {strides = array<i32>} : memref<32x8x64xf32, #tpu.memory_space<vmem>>, vector<16xf32>,
        %mul3A_2629 = arith.mulf %get3A_2624, %get3A_2628 : vector<16xf32>
        %add3A_2630 = arith.addf %mul3A_2620, %mul3A_2629 : vector<16xf32>
        %get3A_2631 = arith.index_cast %add3A_2601 : i32 to index
        %get3A_2632 = arith.index_cast %and3A_2606 : i32 to index
        %get3A_2633 = arith.constant 32 : index
        %get3A_2634 = tpu.vector_load %arg11[%get3A_2631, %get3A_2632, %get3A_2633] {strides = array<i32>} : memref<32x8x64xf32, #tpu.memory_space<vmem>>, vector<16xf32>,
        %get3A_2635 = arith.index_cast %add3A_2601 : i32 to index
        %get3A_2636 = arith.index_cast %and3A_2611 : i32 to index
        %get3A_2637 = arith.constant 32 : index
        %get3A_2638 = tpu.vector_load %arg12[%get3A_2635, %get3A_2636, %get3A_2637] {strides = array<i32>} : memref<32x8x64xf32, #tpu.memory_space<vmem>>, vector<16xf32>,
        %mul3A_2639 = arith.mulf %get3A_2634, %get3A_2638 : vector<16xf32>
        %add3A_2640 = arith.addf %add3A_2630, %mul3A_2639 : vector<16xf32>
        %get3A_2641 = arith.index_cast %add3A_2601 : i32 to index
        %get3A_2642 = arith.index_cast %and3A_2606 : i32 to index
        %get3A_2643 = arith.constant 48 : index
        %get3A_2644 = tpu.vector_load %arg11[%get3A_2641, %get3A_2642, %get3A_2643] {strides = array<i32>} : memref<32x8x64xf32, #tpu.memory_space<vmem>>, vector<16xf32>,
        %get3A_2645 = arith.index_cast %add3A_2601 : i32 to index
        %get3A_2646 = arith.index_cast %and3A_2611 : i32 to index
        %get3A_2647 = arith.constant 48 : index
        %get3A_2648 = tpu.vector_load %arg12[%get3A_2645, %get3A_2646, %get3A_2647] {strides = array<i32>} : memref<32x8x64xf32, #tpu.memory_space<vmem>>, vector<16xf32>,
        %mul3A_2649 = arith.mulf %get3A_2644, %get3A_2648 : vector<16xf32>
        %add3A_2650 = arith.addf %add3A_2640, %mul3A_2649 : vector<16xf32>
        %cumsum3A_2651 = arith.constant true
        %cumsum3A_2652 = vector.broadcast %cumsum3A_2651 : i1 to vector<16xi1>
        %cumsum3A_2653 = tpu.scan <sum>, %add3A_2650 masked %cumsum3A_2652 : vector<16xf32>, vector<16xi1> -> vector<16xf32>
        %swap3A_2654 = arith.constant 7 : i32
        %swap3A_2655 = arith.index_cast %swap3A_2654 : i32 to index
        %swap3A_2656 = arith.constant 0 : index
        %swap3A_2657 = tpu.vector_load %arg14[%swap3A_2655, %swap3A_2656] {strides = array<i32>} : memref<16x17xf32, #tpu.memory_space<vmem>>, vector<16xf32>,
        tpu.vector_store %arg14[%swap3A_2655, %swap3A_2656], %cumsum3A_2653 {strides = array<i32>} : memref<16x17xf32, #tpu.memory_space<vmem>>, vector<16xf32>,
        %add3A_2658 = arith.constant 8 : i32
        %add3A_2659 = arith.addi %add3A_2196, %add3A_2658 : i32
        %add3A_2660 = arith.addi %mul3A_14, %add3A_2659 : i32
        %get3A_2661 = arith.index_cast %add3A_2660 : i32 to index
        %get3A_2662 = memref.load %arg7[%get3A_2661] : memref<512xi32, #tpu.memory_space<smem>>
        %and3A_2663 = arith.constant 7 : i32
        %and3A_2664 = arith.andi %get3A_2662, %and3A_2663 : i32
        %add3A_2665 = arith.addi %mul3A_14, %add3A_2659 : i32
        %get3A_2666 = arith.index_cast %add3A_2665 : i32 to index
        %get3A_2667 = memref.load %arg8[%get3A_2666] : memref<512xi32, #tpu.memory_space<smem>>
        %and3A_2668 = arith.constant 7 : i32
        %and3A_2669 = arith.andi %get3A_2667, %and3A_2668 : i32
        %get3A_2670 = arith.index_cast %add3A_2659 : i32 to index
        %get3A_2671 = arith.index_cast %and3A_2664 : i32 to index
        %get3A_2672 = arith.constant 0 : index
        %get3A_2673 = tpu.vector_load %arg11[%get3A_2670, %get3A_2671, %get3A_2672] {strides = array<i32>} : memref<32x8x64xf32, #tpu.memory_space<vmem>>, vector<16xf32>,
        %get3A_2674 = arith.index_cast %add3A_2659 : i32 to index
        %get3A_2675 = arith.index_cast %and3A_2669 : i32 to index
        %get3A_2676 = arith.constant 0 : index
        %get3A_2677 = tpu.vector_load %arg12[%get3A_2674, %get3A_2675, %get3A_2676] {strides = array<i32>} : memref<32x8x64xf32, #tpu.memory_space<vmem>>, vector<16xf32>,
        %mul3A_2678 = arith.mulf %get3A_2673, %get3A_2677 : vector<16xf32>
        %get3A_2679 = arith.index_cast %add3A_2659 : i32 to index
        %get3A_2680 = arith.index_cast %and3A_2664 : i32 to index
        %get3A_2681 = arith.constant 16 : index
        %get3A_2682 = tpu.vector_load %arg11[%get3A_2679, %get3A_2680, %get3A_2681] {strides = array<i32>} : memref<32x8x64xf32, #tpu.memory_space<vmem>>, vector<16xf32>,
        %get3A_2683 = arith.index_cast %add3A_2659 : i32 to index
        %get3A_2684 = arith.index_cast %and3A_2669 : i32 to index
        %get3A_2685 = arith.constant 16 : index
        %get3A_2686 = tpu.vector_load %arg12[%get3A_2683, %get3A_2684, %get3A_2685] {strides = array<i32>} : memref<32x8x64xf32, #tpu.memory_space<vmem>>, vector<16xf32>,
        %mul3A_2687 = arith.mulf %get3A_2682, %get3A_2686 : vector<16xf32>
        %add3A_2688 = arith.addf %mul3A_2678, %mul3A_2687 : vector<16xf32>
        %get3A_2689 = arith.index_cast %add3A_2659 : i32 to index
        %get3A_2690 = arith.index_cast %and3A_2664 : i32 to index
        %get3A_2691 = arith.constant 32 : index
        %get3A_2692 = tpu.vector_load %arg11[%get3A_2689, %get3A_2690, %get3A_2691] {strides = array<i32>} : memref<32x8x64xf32, #tpu.memory_space<vmem>>, vector<16xf32>,
        %get3A_2693 = arith.index_cast %add3A_2659 : i32 to index
        %get3A_2694 = arith.index_cast %and3A_2669 : i32 to index
        %get3A_2695 = arith.constant 32 : index
        %get3A_2696 = tpu.vector_load %arg12[%get3A_2693, %get3A_2694, %get3A_2695] {strides = array<i32>} : memref<32x8x64xf32, #tpu.memory_space<vmem>>, vector<16xf32>,
        %mul3A_2697 = arith.mulf %get3A_2692, %get3A_2696 : vector<16xf32>
        %add3A_2698 = arith.addf %add3A_2688, %mul3A_2697 : vector<16xf32>
        %get3A_2699 = arith.index_cast %add3A_2659 : i32 to index
        %get3A_2700 = arith.index_cast %and3A_2664 : i32 to index
        %get3A_2701 = arith.constant 48 : index
        %get3A_2702 = tpu.vector_load %arg11[%get3A_2699, %get3A_2700, %get3A_2701] {strides = array<i32>} : memref<32x8x64xf32, #tpu.memory_space<vmem>>, vector<16xf32>,
        %get3A_2703 = arith.index_cast %add3A_2659 : i32 to index
        %get3A_2704 = arith.index_cast %and3A_2669 : i32 to index
        %get3A_2705 = arith.constant 48 : index
        %get3A_2706 = tpu.vector_load %arg12[%get3A_2703, %get3A_2704, %get3A_2705] {strides = array<i32>} : memref<32x8x64xf32, #tpu.memory_space<vmem>>, vector<16xf32>,
        %mul3A_2707 = arith.mulf %get3A_2702, %get3A_2706 : vector<16xf32>
        %add3A_2708 = arith.addf %add3A_2698, %mul3A_2707 : vector<16xf32>
        %cumsum3A_2709 = arith.constant true
        %cumsum3A_2710 = vector.broadcast %cumsum3A_2709 : i1 to vector<16xi1>
        %cumsum3A_2711 = tpu.scan <sum>, %add3A_2708 masked %cumsum3A_2710 : vector<16xf32>, vector<16xi1> -> vector<16xf32>
        %swap3A_2712 = arith.constant 8 : i32
        %swap3A_2713 = arith.index_cast %swap3A_2712 : i32 to index
        %swap3A_2714 = arith.constant 0 : index
        %swap3A_2715 = tpu.vector_load %arg14[%swap3A_2713, %swap3A_2714] {strides = array<i32>} : memref<16x17xf32, #tpu.memory_space<vmem>>, vector<16xf32>,
        tpu.vector_store %arg14[%swap3A_2713, %swap3A_2714], %cumsum3A_2711 {strides = array<i32>} : memref<16x17xf32, #tpu.memory_space<vmem>>, vector<16xf32>,
        %add3A_2716 = arith.constant 9 : i32
        %add3A_2717 = arith.addi %add3A_2196, %add3A_2716 : i32
        %add3A_2718 = arith.addi %mul3A_14, %add3A_2717 : i32
        %get3A_2719 = arith.index_cast %add3A_2718 : i32 to index
        %get3A_2720 = memref.load %arg7[%get3A_2719] : memref<512xi32, #tpu.memory_space<smem>>
        %and3A_2721 = arith.constant 7 : i32
        %and3A_2722 = arith.andi %get3A_2720, %and3A_2721 : i32
        %add3A_2723 = arith.addi %mul3A_14, %add3A_2717 : i32
        %get3A_2724 = arith.index_cast %add3A_2723 : i32 to index
        %get3A_2725 = memref.load %arg8[%get3A_2724] : memref<512xi32, #tpu.memory_space<smem>>
        %and3A_2726 = arith.constant 7 : i32
        %and3A_2727 = arith.andi %get3A_2725, %and3A_2726 : i32
        %get3A_2728 = arith.index_cast %add3A_2717 : i32 to index
        %get3A_2729 = arith.index_cast %and3A_2722 : i32 to index
        %get3A_2730 = arith.constant 0 : index
        %get3A_2731 = tpu.vector_load %arg11[%get3A_2728, %get3A_2729, %get3A_2730] {strides = array<i32>} : memref<32x8x64xf32, #tpu.memory_space<vmem>>, vector<16xf32>,
        %get3A_2732 = arith.index_cast %add3A_2717 : i32 to index
        %get3A_2733 = arith.index_cast %and3A_2727 : i32 to index
        %get3A_2734 = arith.constant 0 : index
        %get3A_2735 = tpu.vector_load %arg12[%get3A_2732, %get3A_2733, %get3A_2734] {strides = array<i32>} : memref<32x8x64xf32, #tpu.memory_space<vmem>>, vector<16xf32>,
        %mul3A_2736 = arith.mulf %get3A_2731, %get3A_2735 : vector<16xf32>
        %get3A_2737 = arith.index_cast %add3A_2717 : i32 to index
        %get3A_2738 = arith.index_cast %and3A_2722 : i32 to index
        %get3A_2739 = arith.constant 16 : index
        %get3A_2740 = tpu.vector_load %arg11[%get3A_2737, %get3A_2738, %get3A_2739] {strides = array<i32>} : memref<32x8x64xf32, #tpu.memory_space<vmem>>, vector<16xf32>,
        %get3A_2741 = arith.index_cast %add3A_2717 : i32 to index
        %get3A_2742 = arith.index_cast %and3A_2727 : i32 to index
        %get3A_2743 = arith.constant 16 : index
        %get3A_2744 = tpu.vector_load %arg12[%get3A_2741, %get3A_2742, %get3A_2743] {strides = array<i32>} : memref<32x8x64xf32, #tpu.memory_space<vmem>>, vector<16xf32>,
        %mul3A_2745 = arith.mulf %get3A_2740, %get3A_2744 : vector<16xf32>
        %add3A_2746 = arith.addf %mul3A_2736, %mul3A_2745 : vector<16xf32>
        %get3A_2747 = arith.index_cast %add3A_2717 : i32 to index
        %get3A_2748 = arith.index_cast %and3A_2722 : i32 to index
        %get3A_2749 = arith.constant 32 : index
        %get3A_2750 = tpu.vector_load %arg11[%get3A_2747, %get3A_2748, %get3A_2749] {strides = array<i32>} : memref<32x8x64xf32, #tpu.memory_space<vmem>>, vector<16xf32>,
        %get3A_2751 = arith.index_cast %add3A_2717 : i32 to index
        %get3A_2752 = arith.index_cast %and3A_2727 : i32 to index
        %get3A_2753 = arith.constant 32 : index
        %get3A_2754 = tpu.vector_load %arg12[%get3A_2751, %get3A_2752, %get3A_2753] {strides = array<i32>} : memref<32x8x64xf32, #tpu.memory_space<vmem>>, vector<16xf32>,
        %mul3A_2755 = arith.mulf %get3A_2750, %get3A_2754 : vector<16xf32>
        %add3A_2756 = arith.addf %add3A_2746, %mul3A_2755 : vector<16xf32>
        %get3A_2757 = arith.index_cast %add3A_2717 : i32 to index
        %get3A_2758 = arith.index_cast %and3A_2722 : i32 to index
        %get3A_2759 = arith.constant 48 : index
        %get3A_2760 = tpu.vector_load %arg11[%get3A_2757, %get3A_2758, %get3A_2759] {strides = array<i32>} : memref<32x8x64xf32, #tpu.memory_space<vmem>>, vector<16xf32>,
        %get3A_2761 = arith.index_cast %add3A_2717 : i32 to index
        %get3A_2762 = arith.index_cast %and3A_2727 : i32 to index
        %get3A_2763 = arith.constant 48 : index
        %get3A_2764 = tpu.vector_load %arg12[%get3A_2761, %get3A_2762, %get3A_2763] {strides = array<i32>} : memref<32x8x64xf32, #tpu.memory_space<vmem>>, vector<16xf32>,
        %mul3A_2765 = arith.mulf %get3A_2760, %get3A_2764 : vector<16xf32>
        %add3A_2766 = arith.addf %add3A_2756, %mul3A_2765 : vector<16xf32>
        %cumsum3A_2767 = arith.constant true
        %cumsum3A_2768 = vector.broadcast %cumsum3A_2767 : i1 to vector<16xi1>
        %cumsum3A_2769 = tpu.scan <sum>, %add3A_2766 masked %cumsum3A_2768 : vector<16xf32>, vector<16xi1> -> vector<16xf32>
        %swap3A_2770 = arith.constant 9 : i32
        %swap3A_2771 = arith.index_cast %swap3A_2770 : i32 to index
        %swap3A_2772 = arith.constant 0 : index
        %swap3A_2773 = tpu.vector_load %arg14[%swap3A_2771, %swap3A_2772] {strides = array<i32>} : memref<16x17xf32, #tpu.memory_space<vmem>>, vector<16xf32>,
        tpu.vector_store %arg14[%swap3A_2771, %swap3A_2772], %cumsum3A_2769 {strides = array<i32>} : memref<16x17xf32, #tpu.memory_space<vmem>>, vector<16xf32>,
        %add3A_2774 = arith.constant 10 : i32
        %add3A_2775 = arith.addi %add3A_2196, %add3A_2774 : i32
        %add3A_2776 = arith.addi %mul3A_14, %add3A_2775 : i32
        %get3A_2777 = arith.index_cast %add3A_2776 : i32 to index
        %get3A_2778 = memref.load %arg7[%get3A_2777] : memref<512xi32, #tpu.memory_space<smem>>
        %and3A_2779 = arith.constant 7 : i32
        %and3A_2780 = arith.andi %get3A_2778, %and3A_2779 : i32
        %add3A_2781 = arith.addi %mul3A_14, %add3A_2775 : i32
        %get3A_2782 = arith.index_cast %add3A_2781 : i32 to index
        %get3A_2783 = memref.load %arg8[%get3A_2782] : memref<512xi32, #tpu.memory_space<smem>>
        %and3A_2784 = arith.constant 7 : i32
        %and3A_2785 = arith.andi %get3A_2783, %and3A_2784 : i32
        %get3A_2786 = arith.index_cast %add3A_2775 : i32 to index
        %get3A_2787 = arith.index_cast %and3A_2780 : i32 to index
        %get3A_2788 = arith.constant 0 : index
        %get3A_2789 = tpu.vector_load %arg11[%get3A_2786, %get3A_2787, %get3A_2788] {strides = array<i32>} : memref<32x8x64xf32, #tpu.memory_space<vmem>>, vector<16xf32>,
        %get3A_2790 = arith.index_cast %add3A_2775 : i32 to index
        %get3A_2791 = arith.index_cast %and3A_2785 : i32 to index
        %get3A_2792 = arith.constant 0 : index
        %get3A_2793 = tpu.vector_load %arg12[%get3A_2790, %get3A_2791, %get3A_2792] {strides = array<i32>} : memref<32x8x64xf32, #tpu.memory_space<vmem>>, vector<16xf32>,
        %mul3A_2794 = arith.mulf %get3A_2789, %get3A_2793 : vector<16xf32>
        %get3A_2795 = arith.index_cast %add3A_2775 : i32 to index
        %get3A_2796 = arith.index_cast %and3A_2780 : i32 to index
        %get3A_2797 = arith.constant 16 : index
        %get3A_2798 = tpu.vector_load %arg11[%get3A_2795, %get3A_2796, %get3A_2797] {strides = array<i32>} : memref<32x8x64xf32, #tpu.memory_space<vmem>>, vector<16xf32>,
        %get3A_2799 = arith.index_cast %add3A_2775 : i32 to index
        %get3A_2800 = arith.index_cast %and3A_2785 : i32 to index
        %get3A_2801 = arith.constant 16 : index
        %get3A_2802 = tpu.vector_load %arg12[%get3A_2799, %get3A_2800, %get3A_2801] {strides = array<i32>} : memref<32x8x64xf32, #tpu.memory_space<vmem>>, vector<16xf32>,
        %mul3A_2803 = arith.mulf %get3A_2798, %get3A_2802 : vector<16xf32>
        %add3A_2804 = arith.addf %mul3A_2794, %mul3A_2803 : vector<16xf32>
        %get3A_2805 = arith.index_cast %add3A_2775 : i32 to index
        %get3A_2806 = arith.index_cast %and3A_2780 : i32 to index
        %get3A_2807 = arith.constant 32 : index
        %get3A_2808 = tpu.vector_load %arg11[%get3A_2805, %get3A_2806, %get3A_2807] {strides = array<i32>} : memref<32x8x64xf32, #tpu.memory_space<vmem>>, vector<16xf32>,
        %get3A_2809 = arith.index_cast %add3A_2775 : i32 to index
        %get3A_2810 = arith.index_cast %and3A_2785 : i32 to index
        %get3A_2811 = arith.constant 32 : index
        %get3A_2812 = tpu.vector_load %arg12[%get3A_2809, %get3A_2810, %get3A_2811] {strides = array<i32>} : memref<32x8x64xf32, #tpu.memory_space<vmem>>, vector<16xf32>,
        %mul3A_2813 = arith.mulf %get3A_2808, %get3A_2812 : vector<16xf32>
        %add3A_2814 = arith.addf %add3A_2804, %mul3A_2813 : vector<16xf32>
        %get3A_2815 = arith.index_cast %add3A_2775 : i32 to index
        %get3A_2816 = arith.index_cast %and3A_2780 : i32 to index
        %get3A_2817 = arith.constant 48 : index
        %get3A_2818 = tpu.vector_load %arg11[%get3A_2815, %get3A_2816, %get3A_2817] {strides = array<i32>} : memref<32x8x64xf32, #tpu.memory_space<vmem>>, vector<16xf32>,
        %get3A_2819 = arith.index_cast %add3A_2775 : i32 to index
        %get3A_2820 = arith.index_cast %and3A_2785 : i32 to index
        %get3A_2821 = arith.constant 48 : index
        %get3A_2822 = tpu.vector_load %arg12[%get3A_2819, %get3A_2820, %get3A_2821] {strides = array<i32>} : memref<32x8x64xf32, #tpu.memory_space<vmem>>, vector<16xf32>,
        %mul3A_2823 = arith.mulf %get3A_2818, %get3A_2822 : vector<16xf32>
        %add3A_2824 = arith.addf %add3A_2814, %mul3A_2823 : vector<16xf32>
        %cumsum3A_2825 = arith.constant true
        %cumsum3A_2826 = vector.broadcast %cumsum3A_2825 : i1 to vector<16xi1>
        %cumsum3A_2827 = tpu.scan <sum>, %add3A_2824 masked %cumsum3A_2826 : vector<16xf32>, vector<16xi1> -> vector<16xf32>
        %swap3A_2828 = arith.constant 10 : i32
        %swap3A_2829 = arith.index_cast %swap3A_2828 : i32 to index
        %swap3A_2830 = arith.constant 0 : index
        %swap3A_2831 = tpu.vector_load %arg14[%swap3A_2829, %swap3A_2830] {strides = array<i32>} : memref<16x17xf32, #tpu.memory_space<vmem>>, vector<16xf32>,
        tpu.vector_store %arg14[%swap3A_2829, %swap3A_2830], %cumsum3A_2827 {strides = array<i32>} : memref<16x17xf32, #tpu.memory_space<vmem>>, vector<16xf32>,
        %add3A_2832 = arith.constant 11 : i32
        %add3A_2833 = arith.addi %add3A_2196, %add3A_2832 : i32
        %add3A_2834 = arith.addi %mul3A_14, %add3A_2833 : i32
        %get3A_2835 = arith.index_cast %add3A_2834 : i32 to index
        %get3A_2836 = memref.load %arg7[%get3A_2835] : memref<512xi32, #tpu.memory_space<smem>>
        %and3A_2837 = arith.constant 7 : i32
        %and3A_2838 = arith.andi %get3A_2836, %and3A_2837 : i32
        %add3A_2839 = arith.addi %mul3A_14, %add3A_2833 : i32
        %get3A_2840 = arith.index_cast %add3A_2839 : i32 to index
        %get3A_2841 = memref.load %arg8[%get3A_2840] : memref<512xi32, #tpu.memory_space<smem>>
        %and3A_2842 = arith.constant 7 : i32
        %and3A_2843 = arith.andi %get3A_2841, %and3A_2842 : i32
        %get3A_2844 = arith.index_cast %add3A_2833 : i32 to index
        %get3A_2845 = arith.index_cast %and3A_2838 : i32 to index
        %get3A_2846 = arith.constant 0 : index
        %get3A_2847 = tpu.vector_load %arg11[%get3A_2844, %get3A_2845, %get3A_2846] {strides = array<i32>} : memref<32x8x64xf32, #tpu.memory_space<vmem>>, vector<16xf32>,
        %get3A_2848 = arith.index_cast %add3A_2833 : i32 to index
        %get3A_2849 = arith.index_cast %and3A_2843 : i32 to index
        %get3A_2850 = arith.constant 0 : index
        %get3A_2851 = tpu.vector_load %arg12[%get3A_2848, %get3A_2849, %get3A_2850] {strides = array<i32>} : memref<32x8x64xf32, #tpu.memory_space<vmem>>, vector<16xf32>,
        %mul3A_2852 = arith.mulf %get3A_2847, %get3A_2851 : vector<16xf32>
        %get3A_2853 = arith.index_cast %add3A_2833 : i32 to index
        %get3A_2854 = arith.index_cast %and3A_2838 : i32 to index
        %get3A_2855 = arith.constant 16 : index
        %get3A_2856 = tpu.vector_load %arg11[%get3A_2853, %get3A_2854, %get3A_2855] {strides = array<i32>} : memref<32x8x64xf32, #tpu.memory_space<vmem>>, vector<16xf32>,
        %get3A_2857 = arith.index_cast %add3A_2833 : i32 to index
        %get3A_2858 = arith.index_cast %and3A_2843 : i32 to index
        %get3A_2859 = arith.constant 16 : index
        %get3A_2860 = tpu.vector_load %arg12[%get3A_2857, %get3A_2858, %get3A_2859] {strides = array<i32>} : memref<32x8x64xf32, #tpu.memory_space<vmem>>, vector<16xf32>,
        %mul3A_2861 = arith.mulf %get3A_2856, %get3A_2860 : vector<16xf32>
        %add3A_2862 = arith.addf %mul3A_2852, %mul3A_2861 : vector<16xf32>
        %get3A_2863 = arith.index_cast %add3A_2833 : i32 to index
        %get3A_2864 = arith.index_cast %and3A_2838 : i32 to index
        %get3A_2865 = arith.constant 32 : index
        %get3A_2866 = tpu.vector_load %arg11[%get3A_2863, %get3A_2864, %get3A_2865] {strides = array<i32>} : memref<32x8x64xf32, #tpu.memory_space<vmem>>, vector<16xf32>,
        %get3A_2867 = arith.index_cast %add3A_2833 : i32 to index
        %get3A_2868 = arith.index_cast %and3A_2843 : i32 to index
        %get3A_2869 = arith.constant 32 : index
        %get3A_2870 = tpu.vector_load %arg12[%get3A_2867, %get3A_2868, %get3A_2869] {strides = array<i32>} : memref<32x8x64xf32, #tpu.memory_space<vmem>>, vector<16xf32>,
        %mul3A_2871 = arith.mulf %get3A_2866, %get3A_2870 : vector<16xf32>
        %add3A_2872 = arith.addf %add3A_2862, %mul3A_2871 : vector<16xf32>
        %get3A_2873 = arith.index_cast %add3A_2833 : i32 to index
        %get3A_2874 = arith.index_cast %and3A_2838 : i32 to index
        %get3A_2875 = arith.constant 48 : index
        %get3A_2876 = tpu.vector_load %arg11[%get3A_2873, %get3A_2874, %get3A_2875] {strides = array<i32>} : memref<32x8x64xf32, #tpu.memory_space<vmem>>, vector<16xf32>,
        %get3A_2877 = arith.index_cast %add3A_2833 : i32 to index
        %get3A_2878 = arith.index_cast %and3A_2843 : i32 to index
        %get3A_2879 = arith.constant 48 : index
        %get3A_2880 = tpu.vector_load %arg12[%get3A_2877, %get3A_2878, %get3A_2879] {strides = array<i32>} : memref<32x8x64xf32, #tpu.memory_space<vmem>>, vector<16xf32>,
        %mul3A_2881 = arith.mulf %get3A_2876, %get3A_2880 : vector<16xf32>
        %add3A_2882 = arith.addf %add3A_2872, %mul3A_2881 : vector<16xf32>
        %cumsum3A_2883 = arith.constant true
        %cumsum3A_2884 = vector.broadcast %cumsum3A_2883 : i1 to vector<16xi1>
        %cumsum3A_2885 = tpu.scan <sum>, %add3A_2882 masked %cumsum3A_2884 : vector<16xf32>, vector<16xi1> -> vector<16xf32>
        %swap3A_2886 = arith.constant 11 : i32
        %swap3A_2887 = arith.index_cast %swap3A_2886 : i32 to index
        %swap3A_2888 = arith.constant 0 : index
        %swap3A_2889 = tpu.vector_load %arg14[%swap3A_2887, %swap3A_2888] {strides = array<i32>} : memref<16x17xf32, #tpu.memory_space<vmem>>, vector<16xf32>,
        tpu.vector_store %arg14[%swap3A_2887, %swap3A_2888], %cumsum3A_2885 {strides = array<i32>} : memref<16x17xf32, #tpu.memory_space<vmem>>, vector<16xf32>,
        %add3A_2890 = arith.constant 12 : i32
        %add3A_2891 = arith.addi %add3A_2196, %add3A_2890 : i32
        %add3A_2892 = arith.addi %mul3A_14, %add3A_2891 : i32
        %get3A_2893 = arith.index_cast %add3A_2892 : i32 to index
        %get3A_2894 = memref.load %arg7[%get3A_2893] : memref<512xi32, #tpu.memory_space<smem>>
        %and3A_2895 = arith.constant 7 : i32
        %and3A_2896 = arith.andi %get3A_2894, %and3A_2895 : i32
        %add3A_2897 = arith.addi %mul3A_14, %add3A_2891 : i32
        %get3A_2898 = arith.index_cast %add3A_2897 : i32 to index
        %get3A_2899 = memref.load %arg8[%get3A_2898] : memref<512xi32, #tpu.memory_space<smem>>
        %and3A_2900 = arith.constant 7 : i32
        %and3A_2901 = arith.andi %get3A_2899, %and3A_2900 : i32
        %get3A_2902 = arith.index_cast %add3A_2891 : i32 to index
        %get3A_2903 = arith.index_cast %and3A_2896 : i32 to index
        %get3A_2904 = arith.constant 0 : index
        %get3A_2905 = tpu.vector_load %arg11[%get3A_2902, %get3A_2903, %get3A_2904] {strides = array<i32>} : memref<32x8x64xf32, #tpu.memory_space<vmem>>, vector<16xf32>,
        %get3A_2906 = arith.index_cast %add3A_2891 : i32 to index
        %get3A_2907 = arith.index_cast %and3A_2901 : i32 to index
        %get3A_2908 = arith.constant 0 : index
        %get3A_2909 = tpu.vector_load %arg12[%get3A_2906, %get3A_2907, %get3A_2908] {strides = array<i32>} : memref<32x8x64xf32, #tpu.memory_space<vmem>>, vector<16xf32>,
        %mul3A_2910 = arith.mulf %get3A_2905, %get3A_2909 : vector<16xf32>
        %get3A_2911 = arith.index_cast %add3A_2891 : i32 to index
        %get3A_2912 = arith.index_cast %and3A_2896 : i32 to index
        %get3A_2913 = arith.constant 16 : index
        %get3A_2914 = tpu.vector_load %arg11[%get3A_2911, %get3A_2912, %get3A_2913] {strides = array<i32>} : memref<32x8x64xf32, #tpu.memory_space<vmem>>, vector<16xf32>,
        %get3A_2915 = arith.index_cast %add3A_2891 : i32 to index
        %get3A_2916 = arith.index_cast %and3A_2901 : i32 to index
        %get3A_2917 = arith.constant 16 : index
        %get3A_2918 = tpu.vector_load %arg12[%get3A_2915, %get3A_2916, %get3A_2917] {strides = array<i32>} : memref<32x8x64xf32, #tpu.memory_space<vmem>>, vector<16xf32>,
        %mul3A_2919 = arith.mulf %get3A_2914, %get3A_2918 : vector<16xf32>
        %add3A_2920 = arith.addf %mul3A_2910, %mul3A_2919 : vector<16xf32>
        %get3A_2921 = arith.index_cast %add3A_2891 : i32 to index
        %get3A_2922 = arith.index_cast %and3A_2896 : i32 to index
        %get3A_2923 = arith.constant 32 : index
        %get3A_2924 = tpu.vector_load %arg11[%get3A_2921, %get3A_2922, %get3A_2923] {strides = array<i32>} : memref<32x8x64xf32, #tpu.memory_space<vmem>>, vector<16xf32>,
        %get3A_2925 = arith.index_cast %add3A_2891 : i32 to index
        %get3A_2926 = arith.index_cast %and3A_2901 : i32 to index
        %get3A_2927 = arith.constant 32 : index
        %get3A_2928 = tpu.vector_load %arg12[%get3A_2925, %get3A_2926, %get3A_2927] {strides = array<i32>} : memref<32x8x64xf32, #tpu.memory_space<vmem>>, vector<16xf32>,
        %mul3A_2929 = arith.mulf %get3A_2924, %get3A_2928 : vector<16xf32>
        %add3A_2930 = arith.addf %add3A_2920, %mul3A_2929 : vector<16xf32>
        %get3A_2931 = arith.index_cast %add3A_2891 : i32 to index
        %get3A_2932 = arith.index_cast %and3A_2896 : i32 to index
        %get3A_2933 = arith.constant 48 : index
        %get3A_2934 = tpu.vector_load %arg11[%get3A_2931, %get3A_2932, %get3A_2933] {strides = array<i32>} : memref<32x8x64xf32, #tpu.memory_space<vmem>>, vector<16xf32>,
        %get3A_2935 = arith.index_cast %add3A_2891 : i32 to index
        %get3A_2936 = arith.index_cast %and3A_2901 : i32 to index
        %get3A_2937 = arith.constant 48 : index
        %get3A_2938 = tpu.vector_load %arg12[%get3A_2935, %get3A_2936, %get3A_2937] {strides = array<i32>} : memref<32x8x64xf32, #tpu.memory_space<vmem>>, vector<16xf32>,
        %mul3A_2939 = arith.mulf %get3A_2934, %get3A_2938 : vector<16xf32>
        %add3A_2940 = arith.addf %add3A_2930, %mul3A_2939 : vector<16xf32>
        %cumsum3A_2941 = arith.constant true
        %cumsum3A_2942 = vector.broadcast %cumsum3A_2941 : i1 to vector<16xi1>
        %cumsum3A_2943 = tpu.scan <sum>, %add3A_2940 masked %cumsum3A_2942 : vector<16xf32>, vector<16xi1> -> vector<16xf32>
        %swap3A_2944 = arith.constant 12 : i32
        %swap3A_2945 = arith.index_cast %swap3A_2944 : i32 to index
        %swap3A_2946 = arith.constant 0 : index
        %swap3A_2947 = tpu.vector_load %arg14[%swap3A_2945, %swap3A_2946] {strides = array<i32>} : memref<16x17xf32, #tpu.memory_space<vmem>>, vector<16xf32>,
        tpu.vector_store %arg14[%swap3A_2945, %swap3A_2946], %cumsum3A_2943 {strides = array<i32>} : memref<16x17xf32, #tpu.memory_space<vmem>>, vector<16xf32>,
        %add3A_2948 = arith.constant 13 : i32
        %add3A_2949 = arith.addi %add3A_2196, %add3A_2948 : i32
        %add3A_2950 = arith.addi %mul3A_14, %add3A_2949 : i32
        %get3A_2951 = arith.index_cast %add3A_2950 : i32 to index
        %get3A_2952 = memref.load %arg7[%get3A_2951] : memref<512xi32, #tpu.memory_space<smem>>
        %and3A_2953 = arith.constant 7 : i32
        %and3A_2954 = arith.andi %get3A_2952, %and3A_2953 : i32
        %add3A_2955 = arith.addi %mul3A_14, %add3A_2949 : i32
        %get3A_2956 = arith.index_cast %add3A_2955 : i32 to index
        %get3A_2957 = memref.load %arg8[%get3A_2956] : memref<512xi32, #tpu.memory_space<smem>>
        %and3A_2958 = arith.constant 7 : i32
        %and3A_2959 = arith.andi %get3A_2957, %and3A_2958 : i32
        %get3A_2960 = arith.index_cast %add3A_2949 : i32 to index
        %get3A_2961 = arith.index_cast %and3A_2954 : i32 to index
        %get3A_2962 = arith.constant 0 : index
        %get3A_2963 = tpu.vector_load %arg11[%get3A_2960, %get3A_2961, %get3A_2962] {strides = array<i32>} : memref<32x8x64xf32, #tpu.memory_space<vmem>>, vector<16xf32>,
        %get3A_2964 = arith.index_cast %add3A_2949 : i32 to index
        %get3A_2965 = arith.index_cast %and3A_2959 : i32 to index
        %get3A_2966 = arith.constant 0 : index
        %get3A_2967 = tpu.vector_load %arg12[%get3A_2964, %get3A_2965, %get3A_2966] {strides = array<i32>} : memref<32x8x64xf32, #tpu.memory_space<vmem>>, vector<16xf32>,
        %mul3A_2968 = arith.mulf %get3A_2963, %get3A_2967 : vector<16xf32>
        %get3A_2969 = arith.index_cast %add3A_2949 : i32 to index
        %get3A_2970 = arith.index_cast %and3A_2954 : i32 to index
        %get3A_2971 = arith.constant 16 : index
        %get3A_2972 = tpu.vector_load %arg11[%get3A_2969, %get3A_2970, %get3A_2971] {strides = array<i32>} : memref<32x8x64xf32, #tpu.memory_space<vmem>>, vector<16xf32>,
        %get3A_2973 = arith.index_cast %add3A_2949 : i32 to index
        %get3A_2974 = arith.index_cast %and3A_2959 : i32 to index
        %get3A_2975 = arith.constant 16 : index
        %get3A_2976 = tpu.vector_load %arg12[%get3A_2973, %get3A_2974, %get3A_2975] {strides = array<i32>} : memref<32x8x64xf32, #tpu.memory_space<vmem>>, vector<16xf32>,
        %mul3A_2977 = arith.mulf %get3A_2972, %get3A_2976 : vector<16xf32>
        %add3A_2978 = arith.addf %mul3A_2968, %mul3A_2977 : vector<16xf32>
        %get3A_2979 = arith.index_cast %add3A_2949 : i32 to index
        %get3A_2980 = arith.index_cast %and3A_2954 : i32 to index
        %get3A_2981 = arith.constant 32 : index
        %get3A_2982 = tpu.vector_load %arg11[%get3A_2979, %get3A_2980, %get3A_2981] {strides = array<i32>} : memref<32x8x64xf32, #tpu.memory_space<vmem>>, vector<16xf32>,
        %get3A_2983 = arith.index_cast %add3A_2949 : i32 to index
        %get3A_2984 = arith.index_cast %and3A_2959 : i32 to index
        %get3A_2985 = arith.constant 32 : index
        %get3A_2986 = tpu.vector_load %arg12[%get3A_2983, %get3A_2984, %get3A_2985] {strides = array<i32>} : memref<32x8x64xf32, #tpu.memory_space<vmem>>, vector<16xf32>,
        %mul3A_2987 = arith.mulf %get3A_2982, %get3A_2986 : vector<16xf32>
        %add3A_2988 = arith.addf %add3A_2978, %mul3A_2987 : vector<16xf32>
        %get3A_2989 = arith.index_cast %add3A_2949 : i32 to index
        %get3A_2990 = arith.index_cast %and3A_2954 : i32 to index
        %get3A_2991 = arith.constant 48 : index
        %get3A_2992 = tpu.vector_load %arg11[%get3A_2989, %get3A_2990, %get3A_2991] {strides = array<i32>} : memref<32x8x64xf32, #tpu.memory_space<vmem>>, vector<16xf32>,
        %get3A_2993 = arith.index_cast %add3A_2949 : i32 to index
        %get3A_2994 = arith.index_cast %and3A_2959 : i32 to index
        %get3A_2995 = arith.constant 48 : index
        %get3A_2996 = tpu.vector_load %arg12[%get3A_2993, %get3A_2994, %get3A_2995] {strides = array<i32>} : memref<32x8x64xf32, #tpu.memory_space<vmem>>, vector<16xf32>,
        %mul3A_2997 = arith.mulf %get3A_2992, %get3A_2996 : vector<16xf32>
        %add3A_2998 = arith.addf %add3A_2988, %mul3A_2997 : vector<16xf32>
        %cumsum3A_2999 = arith.constant true
        %cumsum3A_3000 = vector.broadcast %cumsum3A_2999 : i1 to vector<16xi1>
        %cumsum3A_3001 = tpu.scan <sum>, %add3A_2998 masked %cumsum3A_3000 : vector<16xf32>, vector<16xi1> -> vector<16xf32>
        %swap3A_3002 = arith.constant 13 : i32
        %swap3A_3003 = arith.index_cast %swap3A_3002 : i32 to index
        %swap3A_3004 = arith.constant 0 : index
        %swap3A_3005 = tpu.vector_load %arg14[%swap3A_3003, %swap3A_3004] {strides = array<i32>} : memref<16x17xf32, #tpu.memory_space<vmem>>, vector<16xf32>,
        tpu.vector_store %arg14[%swap3A_3003, %swap3A_3004], %cumsum3A_3001 {strides = array<i32>} : memref<16x17xf32, #tpu.memory_space<vmem>>, vector<16xf32>,
        %add3A_3006 = arith.constant 14 : i32
        %add3A_3007 = arith.addi %add3A_2196, %add3A_3006 : i32
        %add3A_3008 = arith.addi %mul3A_14, %add3A_3007 : i32
        %get3A_3009 = arith.index_cast %add3A_3008 : i32 to index
        %get3A_3010 = memref.load %arg7[%get3A_3009] : memref<512xi32, #tpu.memory_space<smem>>
        %and3A_3011 = arith.constant 7 : i32
        %and3A_3012 = arith.andi %get3A_3010, %and3A_3011 : i32
        %add3A_3013 = arith.addi %mul3A_14, %add3A_3007 : i32
        %get3A_3014 = arith.index_cast %add3A_3013 : i32 to index
        %get3A_3015 = memref.load %arg8[%get3A_3014] : memref<512xi32, #tpu.memory_space<smem>>
        %and3A_3016 = arith.constant 7 : i32
        %and3A_3017 = arith.andi %get3A_3015, %and3A_3016 : i32
        %get3A_3018 = arith.index_cast %add3A_3007 : i32 to index
        %get3A_3019 = arith.index_cast %and3A_3012 : i32 to index
        %get3A_3020 = arith.constant 0 : index
        %get3A_3021 = tpu.vector_load %arg11[%get3A_3018, %get3A_3019, %get3A_3020] {strides = array<i32>} : memref<32x8x64xf32, #tpu.memory_space<vmem>>, vector<16xf32>,
        %get3A_3022 = arith.index_cast %add3A_3007 : i32 to index
        %get3A_3023 = arith.index_cast %and3A_3017 : i32 to index
        %get3A_3024 = arith.constant 0 : index
        %get3A_3025 = tpu.vector_load %arg12[%get3A_3022, %get3A_3023, %get3A_3024] {strides = array<i32>} : memref<32x8x64xf32, #tpu.memory_space<vmem>>, vector<16xf32>,
        %mul3A_3026 = arith.mulf %get3A_3021, %get3A_3025 : vector<16xf32>
        %get3A_3027 = arith.index_cast %add3A_3007 : i32 to index
        %get3A_3028 = arith.index_cast %and3A_3012 : i32 to index
        %get3A_3029 = arith.constant 16 : index
        %get3A_3030 = tpu.vector_load %arg11[%get3A_3027, %get3A_3028, %get3A_3029] {strides = array<i32>} : memref<32x8x64xf32, #tpu.memory_space<vmem>>, vector<16xf32>,
        %get3A_3031 = arith.index_cast %add3A_3007 : i32 to index
        %get3A_3032 = arith.index_cast %and3A_3017 : i32 to index
        %get3A_3033 = arith.constant 16 : index
        %get3A_3034 = tpu.vector_load %arg12[%get3A_3031, %get3A_3032, %get3A_3033] {strides = array<i32>} : memref<32x8x64xf32, #tpu.memory_space<vmem>>, vector<16xf32>,
        %mul3A_3035 = arith.mulf %get3A_3030, %get3A_3034 : vector<16xf32>
        %add3A_3036 = arith.addf %mul3A_3026, %mul3A_3035 : vector<16xf32>
        %get3A_3037 = arith.index_cast %add3A_3007 : i32 to index
        %get3A_3038 = arith.index_cast %and3A_3012 : i32 to index
        %get3A_3039 = arith.constant 32 : index
        %get3A_3040 = tpu.vector_load %arg11[%get3A_3037, %get3A_3038, %get3A_3039] {strides = array<i32>} : memref<32x8x64xf32, #tpu.memory_space<vmem>>, vector<16xf32>,
        %get3A_3041 = arith.index_cast %add3A_3007 : i32 to index
        %get3A_3042 = arith.index_cast %and3A_3017 : i32 to index
        %get3A_3043 = arith.constant 32 : index
        %get3A_3044 = tpu.vector_load %arg12[%get3A_3041, %get3A_3042, %get3A_3043] {strides = array<i32>} : memref<32x8x64xf32, #tpu.memory_space<vmem>>, vector<16xf32>,
        %mul3A_3045 = arith.mulf %get3A_3040, %get3A_3044 : vector<16xf32>
        %add3A_3046 = arith.addf %add3A_3036, %mul3A_3045 : vector<16xf32>
        %get3A_3047 = arith.index_cast %add3A_3007 : i32 to index
        %get3A_3048 = arith.index_cast %and3A_3012 : i32 to index
        %get3A_3049 = arith.constant 48 : index
        %get3A_3050 = tpu.vector_load %arg11[%get3A_3047, %get3A_3048, %get3A_3049] {strides = array<i32>} : memref<32x8x64xf32, #tpu.memory_space<vmem>>, vector<16xf32>,
        %get3A_3051 = arith.index_cast %add3A_3007 : i32 to index
        %get3A_3052 = arith.index_cast %and3A_3017 : i32 to index
        %get3A_3053 = arith.constant 48 : index
        %get3A_3054 = tpu.vector_load %arg12[%get3A_3051, %get3A_3052, %get3A_3053] {strides = array<i32>} : memref<32x8x64xf32, #tpu.memory_space<vmem>>, vector<16xf32>,
        %mul3A_3055 = arith.mulf %get3A_3050, %get3A_3054 : vector<16xf32>
        %add3A_3056 = arith.addf %add3A_3046, %mul3A_3055 : vector<16xf32>
        %cumsum3A_3057 = arith.constant true
        %cumsum3A_3058 = vector.broadcast %cumsum3A_3057 : i1 to vector<16xi1>
        %cumsum3A_3059 = tpu.scan <sum>, %add3A_3056 masked %cumsum3A_3058 : vector<16xf32>, vector<16xi1> -> vector<16xf32>
        %swap3A_3060 = arith.constant 14 : i32
        %swap3A_3061 = arith.index_cast %swap3A_3060 : i32 to index
        %swap3A_3062 = arith.constant 0 : index
        %swap3A_3063 = tpu.vector_load %arg14[%swap3A_3061, %swap3A_3062] {strides = array<i32>} : memref<16x17xf32, #tpu.memory_space<vmem>>, vector<16xf32>,
        tpu.vector_store %arg14[%swap3A_3061, %swap3A_3062], %cumsum3A_3059 {strides = array<i32>} : memref<16x17xf32, #tpu.memory_space<vmem>>, vector<16xf32>,
        %add3A_3064 = arith.constant 15 : i32
        %add3A_3065 = arith.addi %add3A_2196, %add3A_3064 : i32
        %add3A_3066 = arith.addi %mul3A_14, %add3A_3065 : i32
        %get3A_3067 = arith.index_cast %add3A_3066 : i32 to index
        %get3A_3068 = memref.load %arg7[%get3A_3067] : memref<512xi32, #tpu.memory_space<smem>>
        %and3A_3069 = arith.constant 7 : i32
        %and3A_3070 = arith.andi %get3A_3068, %and3A_3069 : i32
        %add3A_3071 = arith.addi %mul3A_14, %add3A_3065 : i32
        %get3A_3072 = arith.index_cast %add3A_3071 : i32 to index
        %get3A_3073 = memref.load %arg8[%get3A_3072] : memref<512xi32, #tpu.memory_space<smem>>
        %and3A_3074 = arith.constant 7 : i32
        %and3A_3075 = arith.andi %get3A_3073, %and3A_3074 : i32
        %get3A_3076 = arith.index_cast %add3A_3065 : i32 to index
        %get3A_3077 = arith.index_cast %and3A_3070 : i32 to index
        %get3A_3078 = arith.constant 0 : index
        %get3A_3079 = tpu.vector_load %arg11[%get3A_3076, %get3A_3077, %get3A_3078] {strides = array<i32>} : memref<32x8x64xf32, #tpu.memory_space<vmem>>, vector<16xf32>,
        %get3A_3080 = arith.index_cast %add3A_3065 : i32 to index
        %get3A_3081 = arith.index_cast %and3A_3075 : i32 to index
        %get3A_3082 = arith.constant 0 : index
        %get3A_3083 = tpu.vector_load %arg12[%get3A_3080, %get3A_3081, %get3A_3082] {strides = array<i32>} : memref<32x8x64xf32, #tpu.memory_space<vmem>>, vector<16xf32>,
        %mul3A_3084 = arith.mulf %get3A_3079, %get3A_3083 : vector<16xf32>
        %get3A_3085 = arith.index_cast %add3A_3065 : i32 to index
        %get3A_3086 = arith.index_cast %and3A_3070 : i32 to index
        %get3A_3087 = arith.constant 16 : index
        %get3A_3088 = tpu.vector_load %arg11[%get3A_3085, %get3A_3086, %get3A_3087] {strides = array<i32>} : memref<32x8x64xf32, #tpu.memory_space<vmem>>, vector<16xf32>,
        %get3A_3089 = arith.index_cast %add3A_3065 : i32 to index
        %get3A_3090 = arith.index_cast %and3A_3075 : i32 to index
        %get3A_3091 = arith.constant 16 : index
        %get3A_3092 = tpu.vector_load %arg12[%get3A_3089, %get3A_3090, %get3A_3091] {strides = array<i32>} : memref<32x8x64xf32, #tpu.memory_space<vmem>>, vector<16xf32>,
        %mul3A_3093 = arith.mulf %get3A_3088, %get3A_3092 : vector<16xf32>
        %add3A_3094 = arith.addf %mul3A_3084, %mul3A_3093 : vector<16xf32>
        %get3A_3095 = arith.index_cast %add3A_3065 : i32 to index
        %get3A_3096 = arith.index_cast %and3A_3070 : i32 to index
        %get3A_3097 = arith.constant 32 : index
        %get3A_3098 = tpu.vector_load %arg11[%get3A_3095, %get3A_3096, %get3A_3097] {strides = array<i32>} : memref<32x8x64xf32, #tpu.memory_space<vmem>>, vector<16xf32>,
        %get3A_3099 = arith.index_cast %add3A_3065 : i32 to index
        %get3A_3100 = arith.index_cast %and3A_3075 : i32 to index
        %get3A_3101 = arith.constant 32 : index
        %get3A_3102 = tpu.vector_load %arg12[%get3A_3099, %get3A_3100, %get3A_3101] {strides = array<i32>} : memref<32x8x64xf32, #tpu.memory_space<vmem>>, vector<16xf32>,
        %mul3A_3103 = arith.mulf %get3A_3098, %get3A_3102 : vector<16xf32>
        %add3A_3104 = arith.addf %add3A_3094, %mul3A_3103 : vector<16xf32>
        %get3A_3105 = arith.index_cast %add3A_3065 : i32 to index
        %get3A_3106 = arith.index_cast %and3A_3070 : i32 to index
        %get3A_3107 = arith.constant 48 : index
        %get3A_3108 = tpu.vector_load %arg11[%get3A_3105, %get3A_3106, %get3A_3107] {strides = array<i32>} : memref<32x8x64xf32, #tpu.memory_space<vmem>>, vector<16xf32>,
        %get3A_3109 = arith.index_cast %add3A_3065 : i32 to index
        %get3A_3110 = arith.index_cast %and3A_3075 : i32 to index
        %get3A_3111 = arith.constant 48 : index
        %get3A_3112 = tpu.vector_load %arg12[%get3A_3109, %get3A_3110, %get3A_3111] {strides = array<i32>} : memref<32x8x64xf32, #tpu.memory_space<vmem>>, vector<16xf32>,
        %mul3A_3113 = arith.mulf %get3A_3108, %get3A_3112 : vector<16xf32>
        %add3A_3114 = arith.addf %add3A_3104, %mul3A_3113 : vector<16xf32>
        %cumsum3A_3115 = arith.constant true
        %cumsum3A_3116 = vector.broadcast %cumsum3A_3115 : i1 to vector<16xi1>
        %cumsum3A_3117 = tpu.scan <sum>, %add3A_3114 masked %cumsum3A_3116 : vector<16xf32>, vector<16xi1> -> vector<16xf32>
        %swap3A_3118 = arith.constant 15 : i32
        %swap3A_3119 = arith.index_cast %swap3A_3118 : i32 to index
        %swap3A_3120 = arith.constant 0 : index
        %swap3A_3121 = tpu.vector_load %arg14[%swap3A_3119, %swap3A_3120] {strides = array<i32>} : memref<16x17xf32, #tpu.memory_space<vmem>>, vector<16xf32>,
        tpu.vector_store %arg14[%swap3A_3119, %swap3A_3120], %cumsum3A_3117 {strides = array<i32>} : memref<16x17xf32, #tpu.memory_space<vmem>>, vector<16xf32>,
        %gather3A = tpu.vector_load_idx %arg14[%iota3A, %broadcast_in_dim3A_3] : memref<16x17xf32, #tpu.memory_space<vmem>>[vector<16xi32>, vector<16xi32>], vector<16xf32>,
        %add3A_3122 = arith.addi %mul3A_14, %add3A_2196 : i32
        %swap3A_3123 = arith.index_cast %add3A_3122 : i32 to index
        %swap3A_3124 = tpu.vector_load %arg13[%swap3A_3123] {strides = array<i32>} : memref<512xf32, #tpu.memory_space<vmem>>, vector<16xf32>,
        tpu.vector_store %arg13[%swap3A_3123], %gather3A {strides = array<i32>} : memref<512xf32, #tpu.memory_space<vmem>>, vector<16xf32>,
      }
      %scan3A_2191 = arith.constant 2 : i32
    }
    %scan3A_7 = arith.constant 16 : i32
    "tpu.region"() ({
      %run_scoped3A = tpu.sem_alloc : memref<!tpu.dma_semaphore, #tpu.memory_space<semaphore_mem>>
      %dma_start3A = tpu.memref_slice %arg6[%mul3A_2] : memref<16384xf32, #tpu.memory_space<hbm>> -> memref<512xf32, #tpu.memory_space<hbm>>
      %dma_start3A_8 = tpu.memref_slice %arg6[%mul3A_2] : memref<16384xf32, #tpu.memory_space<hbm>> -> memref<512xf32, #tpu.memory_space<hbm>>
      tpu.enqueue_dma source(%arg13 : memref<512xf32, #tpu.memory_space<vmem>>) target(%dma_start3A_8 : memref<512xf32, #tpu.memory_space<hbm>>) target_semaphore(%run_scoped3A : memref<!tpu.dma_semaphore, #tpu.memory_space<semaphore_mem>>)
      %dma_wait3A = tpu.memref_slice %arg6[%mul3A_2] : memref<16384xf32, #tpu.memory_space<hbm>> -> memref<512xf32, #tpu.memory_space<hbm>>
      %dma_wait3A_9 = tpu.memref_slice %arg6[%mul3A_2] : memref<16384xf32, #tpu.memory_space<hbm>> -> memref<512xf32, #tpu.memory_space<hbm>>
      tpu.wait_dma2 semaphore(%run_scoped3A : memref<!tpu.dma_semaphore, #tpu.memory_space<semaphore_mem>>) src(%arg13 : memref<512xf32, #tpu.memory_space<vmem>>) dst(%dma_wait3A_9 : memref<512xf32, #tpu.memory_space<hbm>>)
      tpu.yield
    }) : () -> ()
    return
  }
}

</mosaic_0001>

<sc_bundles>
// kernel: kernel.3.cloned.1.call-start
scs
__scs_entry_jumppad:
0x0: {  	(pc) =	sbr.rel $0x88, $3  }
0x1: {  	(tag) =	ssettag $0x0;
	lr =	simm.s32 $0x1  }
0x2: {  	[smem:$0x3F9D] =	sst lr;
	_ =	strace $0xD0000000  }
0x3: {  	_ = 	snop  }
0x4: {  	_ = 	snop  }
0x5: {  	_ = 	snop  }
0x6: {  	_ = 	snop  }
0x7: {  	_ = 	snop  }
__scs_overlays_trampoline_lowered:
0x8: {  	[smem:$0x3FAC] =	sst s0  }
0x9: {  	[smem:$0x3FAD] =	sst s1  }
0xa: {  	[smem:$0x3FAE] =	sst s2  }
0xb: {  	[smem:$0x3FAF] =	sst s3  }
0xc: {  	[smem:$0x3FB0] =	sst s4  }
0xd: {  	[smem:$0x3FB1] =	sst s5  }
0xe: {  	[smem:$0x3FB2] =	sst s6  }
0xf: {  	[smem:$0x3FB3] =	sst s7  }
0x10: {  	[smem:$0x3FB4] =	sst s8  }
0x11: {  	[smem:$0x3FB5] =	sst s9;
	s0 =	simm.s32 @!p0 $0x0  }
0x12: {  	s1 =	sld [smem:$0x3F9B];
	s0 =	simm.s32 @p0 $0x1  }
0x13: {  	[smem:$0x3FB6] =	sst s0;
	s0 =	simm.s32 @!p1 $0x0  }
0x14: {  	s2 =	sld [smem:$0x3F9A];
	s0 =	simm.s32 @p1 $0x1  }
0x15: {  	[smem:$0x3FB7] =	sst s0;
	s0 =	simm.s32 @!p2 $0x0  }
0x16: {  	s3 =	sld [smem:$0x3FDB];
	s0 =	simm.s32 @p2 $0x1  }
0x17: {  	s4 =	simm.s32 $0x1BF5;
	[smem:$0x3FB9] =	sst s0  }
0x18: {  	s0 =	sld [smem:$0x3F9C];
	_ =	swait.ge [sflag:s4], $0x0  }
0x19: {  	s7 =	sld [smem:$0x3F9D]  }
0x1a: {  	s8 =	sadd.s32 $0xFFFFE003, lr  }
0x1b: {  	s9 =	sadd.s32 $0xFFFFFEF7, lr;
	s5 =	simm.s32 $0xFFFFFFFF;
	p2 =	slt.u32 s8, $0xFFFFF086  }
0x1c: {  	p1 =	slt.u32 s9, $0xF7A;
	s5 =	simm.s32 @!p2 $0x0  }
0x1d: {  	s5 =	simm.s32 @p1 $0x1;
	p0 =	seq.s32 s7, s2  }
0x1e: {  	s7 =	smul.u32 @!p0 $0xF7A, s2;
	p2 =	seq.s32 @!p0 s5, $0x0  }
0x1f: {  	s9 =	smul.u32 $0xF7A, s1;
	s8 =	simm.s32 @!p0 $0x1BF5;
	p2 =	por !p2, p0  }
0x20: {  	[sflag:s8] =	ssyncset.s32 @!p0 $0xFFFFF086;
	s6 =	sadd.s32 @!p0 s3, s7;
	s7 =	simm.s32 @!p0 $0x108  }
0x21: {  	s3 =	sadd.s32 s3, s9;
	s6 =	sadd.s32 @!p0 $0x88, s6;
	s7 =	simm.s32 @p2 $0x1082  }
0x22: {  	[simem:s7], [sflag:s8] =	dma.local @!p0 [hbm:s6], $0xF7A  }
0x23: {  	s9 =	sor.u32 $0xD0000000, s2;
	s6 =	simm.s32 $0x108;
	_ =	swait.ge @!p0 [sflag:s8], $0x0  }
0x24: {  	s3 =	sadd.s32 $0x88, s3;
	s6 =	simm.s32 @!p1 $0x1082;
	[sflag:s4] =	ssyncset.s32 $0xFFFFF086  }
0x25: {  	[simem:s6], [sflag:s4] =	dma.local [hbm:s3], $0xF7A  }
0x26: {  	[smem:$0x3F9D] =	sst s1;
	(tag) =	ssettag s2;
	_ =	strace s9  }
0x27: {  	s1 =	sld [smem:$0x3FAD]  }
0x28: {  	s2 =	sld [smem:$0x3FAE]  }
0x29: {  	s4 =	sld [smem:$0x3FB0]  }
0x2a: {  	p0 =	seq.s32 s5, $0x0;
	s5 =	sld [smem:$0x3FB1]  }
0x2b: {  	s6 =	sld [smem:$0x3FB2]  }
0x2c: {  	s7 =	sld [smem:$0x3FB3]  }
0x2d: {  	s3 =	simm.s32 $0x108;
	s8 =	sld [smem:$0x3FB4]  }
0x2e: {  	s3 =	simm.s32 @!p0 $0x1082;
	s9 =	sld [smem:$0x3FB5]  }
0x2f: {  	lr =	sadd.s32 s0, s3;
	s0 =	sld [smem:$0x3FAC]  }
0x30: {  	s3 =	sld [smem:$0x3FAF]  }
0x31: {  	[smem:$0x3FB8] =	sst s10  }
0x32: {  	s10 =	sld [smem:$0x3FB6];
	_ =	sdelay $0x3  }
0x33: {  	p0 =	seq.s32 s10, $0x1;
	s10 =	sld [smem:$0x3FB8];
	_ =	sdelay $0x3  }
0x34: {  	[smem:$0x3FB8] =	sst s10  }
0x35: {  	s10 =	sld [smem:$0x3FB7];
	_ =	sdelay $0x3  }
0x36: {  	p1 =	seq.s32 s10, $0x1;
	s10 =	sld [smem:$0x3FB8];
	_ =	sdelay $0x3  }
0x37: {  	[smem:$0x3FB8] =	sst s10  }
0x38: {  	s10 =	sld [smem:$0x3FB9]  }
0x39: {  	_ = 	snop;
	(pc) =	sbr.ind lr, $3  }
0x3a: {  	_ = 	snop  }
0x3b: {  	_ = 	snop  }
0x3c: {  	p2 =	seq.s32 s10, $0x1;
	s10 =	sld [smem:$0x3FB8]  }
0x3d: {  	_ =	shalt  }
0x3e: {  	_ =	shalt  }
0x3f: {  	_ =	shalt  }
0x40: {  	_ =	shalt  }
0x41: {  	_ =	shalt  }
0x42: {  	_ =	shalt  }
0x43: {  	_ =	shalt  }
0x44: {  	_ =	shalt  }
0x45: {  	_ =	shalt  }
0x46: {  	_ =	shalt  }
0x47: {  	_ =	shalt  }
0x48: {  	_ =	shalt  }
0x49: {  	_ =	shalt  }
0x4a: {  	_ =	shalt  }
0x4b: {  	_ =	shalt  }
0x4c: {  	_ =	shalt  }
0x4d: {  	_ =	shalt  }
0x4e: {  	_ =	shalt  }
0x4f: {  	_ =	shalt  }
0x50: {  	_ =	shalt  }
0x51: {  	_ =	shalt  }
0x52: {  	_ =	shalt  }
0x53: {  	_ =	shalt  }
0x54: {  	_ =	shalt  }
0x55: {  	_ =	shalt  }
0x56: {  	_ =	shalt  }
0x57: {  	_ =	shalt  }
0x58: {  	_ =	shalt  }
0x59: {  	_ =	shalt  }
0x5a: {  	_ =	shalt  }
0x5b: {  	_ =	shalt  }
0x5c: {  	_ =	shalt  }
0x5d: {  	_ =	shalt  }
0x5e: {  	_ =	shalt  }
0x5f: {  	_ =	shalt  }
0x60: {  	_ =	shalt  }
0x61: {  	_ =	shalt  }
0x62: {  	_ =	shalt  }
0x63: {  	_ =	shalt  }
0x64: {  	_ =	shalt  }
0x65: {  	_ =	shalt  }
0x66: {  	_ =	shalt  }
0x67: {  	_ =	shalt  }
0x68: {  	_ =	shalt  }
0x69: {  	_ =	shalt  }
0x6a: {  	_ =	shalt  }
0x6b: {  	_ =	shalt  }
0x6c: {  	_ =	shalt  }
0x6d: {  	_ =	shalt  }
0x6e: {  	_ =	shalt  }
0x6f: {  	_ =	shalt  }
0x70: {  	_ =	shalt  }
0x71: {  	_ =	shalt  }
0x72: {  	_ =	shalt  }
0x73: {  	_ =	shalt  }
0x74: {  	_ =	shalt  }
0x75: {  	_ =	shalt  }
0x76: {  	_ =	shalt  }
0x77: {  	_ =	shalt  }
0x78: {  	_ =	shalt  }
0x79: {  	_ =	shalt  }
0x7a: {  	_ =	shalt  }
0x7b: {  	_ =	shalt  }
0x7c: {  	_ =	shalt  }
0x7d: {  	_ =	shalt  }
0x7e: {  	_ =	shalt  }
0x7f: {  	_ =	shalt  }
0x80: {  	_ =	shalt  }
0x81: {  	_ =	shalt  }
0x82: {  	_ =	shalt  }
0x83: {  	_ =	shalt  }
0x84: {  	_ =	shalt  }
0x85: {  	_ =	shalt  }
0x86: {  	_ =	shalt  }
0x87: {  	_ =	shalt  }
.Lfunc_end0:
.L_simem_size_0:
called_computation_lowered:
.L_overlay_start_0:
0x88: {  	s2 =	sld [smem:$0x3FD9]  }
0x89: {  	s3 =	sld [smem:$0x3FFE];
	_ =	sdelay $0x1  }
0x8a: {  	s1 =	srdreg.scid  }
0x8b: {  	s0 =	sand.u32 $0x1, s1  }
0x8c: {  	s17 =	sshll.u32 s0, $0xA;
	s2 =	sadd.s32 s3, s2  }
0x8d: {  	s2 =	sadd.s32 s2, s17  }
0x8e: {  	[smem:$0x3FC4] =	sst s2  }
0x8f: {  	_ = 	snop  }
0x90: {  	s2 =	sld [smem:$0x3FC9]  }
0x91: {  	s18 =	sld [smem:$0x3FC8]  }
0x92: {  	s4 =	sld [smem:$0x3FD0];
	(tm) =	ssettm $0x1  }
0x93: {  	s5 =	sld [smem:$0x3FFB];
	_ =	sdelay $0x3  }
0x94: {  	_ =	strace s5  }
0x95: {  	s5 =	sld [smem:$0x3FFC];
	_ =	sdelay $0x3  }
0x96: {  	_ =	strace s5  }
0x97: {  	s5 =	sld [smem:$0x3FFD];
	_ =	sdelay $0x3  }
0x98: {  	_ =	strace s5  }
0x99: {  	_ =	strace $0x8FFFFFFF  }
0x9a: {  	s19 =	sld [smem:$0x3FDB];
	_ =	sdelay $0x1  }
0x9b: {  	s6 =	simm.s32 $_scs_section_size  }
0x9c: {  	s7 =	simm.s32 $_size__tile_overlayer_lowered;
	s8 =	simm.s32 $_tile_overlayer_lowered  }
0x9d: {  	s22 =	simm.s32 $0x1BFF;
	s21 =	sshll.u32 s8, $0x1;
	s5 =	sadd.s32 s6, s19  }
0x9e: {  	s9 =	simm.s32 $0x0;
	s20 =	sshll.u32 s7, $0x1;
	s7 =	sadd.s32 s21, s5  }
0x9f: {  	[timem:s9], [sflag:s22] =	dma.local [hbm:s7], s20  }
0xa0: {  	_ =	swait.ge [sflag:s22], s20  }
0xa1: {  	s6 =	ssub.s32 $0x0, s20;
	[sflag:s22] =	ssyncset.done $0x0  }
0xa2: {  	[sflag:s22] =	ssyncadd.s32 s6;
	_ =	sdelay $0x1  }
0xa3: {  	s23 =	simm.s32 $0x1B8B  }
0xa4: {  	_ =	swait.ge [sflag:s23], $0x1  }
0xa5: {  	[sflag:s23] =	ssyncset.done $0x0  }
0xa6: {  	s25 =	simm.s32 $0x1B8E;
	s24 =	sld [smem:$0x3FFE];
	[sflag:s23] =	ssyncadd.s32 $0xFFFFFFFF  }
0xa7: {  	s26 =	simm.s32 $execute0_lowered;
	[smem:$0x3FD2] =	sst s25  }
0xa8: {  	s7 =	sshll.u32 s26, $0x1;
	_ =	strace $0x80000046;
	[dreg:$0x1] =	wrdreg $0xFFFFFFFF  }
0xa9: {  	s28 =	simm.s32 $_size_execute0_lowered;
	s5 =	sadd.s32 s5, s7;
	[dreg:$0x0] =	wrdreg $0x0  }
0xaa: {  	s7 =	sshll.u32 s28, $0x1;
	[dreg:$0x2] =	wrdreg s5  }
0xab: {  	[dreg:$0x3] =	wrdreg s7  }
0xac: {  	[dreg:$0x4] =	wrdreg $0xC0  }
0xad: {  	_ =	task [dreg:s9], $0x5FFFF  }
0xae: {  	[dreg:$0x1] =	wrdreg $0xFFFFFFFF  }
0xaf: {  	[dreg:$0x0] =	wrdreg $0x60  }
0xb0: {  	[dreg:$0x2] =	wrdreg s2  }
0xb1: {  	[dreg:$0x3] =	wrdreg s18  }
0xb2: {  	[dreg:$0x4] =	wrdreg s24  }
0xb3: {  	[dreg:$0x5] =	wrdreg s4  }
0xb4: {  	[dreg:$0x6] =	wrdreg $0x0  }
0xb5: {  	[dreg:$0x7] =	wrdreg $0x2000  }
0xb6: {  	[dreg:$0x8] =	wrdreg $0x9  }
0xb7: {  	_ =	task.clear_ibuf [dreg:s9], $0x9FFFF;
	_ =	strace $0x90000046  }
0xb8: {  	s29 =	simm.s32 $0x9;
	_ =	strace $0x80000048  }
0xb9: {  	_ =	swait.ge [sflag:s29], $0x1  }
0xba: {  	[sflag:s29] =	ssyncadd.s32 $0xFFFFFFFF  }
0xbb: {  	_ =	strace $0x90000048  }
0xbc: {  	_ =	sfence  }
0xbd: {  	s30 =	sld [smem:$0x0];
	_ =	sdelay $0x2  }
0xbe: {  	s31 =	sshll.u32 s1, $0xD;
	s1 =	sshrl.u32 s1, $0x2  }
0xbf: {  	s3 =	sand.u32 $0x4000, s31;
	s1 =	sadd.s32 s1, s30  }
0xc0: {  	s0 =	sor.u32 s3, s0;
	s1 =	sshll.u32 s1, $0x11  }
0xc1: {  	s0 =	sor.u32 s1, s0  }
0xc2: {  	s0 =	sadd.s32 $0x8F2B, s0  }
0xc3: {  	[sflag:s0] =	ssyncadd.remote.s32 $0x1  }
0xc4: {  	_ =	sfence.sel $0xFFFF  }
0xc5: {  	[dreg:$0x0] =	wrdreg $0xFFFFFFFF;
	(pc) =	sbr.abs _section_cstart, $3  }
0xc6: {  	[dreg:$0x1] =	wrdreg $0xFFFFFFFF  }
0xc7: {  	_ =	task.clear_ibuf [dreg:s9], $0x2FFFF;
	_ =	strace $0x9FFFFFFF  }
0xc8: {  	(tm) =	ssettm $0x7FFFFFFF  }
0xc9: {  	_ =	shalt  }
tec
execute0_lowered:
.L_overlay_start_1:
0x0: {  	(tag) =	ssettag $0x1  }
0x1: {  	s0 =	rddreg [dreg:$0x0]  }
0x2: {  	s1 =	rddreg [dreg:$0x1]  }
0x3: {  	s2 =	rddreg [dreg:$0x2]  }
0x4: {  	s5 =	rddreg [dreg:$0x3]  }
0x5: {  	s6 =	rddreg [dreg:$0x4]  }
0x6: {  	s7 =	rddreg [dreg:$0x5]  }
0x7: {  	s13 =	simm.s32 $0x0;
	s4 =	srdreg.scid;
	s14 =	stileid.u32  }
0x8: {  	s31 =	simm.s32 $0x7400;
	s28 =	simm.s32 $0x8000;
	s29 =	simm.s32 $0x10000  }
0x9: {  	[smem:$0x7FF] =	sst s13;
	s3 =	sadd.s32 $0x400, s2;
	s8 =	sand.u32 $0x1, s4  }
0xa: {  	s11 =	sshll.u32 s14, $0x7;
	s26 =	ssub.s32 $0x2, s8;
	s8 =	sshll.u32 s8, $0x6  }
0xb: {  	s4 =	sadd.s32 $0xF42800, s2;
	s10 =	sshll.u32 s14, $0x9;
	s8 =	sor.u32 s8, s11  }
0xc: {  	_ =	strace $0x80000047;
	s10 =	sand.u32 $0x1000, s10;
	s0 =	sadd.s32 s0, s8  }
0xd: {  	s12 =	sand.u32 $0x380, s11;
	s1 =	sadd.s32 s1, s8;
	[dreg:$0x8] =	wrdreg s0  }
0xe: {  	s15 =	sor.u32 s12, s10;
	s18 =	sadd.s32 s5, s8;
	[dreg:$0xb] =	wrdreg s1  }
0xf: {  	s16 =	sshll.u32 s14, $0x6;
	s6 =	sadd.s32 s15, s6;
	[dreg:$0xc] =	wrdreg s18  }
0x10: {  	s9 =	sshrl.u32 s26, $0x1;
	s17 =	sadd.s32 s15, s7;
	[dreg:$0x7] =	wrdreg s6  }
0x11: {  	s2 =	ssub.s32 s26, s9;
	s0 =	sor.u32 $0x1C05, s16;
	[dreg:$0xa] =	wrdreg s17  }
0x12: {  	s30 =	simm.s32 $0x2;
	s19 =	smax.u32 s2, $0x1;
	[dreg:$0x9] =	wrdreg s0  }
0x13: {  	s10 =	simm.s32 $0x0;
	s20 =	sadd.s32 $0x400, s6;
	[dreg:$0xd] =	wrdreg s19  }
0x14: {  	s15 =	simm.s32 $0x5;
	s21 =	sadd.s32 $0x800, s6;
	[dreg:$0xe] =	wrdreg s20  }
0x15: {  	s5 =	simm.s32 $0xE800;
	s22 =	sadd.s32 $0xC00, s6;
	[dreg:$0xf] =	wrdreg s21  }
0x16: {  	s8 =	simm.s32 $0x6C00;
	s23 =	sadd.s32 $0x400, s17;
	[dreg:$0x10] =	wrdreg s22  }
0x17: {  	s7 =	simm.s32 $0x7000;
	s24 =	sadd.s32 $0x800, s17;
	[dreg:$0x11] =	wrdreg s23  }
0x18: {  	s25 =	sadd.s32 $0xC00, s17;
	s26 =	sshrl.u32 s6, $0x3;
	[dreg:$0x12] =	wrdreg s24  }
0x19: {  	s18 =	simm.s32 $0xE400;
	s2 =	simm.s32 $0x7800;
	[dreg:$0x13] =	wrdreg s25  }
0x1a: {  	s1 =	simm.s32 $0x3;
	s6 =	simm.s32 $0x10600;
	[dreg:$0x14] =	wrdreg s26  }
0x1b: {  	v0 =	vlaneseq.u32;
	s19 =	simm.s32 $0x1;
	s0 =	sshrl.u32 s17, $0x3;
	s17 =	simm.s32 $0x6400  }
0x1c: {  	v0 =	vmul.u32 $0x80, v0;
	s23 =	simm.s32 $0x6800;
	s20 =	simm.s32 $0xEC00;
	s22 =	simm.s32 $0xF000  }
0x1d: {  	s24 =	simm.s32 $0xF800;
	s25 =	simm.s32 $0x7C00;
	s26 =	simm.s32 $0xFC00  }
0x1e: {  	v0 =	vor.u32 $0xF, v0;
	s21 =	simm.s32 $0x4;
	[dreg:$0x15] =	wrdreg s0;
	s0 =	simm.s32 $0xF400  }
.LBB2_1:
0x1f: {  	[dreg:$0x16] =	wrdreg s10  }
0x20: {  	s9 =	rddreg [dreg:$0x8]  }
0x21: {  	s10 =	rddreg [dreg:$0x9]  }
0x22: {  	s11 =	rddreg [dreg:$0x14];
	s12 =	simm.s32 $0x80;
	s14 =	simm.s32 $0x10  }
0x23: {  	[spmem:s11@s12], [sflag:s10] =	dma.strided [hbm:s9@s14], $0x40, s19, $0x10   }
0x24: {  	_ =	swait.ge [sflag:s15], $0x40  }
0x25: {  	[sflag:s15] =	ssyncset.done $0x0;
	s11 =	rddreg [dreg:$0xb]  }
0x26: {  	s16 =	rddreg [dreg:$0x15];
	[sflag:s15] =	ssyncadd.s32 $0xFFFFFFC0  }
0x27: {  	[spmem:s16@s12], [sflag:s10] =	dma.strided [hbm:s11@s14], $0x40, s19, $0x10   }
0x28: {  	_ =	swait.ge [sflag:s15], $0x40  }
0x29: {  	[sflag:s15] =	ssyncset.done $0x0  }
0x2a: {  	s11 =	rddreg [dreg:$0x7];
	[sflag:s15] =	ssyncadd.s32 $0xFFFFFFC0  }
0x2b: {  	[smem:s13], [sflag:$0x5] =	stream.linear.gather [spmem:s11], $0x80, $0x38;
	[tilespmem:$0x10E00] =	vst v63  }
0x2c: {  	s9 =	rddreg [dreg:$0xe]  }
0x2d: {  	[smem:s12], [sflag:$0x5] =	stream.linear.gather [spmem:s9], $0x80, $0x38;
	[tilespmem:$0x10E00] =	vst v63  }
0x2e: {  	s14 =	simm.s32 $0x100;
	s9 =	rddreg [dreg:$0xf]  }
0x2f: {  	[smem:s14], [sflag:$0x5] =	stream.linear.gather [spmem:s9], $0x80, $0x38;
	[tilespmem:$0x10E00] =	vst v63  }
0x30: {  	s16 =	simm.s32 $0x180;
	s9 =	rddreg [dreg:$0x10]  }
0x31: {  	[smem:s16], [sflag:$0x5] =	stream.linear.gather [spmem:s9], $0x80, $0x38;
	[tilespmem:$0x10E00] =	vst v63  }
0x32: {  	_ =	swait.ge [sflag:s15], $0x200  }
0x33: {  	[sflag:s15] =	ssyncset.done $0x0  }
0x34: {  	s12 =	simm.s32 $0x200;
	s11 =	rddreg [dreg:$0xa];
	[sflag:s15] =	ssyncadd.s32 $0xFFFFFE00  }
0x35: {  	[smem:s12], [sflag:$0x5] =	stream.linear.gather [spmem:s11], $0x80, $0x38;
	[tilespmem:$0x10E00] =	vst v63  }
0x36: {  	s13 =	simm.s32 $0x280;
	s9 =	rddreg [dreg:$0x11]  }
0x37: {  	[smem:s13], [sflag:$0x5] =	stream.linear.gather [spmem:s9], $0x80, $0x38;
	[tilespmem:$0x10E00] =	vst v63  }
0x38: {  	s14 =	simm.s32 $0x300;
	s9 =	rddreg [dreg:$0x12]  }
0x39: {  	[smem:s14], [sflag:$0x5] =	stream.linear.gather [spmem:s9], $0x80, $0x38;
	[tilespmem:$0x10E00] =	vst v63  }
0x3a: {  	s16 =	simm.s32 $0x380;
	s9 =	rddreg [dreg:$0x13]  }
0x3b: {  	[smem:s16], [sflag:$0x5] =	stream.linear.gather [spmem:s9], $0x80, $0x38;
	[tilespmem:$0x10E00] =	vst v63  }
0x3c: {  	_ =	swait.ge [sflag:s15], $0x200  }
0x3d: {  	[sflag:s15] =	ssyncset.done $0x0  }
0x3e: {  	s9 =	simm.s32 $0x0;
	[sflag:s15] =	ssyncadd.s32 $0xFFFFFE00  }
.LBB2_2:
0x3f: {  	s10 =	sshll.u32 s9, $0x5  }
0x40: {  	s11 =	sld [smem:s10+$0x0];
	_ =	sdelay $0x1  }
0x41: {  	s12 =	sld [smem:s10+$0x200]  }
0x42: {  	s11 =	sshll.u32 s11, $0x4  }
0x43: {  	s14 =	simm.s32 $0x400;
	s15 =	sor.u32 $0x1, s10;
	s11 =	sand.u32 $0xFFFFF80, s11  }
0x44: {  	s12 =	sshll.u32 s12, $0x4;
	s13 =	sadd.s32 s3, s11;
	s11 =	simm.s32 $0x0  }
0x45: {  	[tilespmem:s14], [sflag:$0x1] =	stream.linear.gather [hbm4b:s13+s11], $0x400, $0x38;
	[tilespmem:$0x10E00] =	vst v63  }
0x46: {  	s12 =	sand.u32 $0xFFFFF80, s12;
	s13 =	sld [smem:s15+$0x0]  }
0x47: {  	s16 =	simm.s32 $0x8400;
	s12 =	sadd.s32 s4, s12;
	s15 =	sld [smem:s10+$0x201]  }
0x48: {  	[tilespmem:s16], [sflag:$0x2] =	stream.linear.gather [hbm4b:s12+s11], $0x400, $0x38;
	[tilespmem:$0x10E00] =	vst v63  }
0x49: {  	s14 =	sshll.u32 s13, $0x4  }
0x4a: {  	s16 =	simm.s32 $0x800;
	s12 =	sand.u32 $0xFFFFF80, s14  }
0x4b: {  	s14 =	sshll.u32 s15, $0x4;
	s15 =	sor.u32 $0x2, s10;
	s12 =	sadd.s32 s3, s12  }
0x4c: {  	[tilespmem:s16], [sflag:$0x3] =	stream.linear.gather [hbm4b:s12+s11], $0x400, $0x38;
	[tilespmem:$0x10E00] =	vst v63  }
0x4d: {  	s13 =	sld [smem:s15+$0x0];
	s12 =	sand.u32 $0xFFFFF80, s14  }
0x4e: {  	s15 =	sld [smem:s10+$0x202];
	s16 =	simm.s32 $0x8800;
	s12 =	sadd.s32 s4, s12  }
0x4f: {  	[tilespmem:s16], [sflag:$0x4] =	stream.linear.gather [hbm4b:s12+s11], $0x400, $0x38;
	[tilespmem:$0x10E00] =	vst v63  }
0x50: {  	s14 =	sshll.u32 s13, $0x4  }
0x51: {  	s16 =	simm.s32 $0xC00;
	s12 =	sand.u32 $0xFFFFF80, s14  }
0x52: {  	s14 =	sshll.u32 s15, $0x4;
	s15 =	sor.u32 $0x3, s10;
	s12 =	sadd.s32 s3, s12  }
0x53: {  	[tilespmem:s16], [sflag:$0x1] =	stream.linear.gather [hbm4b:s12+s11], $0x400, $0x38;
	[tilespmem:$0x10E00] =	vst v63  }
0x54: {  	s13 =	sld [smem:s15+$0x0];
	s12 =	sand.u32 $0xFFFFF80, s14  }
0x55: {  	s15 =	sld [smem:s10+$0x203];
	s16 =	simm.s32 $0x8C00;
	s12 =	sadd.s32 s4, s12  }
0x56: {  	[tilespmem:s16], [sflag:$0x2] =	stream.linear.gather [hbm4b:s12+s11], $0x400, $0x38;
	[tilespmem:$0x10E00] =	vst v63  }
0x57: {  	s14 =	sshll.u32 s13, $0x4  }
0x58: {  	s16 =	simm.s32 $0x1000;
	s12 =	sand.u32 $0xFFFFF80, s14  }
0x59: {  	s14 =	sshll.u32 s15, $0x4;
	s15 =	sor.u32 $0x4, s10;
	s12 =	sadd.s32 s3, s12  }
0x5a: {  	[tilespmem:s16], [sflag:$0x3] =	stream.linear.gather [hbm4b:s12+s11], $0x400, $0x38;
	[tilespmem:$0x10E00] =	vst v63  }
0x5b: {  	s13 =	sld [smem:s15+$0x0];
	s12 =	sand.u32 $0xFFFFF80, s14  }
0x5c: {  	s15 =	sld [smem:s10+$0x204];
	s16 =	simm.s32 $0x9000;
	s12 =	sadd.s32 s4, s12  }
0x5d: {  	[tilespmem:s16], [sflag:$0x4] =	stream.linear.gather [hbm4b:s12+s11], $0x400, $0x38;
	[tilespmem:$0x10E00] =	vst v63  }
0x5e: {  	s14 =	sshll.u32 s13, $0x4  }
0x5f: {  	s16 =	simm.s32 $0x1400;
	s12 =	sand.u32 $0xFFFFF80, s14  }
0x60: {  	s14 =	sshll.u32 s15, $0x4;
	s15 =	sor.u32 $0x5, s10;
	s12 =	sadd.s32 s3, s12  }
0x61: {  	[tilespmem:s16], [sflag:$0x1] =	stream.linear.gather [hbm4b:s12+s11], $0x400, $0x38;
	[tilespmem:$0x10E00] =	vst v63  }
0x62: {  	s13 =	sld [smem:s15+$0x0];
	s12 =	sand.u32 $0xFFFFF80, s14  }
0x63: {  	s15 =	sld [smem:s10+$0x205];
	s16 =	simm.s32 $0x9400;
	s12 =	sadd.s32 s4, s12  }
0x64: {  	[tilespmem:s16], [sflag:$0x2] =	stream.linear.gather [hbm4b:s12+s11], $0x400, $0x38;
	[tilespmem:$0x10E00] =	vst v63  }
0x65: {  	s14 =	sshll.u32 s13, $0x4  }
0x66: {  	s16 =	simm.s32 $0x1800;
	s12 =	sand.u32 $0xFFFFF80, s14  }
0x67: {  	s14 =	sshll.u32 s15, $0x4;
	s15 =	sor.u32 $0x6, s10;
	s12 =	sadd.s32 s3, s12  }
0x68: {  	[tilespmem:s16], [sflag:$0x3] =	stream.linear.gather [hbm4b:s12+s11], $0x400, $0x38;
	[tilespmem:$0x10E00] =	vst v63  }
0x69: {  	s13 =	sld [smem:s15+$0x0];
	s12 =	sand.u32 $0xFFFFF80, s14  }
0x6a: {  	s15 =	sld [smem:s10+$0x206];
	s16 =	simm.s32 $0x9800;
	s12 =	sadd.s32 s4, s12  }
0x6b: {  	[tilespmem:s16], [sflag:$0x4] =	stream.linear.gather [hbm4b:s12+s11], $0x400, $0x38;
	[tilespmem:$0x10E00] =	vst v63  }
0x6c: {  	s14 =	sshll.u32 s13, $0x4  }
0x6d: {  	s16 =	simm.s32 $0x1C00;
	s12 =	sand.u32 $0xFFFFF80, s14  }
0x6e: {  	s14 =	sshll.u32 s15, $0x4;
	s15 =	sor.u32 $0x7, s10;
	s12 =	sadd.s32 s3, s12  }
0x6f: {  	[tilespmem:s16], [sflag:$0x1] =	stream.linear.gather [hbm4b:s12+s11], $0x400, $0x38;
	[tilespmem:$0x10E00] =	vst v63  }
0x70: {  	s13 =	sld [smem:s15+$0x0];
	s12 =	sand.u32 $0xFFFFF80, s14  }
0x71: {  	s15 =	sld [smem:s10+$0x207];
	s16 =	simm.s32 $0x9C00;
	s12 =	sadd.s32 s4, s12  }
0x72: {  	[tilespmem:s16], [sflag:$0x2] =	stream.linear.gather [hbm4b:s12+s11], $0x400, $0x38;
	[tilespmem:$0x10E00] =	vst v63  }
0x73: {  	s14 =	sshll.u32 s13, $0x4  }
0x74: {  	s16 =	simm.s32 $0x2000;
	s12 =	sand.u32 $0xFFFFF80, s14  }
0x75: {  	s14 =	sshll.u32 s15, $0x4;
	s15 =	sor.u32 $0x8, s10;
	s12 =	sadd.s32 s3, s12  }
0x76: {  	[tilespmem:s16], [sflag:$0x3] =	stream.linear.gather [hbm4b:s12+s11], $0x400, $0x38;
	[tilespmem:$0x10E00] =	vst v63  }
0x77: {  	s13 =	sld [smem:s15+$0x0];
	s12 =	sand.u32 $0xFFFFF80, s14  }
0x78: {  	s15 =	sld [smem:s10+$0x208];
	s16 =	simm.s32 $0xA000;
	s12 =	sadd.s32 s4, s12  }
0x79: {  	[tilespmem:s16], [sflag:$0x4] =	stream.linear.gather [hbm4b:s12+s11], $0x400, $0x38;
	[tilespmem:$0x10E00] =	vst v63  }
0x7a: {  	s14 =	sshll.u32 s13, $0x4  }
0x7b: {  	s16 =	simm.s32 $0x2400;
	s12 =	sand.u32 $0xFFFFF80, s14  }
0x7c: {  	s14 =	sshll.u32 s15, $0x4;
	s15 =	sor.u32 $0x9, s10;
	s12 =	sadd.s32 s3, s12  }
0x7d: {  	[tilespmem:s16], [sflag:$0x1] =	stream.linear.gather [hbm4b:s12+s11], $0x400, $0x38;
	[tilespmem:$0x10E00] =	vst v63  }
0x7e: {  	s13 =	sld [smem:s15+$0x0];
	s12 =	sand.u32 $0xFFFFF80, s14  }
0x7f: {  	s15 =	sld [smem:s10+$0x209];
	s16 =	simm.s32 $0xA400;
	s12 =	sadd.s32 s4, s12  }
0x80: {  	[tilespmem:s16], [sflag:$0x2] =	stream.linear.gather [hbm4b:s12+s11], $0x400, $0x38;
	[tilespmem:$0x10E00] =	vst v63  }
0x81: {  	s14 =	sshll.u32 s13, $0x4  }
0x82: {  	s16 =	simm.s32 $0x2800;
	s12 =	sand.u32 $0xFFFFF80, s14  }
0x83: {  	s14 =	sshll.u32 s15, $0x4;
	s15 =	sor.u32 $0xA, s10;
	s12 =	sadd.s32 s3, s12  }
0x84: {  	[tilespmem:s16], [sflag:$0x3] =	stream.linear.gather [hbm4b:s12+s11], $0x400, $0x38;
	[tilespmem:$0x10E00] =	vst v63  }
0x85: {  	s13 =	sld [smem:s15+$0x0];
	s12 =	sand.u32 $0xFFFFF80, s14  }
0x86: {  	s15 =	sld [smem:s10+$0x20A];
	s16 =	simm.s32 $0xA800;
	s12 =	sadd.s32 s4, s12  }
0x87: {  	[tilespmem:s16], [sflag:$0x4] =	stream.linear.gather [hbm4b:s12+s11], $0x400, $0x38;
	[tilespmem:$0x10E00] =	vst v63  }
0x88: {  	s14 =	sshll.u32 s13, $0x4  }
0x89: {  	s16 =	simm.s32 $0x2C00;
	s12 =	sand.u32 $0xFFFFF80, s14  }
0x8a: {  	s14 =	sshll.u32 s15, $0x4;
	s15 =	sor.u32 $0xB, s10;
	s12 =	sadd.s32 s3, s12  }
0x8b: {  	[tilespmem:s16], [sflag:$0x1] =	stream.linear.gather [hbm4b:s12+s11], $0x400, $0x38;
	[tilespmem:$0x10E00] =	vst v63  }
0x8c: {  	s13 =	sld [smem:s15+$0x0];
	s12 =	sand.u32 $0xFFFFF80, s14  }
0x8d: {  	s15 =	sld [smem:s10+$0x20B];
	s16 =	simm.s32 $0xAC00;
	s12 =	sadd.s32 s4, s12  }
0x8e: {  	[tilespmem:s16], [sflag:$0x2] =	stream.linear.gather [hbm4b:s12+s11], $0x400, $0x38;
	[tilespmem:$0x10E00] =	vst v63  }
0x8f: {  	s14 =	sshll.u32 s13, $0x4  }
0x90: {  	s16 =	simm.s32 $0x3000;
	s12 =	sand.u32 $0xFFFFF80, s14  }
0x91: {  	s14 =	sshll.u32 s15, $0x4;
	s15 =	sor.u32 $0xC, s10;
	s12 =	sadd.s32 s3, s12  }
0x92: {  	[tilespmem:s16], [sflag:$0x3] =	stream.linear.gather [hbm4b:s12+s11], $0x400, $0x38;
	[tilespmem:$0x10E00] =	vst v63  }
0x93: {  	s13 =	sld [smem:s15+$0x0];
	s12 =	sand.u32 $0xFFFFF80, s14  }
0x94: {  	s15 =	sld [smem:s10+$0x20C];
	s16 =	simm.s32 $0xB000;
	s12 =	sadd.s32 s4, s12  }
0x95: {  	[tilespmem:s16], [sflag:$0x4] =	stream.linear.gather [hbm4b:s12+s11], $0x400, $0x38;
	[tilespmem:$0x10E00] =	vst v63  }
0x96: {  	s14 =	sshll.u32 s13, $0x4  }
0x97: {  	s16 =	simm.s32 $0x3400;
	s12 =	sand.u32 $0xFFFFF80, s14  }
0x98: {  	s14 =	sshll.u32 s15, $0x4;
	s15 =	sor.u32 $0xD, s10;
	s12 =	sadd.s32 s3, s12  }
0x99: {  	[tilespmem:s16], [sflag:$0x1] =	stream.linear.gather [hbm4b:s12+s11], $0x400, $0x38;
	[tilespmem:$0x10E00] =	vst v63  }
0x9a: {  	s13 =	sld [smem:s15+$0x0];
	s12 =	sand.u32 $0xFFFFF80, s14  }
0x9b: {  	s15 =	sld [smem:s10+$0x20D];
	s16 =	simm.s32 $0xB400;
	s12 =	sadd.s32 s4, s12  }
0x9c: {  	[tilespmem:s16], [sflag:$0x2] =	stream.linear.gather [hbm4b:s12+s11], $0x400, $0x38;
	[tilespmem:$0x10E00] =	vst v63  }
0x9d: {  	s14 =	sshll.u32 s13, $0x4  }
0x9e: {  	s16 =	simm.s32 $0x3800;
	s12 =	sand.u32 $0xFFFFF80, s14  }
0x9f: {  	s14 =	sshll.u32 s15, $0x4;
	s15 =	sor.u32 $0xE, s10;
	s12 =	sadd.s32 s3, s12  }
0xa0: {  	[tilespmem:s16], [sflag:$0x3] =	stream.linear.gather [hbm4b:s12+s11], $0x400, $0x38;
	[tilespmem:$0x10E00] =	vst v63  }
0xa1: {  	s13 =	sld [smem:s15+$0x0];
	s12 =	sand.u32 $0xFFFFF80, s14  }
0xa2: {  	s15 =	sld [smem:s10+$0x20E];
	s16 =	simm.s32 $0xB800;
	s12 =	sadd.s32 s4, s12  }
0xa3: {  	[tilespmem:s16], [sflag:$0x4] =	stream.linear.gather [hbm4b:s12+s11], $0x400, $0x38;
	[tilespmem:$0x10E00] =	vst v63  }
0xa4: {  	s14 =	sshll.u32 s13, $0x4  }
0xa5: {  	s16 =	simm.s32 $0x3C00;
	s12 =	sand.u32 $0xFFFFF80, s14  }
0xa6: {  	s14 =	sshll.u32 s15, $0x4;
	s15 =	sor.u32 $0xF, s10;
	s12 =	sadd.s32 s3, s12  }
0xa7: {  	[tilespmem:s16], [sflag:$0x1] =	stream.linear.gather [hbm4b:s12+s11], $0x400, $0x38;
	[tilespmem:$0x10E00] =	vst v63  }
0xa8: {  	s13 =	sld [smem:s15+$0x0];
	s12 =	sand.u32 $0xFFFFF80, s14  }
0xa9: {  	s15 =	sld [smem:s10+$0x20F];
	s16 =	simm.s32 $0xBC00;
	s12 =	sadd.s32 s4, s12  }
0xaa: {  	[tilespmem:s16], [sflag:$0x2] =	stream.linear.gather [hbm4b:s12+s11], $0x400, $0x38;
	[tilespmem:$0x10E00] =	vst v63  }
0xab: {  	s14 =	sshll.u32 s13, $0x4  }
0xac: {  	s16 =	simm.s32 $0x4000;
	s12 =	sand.u32 $0xFFFFF80, s14  }
0xad: {  	s14 =	sshll.u32 s15, $0x4;
	s15 =	sor.u32 $0x10, s10;
	s12 =	sadd.s32 s3, s12  }
0xae: {  	[tilespmem:s16], [sflag:$0x3] =	stream.linear.gather [hbm4b:s12+s11], $0x400, $0x38;
	[tilespmem:$0x10E00] =	vst v63  }
0xaf: {  	s13 =	sld [smem:s15+$0x0];
	s12 =	sand.u32 $0xFFFFF80, s14  }
0xb0: {  	s15 =	sld [smem:s10+$0x210];
	s16 =	simm.s32 $0xC000;
	s12 =	sadd.s32 s4, s12  }
0xb1: {  	[tilespmem:s16], [sflag:$0x4] =	stream.linear.gather [hbm4b:s12+s11], $0x400, $0x38;
	[tilespmem:$0x10E00] =	vst v63  }
0xb2: {  	s14 =	sshll.u32 s13, $0x4  }
0xb3: {  	s16 =	simm.s32 $0x4400;
	s12 =	sand.u32 $0xFFFFF80, s14  }
0xb4: {  	s14 =	sshll.u32 s15, $0x4;
	s15 =	sor.u32 $0x11, s10;
	s12 =	sadd.s32 s3, s12  }
0xb5: {  	[tilespmem:s16], [sflag:$0x1] =	stream.linear.gather [hbm4b:s12+s11], $0x400, $0x38;
	[tilespmem:$0x10E00] =	vst v63  }
0xb6: {  	s13 =	sld [smem:s15+$0x0];
	s12 =	sand.u32 $0xFFFFF80, s14  }
0xb7: {  	s15 =	sld [smem:s10+$0x211];
	s16 =	simm.s32 $0xC400;
	s12 =	sadd.s32 s4, s12  }
0xb8: {  	[tilespmem:s16], [sflag:$0x2] =	stream.linear.gather [hbm4b:s12+s11], $0x400, $0x38;
	[tilespmem:$0x10E00] =	vst v63  }
0xb9: {  	s14 =	sshll.u32 s13, $0x4  }
0xba: {  	s16 =	simm.s32 $0x4800;
	s12 =	sand.u32 $0xFFFFF80, s14  }
0xbb: {  	s14 =	sshll.u32 s15, $0x4;
	s15 =	sor.u32 $0x12, s10;
	s12 =	sadd.s32 s3, s12  }
0xbc: {  	[tilespmem:s16], [sflag:$0x3] =	stream.linear.gather [hbm4b:s12+s11], $0x400, $0x38;
	[tilespmem:$0x10E00] =	vst v63  }
0xbd: {  	s13 =	sld [smem:s15+$0x0];
	s12 =	sand.u32 $0xFFFFF80, s14  }
0xbe: {  	s15 =	sld [smem:s10+$0x212];
	s16 =	simm.s32 $0xC800;
	s12 =	sadd.s32 s4, s12  }
0xbf: {  	[tilespmem:s16], [sflag:$0x4] =	stream.linear.gather [hbm4b:s12+s11], $0x400, $0x38;
	[tilespmem:$0x10E00] =	vst v63  }
0xc0: {  	s14 =	sshll.u32 s13, $0x4  }
0xc1: {  	s16 =	simm.s32 $0x4C00;
	s12 =	sand.u32 $0xFFFFF80, s14  }
0xc2: {  	s14 =	sshll.u32 s15, $0x4;
	s15 =	sor.u32 $0x13, s10;
	s12 =	sadd.s32 s3, s12  }
0xc3: {  	[tilespmem:s16], [sflag:$0x1] =	stream.linear.gather [hbm4b:s12+s11], $0x400, $0x38;
	[tilespmem:$0x10E00] =	vst v63  }
0xc4: {  	s13 =	sld [smem:s15+$0x0];
	s12 =	sand.u32 $0xFFFFF80, s14  }
0xc5: {  	s15 =	sld [smem:s10+$0x213];
	s16 =	simm.s32 $0xCC00;
	s12 =	sadd.s32 s4, s12  }
0xc6: {  	[tilespmem:s16], [sflag:$0x2] =	stream.linear.gather [hbm4b:s12+s11], $0x400, $0x38;
	[tilespmem:$0x10E00] =	vst v63  }
0xc7: {  	s14 =	sshll.u32 s13, $0x4  }
0xc8: {  	s16 =	simm.s32 $0x5000;
	s12 =	sand.u32 $0xFFFFF80, s14  }
0xc9: {  	s14 =	sshll.u32 s15, $0x4;
	s15 =	sor.u32 $0x14, s10;
	s12 =	sadd.s32 s3, s12  }
0xca: {  	[tilespmem:s16], [sflag:$0x3] =	stream.linear.gather [hbm4b:s12+s11], $0x400, $0x38;
	[tilespmem:$0x10E00] =	vst v63  }
0xcb: {  	s13 =	sld [smem:s15+$0x0];
	s12 =	sand.u32 $0xFFFFF80, s14  }
0xcc: {  	s15 =	sld [smem:s10+$0x214];
	s16 =	simm.s32 $0xD000;
	s12 =	sadd.s32 s4, s12  }
0xcd: {  	[tilespmem:s16], [sflag:$0x4] =	stream.linear.gather [hbm4b:s12+s11], $0x400, $0x38;
	[tilespmem:$0x10E00] =	vst v63  }
0xce: {  	s14 =	sshll.u32 s13, $0x4  }
0xcf: {  	s16 =	simm.s32 $0x5400;
	s12 =	sand.u32 $0xFFFFF80, s14  }
0xd0: {  	s14 =	sshll.u32 s15, $0x4;
	s15 =	sor.u32 $0x15, s10;
	s12 =	sadd.s32 s3, s12  }
0xd1: {  	[tilespmem:s16], [sflag:$0x1] =	stream.linear.gather [hbm4b:s12+s11], $0x400, $0x38;
	[tilespmem:$0x10E00] =	vst v63  }
0xd2: {  	s13 =	sld [smem:s15+$0x0];
	s12 =	sand.u32 $0xFFFFF80, s14  }
0xd3: {  	s15 =	sld [smem:s10+$0x215];
	s16 =	simm.s32 $0xD400;
	s12 =	sadd.s32 s4, s12  }
0xd4: {  	[tilespmem:s16], [sflag:$0x2] =	stream.linear.gather [hbm4b:s12+s11], $0x400, $0x38;
	[tilespmem:$0x10E00] =	vst v63  }
0xd5: {  	s14 =	sshll.u32 s13, $0x4  }
0xd6: {  	s16 =	simm.s32 $0x5800;
	s12 =	sand.u32 $0xFFFFF80, s14  }
0xd7: {  	s14 =	sshll.u32 s15, $0x4;
	s15 =	sor.u32 $0x16, s10;
	s12 =	sadd.s32 s3, s12  }
0xd8: {  	[tilespmem:s16], [sflag:$0x3] =	stream.linear.gather [hbm4b:s12+s11], $0x400, $0x38;
	[tilespmem:$0x10E00] =	vst v63  }
0xd9: {  	s13 =	sld [smem:s15+$0x0];
	s12 =	sand.u32 $0xFFFFF80, s14  }
0xda: {  	s15 =	sld [smem:s10+$0x216];
	s16 =	simm.s32 $0xD800;
	s12 =	sadd.s32 s4, s12  }
0xdb: {  	[tilespmem:s16], [sflag:$0x4] =	stream.linear.gather [hbm4b:s12+s11], $0x400, $0x38;
	[tilespmem:$0x10E00] =	vst v63  }
0xdc: {  	s14 =	sshll.u32 s13, $0x4  }
0xdd: {  	s16 =	simm.s32 $0x5C00;
	s12 =	sand.u32 $0xFFFFF80, s14  }
0xde: {  	s14 =	sshll.u32 s15, $0x4;
	s15 =	sor.u32 $0x17, s10;
	s12 =	sadd.s32 s3, s12  }
0xdf: {  	[tilespmem:s16], [sflag:$0x1] =	stream.linear.gather [hbm4b:s12+s11], $0x400, $0x38;
	[tilespmem:$0x10E00] =	vst v63  }
0xe0: {  	s13 =	sld [smem:s15+$0x0];
	s12 =	sand.u32 $0xFFFFF80, s14  }
0xe1: {  	s15 =	sld [smem:s10+$0x217];
	s16 =	simm.s32 $0xDC00;
	s12 =	sadd.s32 s4, s12  }
0xe2: {  	[tilespmem:s16], [sflag:$0x2] =	stream.linear.gather [hbm4b:s12+s11], $0x400, $0x38;
	[tilespmem:$0x10E00] =	vst v63  }
0xe3: {  	s14 =	sshll.u32 s13, $0x4  }
0xe4: {  	s16 =	simm.s32 $0x6000;
	s12 =	sand.u32 $0xFFFFF80, s14  }
0xe5: {  	s14 =	sshll.u32 s15, $0x4;
	s15 =	sor.u32 $0x18, s10;
	s12 =	sadd.s32 s3, s12  }
0xe6: {  	[tilespmem:s16], [sflag:$0x3] =	stream.linear.gather [hbm4b:s12+s11], $0x400, $0x38;
	[tilespmem:$0x10E00] =	vst v63  }
0xe7: {  	s13 =	sld [smem:s15+$0x0];
	s12 =	sand.u32 $0xFFFFF80, s14  }
0xe8: {  	s16 =	simm.s32 $0xE000;
	s14 =	sld [smem:s10+$0x218];
	s12 =	sadd.s32 s4, s12  }
0xe9: {  	[tilespmem:s16], [sflag:$0x4] =	stream.linear.gather [hbm4b:s12+s11], $0x400, $0x38;
	[tilespmem:$0x10E00] =	vst v63  }
0xea: {  	s13 =	sshll.u32 s13, $0x4  }
0xeb: {  	s16 =	sor.u32 $0x19, s10;
	s12 =	sand.u32 $0xFFFFF80, s13  }
0xec: {  	s15 =	sshll.u32 s14, $0x4;
	s13 =	sld [smem:s16+$0x0];
	s12 =	sadd.s32 s3, s12  }
0xed: {  	[tilespmem:s17], [sflag:$0x1] =	stream.linear.gather [hbm4b:s12+s11], $0x400, $0x38;
	[tilespmem:$0x10E00] =	vst v63  }
0xee: {  	s12 =	sand.u32 $0xFFFFF80, s15  }
0xef: {  	s14 =	sld [smem:s10+$0x219];
	s12 =	sadd.s32 s4, s12;
	s13 =	sshll.u32 s13, $0x4  }
0xf0: {  	[tilespmem:s18], [sflag:$0x2] =	stream.linear.gather [hbm4b:s12+s11], $0x400, $0x38;
	[tilespmem:$0x10E00] =	vst v63  }
0xf1: {  	s16 =	sor.u32 $0x1A, s10;
	s12 =	sand.u32 $0xFFFFF80, s13  }
0xf2: {  	s15 =	sshll.u32 s14, $0x4;
	s13 =	sld [smem:s16+$0x0];
	s12 =	sadd.s32 s3, s12  }
0xf3: {  	[tilespmem:s23], [sflag:$0x3] =	stream.linear.gather [hbm4b:s12+s11], $0x400, $0x38;
	[tilespmem:$0x10E00] =	vst v63  }
0xf4: {  	s12 =	sand.u32 $0xFFFFF80, s15  }
0xf5: {  	s14 =	sld [smem:s10+$0x21A];
	s12 =	sadd.s32 s4, s12;
	s13 =	sshll.u32 s13, $0x4  }
0xf6: {  	[tilespmem:s5], [sflag:$0x4] =	stream.linear.gather [hbm4b:s12+s11], $0x400, $0x38;
	[tilespmem:$0x10E00] =	vst v63  }
0xf7: {  	s16 =	sor.u32 $0x1B, s10;
	s12 =	sand.u32 $0xFFFFF80, s13  }
0xf8: {  	s15 =	sshll.u32 s14, $0x4;
	s13 =	sld [smem:s16+$0x0];
	s12 =	sadd.s32 s3, s12  }
0xf9: {  	[tilespmem:s8], [sflag:$0x1] =	stream.linear.gather [hbm4b:s12+s11], $0x400, $0x38;
	[tilespmem:$0x10E00] =	vst v63  }
0xfa: {  	s12 =	sand.u32 $0xFFFFF80, s15  }
0xfb: {  	s14 =	sld [smem:s10+$0x21B];
	s12 =	sadd.s32 s4, s12;
	s13 =	sshll.u32 s13, $0x4  }
0xfc: {  	[tilespmem:s20], [sflag:$0x2] =	stream.linear.gather [hbm4b:s12+s11], $0x400, $0x38;
	[tilespmem:$0x10E00] =	vst v63  }
0xfd: {  	s16 =	sor.u32 $0x1C, s10;
	s12 =	sand.u32 $0xFFFFF80, s13  }
0xfe: {  	s15 =	sshll.u32 s14, $0x4;
	s13 =	sld [smem:s16+$0x0];
	s12 =	sadd.s32 s3, s12  }
0xff: {  	[tilespmem:s7], [sflag:$0x3] =	stream.linear.gather [hbm4b:s12+s11], $0x400, $0x38;
	[tilespmem:$0x10E00] =	vst v63  }
0x100: {  	s12 =	sand.u32 $0xFFFFF80, s15  }
0x101: {  	s14 =	sld [smem:s10+$0x21C];
	s12 =	sadd.s32 s4, s12;
	s13 =	sshll.u32 s13, $0x4  }
0x102: {  	[tilespmem:s22], [sflag:$0x4] =	stream.linear.gather [hbm4b:s12+s11], $0x400, $0x38;
	[tilespmem:$0x10E00] =	vst v63  }
0x103: {  	s16 =	sor.u32 $0x1D, s10;
	s12 =	sand.u32 $0xFFFFF80, s13  }
0x104: {  	s15 =	sshll.u32 s14, $0x4;
	s13 =	sld [smem:s16+$0x0];
	s12 =	sadd.s32 s3, s12  }
0x105: {  	[tilespmem:s31], [sflag:$0x1] =	stream.linear.gather [hbm4b:s12+s11], $0x400, $0x38;
	[tilespmem:$0x10E00] =	vst v63  }
0x106: {  	s12 =	sand.u32 $0xFFFFF80, s15  }
0x107: {  	s14 =	sld [smem:s10+$0x21D];
	s12 =	sadd.s32 s4, s12;
	s13 =	sshll.u32 s13, $0x4  }
0x108: {  	[tilespmem:s0], [sflag:$0x2] =	stream.linear.gather [hbm4b:s12+s11], $0x400, $0x38;
	[tilespmem:$0x10E00] =	vst v63  }
0x109: {  	s16 =	sor.u32 $0x1E, s10;
	s12 =	sand.u32 $0xFFFFF80, s13  }
0x10a: {  	s15 =	sshll.u32 s14, $0x4;
	s13 =	sld [smem:s16+$0x0];
	s12 =	sadd.s32 s3, s12  }
0x10b: {  	[tilespmem:s2], [sflag:$0x3] =	stream.linear.gather [hbm4b:s12+s11], $0x400, $0x38;
	[tilespmem:$0x10E00] =	vst v63  }
0x10c: {  	s12 =	sand.u32 $0xFFFFF80, s15  }
0x10d: {  	s14 =	sld [smem:s10+$0x21E];
	s12 =	sadd.s32 s4, s12;
	s13 =	sshll.u32 s13, $0x4  }
0x10e: {  	[tilespmem:s24], [sflag:$0x4] =	stream.linear.gather [hbm4b:s12+s11], $0x400, $0x38;
	[tilespmem:$0x10E00] =	vst v63  }
0x10f: {  	s16 =	sshllo.u32 s9, $0x5;
	s12 =	sand.u32 $0xFFFFF80, s13  }
0x110: {  	s15 =	sshll.u32 s14, $0x4;
	s13 =	sld [smem:s16+$0x0];
	s12 =	sadd.s32 s3, s12  }
0x111: {  	[tilespmem:s25], [sflag:$0x1] =	stream.linear.gather [hbm4b:s12+s11], $0x400, $0x38;
	[tilespmem:$0x10E00] =	vst v63  }
0x112: {  	s12 =	sand.u32 $0xFFFFF80, s15  }
0x113: {  	s15 =	sld [smem:s10+$0x21F];
	s12 =	sadd.s32 s4, s12;
	s14 =	sshll.u32 s13, $0x4  }
0x114: {  	[tilespmem:s26], [sflag:$0x2] =	stream.linear.gather [hbm4b:s12+s11], $0x400, $0x38;
	[tilespmem:$0x10E00] =	vst v63  }
0x115: {  	s12 =	sand.u32 $0xFFFFF80, s14  }
0x116: {  	s12 =	sadd.s32 s3, s12;
	s16 =	sshll.u32 s15, $0x4  }
0x117: {  	[tilespmem:s28], [sflag:$0x3] =	stream.linear.gather [hbm4b:s12+s11], $0x400, $0x38;
	[tilespmem:$0x10E00] =	vst v63  }
0x118: {  	s12 =	sand.u32 $0xFFFFF80, s16  }
0x119: {  	s12 =	sadd.s32 s4, s12  }
0x11a: {  	[tilespmem:s29], [sflag:$0x4] =	stream.linear.gather [hbm4b:s12+s11], $0x400, $0x38;
	[tilespmem:$0x10E00] =	vst v63  }
0x11b: {  	_ =	swait.ge [sflag:s19], $0x400  }
0x11c: {  	[sflag:s19] =	ssyncset.done $0x0  }
0x11d: {  	[sflag:s19] =	ssyncadd.s32 $0xFFFFFC00  }
0x11e: {  	_ =	swait.ge [sflag:s30], $0x400  }
0x11f: {  	[sflag:s30] =	ssyncset.done $0x0  }
0x120: {  	[sflag:s30] =	ssyncadd.s32 $0xFFFFFC00  }
0x121: {  	_ =	swait.ge [sflag:s1], $0x400  }
0x122: {  	[sflag:s1] =	ssyncset.done $0x0  }
0x123: {  	[sflag:s1] =	ssyncadd.s32 $0xFFFFFC00  }
0x124: {  	_ =	swait.ge [sflag:s21], $0x400  }
0x125: {  	[sflag:s21] =	ssyncset.done $0x0  }
0x126: {  	[sflag:s21] =	ssyncadd.s32 $0xFFFFFC00  }
0x127: {  	_ =	swait.ge [sflag:s19], $0x400  }
0x128: {  	[sflag:s19] =	ssyncset.done $0x0  }
0x129: {  	[sflag:s19] =	ssyncadd.s32 $0xFFFFFC00  }
0x12a: {  	_ =	swait.ge [sflag:s30], $0x400  }
0x12b: {  	[sflag:s30] =	ssyncset.done $0x0  }
0x12c: {  	[sflag:s30] =	ssyncadd.s32 $0xFFFFFC00  }
0x12d: {  	_ =	swait.ge [sflag:s1], $0x400  }
0x12e: {  	[sflag:s1] =	ssyncset.done $0x0  }
0x12f: {  	[sflag:s1] =	ssyncadd.s32 $0xFFFFFC00  }
0x130: {  	_ =	swait.ge [sflag:s21], $0x400  }
0x131: {  	[sflag:s21] =	ssyncset.done $0x0  }
0x132: {  	[sflag:s21] =	ssyncadd.s32 $0xFFFFFC00  }
0x133: {  	_ =	swait.ge [sflag:s19], $0x400  }
0x134: {  	[sflag:s19] =	ssyncset.done $0x0  }
0x135: {  	[sflag:s19] =	ssyncadd.s32 $0xFFFFFC00  }
0x136: {  	_ =	swait.ge [sflag:s30], $0x400  }
0x137: {  	[sflag:s30] =	ssyncset.done $0x0  }
0x138: {  	[sflag:s30] =	ssyncadd.s32 $0xFFFFFC00  }
0x139: {  	_ =	swait.ge [sflag:s1], $0x400  }
0x13a: {  	[sflag:s1] =	ssyncset.done $0x0  }
0x13b: {  	[sflag:s1] =	ssyncadd.s32 $0xFFFFFC00  }
0x13c: {  	_ =	swait.ge [sflag:s21], $0x400  }
0x13d: {  	[sflag:s21] =	ssyncset.done $0x0  }
0x13e: {  	[sflag:s21] =	ssyncadd.s32 $0xFFFFFC00  }
0x13f: {  	_ =	swait.ge [sflag:s19], $0x400  }
0x140: {  	[sflag:s19] =	ssyncset.done $0x0  }
0x141: {  	[sflag:s19] =	ssyncadd.s32 $0xFFFFFC00  }
0x142: {  	_ =	swait.ge [sflag:s30], $0x400  }
0x143: {  	[sflag:s30] =	ssyncset.done $0x0  }
0x144: {  	[sflag:s30] =	ssyncadd.s32 $0xFFFFFC00  }
0x145: {  	_ =	swait.ge [sflag:s1], $0x400  }
0x146: {  	[sflag:s1] =	ssyncset.done $0x0  }
0x147: {  	[sflag:s1] =	ssyncadd.s32 $0xFFFFFC00  }
0x148: {  	_ =	swait.ge [sflag:s21], $0x400  }
0x149: {  	[sflag:s21] =	ssyncset.done $0x0  }
0x14a: {  	[sflag:s21] =	ssyncadd.s32 $0xFFFFFC00  }
0x14b: {  	_ =	swait.ge [sflag:s19], $0x400  }
0x14c: {  	[sflag:s19] =	ssyncset.done $0x0  }
0x14d: {  	[sflag:s19] =	ssyncadd.s32 $0xFFFFFC00  }
0x14e: {  	_ =	swait.ge [sflag:s30], $0x400  }
0x14f: {  	[sflag:s30] =	ssyncset.done $0x0  }
0x150: {  	[sflag:s30] =	ssyncadd.s32 $0xFFFFFC00  }
0x151: {  	_ =	swait.ge [sflag:s1], $0x400  }
0x152: {  	[sflag:s1] =	ssyncset.done $0x0  }
0x153: {  	[sflag:s1] =	ssyncadd.s32 $0xFFFFFC00  }
0x154: {  	_ =	swait.ge [sflag:s21], $0x400  }
0x155: {  	[sflag:s21] =	ssyncset.done $0x0  }
0x156: {  	[sflag:s21] =	ssyncadd.s32 $0xFFFFFC00  }
0x157: {  	_ =	swait.ge [sflag:s19], $0x400  }
0x158: {  	[sflag:s19] =	ssyncset.done $0x0  }
0x159: {  	[sflag:s19] =	ssyncadd.s32 $0xFFFFFC00  }
0x15a: {  	_ =	swait.ge [sflag:s30], $0x400  }
0x15b: {  	[sflag:s30] =	ssyncset.done $0x0  }
0x15c: {  	[sflag:s30] =	ssyncadd.s32 $0xFFFFFC00  }
0x15d: {  	_ =	swait.ge [sflag:s1], $0x400  }
0x15e: {  	[sflag:s1] =	ssyncset.done $0x0  }
0x15f: {  	[sflag:s1] =	ssyncadd.s32 $0xFFFFFC00  }
0x160: {  	_ =	swait.ge [sflag:s21], $0x400  }
0x161: {  	[sflag:s21] =	ssyncset.done $0x0  }
0x162: {  	[sflag:s21] =	ssyncadd.s32 $0xFFFFFC00  }
0x163: {  	_ =	swait.ge [sflag:s19], $0x400  }
0x164: {  	[sflag:s19] =	ssyncset.done $0x0  }
0x165: {  	[sflag:s19] =	ssyncadd.s32 $0xFFFFFC00  }
0x166: {  	_ =	swait.ge [sflag:s30], $0x400  }
0x167: {  	[sflag:s30] =	ssyncset.done $0x0  }
0x168: {  	[sflag:s30] =	ssyncadd.s32 $0xFFFFFC00  }
0x169: {  	_ =	swait.ge [sflag:s1], $0x400  }
0x16a: {  	[sflag:s1] =	ssyncset.done $0x0  }
0x16b: {  	[sflag:s1] =	ssyncadd.s32 $0xFFFFFC00  }
0x16c: {  	_ =	swait.ge [sflag:s21], $0x400  }
0x16d: {  	[sflag:s21] =	ssyncset.done $0x0  }
0x16e: {  	[sflag:s21] =	ssyncadd.s32 $0xFFFFFC00  }
0x16f: {  	_ =	swait.ge [sflag:s19], $0x400  }
0x170: {  	[sflag:s19] =	ssyncset.done $0x0  }
0x171: {  	[sflag:s19] =	ssyncadd.s32 $0xFFFFFC00  }
0x172: {  	_ =	swait.ge [sflag:s30], $0x400  }
0x173: {  	[sflag:s30] =	ssyncset.done $0x0  }
0x174: {  	[sflag:s30] =	ssyncadd.s32 $0xFFFFFC00  }
0x175: {  	_ =	swait.ge [sflag:s1], $0x400  }
0x176: {  	[sflag:s1] =	ssyncset.done $0x0  }
0x177: {  	[sflag:s1] =	ssyncadd.s32 $0xFFFFFC00  }
0x178: {  	_ =	swait.ge [sflag:s21], $0x400  }
0x179: {  	[sflag:s21] =	ssyncset.done $0x0  }
0x17a: {  	[sflag:s21] =	ssyncadd.s32 $0xFFFFFC00  }
0x17b: {  	_ =	swait.ge [sflag:s19], $0x400  }
0x17c: {  	[sflag:s19] =	ssyncset.done $0x0  }
0x17d: {  	[sflag:s19] =	ssyncadd.s32 $0xFFFFFC00  }
0x17e: {  	_ =	swait.ge [sflag:s30], $0x400  }
0x17f: {  	[sflag:s30] =	ssyncset.done $0x0  }
0x180: {  	[sflag:s30] =	ssyncadd.s32 $0xFFFFFC00  }
0x181: {  	_ =	swait.ge [sflag:s1], $0x400  }
0x182: {  	[sflag:s1] =	ssyncset.done $0x0  }
0x183: {  	[sflag:s1] =	ssyncadd.s32 $0xFFFFFC00  }
0x184: {  	_ =	swait.ge [sflag:s21], $0x400  }
0x185: {  	[sflag:s21] =	ssyncset.done $0x0  }
0x186: {  	[sflag:s21] =	ssyncadd.s32 $0xFFFFFC00  }
0x187: {  	_ =	swait.ge [sflag:s19], $0x400  }
0x188: {  	[sflag:s19] =	ssyncset.done $0x0  }
0x189: {  	[sflag:s19] =	ssyncadd.s32 $0xFFFFFC00  }
0x18a: {  	_ =	swait.ge [sflag:s30], $0x400  }
0x18b: {  	[sflag:s30] =	ssyncset.done $0x0  }
0x18c: {  	[sflag:s30] =	ssyncadd.s32 $0xFFFFFC00  }
0x18d: {  	_ =	swait.ge [sflag:s1], $0x400  }
0x18e: {  	[sflag:s1] =	ssyncset.done $0x0  }
0x18f: {  	[sflag:s1] =	ssyncadd.s32 $0xFFFFFC00  }
0x190: {  	_ =	swait.ge [sflag:s21], $0x400  }
0x191: {  	[sflag:s21] =	ssyncset.done $0x0  }
0x192: {  	[sflag:s21] =	ssyncadd.s32 $0xFFFFFC00  }
0x193: {  	_ =	swait.ge [sflag:s19], $0x400  }
0x194: {  	[sflag:s19] =	ssyncset.done $0x0  }
0x195: {  	[sflag:s19] =	ssyncadd.s32 $0xFFFFFC00  }
0x196: {  	_ =	swait.ge [sflag:s30], $0x400  }
0x197: {  	[sflag:s30] =	ssyncset.done $0x0  }
0x198: {  	[sflag:s30] =	ssyncadd.s32 $0xFFFFFC00  }
0x199: {  	_ =	swait.ge [sflag:s1], $0x400  }
0x19a: {  	[sflag:s1] =	ssyncset.done $0x0  }
0x19b: {  	[sflag:s1] =	ssyncadd.s32 $0xFFFFFC00  }
0x19c: {  	_ =	swait.ge [sflag:s21], $0x400  }
0x19d: {  	[sflag:s21] =	ssyncset.done $0x0  }
0x19e: {  	[sflag:s21] =	ssyncadd.s32 $0xFFFFFC00  }
0x19f: {  	_ =	swait.ge [sflag:s19], $0x400  }
0x1a0: {  	[sflag:s19] =	ssyncset.done $0x0  }
0x1a1: {  	[sflag:s19] =	ssyncadd.s32 $0xFFFFFC00  }
0x1a2: {  	_ =	swait.ge [sflag:s30], $0x400  }
0x1a3: {  	[sflag:s30] =	ssyncset.done $0x0  }
0x1a4: {  	[sflag:s30] =	ssyncadd.s32 $0xFFFFFC00  }
0x1a5: {  	_ =	swait.ge [sflag:s1], $0x400  }
0x1a6: {  	[sflag:s1] =	ssyncset.done $0x0  }
0x1a7: {  	[sflag:s1] =	ssyncadd.s32 $0xFFFFFC00  }
0x1a8: {  	_ =	swait.ge [sflag:s21], $0x400  }
0x1a9: {  	[sflag:s21] =	ssyncset.done $0x0  }
0x1aa: {  	[sflag:s21] =	ssyncadd.s32 $0xFFFFFC00  }
0x1ab: {  	_ =	swait.ge [sflag:s19], $0x400  }
0x1ac: {  	[sflag:s19] =	ssyncset.done $0x0  }
0x1ad: {  	[sflag:s19] =	ssyncadd.s32 $0xFFFFFC00  }
0x1ae: {  	_ =	swait.ge [sflag:s30], $0x400  }
0x1af: {  	[sflag:s30] =	ssyncset.done $0x0  }
0x1b0: {  	[sflag:s30] =	ssyncadd.s32 $0xFFFFFC00  }
0x1b1: {  	_ =	swait.ge [sflag:s1], $0x400  }
0x1b2: {  	[sflag:s1] =	ssyncset.done $0x0  }
0x1b3: {  	[sflag:s1] =	ssyncadd.s32 $0xFFFFFC00  }
0x1b4: {  	_ =	swait.ge [sflag:s21], $0x400  }
0x1b5: {  	[sflag:s21] =	ssyncset.done $0x0  }
0x1b6: {  	[sflag:s21] =	ssyncadd.s32 $0xFFFFFC00  }
0x1b7: {  	_ =	swait.ge [sflag:s19], $0x400  }
0x1b8: {  	[sflag:s19] =	ssyncset.done $0x0  }
0x1b9: {  	[sflag:s19] =	ssyncadd.s32 $0xFFFFFC00  }
0x1ba: {  	_ =	swait.ge [sflag:s30], $0x400  }
0x1bb: {  	[sflag:s30] =	ssyncset.done $0x0  }
0x1bc: {  	[sflag:s30] =	ssyncadd.s32 $0xFFFFFC00  }
0x1bd: {  	_ =	swait.ge [sflag:s1], $0x400  }
0x1be: {  	[sflag:s1] =	ssyncset.done $0x0  }
0x1bf: {  	[sflag:s1] =	ssyncadd.s32 $0xFFFFFC00  }
0x1c0: {  	_ =	swait.ge [sflag:s21], $0x400  }
0x1c1: {  	[sflag:s21] =	ssyncset.done $0x0  }
0x1c2: {  	[sflag:s21] =	ssyncadd.s32 $0xFFFFFC00  }
0x1c3: {  	_ =	swait.ge [sflag:s19], $0x400  }
0x1c4: {  	[sflag:s19] =	ssyncset.done $0x0  }
0x1c5: {  	[sflag:s19] =	ssyncadd.s32 $0xFFFFFC00  }
0x1c6: {  	_ =	swait.ge [sflag:s30], $0x400  }
0x1c7: {  	[sflag:s30] =	ssyncset.done $0x0  }
0x1c8: {  	[sflag:s30] =	ssyncadd.s32 $0xFFFFFC00  }
0x1c9: {  	_ =	swait.ge [sflag:s1], $0x400  }
0x1ca: {  	[sflag:s1] =	ssyncset.done $0x0  }
0x1cb: {  	[sflag:s1] =	ssyncadd.s32 $0xFFFFFC00  }
0x1cc: {  	_ =	swait.ge [sflag:s21], $0x400  }
0x1cd: {  	[sflag:s21] =	ssyncset.done $0x0  }
0x1ce: {  	[sflag:s21] =	ssyncadd.s32 $0xFFFFFC00  }
0x1cf: {  	_ =	swait.ge [sflag:s19], $0x400  }
0x1d0: {  	[sflag:s19] =	ssyncset.done $0x0  }
0x1d1: {  	[sflag:s19] =	ssyncadd.s32 $0xFFFFFC00  }
0x1d2: {  	_ =	swait.ge [sflag:s30], $0x400  }
0x1d3: {  	[sflag:s30] =	ssyncset.done $0x0  }
0x1d4: {  	[sflag:s30] =	ssyncadd.s32 $0xFFFFFC00  }
0x1d5: {  	_ =	swait.ge [sflag:s1], $0x400  }
0x1d6: {  	[sflag:s1] =	ssyncset.done $0x0  }
0x1d7: {  	[sflag:s1] =	ssyncadd.s32 $0xFFFFFC00  }
0x1d8: {  	_ =	swait.ge [sflag:s21], $0x400  }
0x1d9: {  	[sflag:s21] =	ssyncset.done $0x0  }
0x1da: {  	p0 =	por $0x1, $0x1;
	[sflag:s21] =	ssyncadd.s32 $0xFFFFFC00  }
.LBB2_3:
0x1db: {  	s13 =	sshll.u32 s11, $0x4  }
0x1dc: {  	s12 =	sor.u32 s10, s13  }
0x1dd: {  	s14 =	sld [smem:s12+$0x0]  }
0x1de: {  	s15 =	sld [smem:s12+$0x200];
	_ =	sdelay $0x1  }
0x1df: {  	s14 =	sshll.u32 s14, $0x7  }
0x1e0: {  	s16 =	sshll.u32 s11, $0xE;
	s15 =	sshll.u32 s15, $0x7;
	s14 =	sand.u32 $0x380, s14  }
0x1e1: {  	s15 =	sand.u32 $0x380, s15;
	s14 =	sor.u32 s14, s16  }
0x1e2: {  	s15 =	sor.u32 s15, s16;
	v1 =	vld [tilespmem:s14+$0x400]  }
0x1e3: {  	v2 =	vld [tilespmem:s15+$0x8400]  }
0x1e4: {  	v3 =	vld [tilespmem:s14+$0x410]  }
0x1e5: {  	v4 =	vld [tilespmem:s15+$0x8410]  }
0x1e6: {  	v5 =	vld [tilespmem:s14+$0x420]  }
0x1e7: {  	v6 =	vld [tilespmem:s15+$0x8420]  }
0x1e8: {  	v7 =	vld [tilespmem:s14+$0x430]  }
0x1e9: {  	v8 =	vld [tilespmem:s15+$0x8430]  }
0x1ea: {  	v1 =	vmul.f32 v2, v1;
	v2 =	vmul.f32 v4, v3;
	_ =	sdelay $0x1  }
0x1eb: {  	v1 =	vadd.f32 v2, v1;
	v2 =	vmul.f32 v6, v5;
	_ =	sdelay $0x1  }
0x1ec: {  	v1 =	vadd.f32 v2, v1;
	v2 =	vmul.f32 v8, v7;
	_ =	sdelay $0x1  }
0x1ed: {  	v1 =	vadd.f32 v2, v1;
	_ =	sdelay $0x1  }
0x1ee: {  	(xrf2) =	vadd.scan.msk.f32 $0xffff, v1;
	_ =	sdelay $0x3  }
0x1ef: {  	s14 =	sor.u32 $0x1, s13  }
0x1f0: {  	s15 =	sor.u32 s10, s14  }
0x1f1: {  	s16 =	sld [smem:s15+$0x0]  }
0x1f2: {  	s15 =	sld [smem:s15+$0x200];
	_ =	sdelay $0x1  }
0x1f3: {  	s16 =	sshll.u32 s16, $0x7  }
0x1f4: {  	s14 =	sshll.u32 s14, $0xA;
	s15 =	sshll.u32 s15, $0x7;
	s16 =	sand.u32 $0x380, s16;
	v1, _, _ =	vpop (xrf2)  }
0x1f5: {  	s15 =	sand.u32 $0x380, s15;
	s16 =	sor.u32 s16, s14;
	[tilespmem:$0x10600] =	vst v1  }
0x1f6: {  	s14 =	sor.u32 s15, s14;
	v1 =	vld [tilespmem:s16+$0x400]  }
0x1f7: {  	v2 =	vld [tilespmem:s14+$0x8400]  }
0x1f8: {  	v3 =	vld [tilespmem:s16+$0x410]  }
0x1f9: {  	v41 =	vld [tilespmem:s14+$0x8410]  }
0x1fa: {  	v42 =	vld [tilespmem:s16+$0x420]  }
0x1fb: {  	v43 =	vld [tilespmem:s14+$0x8420]  }
0x1fc: {  	v44 =	vld [tilespmem:s16+$0x430]  }
0x1fd: {  	v45 =	vld [tilespmem:s14+$0x8430]  }
0x1fe: {  	v1 =	vmul.f32 v2, v1;
	v2 =	vmul.f32 v41, v3;
	_ =	sdelay $0x1  }
0x1ff: {  	v1 =	vadd.f32 v2, v1;
	v2 =	vmul.f32 v43, v42;
	_ =	sdelay $0x1  }
0x200: {  	v1 =	vadd.f32 v2, v1;
	v2 =	vmul.f32 v45, v44;
	_ =	sdelay $0x1  }
0x201: {  	v1 =	vadd.f32 v2, v1;
	_ =	sdelay $0x1  }
0x202: {  	(xrf2) =	vadd.scan.msk.f32 $0xffff, v1;
	_ =	sdelay $0x3  }
0x203: {  	s14 =	sor.u32 $0x2, s13  }
0x204: {  	s15 =	sor.u32 s10, s14  }
0x205: {  	s16 =	sld [smem:s15+$0x0]  }
0x206: {  	s15 =	sld [smem:s15+$0x200];
	_ =	sdelay $0x1  }
0x207: {  	s16 =	sshll.u32 s16, $0x7  }
0x208: {  	s14 =	sshll.u32 s14, $0xA;
	s15 =	sshll.u32 s15, $0x7;
	s16 =	sand.u32 $0x380, s16;
	v1, _, _ =	vpop (xrf2)  }
0x209: {  	s15 =	sand.u32 $0x380, s15;
	s16 =	sor.u32 s16, s14;
	[tilespmem:$0x10680] =	vst v1  }
0x20a: {  	s14 =	sor.u32 s15, s14;
	v1 =	vld [tilespmem:s16+$0x400]  }
0x20b: {  	v2 =	vld [tilespmem:s14+$0x8400]  }
0x20c: {  	v3 =	vld [tilespmem:s16+$0x410]  }
0x20d: {  	v46 =	vld [tilespmem:s14+$0x8410]  }
0x20e: {  	v47 =	vld [tilespmem:s16+$0x420]  }
0x20f: {  	v48 =	vld [tilespmem:s14+$0x8420]  }
0x210: {  	v49 =	vld [tilespmem:s16+$0x430]  }
0x211: {  	v50 =	vld [tilespmem:s14+$0x8430]  }
0x212: {  	v1 =	vmul.f32 v2, v1;
	v2 =	vmul.f32 v46, v3;
	_ =	sdelay $0x1  }
0x213: {  	v1 =	vadd.f32 v2, v1;
	v2 =	vmul.f32 v48, v47;
	_ =	sdelay $0x1  }
0x214: {  	v1 =	vadd.f32 v2, v1;
	v2 =	vmul.f32 v50, v49;
	_ =	sdelay $0x1  }
0x215: {  	v1 =	vadd.f32 v2, v1;
	_ =	sdelay $0x1  }
0x216: {  	(xrf2) =	vadd.scan.msk.f32 $0xffff, v1;
	_ =	sdelay $0x3  }
0x217: {  	s14 =	sor.u32 $0x3, s13  }
0x218: {  	s15 =	sor.u32 s10, s14  }
0x219: {  	s16 =	sld [smem:s15+$0x0]  }
0x21a: {  	s15 =	sld [smem:s15+$0x200];
	_ =	sdelay $0x1  }
0x21b: {  	s16 =	sshll.u32 s16, $0x7  }
0x21c: {  	s14 =	sshll.u32 s14, $0xA;
	s15 =	sshll.u32 s15, $0x7;
	s16 =	sand.u32 $0x380, s16;
	v1, _, _ =	vpop (xrf2)  }
0x21d: {  	s15 =	sand.u32 $0x380, s15;
	s16 =	sor.u32 s16, s14;
	[tilespmem:$0x10700] =	vst v1  }
0x21e: {  	s14 =	sor.u32 s15, s14;
	v1 =	vld [tilespmem:s16+$0x400]  }
0x21f: {  	v2 =	vld [tilespmem:s14+$0x8400]  }
0x220: {  	v3 =	vld [tilespmem:s16+$0x410]  }
0x221: {  	v51 =	vld [tilespmem:s14+$0x8410]  }
0x222: {  	v52 =	vld [tilespmem:s16+$0x420]  }
0x223: {  	v53 =	vld [tilespmem:s14+$0x8420]  }
0x224: {  	v54 =	vld [tilespmem:s16+$0x430]  }
0x225: {  	v55 =	vld [tilespmem:s14+$0x8430]  }
0x226: {  	v1 =	vmul.f32 v2, v1;
	v2 =	vmul.f32 v51, v3;
	_ =	sdelay $0x1  }
0x227: {  	v1 =	vadd.f32 v2, v1;
	v2 =	vmul.f32 v53, v52;
	_ =	sdelay $0x1  }
0x228: {  	v1 =	vadd.f32 v2, v1;
	v2 =	vmul.f32 v55, v54;
	_ =	sdelay $0x1  }
0x229: {  	v1 =	vadd.f32 v2, v1;
	_ =	sdelay $0x1  }
0x22a: {  	(xrf2) =	vadd.scan.msk.f32 $0xffff, v1;
	_ =	sdelay $0x3  }
0x22b: {  	s14 =	sor.u32 $0x4, s13  }
0x22c: {  	s15 =	sor.u32 s10, s14  }
0x22d: {  	s16 =	sld [smem:s15+$0x0]  }
0x22e: {  	s15 =	sld [smem:s15+$0x200];
	_ =	sdelay $0x1  }
0x22f: {  	s16 =	sshll.u32 s16, $0x7  }
0x230: {  	s14 =	sshll.u32 s14, $0xA;
	s15 =	sshll.u32 s15, $0x7;
	s16 =	sand.u32 $0x380, s16;
	v1, _, _ =	vpop (xrf2)  }
0x231: {  	s15 =	sand.u32 $0x380, s15;
	s16 =	sor.u32 s16, s14;
	[tilespmem:$0x10780] =	vst v1  }
0x232: {  	s14 =	sor.u32 s15, s14;
	v1 =	vld [tilespmem:s16+$0x400]  }
0x233: {  	v2 =	vld [tilespmem:s14+$0x8400]  }
0x234: {  	v3 =	vld [tilespmem:s16+$0x410]  }
0x235: {  	v56 =	vld [tilespmem:s14+$0x8410]  }
0x236: {  	v57 =	vld [tilespmem:s16+$0x420]  }
0x237: {  	v58 =	vld [tilespmem:s14+$0x8420]  }
0x238: {  	v59 =	vld [tilespmem:s16+$0x430]  }
0x239: {  	v60 =	vld [tilespmem:s14+$0x8430]  }
0x23a: {  	v1 =	vmul.f32 v2, v1;
	v2 =	vmul.f32 v56, v3;
	_ =	sdelay $0x1  }
0x23b: {  	v1 =	vadd.f32 v2, v1;
	v2 =	vmul.f32 v58, v57;
	_ =	sdelay $0x1  }
0x23c: {  	v1 =	vadd.f32 v2, v1;
	v2 =	vmul.f32 v60, v59;
	_ =	sdelay $0x1  }
0x23d: {  	v1 =	vadd.f32 v2, v1;
	_ =	sdelay $0x1  }
0x23e: {  	(xrf2) =	vadd.scan.msk.f32 $0xffff, v1;
	_ =	sdelay $0x3  }
0x23f: {  	s14 =	sor.u32 $0x5, s13  }
0x240: {  	s15 =	sor.u32 s10, s14  }
0x241: {  	s16 =	sld [smem:s15+$0x0]  }
0x242: {  	s15 =	sld [smem:s15+$0x200];
	_ =	sdelay $0x1  }
0x243: {  	s16 =	sshll.u32 s16, $0x7  }
0x244: {  	s14 =	sshll.u32 s14, $0xA;
	s15 =	sshll.u32 s15, $0x7;
	s16 =	sand.u32 $0x380, s16;
	v1, _, _ =	vpop (xrf2)  }
0x245: {  	s15 =	sand.u32 $0x380, s15;
	s16 =	sor.u32 s16, s14;
	[tilespmem:$0x10800] =	vst v1  }
0x246: {  	s14 =	sor.u32 s15, s14;
	v1 =	vld [tilespmem:s16+$0x400]  }
0x247: {  	v2 =	vld [tilespmem:s14+$0x8400]  }
0x248: {  	v3 =	vld [tilespmem:s16+$0x410]  }
0x249: {  	v61 =	vld [tilespmem:s14+$0x8410]  }
0x24a: {  	v62 =	vld [tilespmem:s16+$0x420]  }
0x24b: {  	v63 =	vld [tilespmem:s14+$0x8420]  }
0x24c: {  	v12 =	vld [tilespmem:s16+$0x430]  }
0x24d: {  	v13 =	vld [tilespmem:s14+$0x8430]  }
0x24e: {  	v1 =	vmul.f32 v2, v1;
	v2 =	vmul.f32 v61, v3;
	_ =	sdelay $0x1  }
0x24f: {  	v1 =	vadd.f32 v2, v1;
	v2 =	vmul.f32 v63, v62;
	_ =	sdelay $0x1  }
0x250: {  	v1 =	vadd.f32 v2, v1;
	v2 =	vmul.f32 v13, v12;
	_ =	sdelay $0x1  }
0x251: {  	v1 =	vadd.f32 v2, v1;
	_ =	sdelay $0x1  }
0x252: {  	(xrf2) =	vadd.scan.msk.f32 $0xffff, v1;
	_ =	sdelay $0x3  }
0x253: {  	s14 =	sor.u32 $0x6, s13  }
0x254: {  	s15 =	sor.u32 s10, s14  }
0x255: {  	s16 =	sld [smem:s15+$0x0]  }
0x256: {  	s15 =	sld [smem:s15+$0x200];
	_ =	sdelay $0x1  }
0x257: {  	s16 =	sshll.u32 s16, $0x7  }
0x258: {  	s14 =	sshll.u32 s14, $0xA;
	s15 =	sshll.u32 s15, $0x7;
	s16 =	sand.u32 $0x380, s16;
	v1, _, _ =	vpop (xrf2)  }
0x259: {  	s15 =	sand.u32 $0x380, s15;
	s16 =	sor.u32 s16, s14;
	[tilespmem:$0x10880] =	vst v1  }
0x25a: {  	s14 =	sor.u32 s15, s14;
	v1 =	vld [tilespmem:s16+$0x400]  }
0x25b: {  	v2 =	vld [tilespmem:s14+$0x8400]  }
0x25c: {  	v3 =	vld [tilespmem:s16+$0x410]  }
0x25d: {  	v14 =	vld [tilespmem:s14+$0x8410]  }
0x25e: {  	v15 =	vld [tilespmem:s16+$0x420]  }
0x25f: {  	v16 =	vld [tilespmem:s14+$0x8420]  }
0x260: {  	v17 =	vld [tilespmem:s16+$0x430]  }
0x261: {  	v18 =	vld [tilespmem:s14+$0x8430]  }
0x262: {  	v1 =	vmul.f32 v2, v1;
	v2 =	vmul.f32 v14, v3;
	_ =	sdelay $0x1  }
0x263: {  	v1 =	vadd.f32 v2, v1;
	v2 =	vmul.f32 v16, v15;
	_ =	sdelay $0x1  }
0x264: {  	v1 =	vadd.f32 v2, v1;
	v2 =	vmul.f32 v18, v17;
	_ =	sdelay $0x1  }
0x265: {  	v1 =	vadd.f32 v2, v1;
	_ =	sdelay $0x1  }
0x266: {  	(xrf2) =	vadd.scan.msk.f32 $0xffff, v1;
	_ =	sdelay $0x3  }
0x267: {  	s14 =	sor.u32 $0x7, s13  }
0x268: {  	s15 =	sor.u32 s10, s14  }
0x269: {  	s16 =	sld [smem:s15+$0x0]  }
0x26a: {  	s15 =	sld [smem:s15+$0x200];
	_ =	sdelay $0x1  }
0x26b: {  	s16 =	sshll.u32 s16, $0x7  }
0x26c: {  	s14 =	sshll.u32 s14, $0xA;
	s15 =	sshll.u32 s15, $0x7;
	s16 =	sand.u32 $0x380, s16;
	v1, _, _ =	vpop (xrf2)  }
0x26d: {  	s15 =	sand.u32 $0x380, s15;
	s16 =	sor.u32 s16, s14;
	[tilespmem:$0x10900] =	vst v1  }
0x26e: {  	s14 =	sor.u32 s15, s14;
	v1 =	vld [tilespmem:s16+$0x400]  }
0x26f: {  	v2 =	vld [tilespmem:s14+$0x8400]  }
0x270: {  	v3 =	vld [tilespmem:s16+$0x410]  }
0x271: {  	v19 =	vld [tilespmem:s14+$0x8410]  }
0x272: {  	v20 =	vld [tilespmem:s16+$0x420]  }
0x273: {  	v21 =	vld [tilespmem:s14+$0x8420]  }
0x274: {  	v22 =	vld [tilespmem:s16+$0x430]  }
0x275: {  	v23 =	vld [tilespmem:s14+$0x8430]  }
0x276: {  	v1 =	vmul.f32 v2, v1;
	v2 =	vmul.f32 v19, v3;
	_ =	sdelay $0x1  }
0x277: {  	v1 =	vadd.f32 v2, v1;
	v2 =	vmul.f32 v21, v20;
	_ =	sdelay $0x1  }
0x278: {  	v1 =	vadd.f32 v2, v1;
	v2 =	vmul.f32 v23, v22;
	_ =	sdelay $0x1  }
0x279: {  	v1 =	vadd.f32 v2, v1;
	_ =	sdelay $0x1  }
0x27a: {  	(xrf2) =	vadd.scan.msk.f32 $0xffff, v1;
	_ =	sdelay $0x3  }
0x27b: {  	s14 =	sor.u32 $0x8, s13  }
0x27c: {  	s15 =	sor.u32 s10, s14  }
0x27d: {  	s16 =	sld [smem:s15+$0x0]  }
0x27e: {  	s15 =	sld [smem:s15+$0x200];
	_ =	sdelay $0x1  }
0x27f: {  	s16 =	sshll.u32 s16, $0x7  }
0x280: {  	s14 =	sshll.u32 s14, $0xA;
	s15 =	sshll.u32 s15, $0x7;
	s16 =	sand.u32 $0x380, s16;
	v1, _, _ =	vpop (xrf2)  }
0x281: {  	s15 =	sand.u32 $0x380, s15;
	s16 =	sor.u32 s16, s14;
	[tilespmem:$0x10980] =	vst v1  }
0x282: {  	s14 =	sor.u32 s15, s14;
	v1 =	vld [tilespmem:s16+$0x400]  }
0x283: {  	v2 =	vld [tilespmem:s14+$0x8400]  }
0x284: {  	v3 =	vld [tilespmem:s16+$0x410]  }
0x285: {  	v24 =	vld [tilespmem:s14+$0x8410]  }
0x286: {  	v25 =	vld [tilespmem:s16+$0x420]  }
0x287: {  	v26 =	vld [tilespmem:s14+$0x8420]  }
0x288: {  	v27 =	vld [tilespmem:s16+$0x430]  }
0x289: {  	v28 =	vld [tilespmem:s14+$0x8430]  }
0x28a: {  	v1 =	vmul.f32 v2, v1;
	v2 =	vmul.f32 v24, v3;
	_ =	sdelay $0x1  }
0x28b: {  	v1 =	vadd.f32 v2, v1;
	v2 =	vmul.f32 v26, v25;
	_ =	sdelay $0x1  }
0x28c: {  	v1 =	vadd.f32 v2, v1;
	v2 =	vmul.f32 v28, v27;
	_ =	sdelay $0x1  }
0x28d: {  	v1 =	vadd.f32 v2, v1;
	_ =	sdelay $0x1  }
0x28e: {  	(xrf2) =	vadd.scan.msk.f32 $0xffff, v1;
	_ =	sdelay $0x3  }
0x28f: {  	s14 =	sor.u32 $0x9, s13  }
0x290: {  	s15 =	sor.u32 s10, s14  }
0x291: {  	s16 =	sld [smem:s15+$0x0]  }
0x292: {  	s15 =	sld [smem:s15+$0x200];
	_ =	sdelay $0x1  }
0x293: {  	s16 =	sshll.u32 s16, $0x7  }
0x294: {  	s14 =	sshll.u32 s14, $0xA;
	s15 =	sshll.u32 s15, $0x7;
	s16 =	sand.u32 $0x380, s16;
	v1, _, _ =	vpop (xrf2)  }
0x295: {  	s15 =	sand.u32 $0x380, s15;
	s16 =	sor.u32 s16, s14;
	[tilespmem:$0x10A00] =	vst v1  }
0x296: {  	s14 =	sor.u32 s15, s14;
	v1 =	vld [tilespmem:s16+$0x400]  }
0x297: {  	v2 =	vld [tilespmem:s14+$0x8400]  }
0x298: {  	v3 =	vld [tilespmem:s16+$0x410]  }
0x299: {  	v29 =	vld [tilespmem:s14+$0x8410]  }
0x29a: {  	v30 =	vld [tilespmem:s16+$0x420]  }
0x29b: {  	v31 =	vld [tilespmem:s14+$0x8420]  }
0x29c: {  	v32 =	vld [tilespmem:s16+$0x430]  }
0x29d: {  	v33 =	vld [tilespmem:s14+$0x8430]  }
0x29e: {  	v1 =	vmul.f32 v2, v1;
	v2 =	vmul.f32 v29, v3;
	_ =	sdelay $0x1  }
0x29f: {  	v1 =	vadd.f32 v2, v1;
	v2 =	vmul.f32 v31, v30;
	_ =	sdelay $0x1  }
0x2a0: {  	v1 =	vadd.f32 v2, v1;
	v2 =	vmul.f32 v33, v32;
	_ =	sdelay $0x1  }
0x2a1: {  	v1 =	vadd.f32 v2, v1;
	_ =	sdelay $0x1  }
0x2a2: {  	(xrf2) =	vadd.scan.msk.f32 $0xffff, v1;
	_ =	sdelay $0x3  }
0x2a3: {  	s14 =	sor.u32 $0xA, s13  }
0x2a4: {  	s15 =	sor.u32 s10, s14  }
0x2a5: {  	s16 =	sld [smem:s15+$0x0]  }
0x2a6: {  	s15 =	sld [smem:s15+$0x200];
	_ =	sdelay $0x1  }
0x2a7: {  	s16 =	sshll.u32 s16, $0x7  }
0x2a8: {  	s14 =	sshll.u32 s14, $0xA;
	s15 =	sshll.u32 s15, $0x7;
	s16 =	sand.u32 $0x380, s16;
	v1, _, _ =	vpop (xrf2)  }
0x2a9: {  	s15 =	sand.u32 $0x380, s15;
	s16 =	sor.u32 s16, s14;
	[tilespmem:$0x10A80] =	vst v1  }
0x2aa: {  	s14 =	sor.u32 s15, s14;
	v1 =	vld [tilespmem:s16+$0x400]  }
0x2ab: {  	v2 =	vld [tilespmem:s14+$0x8400]  }
0x2ac: {  	v3 =	vld [tilespmem:s16+$0x410]  }
0x2ad: {  	v34 =	vld [tilespmem:s14+$0x8410]  }
0x2ae: {  	v35 =	vld [tilespmem:s16+$0x420]  }
0x2af: {  	v36 =	vld [tilespmem:s14+$0x8420]  }
0x2b0: {  	v37 =	vld [tilespmem:s16+$0x430]  }
0x2b1: {  	v38 =	vld [tilespmem:s14+$0x8430]  }
0x2b2: {  	v1 =	vmul.f32 v2, v1;
	v2 =	vmul.f32 v34, v3;
	_ =	sdelay $0x1  }
0x2b3: {  	v1 =	vadd.f32 v2, v1;
	v2 =	vmul.f32 v36, v35;
	_ =	sdelay $0x1  }
0x2b4: {  	v1 =	vadd.f32 v2, v1;
	v2 =	vmul.f32 v38, v37;
	_ =	sdelay $0x1  }
0x2b5: {  	v1 =	vadd.f32 v2, v1;
	_ =	sdelay $0x1  }
0x2b6: {  	(xrf2) =	vadd.scan.msk.f32 $0xffff, v1;
	_ =	sdelay $0x3  }
0x2b7: {  	s14 =	sor.u32 $0xB, s13  }
0x2b8: {  	s15 =	sor.u32 s10, s14  }
0x2b9: {  	s16 =	sld [smem:s15+$0x0]  }
0x2ba: {  	s15 =	sld [smem:s15+$0x200];
	_ =	sdelay $0x1  }
0x2bb: {  	s16 =	sshll.u32 s16, $0x7  }
0x2bc: {  	s14 =	sshll.u32 s14, $0xA;
	s15 =	sshll.u32 s15, $0x7;
	s16 =	sand.u32 $0x380, s16;
	v1, _, _ =	vpop (xrf2)  }
0x2bd: {  	s15 =	sand.u32 $0x380, s15;
	s16 =	sor.u32 s16, s14;
	[tilespmem:$0x10B00] =	vst v1  }
0x2be: {  	s14 =	sor.u32 s15, s14;
	v1 =	vld [tilespmem:s16+$0x400]  }
0x2bf: {  	v2 =	vld [tilespmem:s14+$0x8400]  }
0x2c0: {  	v3 =	vld [tilespmem:s16+$0x410]  }
0x2c1: {  	v39 =	vld [tilespmem:s14+$0x8410]  }
0x2c2: {  	v40 =	vld [tilespmem:s16+$0x420]  }
0x2c3: {  	v41 =	vld [tilespmem:s14+$0x8420]  }
0x2c4: {  	v42 =	vld [tilespmem:s16+$0x430]  }
0x2c5: {  	v43 =	vld [tilespmem:s14+$0x8430]  }
0x2c6: {  	v1 =	vmul.f32 v2, v1;
	v2 =	vmul.f32 v39, v3;
	_ =	sdelay $0x1  }
0x2c7: {  	v1 =	vadd.f32 v2, v1;
	v2 =	vmul.f32 v41, v40;
	_ =	sdelay $0x1  }
0x2c8: {  	v1 =	vadd.f32 v2, v1;
	v2 =	vmul.f32 v43, v42;
	_ =	sdelay $0x1  }
0x2c9: {  	v1 =	vadd.f32 v2, v1;
	_ =	sdelay $0x1  }
0x2ca: {  	(xrf2) =	vadd.scan.msk.f32 $0xffff, v1;
	_ =	sdelay $0x3  }
0x2cb: {  	s14 =	sor.u32 $0xC, s13  }
0x2cc: {  	s15 =	sor.u32 s10, s14  }
0x2cd: {  	s16 =	sld [smem:s15+$0x0]  }
0x2ce: {  	s15 =	sld [smem:s15+$0x200];
	_ =	sdelay $0x1  }
0x2cf: {  	s16 =	sshll.u32 s16, $0x7  }
0x2d0: {  	s14 =	sshll.u32 s14, $0xA;
	s15 =	sshll.u32 s15, $0x7;
	s16 =	sand.u32 $0x380, s16;
	v1, _, _ =	vpop (xrf2)  }
0x2d1: {  	s15 =	sand.u32 $0x380, s15;
	s16 =	sor.u32 s16, s14;
	[tilespmem:$0x10B80] =	vst v1  }
0x2d2: {  	s14 =	sor.u32 s15, s14;
	v1 =	vld [tilespmem:s16+$0x400]  }
0x2d3: {  	v2 =	vld [tilespmem:s14+$0x8400]  }
0x2d4: {  	v3 =	vld [tilespmem:s16+$0x410]  }
0x2d5: {  	v44 =	vld [tilespmem:s14+$0x8410]  }
0x2d6: {  	v45 =	vld [tilespmem:s16+$0x420]  }
0x2d7: {  	v46 =	vld [tilespmem:s14+$0x8420]  }
0x2d8: {  	v47 =	vld [tilespmem:s16+$0x430]  }
0x2d9: {  	v48 =	vld [tilespmem:s14+$0x8430]  }
0x2da: {  	v1 =	vmul.f32 v2, v1;
	v2 =	vmul.f32 v44, v3;
	_ =	sdelay $0x1  }
0x2db: {  	v1 =	vadd.f32 v2, v1;
	v2 =	vmul.f32 v46, v45;
	_ =	sdelay $0x1  }
0x2dc: {  	v1 =	vadd.f32 v2, v1;
	v2 =	vmul.f32 v48, v47;
	_ =	sdelay $0x1  }
0x2dd: {  	v1 =	vadd.f32 v2, v1;
	_ =	sdelay $0x1  }
0x2de: {  	(xrf2) =	vadd.scan.msk.f32 $0xffff, v1;
	_ =	sdelay $0x3  }
0x2df: {  	s14 =	sor.u32 $0xD, s13  }
0x2e0: {  	s15 =	sor.u32 s10, s14  }
0x2e1: {  	s16 =	sld [smem:s15+$0x0]  }
0x2e2: {  	s15 =	sld [smem:s15+$0x200];
	_ =	sdelay $0x1  }
0x2e3: {  	s16 =	sshll.u32 s16, $0x7  }
0x2e4: {  	s14 =	sshll.u32 s14, $0xA;
	s15 =	sshll.u32 s15, $0x7;
	s16 =	sand.u32 $0x380, s16;
	v1, _, _ =	vpop (xrf2)  }
0x2e5: {  	s15 =	sand.u32 $0x380, s15;
	s16 =	sor.u32 s16, s14;
	[tilespmem:$0x10C00] =	vst v1  }
0x2e6: {  	s14 =	sor.u32 s15, s14;
	v1 =	vld [tilespmem:s16+$0x400]  }
0x2e7: {  	v2 =	vld [tilespmem:s14+$0x8400]  }
0x2e8: {  	v3 =	vld [tilespmem:s16+$0x410]  }
0x2e9: {  	v49 =	vld [tilespmem:s14+$0x8410]  }
0x2ea: {  	v50 =	vld [tilespmem:s16+$0x420]  }
0x2eb: {  	v51 =	vld [tilespmem:s14+$0x8420]  }
0x2ec: {  	v52 =	vld [tilespmem:s16+$0x430]  }
0x2ed: {  	v53 =	vld [tilespmem:s14+$0x8430]  }
0x2ee: {  	v1 =	vmul.f32 v2, v1;
	v2 =	vmul.f32 v49, v3;
	_ =	sdelay $0x1  }
0x2ef: {  	v1 =	vadd.f32 v2, v1;
	v2 =	vmul.f32 v51, v50;
	_ =	sdelay $0x1  }
0x2f0: {  	v1 =	vadd.f32 v2, v1;
	v2 =	vmul.f32 v53, v52;
	_ =	sdelay $0x1  }
0x2f1: {  	v1 =	vadd.f32 v2, v1;
	_ =	sdelay $0x1  }
0x2f2: {  	(xrf2) =	vadd.scan.msk.f32 $0xffff, v1;
	_ =	sdelay $0x3  }
0x2f3: {  	s13 =	sor.u32 $0xE, s13  }
0x2f4: {  	s15 =	sor.u32 s10, s13  }
0x2f5: {  	s16 =	sld [smem:s15+$0x0]  }
0x2f6: {  	s14 =	sld [smem:s15+$0x200];
	_ =	sdelay $0x1  }
0x2f7: {  	s15 =	sshll.u32 s16, $0x7  }
0x2f8: {  	s13 =	sshll.u32 s13, $0xA;
	s14 =	sshll.u32 s14, $0x7;
	s15 =	sand.u32 $0x380, s15;
	v1, _, _ =	vpop (xrf2)  }
0x2f9: {  	s14 =	sand.u32 $0x380, s14;
	s15 =	sor.u32 s15, s13;
	[tilespmem:$0x10C80] =	vst v1  }
0x2fa: {  	s13 =	sor.u32 s14, s13;
	v1 =	vld [tilespmem:s15+$0x400]  }
0x2fb: {  	v2 =	vld [tilespmem:s13+$0x8400]  }
0x2fc: {  	v3 =	vld [tilespmem:s15+$0x410]  }
0x2fd: {  	v54 =	vld [tilespmem:s13+$0x8410]  }
0x2fe: {  	v55 =	vld [tilespmem:s15+$0x420]  }
0x2ff: {  	v56 =	vld [tilespmem:s13+$0x8420]  }
0x300: {  	v57 =	vld [tilespmem:s15+$0x430]  }
0x301: {  	v58 =	vld [tilespmem:s13+$0x8430]  }
0x302: {  	v1 =	vmul.f32 v2, v1;
	v2 =	vmul.f32 v54, v3;
	_ =	sdelay $0x1  }
0x303: {  	v1 =	vadd.f32 v2, v1;
	v2 =	vmul.f32 v56, v55;
	_ =	sdelay $0x1  }
0x304: {  	v1 =	vadd.f32 v2, v1;
	v2 =	vmul.f32 v58, v57;
	_ =	sdelay $0x1  }
0x305: {  	v1 =	vadd.f32 v2, v1;
	_ =	sdelay $0x1  }
0x306: {  	(xrf2) =	vadd.scan.msk.f32 $0xffff, v1;
	_ =	sdelay $0x3  }
0x307: {  	s11 =	sshllo.u32 s11, $0x4  }
0x308: {  	s15 =	sor.u32 s10, s11  }
0x309: {  	s16 =	sld [smem:s15+$0x0]  }
0x30a: {  	s13 =	sld [smem:s15+$0x200];
	_ =	sdelay $0x1  }
0x30b: {  	s14 =	sshll.u32 s16, $0x7  }
0x30c: {  	s11 =	sshll.u32 s11, $0xA;
	s13 =	sshll.u32 s13, $0x7;
	s14 =	sand.u32 $0x380, s14;
	v1, _, _ =	vpop (xrf2)  }
0x30d: {  	s13 =	sand.u32 $0x380, s13;
	s14 =	sor.u32 s14, s11;
	[tilespmem:$0x10D00] =	vst v1  }
0x30e: {  	s11 =	sor.u32 s13, s11;
	v1 =	vld [tilespmem:s14+$0x400]  }
0x30f: {  	v2 =	vld [tilespmem:s11+$0x8400]  }
0x310: {  	v3 =	vld [tilespmem:s14+$0x410]  }
0x311: {  	v59 =	vld [tilespmem:s11+$0x8410]  }
0x312: {  	v60 =	vld [tilespmem:s14+$0x420]  }
0x313: {  	v61 =	vld [tilespmem:s11+$0x8420]  }
0x314: {  	v62 =	vld [tilespmem:s14+$0x430]  }
0x315: {  	v63 =	vld [tilespmem:s11+$0x8430]  }
0x316: {  	v1 =	vmul.f32 v2, v1;
	v2 =	vmul.f32 v59, v3;
	_ =	sdelay $0x1  }
0x317: {  	v1 =	vadd.f32 v2, v1;
	v2 =	vmul.f32 v61, v60;
	_ =	sdelay $0x1  }
0x318: {  	v1 =	vadd.f32 v2, v1;
	v2 =	vmul.f32 v63, v62;
	_ =	sdelay $0x1  }
0x319: {  	v1 =	vadd.f32 v2, v1;
	_ =	sdelay $0x1  }
0x31a: {  	(xrf2) =	vadd.scan.msk.f32 $0xffff, v1;
	_ =	sdelay $0x9  }
0x31b: {  	v1, _, _ =	vpop (xrf2)  }
0x31c: {  	[tilespmem:$0x10D80] =	vst v1  }
0x31d: {  	p1 =	por p0, p0;
	v1 =	vld.idx.msk [tilespmem:v0+s6+$0x0], $0xffff  }
.Ltmp0:
0x31e: {  	_ = 	snop;
	(pc) =	sbr.rel @p1 .LBB2_3-.Ltmp0, $2  }
0x31f: {  	_ =	sdelay $0x2  }
0x320: {  	p0 =	por $0x0, $0x0;
	s11 =	simm.s32 $0x1;
	[tilespmem:s12+$0x10400] =	vst v1  }
0x321: {  	s9 =	sadd.s32 $0x1, s9  }
0x322: {  	p0 =	sne.s32 s9, $0x10  }
.Ltmp1:
0x323: {  	_ = 	snop;
	(pc) =	sbr.rel @p0 .LBB2_2-.Ltmp1, $1  }
0x324: {  	_ =	sdelay $0x3  }
0x325: {  	s13 =	simm.s32 $0x0  }
0x326: {  	s9 =	rddreg [dreg:$0xc];
	s10 =	simm.s32 $0x10400;
	s15 =	simm.s32 $0x5  }
0x327: {  	[hbm4b:s9+s13] =	stream.linear.scatter [tilespmem:s10], [sflag:$0x5], $0x200, $0x38;
	[tilespmem:$0x10E00] =	vst v63  }
0x328: {  	_ =	swait.ge [sflag:s15], $0x200  }
0x329: {  	s14 =	rddreg [dreg:$0x16]  }
0x32a: {  	s16 =	rddreg [dreg:$0xd];
	s10 =	sadd.s32 $0x1, s14  }
0x32b: {  	p0 =	sne.s32 s10, s16  }
.Ltmp2:
0x32c: {  	_ = 	snop;
	(pc) =	sbr.rel @p0 .LBB2_1-.Ltmp2, $3  }
0x32d: {  	_ =	sdelay $0x1  }
0x32e: {  	[sflag:s15] =	ssyncset.done $0x0  }
0x32f: {  	[sflag:s15] =	ssyncadd.s32 $0xFFFFFE00  }
0x330: {  	_ =	sfence.sel $0x180000  }
0x331: {  	[bflag:$0x0] =	sbarrier.arrive $0xFFFF  }
0x332: {  	_ =	strace $0x90000047  }
0x333: {  	s0 =	stileid.u32;
	[bflag:$0x2] =	sbarrier.arrive $0xFFFF  }
0x334: {  	p0 =	sne.s32 s0, $0x0;
	s0 =	rddreg [dreg:$0x6]  }
0x335: {  	s0 =	sadd.s32 @!p0 $0x100000, s0  }
0x336: {  	[sflag:s0] =	ssyncadd.tile.s32 @!p0 $0x1;
	_ =	shalt  }
.Lfunc_end2:
_tile_overlayer_lowered:
.L_overlay_start_2:
0x337: {  	(tag) =	ssettag $0x2  }
0x338: {  	s0 =	rddreg [dreg:$0x0];
	s2 =	stileid.u32  }
0x339: {  	s1 =	rddreg [dreg:$0x1];
	p0 =	sne.s32 s2, $0x0  }
0x33a: {  	s3 =	rddreg [dreg:$0x2];
	[bflag:$0x3] =	sbarrier.arrive $0xFFFF;
	s2 =	simm.s32 @!p0 $0x1C05  }
0x33b: {  	[timem:s3], [sflag:s2] =	dma.local @!p0 [hbm:s0], s1  }
0x33c: {  	s0 =	simm.s32 @!p0 $0x5  }
0x33d: {  	_ =	swait.ge @!p0 [sflag:s0], s1  }
0x33e: {  	s1 =	ssub.s32 @!p0 $0x0, s1;
	[sflag:s0] =	ssyncset.done @!p0 $0x0  }
0x33f: {  	[sflag:s0] =	ssyncadd.s32 @!p0 s1  }
0x340: {  	[bflag:$0x3] =	sbarrier.arrive $0xFFFF  }
0x341: {  	_ =	shalt  }

</sc_bundles>
